<compile_context>
chip_gen: v7x
topology: tpu7x:2x2x1
jax: 0.10.2.dev20260603
libtpu: 0.0.44.dev20260713+nightly
codegen_flags: <defaults>
</compile_context>

<pallas_src>
import functools

import jax
import jax.numpy as jnp
from jax import lax
from jax.experimental import pallas as pl
from jax.experimental.pallas import tpu as pltpu
from jax.experimental.pallas import tpu_sc as plsc

_B, _N, _S, _C, _D, _CO = 8, 4096, 1024, 3, 256, 512
_R = _B * _N
_BH = _B // 2
_RH = _R // 2
_BN = 512
_RB = 2048
_NBH = _RH // _RB
_NW = 32
_QPW = _RH // _NW
_QC = 32
_NCH = _QPW // _QC
_L = 16


def _knn_body(boff, x1_ref, x2_ref, idx_ref, w_ref):
    b = pl.program_id(0) + boff
    x1 = x1_ref[0]
    x2 = x2_ref[0]
    cross = lax.dot_general(x1, x2, (((0,), (0,)), ((), ())),
                            preferred_element_type=jnp.float32)
    sq1 = jnp.sum(x1 * x1, axis=0)
    sq2 = jnp.sum(x2 * x2, axis=0)
    dist = (-2.0 * cross + sq1[:, None]) + sq2[None, :]
    big = jnp.float32(3.0e38)
    ncl = 128
    v1 = dist[:, 0:ncl]
    c1 = jnp.zeros((_BN, ncl), jnp.float32)
    v2 = jnp.full((_BN, ncl), big, jnp.float32)
    c2 = jnp.zeros((_BN, ncl), jnp.float32)
    for k in range(1, _S // ncl):
        dk = dist[:, k * ncl:(k + 1) * ncl]
        kf = jnp.float32(k)
        lt1 = dk < v1
        lt2 = dk < v2
        v2 = jnp.where(lt1, v1, jnp.where(lt2, dk, v2))
        c2 = jnp.where(lt1, c1, jnp.where(lt2, kf, c2))
        v1 = jnp.where(lt1, dk, v1)
        c1 = jnp.where(lt1, kf, c1)
    li = lax.broadcasted_iota(jnp.int32, (_BN, ncl), 1).astype(jnp.float32)
    s1 = c1 * jnp.float32(ncl) + li
    s2 = c2 * jnp.float32(ncl) + li
    sf = jnp.float32(_S)

    def extract(v1c, v2c):
        m = jnp.min(jnp.minimum(v1c, v2c), axis=1, keepdims=True)
        eq1 = v1c == m
        eq2 = v2c == m
        i = jnp.min(jnp.where(eq1, s1, jnp.where(eq2, s2, sf)),
                    axis=1, keepdims=True)
        return m, i, jnp.where(eq1, big, v1c), jnp.where(eq2, big, v2c)

    m1, i1, v1, v2 = extract(v1, v2)
    m2, i2, v1, v2 = extract(v1, v2)
    m3, i3, v1, v2 = extract(v1, v2)
    r1 = 1.0 / (m1 + 1e-8)
    r2 = 1.0 / (m2 + 1e-8)
    r3 = 1.0 / (m3 + 1e-8)
    norm = r1 + r2 + r3
    base = b * _S
    idx_ref[0] = (jnp.concatenate([i1, i2, i3], axis=1).astype(jnp.int32)
                  + base)
    w_ref[0] = jnp.concatenate(
        [jnp.broadcast_to(r1 / norm, (_BN, _L)),
         jnp.broadcast_to(r2 / norm, (_BN, _L)),
         jnp.broadcast_to(r3 / norm, (_BN, _L))], axis=1)


def _knn(x1t, x2t, boff):
    return pl.pallas_call(
        functools.partial(_knn_body, boff),
        grid=(_BH, _N // _BN),
        in_specs=[
            pl.BlockSpec((1, 8, _BN), lambda b, nb: (b + boff, 0, nb)),
            pl.BlockSpec((1, 8, _S), lambda b, nb: (b + boff, 0, 0)),
        ],
        out_specs=[
            pl.BlockSpec((1, _BN, 3), lambda b, nb: (b, nb, 0)),
            pl.BlockSpec((1, _BN, 3 * _L), lambda b, nb: (b, nb, 0)),
        ],
        out_shape=[
            jax.ShapeDtypeStruct((_BH, _N, 3), jnp.int32),
            jax.ShapeDtypeStruct((_BH, _N, 3 * _L), jnp.float32),
        ],
    )(x1t, x2t)


_NS = 16


def _sc_interp_body(p2_hbm, idx_hbm, w_hbm, out_hbm,
                    idx0, idx1, w0v, w1v, rows0, rows1, out0, out1,
                    sg0, sg1, si0, si1, sw0, sw1, so0, so1):
    c = lax.axis_index("c")
    s = lax.axis_index("s")
    wid = c * _NS + s
    qbase = wid * _QPW

    ibufs = (idx0, idx1)
    rbufs = (rows0, rows1)
    obufs = (out0, out1)
    wbufs = (w0v, w1v)
    gsems = (sg0, sg1)
    isems = (si0, si1)
    wsems = (sw0, sw1)
    osems = (so0, so1)

    def fetch_idx(i, p):
        q0 = qbase + i * _QC
        pltpu.async_copy(idx_hbm.at[pl.ds(q0 * 3, 3 * _QC)], ibufs[p],
                         isems[p])

    def wait_idx(p):
        pltpu.make_async_copy(idx_hbm.at[pl.ds(0, 3 * _QC)], ibufs[p],
                              isems[p]).wait()

    def fetch_w(i, p):
        q0 = qbase + i * _QC
        pltpu.async_copy(w_hbm.at[pl.ds(q0 * 3 * _L, _QC * 3 * _L)],
                         wbufs[p], wsems[p])

    def wait_w(p):
        pltpu.make_async_copy(w_hbm.at[pl.ds(0, _QC * 3 * _L)], wbufs[p],
                              wsems[p]).wait()

    def start_gather(p):
        pltpu.async_copy(p2_hbm.at[ibufs[p]], rbufs[p], gsems[p])

    def wait_gather(p):
        pltpu.make_async_copy(p2_hbm.at[ibufs[p]], rbufs[p],
                              gsems[p]).wait()

    def start_out(i, p):
        pltpu.async_copy(obufs[p],
                         out_hbm.at[pl.ds(qbase + i * _QC, _QC), :],
                         osems[p])

    def drain_out(p):
        pltpu.make_async_copy(obufs[p],
                              out_hbm.at[pl.ds(qbase, _QC), :],
                              osems[p]).wait()

    def compute(i, p):
        rows_v, out_v, w_v = rbufs[p], obufs[p], wbufs[p]

        def one_q(q, carry):
            woff = q * 3 * _L
            wa = w_v[pl.ds(woff, _L)]
            wb = w_v[pl.ds(woff + _L, _L)]
            wc = w_v[pl.ds(woff + 2 * _L, _L)]
            for g in range(_D // _L):
                sl = pl.ds(g * _L, _L)
                out_v[q, sl] = (rows_v[3 * q, sl] * wa
                                + rows_v[3 * q + 1, sl] * wb
                                + rows_v[3 * q + 2, sl] * wc)
            return carry

        lax.fori_loop(0, _QC, one_q, 0)

    fetch_idx(0, 0)
    fetch_idx(1, 1)
    wait_idx(0)
    start_gather(0)
    fetch_w(0, 0)

    def step(j, carry):
        for b in range(2):
            i = 2 * j + b
            wait_gather(b)
            pl.when(i < _NCH - 2)(lambda: fetch_idx(i + 2, b))
            pl.when(i < _NCH - 1)(lambda: wait_idx(1 - b))
            pl.when(i < _NCH - 1)(lambda: start_gather(1 - b))
            pl.when(i < _NCH - 1)(lambda: fetch_w(i + 1, 1 - b))
            wait_w(b)
            pl.when(i >= 2)(lambda: drain_out(b))
            compute(i, b)
            start_out(i, b)
        return carry

    lax.fori_loop(0, _NCH // 2, step, 0)
    drain_out(0)
    drain_out(1)


def _sc_interp(p2_flat, idx_flat, w_flat):
    mesh = plsc.VectorSubcoreMesh(core_axis_name="c", subcore_axis_name="s")
    run = functools.partial(
        pl.kernel,
        mesh=mesh,
        out_type=jax.ShapeDtypeStruct((_RH, _D), jnp.float32),
        scratch_types=[
            pltpu.VMEM((3 * _QC,), jnp.int32),
            pltpu.VMEM((3 * _QC,), jnp.int32),
            pltpu.VMEM((_QC * 3 * _L,), jnp.float32),
            pltpu.VMEM((_QC * 3 * _L,), jnp.float32),
            pltpu.VMEM((3 * _QC, _D), jnp.float32),
            pltpu.VMEM((3 * _QC, _D), jnp.float32),
            pltpu.VMEM((_QC, _D), jnp.float32),
            pltpu.VMEM((_QC, _D), jnp.float32),
            pltpu.SemaphoreType.DMA,
            pltpu.SemaphoreType.DMA,
            pltpu.SemaphoreType.DMA,
            pltpu.SemaphoreType.DMA,
            pltpu.SemaphoreType.DMA,
            pltpu.SemaphoreType.DMA,
            pltpu.SemaphoreType.DMA,
            pltpu.SemaphoreType.DMA,
        ],
    )(_sc_interp_body)
    return run(p2_flat, idx_flat, w_flat)


def _stats_body(x_ref, w_ref, b_ref, ps_ref, pq_ref):
    h = lax.dot_general(x_ref[...], w_ref[...], (((1,), (1,)), ((), ())),
                        preferred_element_type=jnp.float32) + b_ref[...]
    ps_ref[0] = jnp.sum(h, axis=0, keepdims=True)
    pq_ref[0] = jnp.sum(h * h, axis=0, keepdims=True)


def _stats(interp, w, bias2d):
    nblk = _NBH
    return pl.pallas_call(
        _stats_body,
        grid=(nblk,),
        in_specs=[
            pl.BlockSpec((_RB, _D), lambda i: (i, 0)),
            pl.BlockSpec((_CO, _D), lambda i: (0, 0)),
            pl.BlockSpec((1, _CO), lambda i: (0, 0)),
        ],
        out_specs=[
            pl.BlockSpec((1, 1, _CO), lambda i: (i, 0, 0)),
            pl.BlockSpec((1, 1, _CO), lambda i: (i, 0, 0)),
        ],
        out_shape=[
            jax.ShapeDtypeStruct((nblk, 1, _CO), jnp.float32),
            jax.ShapeDtypeStruct((nblk, 1, _CO), jnp.float32),
        ],
    )(interp, w, bias2d)


def _apply_body(x0_ref, x1_ref, w_ref, b_ref, ps0_ref, pq0_ref, ps1_ref,
                pq1_ref, g_ref, be_ref, o_ref):
    pid = pl.program_id(0)
    x = jnp.where(pid < _NBH, x0_ref[...], x1_ref[...])
    h = lax.dot_general(x, w_ref[...], (((1,), (1,)), ((), ())),
                        preferred_element_type=jnp.float32) + b_ref[...]
    ps = (jnp.sum(ps0_ref[:, 0, :], axis=0, keepdims=True)
          + jnp.sum(ps1_ref[:, 0, :], axis=0, keepdims=True))
    pq = (jnp.sum(pq0_ref[:, 0, :], axis=0, keepdims=True)
          + jnp.sum(pq1_ref[:, 0, :], axis=0, keepdims=True))
    mean = ps / _R
    var = pq / _R - mean * mean
    scale = g_ref[...] / jnp.sqrt(var + 1e-5)
    shift = be_ref[...] - mean * scale
    o_ref[...] = h * scale + shift


def _apply(interp0, interp1, w, bias2d, ps0, pq0, ps1, pq1, gamma2d, beta2d):
    part = pl.BlockSpec((_NBH, 1, _CO), lambda i: (0, 0, 0))
    return pl.pallas_call(
        _apply_body,
        grid=(2 * _NBH,),
        in_specs=[
            pl.BlockSpec((_RB, _D), lambda i: (jnp.minimum(i, _NBH - 1), 0)),
            pl.BlockSpec((_RB, _D),
                         lambda i: (jnp.maximum(i - _NBH, 0), 0)),
            pl.BlockSpec((_CO, _D), lambda i: (0, 0)),
            pl.BlockSpec((1, _CO), lambda i: (0, 0)),
            part, part, part, part,
            pl.BlockSpec((1, _CO), lambda i: (0, 0)),
            pl.BlockSpec((1, _CO), lambda i: (0, 0)),
        ],
        out_specs=pl.BlockSpec((_RB, _CO), lambda i: (i, 0)),
        out_shape=jax.ShapeDtypeStruct((_R, _CO), jnp.float32),
    )(interp0, interp1, w, bias2d, ps0, pq0, ps1, pq1, gamma2d, beta2d)


def kernel(xyz1, xyz2, points1, points2, W, b, gamma, beta):
    del points1
    x1t = jnp.transpose(jnp.pad(xyz1, ((0, 0), (0, 0), (0, 8 - _C))),
                        (0, 2, 1))
    x2t = jnp.transpose(jnp.pad(xyz2, ((0, 0), (0, 0), (0, 8 - _C))),
                        (0, 2, 1))
    p2f = points2.reshape(_B * _S, _D)
    b2 = b.reshape(1, _CO)
    idx_a, w_a = _knn(x1t, x2t, 0)
    idx_b, w_b = _knn(x1t, x2t, _BH)
    interp0 = _sc_interp(p2f, idx_a.reshape(_RH * 3),
                         w_a.reshape(_RH * 3 * _L))
    interp1 = _sc_interp(p2f, idx_b.reshape(_RH * 3),
                         w_b.reshape(_RH * 3 * _L))
    ps0, pq0 = _stats(interp0, W, b2)
    ps1, pq1 = _stats(interp1, W, b2)
    out = _apply(interp0, interp1, W, b2, ps0, pq0, ps1, pq1,
                 gamma.reshape(1, _CO), beta.reshape(1, _CO))
    return out.reshape(_B, _N, _CO)

# --- scband reference (transcript-rebuilt; emitter-appended) ---
"""Pipeline reference for scband-point-net-feature-propagation-75136157876260 (READ-ONLY COPY).

The authoritative reference and input builder live on the scoring server;
editing this copy changes nothing except your own understanding.
"""

import jax, jax.numpy as jnp
import numpy as np

B, N, S, C, D, CO = 8, 4096, 1024, 3, 256, 512


def setup_inputs(seed: int = 0) -> dict:
    key = jax.random.key(seed)
    ks = jax.random.split(key, 6)
    xyz1 = jax.random.normal(ks[0], (B, N, C), dtype=jnp.float32)
    xyz2 = jax.random.normal(ks[1], (B, S, C), dtype=jnp.float32)
    points1 = jax.random.normal(ks[2], (B, N, D), dtype=jnp.float32)
    points2 = jax.random.normal(ks[3], (B, S, D), dtype=jnp.float32)
    # Linear(in_channel=256 -> out_channel=512) params
    W = jax.random.normal(ks[4], (CO, D), dtype=jnp.float32) * 0.02
    b = jnp.zeros((CO,), dtype=jnp.float32)
    # BatchNorm1d(512) affine params (bn_flag=False branch uses norm2)
    gamma = jnp.ones((CO,), dtype=jnp.float32)
    beta = jnp.zeros((CO,), dtype=jnp.float32)
    return {"xyz1": xyz1, "xyz2": xyz2, "points1": points1, "points2": points2,
            "W": W, "b": b, "gamma": gamma, "beta": beta}


def square_distance(src, dst):
    # dist = |src|^2 + |dst|^2 - 2 src.dst  ; src [B,N,C], dst [B,M,C] -> [B,N,M]
    d = -2.0 * jnp.matmul(src, jnp.transpose(dst, (0, 2, 1)))
    d = d + jnp.sum(src ** 2, axis=-1)[:, :, None]
    d = d + jnp.sum(dst ** 2, axis=-1)[:, None, :]
    return d


def reference(xyz1, xyz2, points1, points2, W, b, gamma, beta):
    Bb, Nn, _ = xyz1.shape
    # 3-NN inverse-distance interpolation (S != 1 branch)
    dists = square_distance(xyz1, xyz2)                      # [B,N,S]
    idx = jnp.argsort(dists, axis=-1)[:, :, :3]              # [B,N,3]
    d3 = jnp.take_along_axis(dists, idx, axis=-1)            # [B,N,3]
    dist_recip = 1.0 / (d3 + 1e-08)
    norm = jnp.sum(dist_recip, axis=2, keepdims=True)
    weight = dist_recip / norm                               # [B,N,3]
    gathered = points2[jnp.arange(Bb)[:, None, None], idx]   # [B,N,3,D]
    interpolated = jnp.sum(gathered * weight[..., None], axis=2)  # [B,N,D]
    # Linear(in_channel, out_channel, bn=False, act=False):
    h = jnp.matmul(interpolated, W.T) + b                    # [B,N,CO]
    # BatchNorm1d over channels (training mode: batch stats over B and N, biased var)
    mean = jnp.mean(h, axis=(0, 1))
    var = jnp.mean((h - mean) ** 2, axis=(0, 1))
    out = gamma * (h - mean) / jnp.sqrt(var + 1e-05) + beta
    # act_flag False -> no LeakyReLU
    return out

if __name__ == "__main__":
    import jax
    _d = setup_inputs()
    print(jax.jit(kernel)(*tuple(_d.values())))

</pallas_src>

<mosaic_0001>
#map = affine_map<(d0, d1) -> (0, 0)>
#map1 = affine_map<(d0, d1) -> (0)>
module attributes {stable_mosaic.version = 14 : i64} {
  func.func @_sc_interp_body(%arg0: i32, %arg1: i32, %arg2: memref<8192x256xf32, #tpu.memory_space<hbm>>, %arg3: memref<49152xi32, #tpu.memory_space<hbm>>, %arg4: memref<786432xf32, #tpu.memory_space<hbm>>, %arg5: memref<16384x256xf32, #tpu.memory_space<hbm>>, %arg6: memref<96xi32, #tpu.memory_space<vmem>>, %arg7: memref<96xi32, #tpu.memory_space<vmem>>, %arg8: memref<1536xf32, #tpu.memory_space<vmem>>, %arg9: memref<1536xf32, #tpu.memory_space<vmem>>, %arg10: memref<96x256xf32, #tpu.memory_space<vmem>>, %arg11: memref<96x256xf32, #tpu.memory_space<vmem>>, %arg12: memref<32x256xf32, #tpu.memory_space<vmem>>, %arg13: memref<32x256xf32, #tpu.memory_space<vmem>>, %arg14: memref<!tpu.dma_semaphore, #tpu.memory_space<semaphore_mem>>, %arg15: memref<!tpu.dma_semaphore, #tpu.memory_space<semaphore_mem>>, %arg16: memref<!tpu.dma_semaphore, #tpu.memory_space<semaphore_mem>>, %arg17: memref<!tpu.dma_semaphore, #tpu.memory_space<semaphore_mem>>, %arg18: memref<!tpu.dma_semaphore, #tpu.memory_space<semaphore_mem>>, %arg19: memref<!tpu.dma_semaphore, #tpu.memory_space<semaphore_mem>>, %arg20: memref<!tpu.dma_semaphore, #tpu.memory_space<semaphore_mem>>, %arg21: memref<!tpu.dma_semaphore, #tpu.memory_space<semaphore_mem>>) attributes {dimension_semantics = [#tpu.dimension_semantics<core_parallel>, #tpu.dimension_semantics<subcore_parallel>], iteration_bounds = array<i64: 2, 16>, scalar_prefetch = 0 : i64, scratch_operands = 16 : i64, tpu.core_type = #tpu.core_type<sc_vector_subcore>, window_params = [{transform_indices = #map}, {transform_indices = #map1}, {transform_indices = #map1}, {transform_indices = #map}]} {
    %mul3A = arith.constant 16 : i32
    %mul3A_0 = arith.muli %arg0, %mul3A : i32
    %add3A = arith.addi %mul3A_0, %arg1 : i32
    %mul3A_1 = arith.constant 512 : i32
    %mul3A_2 = arith.muli %add3A, %mul3A_1 : i32
    %add3A_3 = arith.constant 0 : i32
    %add3A_4 = arith.addi %mul3A_2, %add3A_3 : i32
    %mul3A_5 = arith.constant 3 : i32
    %mul3A_6 = arith.muli %add3A_4, %mul3A_5 : i32
    %dma_start3A = tpu.memref_slice %arg3[%mul3A_6] : memref<49152xi32, #tpu.memory_space<hbm>> -> memref<96xi32, #tpu.memory_space<hbm>>
    %dma_start3A_7 = tpu.memref_slice %arg3[%mul3A_6] : memref<49152xi32, #tpu.memory_space<hbm>> -> memref<96xi32, #tpu.memory_space<hbm>>
    tpu.enqueue_dma source(%dma_start3A_7 : memref<96xi32, #tpu.memory_space<hbm>>) target(%arg6 : memref<96xi32, #tpu.memory_space<vmem>>) target_semaphore(%arg16 : memref<!tpu.dma_semaphore, #tpu.memory_space<semaphore_mem>>)
    %add3A_8 = arith.constant 32 : i32
    %add3A_9 = arith.addi %mul3A_2, %add3A_8 : i32
    %mul3A_10 = arith.constant 3 : i32
    %mul3A_11 = arith.muli %add3A_9, %mul3A_10 : i32
    %dma_start3A_12 = tpu.memref_slice %arg3[%mul3A_11] : memref<49152xi32, #tpu.memory_space<hbm>> -> memref<96xi32, #tpu.memory_space<hbm>>
    %dma_start3A_13 = tpu.memref_slice %arg3[%mul3A_11] : memref<49152xi32, #tpu.memory_space<hbm>> -> memref<96xi32, #tpu.memory_space<hbm>>
    tpu.enqueue_dma source(%dma_start3A_13 : memref<96xi32, #tpu.memory_space<hbm>>) target(%arg7 : memref<96xi32, #tpu.memory_space<vmem>>) target_semaphore(%arg17 : memref<!tpu.dma_semaphore, #tpu.memory_space<semaphore_mem>>)
    %dma_wait3A = arith.constant 0 : i32
    %dma_wait3A_14 = tpu.memref_slice %arg3[%dma_wait3A] : memref<49152xi32, #tpu.memory_space<hbm>> -> memref<96xi32, #tpu.memory_space<hbm>>
    %dma_wait3A_15 = arith.constant 0 : i32
    %dma_wait3A_16 = tpu.memref_slice %arg3[%dma_wait3A_15] : memref<49152xi32, #tpu.memory_space<hbm>> -> memref<96xi32, #tpu.memory_space<hbm>>
    tpu.wait_dma2 semaphore(%arg16 : memref<!tpu.dma_semaphore, #tpu.memory_space<semaphore_mem>>) src(%dma_wait3A_16 : memref<96xi32, #tpu.memory_space<hbm>>) dst(%arg6 : memref<96xi32, #tpu.memory_space<vmem>>)
    %dma_start3A_17 = arith.constant 0 : i32
    %dma_start3A_18 = arith.constant 0 : i32
    %dma_start3A_19 = tpu.memref_slice %arg2[%dma_start3A_17, %dma_start3A_18] : memref<8192x256xf32, #tpu.memory_space<hbm>> -> memref<8192x256xf32, #tpu.memory_space<hbm>>
    tpu.enqueue_indirect_dma source(%dma_start3A_19 : memref<8192x256xf32, #tpu.memory_space<hbm>>) target(%arg10 : memref<96x256xf32, #tpu.memory_space<vmem>>) offsets(%arg6 : memref<96xi32, #tpu.memory_space<vmem>>) semaphore(%arg14 : memref<!tpu.dma_semaphore, #tpu.memory_space<semaphore_mem>>)
    %add3A_20 = arith.constant 0 : i32
    %add3A_21 = arith.addi %mul3A_2, %add3A_20 : i32
    %mul3A_22 = arith.constant 3 : i32
    %mul3A_23 = arith.muli %add3A_21, %mul3A_22 : i32
    %mul3A_24 = arith.constant 16 : i32
    %mul3A_25 = arith.muli %mul3A_23, %mul3A_24 : i32
    %dma_start3A_26 = tpu.memref_slice %arg4[%mul3A_25] : memref<786432xf32, #tpu.memory_space<hbm>> -> memref<1536xf32, #tpu.memory_space<hbm>>
    %dma_start3A_27 = tpu.memref_slice %arg4[%mul3A_25] : memref<786432xf32, #tpu.memory_space<hbm>> -> memref<1536xf32, #tpu.memory_space<hbm>>
    tpu.enqueue_dma source(%dma_start3A_27 : memref<1536xf32, #tpu.memory_space<hbm>>) target(%arg8 : memref<1536xf32, #tpu.memory_space<vmem>>) target_semaphore(%arg18 : memref<!tpu.dma_semaphore, #tpu.memory_space<semaphore_mem>>)
    %scan3A = arith.constant 0 : i32
    %scan3A_28 = arith.constant 0 : i32
    %scan3A_29 = arith.constant 8 : i32
    %scan3A_30 = arith.addi %scan3A_28, %scan3A_29 : i32
    %scan3A_31 = arith.constant 1 : i32
    scf.for %scan3A_41 = %scan3A_28 to %scan3A_30 step %scan3A_31  : i32 {
      %mul3A_42 = arith.constant 2 : i32
      %mul3A_43 = arith.muli %mul3A_42, %scan3A_41 : i32
      %add3A_44 = arith.constant 0 : i32
      %add3A_45 = arith.addi %mul3A_43, %add3A_44 : i32
      %dma_wait3A_46 = arith.constant 0 : i32
      %dma_wait3A_47 = arith.constant 0 : i32
      %dma_wait3A_48 = tpu.memref_slice %arg2[%dma_wait3A_46, %dma_wait3A_47] : memref<8192x256xf32, #tpu.memory_space<hbm>> -> memref<8192x256xf32, #tpu.memory_space<hbm>>
      tpu.wait_indirect_dma semaphore(%arg14 : memref<!tpu.dma_semaphore, #tpu.memory_space<semaphore_mem>>) src(%dma_wait3A_48 : memref<8192x256xf32, #tpu.memory_space<hbm>>) dst(%arg10 : memref<96x256xf32, #tpu.memory_space<vmem>>)
      %lt3A = arith.constant 14 : i32
      %lt3A_49 = arith.cmpi slt, %add3A_45, %lt3A : i32
      %convert_element_type3A = arith.extui %lt3A_49 : i1 to i32
      %cond3A = arith.constant 0 : i32
      %cond3A_50 = arith.cmpi ne, %convert_element_type3A, %cond3A : i32
      scf.if %cond3A_50 {
        %add3A_136 = arith.constant 2 : i32
        %add3A_137 = arith.addi %add3A_45, %add3A_136 : i32
        %mul3A_138 = arith.constant 32 : i32
        %mul3A_139 = arith.muli %add3A_137, %mul3A_138 : i32
        %add3A_140 = arith.addi %mul3A_2, %mul3A_139 : i32
        %mul3A_141 = arith.constant 3 : i32
        %mul3A_142 = arith.muli %add3A_140, %mul3A_141 : i32
        %dma_start3A_143 = tpu.memref_slice %arg3[%mul3A_142] : memref<49152xi32, #tpu.memory_space<hbm>> -> memref<96xi32, #tpu.memory_space<hbm>>
        %dma_start3A_144 = tpu.memref_slice %arg3[%mul3A_142] : memref<49152xi32, #tpu.memory_space<hbm>> -> memref<96xi32, #tpu.memory_space<hbm>>
        tpu.enqueue_dma source(%dma_start3A_144 : memref<96xi32, #tpu.memory_space<hbm>>) target(%arg6 : memref<96xi32, #tpu.memory_space<vmem>>) target_semaphore(%arg16 : memref<!tpu.dma_semaphore, #tpu.memory_space<semaphore_mem>>)
      } else {
      }
      %lt3A_51 = arith.constant 15 : i32
      %lt3A_52 = arith.cmpi slt, %add3A_45, %lt3A_51 : i32
      %convert_element_type3A_53 = arith.extui %lt3A_52 : i1 to i32
      %cond3A_54 = arith.constant 0 : i32
      %cond3A_55 = arith.cmpi ne, %convert_element_type3A_53, %cond3A_54 : i32
      scf.if %cond3A_55 {
        %dma_wait3A_136 = arith.constant 0 : i32
        %dma_wait3A_137 = tpu.memref_slice %arg3[%dma_wait3A_136] : memref<49152xi32, #tpu.memory_space<hbm>> -> memref<96xi32, #tpu.memory_space<hbm>>
        %dma_wait3A_138 = arith.constant 0 : i32
        %dma_wait3A_139 = tpu.memref_slice %arg3[%dma_wait3A_138] : memref<49152xi32, #tpu.memory_space<hbm>> -> memref<96xi32, #tpu.memory_space<hbm>>
        tpu.wait_dma2 semaphore(%arg17 : memref<!tpu.dma_semaphore, #tpu.memory_space<semaphore_mem>>) src(%dma_wait3A_139 : memref<96xi32, #tpu.memory_space<hbm>>) dst(%arg7 : memref<96xi32, #tpu.memory_space<vmem>>)
      } else {
      }
      %lt3A_56 = arith.constant 15 : i32
      %lt3A_57 = arith.cmpi slt, %add3A_45, %lt3A_56 : i32
      %convert_element_type3A_58 = arith.extui %lt3A_57 : i1 to i32
      %cond3A_59 = arith.constant 0 : i32
      %cond3A_60 = arith.cmpi ne, %convert_element_type3A_58, %cond3A_59 : i32
      scf.if %cond3A_60 {
        %dma_start3A_136 = arith.constant 0 : i32
        %dma_start3A_137 = arith.constant 0 : i32
        %dma_start3A_138 = tpu.memref_slice %arg2[%dma_start3A_136, %dma_start3A_137] : memref<8192x256xf32, #tpu.memory_space<hbm>> -> memref<8192x256xf32, #tpu.memory_space<hbm>>
        tpu.enqueue_indirect_dma source(%dma_start3A_138 : memref<8192x256xf32, #tpu.memory_space<hbm>>) target(%arg11 : memref<96x256xf32, #tpu.memory_space<vmem>>) offsets(%arg7 : memref<96xi32, #tpu.memory_space<vmem>>) semaphore(%arg15 : memref<!tpu.dma_semaphore, #tpu.memory_space<semaphore_mem>>)
      } else {
      }
      %lt3A_61 = arith.constant 15 : i32
      %lt3A_62 = arith.cmpi slt, %add3A_45, %lt3A_61 : i32
      %convert_element_type3A_63 = arith.extui %lt3A_62 : i1 to i32
      %cond3A_64 = arith.constant 0 : i32
      %cond3A_65 = arith.cmpi ne, %convert_element_type3A_63, %cond3A_64 : i32
      scf.if %cond3A_65 {
        %add3A_136 = arith.constant 1 : i32
        %add3A_137 = arith.addi %add3A_45, %add3A_136 : i32
        %mul3A_138 = arith.constant 32 : i32
        %mul3A_139 = arith.muli %add3A_137, %mul3A_138 : i32
        %add3A_140 = arith.addi %mul3A_2, %mul3A_139 : i32
        %mul3A_141 = arith.constant 3 : i32
        %mul3A_142 = arith.muli %add3A_140, %mul3A_141 : i32
        %mul3A_143 = arith.constant 16 : i32
        %mul3A_144 = arith.muli %mul3A_142, %mul3A_143 : i32
        %dma_start3A_145 = tpu.memref_slice %arg4[%mul3A_144] : memref<786432xf32, #tpu.memory_space<hbm>> -> memref<1536xf32, #tpu.memory_space<hbm>>
        %dma_start3A_146 = tpu.memref_slice %arg4[%mul3A_144] : memref<786432xf32, #tpu.memory_space<hbm>> -> memref<1536xf32, #tpu.memory_space<hbm>>
        tpu.enqueue_dma source(%dma_start3A_146 : memref<1536xf32, #tpu.memory_space<hbm>>) target(%arg9 : memref<1536xf32, #tpu.memory_space<vmem>>) target_semaphore(%arg19 : memref<!tpu.dma_semaphore, #tpu.memory_space<semaphore_mem>>)
      } else {
      }
      %dma_wait3A_66 = arith.constant 0 : i32
      %dma_wait3A_67 = tpu.memref_slice %arg4[%dma_wait3A_66] : memref<786432xf32, #tpu.memory_space<hbm>> -> memref<1536xf32, #tpu.memory_space<hbm>>
      %dma_wait3A_68 = arith.constant 0 : i32
      %dma_wait3A_69 = tpu.memref_slice %arg4[%dma_wait3A_68] : memref<786432xf32, #tpu.memory_space<hbm>> -> memref<1536xf32, #tpu.memory_space<hbm>>
      tpu.wait_dma2 semaphore(%arg18 : memref<!tpu.dma_semaphore, #tpu.memory_space<semaphore_mem>>) src(%dma_wait3A_69 : memref<1536xf32, #tpu.memory_space<hbm>>) dst(%arg8 : memref<1536xf32, #tpu.memory_space<vmem>>)
      %ge3A = arith.constant 2 : i32
      %ge3A_70 = arith.cmpi sge, %add3A_45, %ge3A : i32
      %convert_element_type3A_71 = arith.extui %ge3A_70 : i1 to i32
      %cond3A_72 = arith.constant 0 : i32
      %cond3A_73 = arith.cmpi ne, %convert_element_type3A_71, %cond3A_72 : i32
      scf.if %cond3A_73 {
        %dma_wait3A_136 = arith.constant 0 : i32
        %dma_wait3A_137 = tpu.memref_slice %arg5[%mul3A_2, %dma_wait3A_136] : memref<16384x256xf32, #tpu.memory_space<hbm>> -> memref<32x256xf32, #tpu.memory_space<hbm>>
        %dma_wait3A_138 = arith.constant 0 : i32
        %dma_wait3A_139 = tpu.memref_slice %arg5[%mul3A_2, %dma_wait3A_138] : memref<16384x256xf32, #tpu.memory_space<hbm>> -> memref<32x256xf32, #tpu.memory_space<hbm>>
        tpu.wait_dma2 semaphore(%arg20 : memref<!tpu.dma_semaphore, #tpu.memory_space<semaphore_mem>>) src(%arg12 : memref<32x256xf32, #tpu.memory_space<vmem>>) dst(%dma_wait3A_139 : memref<32x256xf32, #tpu.memory_space<hbm>>)
      } else {
      }
      %scan3A_74 = arith.constant 0 : i32
      %scan3A_75 = arith.constant 0 : i32
      %scan3A_76 = arith.constant 32 : i32
      %scan3A_77 = arith.addi %scan3A_75, %scan3A_76 : i32
      %scan3A_78 = arith.constant 1 : i32
      scf.for %scan3A_136 = %scan3A_75 to %scan3A_77 step %scan3A_78  : i32 {
        %mul3A_137 = arith.constant 3 : i32
        %mul3A_138 = arith.muli %scan3A_136, %mul3A_137 : i32
        %mul3A_139 = arith.constant 16 : i32
        %mul3A_140 = arith.muli %mul3A_138, %mul3A_139 : i32
        %get3A = arith.index_cast %mul3A_140 : i32 to index
        %get3A_141 = tpu.vector_load %arg8[%get3A] {strides = array<i32>} : memref<1536xf32, #tpu.memory_space<vmem>>, vector<16xf32>,
        %get3A_142 = vector.shape_cast %get3A_141 : vector<16xf32> to vector<16xf32>
        %add3A_143 = arith.constant 16 : i32
        %add3A_144 = arith.addi %mul3A_140, %add3A_143 : i32
        %get3A_145 = arith.index_cast %add3A_144 : i32 to index
        %get3A_146 = tpu.vector_load %arg8[%get3A_145] {strides = array<i32>} : memref<1536xf32, #tpu.memory_space<vmem>>, vector<16xf32>,
        %get3A_147 = vector.shape_cast %get3A_146 : vector<16xf32> to vector<16xf32>
        %add3A_148 = arith.constant 32 : i32
        %add3A_149 = arith.addi %mul3A_140, %add3A_148 : i32
        %get3A_150 = arith.index_cast %add3A_149 : i32 to index
        %get3A_151 = tpu.vector_load %arg8[%get3A_150] {strides = array<i32>} : memref<1536xf32, #tpu.memory_space<vmem>>, vector<16xf32>,
        %get3A_152 = vector.shape_cast %get3A_151 : vector<16xf32> to vector<16xf32>
        %mul3A_153 = arith.constant 3 : i32
        %mul3A_154 = arith.muli %mul3A_153, %scan3A_136 : i32
        %get3A_155 = arith.index_cast %mul3A_154 : i32 to index
        %get3A_156 = arith.constant 0 : index
        %get3A_157 = tpu.vector_load %arg10[%get3A_155, %get3A_156] {strides = array<i32>} : memref<96x256xf32, #tpu.memory_space<vmem>>, vector<1x16xf32>,
        %get3A_158 = vector.shape_cast %get3A_157 : vector<1x16xf32> to vector<16xf32>
        %mul3A_159 = arith.mulf %get3A_158, %get3A_142 : vector<16xf32>
        %mul3A_160 = arith.constant 3 : i32
        %mul3A_161 = arith.muli %mul3A_160, %scan3A_136 : i32
        %add3A_162 = arith.constant 1 : i32
        %add3A_163 = arith.addi %mul3A_161, %add3A_162 : i32
        %get3A_164 = arith.index_cast %add3A_163 : i32 to index
        %get3A_165 = arith.constant 0 : index
        %get3A_166 = tpu.vector_load %arg10[%get3A_164, %get3A_165] {strides = array<i32>} : memref<96x256xf32, #tpu.memory_space<vmem>>, vector<1x16xf32>,
        %get3A_167 = vector.shape_cast %get3A_166 : vector<1x16xf32> to vector<16xf32>
        %mul3A_168 = arith.mulf %get3A_167, %get3A_147 : vector<16xf32>
        %add3A_169 = arith.addf %mul3A_159, %mul3A_168 : vector<16xf32>
        %mul3A_170 = arith.constant 3 : i32
        %mul3A_171 = arith.muli %mul3A_170, %scan3A_136 : i32
        %add3A_172 = arith.constant 2 : i32
        %add3A_173 = arith.addi %mul3A_171, %add3A_172 : i32
        %get3A_174 = arith.index_cast %add3A_173 : i32 to index
        %get3A_175 = arith.constant 0 : index
        %get3A_176 = tpu.vector_load %arg10[%get3A_174, %get3A_175] {strides = array<i32>} : memref<96x256xf32, #tpu.memory_space<vmem>>, vector<1x16xf32>,
        %get3A_177 = vector.shape_cast %get3A_176 : vector<1x16xf32> to vector<16xf32>
        %mul3A_178 = arith.mulf %get3A_177, %get3A_152 : vector<16xf32>
        %add3A_179 = arith.addf %add3A_169, %mul3A_178 : vector<16xf32>
        %swap3A = arith.index_cast %scan3A_136 : i32 to index
        %swap3A_180 = arith.constant 0 : index
        %swap3A_181 = tpu.vector_load %arg12[%swap3A, %swap3A_180] {strides = array<i32>} : memref<32x256xf32, #tpu.memory_space<vmem>>, vector<1x16xf32>,
        %swap3A_182 = vector.shape_cast %swap3A_181 : vector<1x16xf32> to vector<16xf32>
        %swap3A_183 = vector.shape_cast %add3A_179 : vector<16xf32> to vector<1x16xf32>
        tpu.vector_store %arg12[%swap3A, %swap3A_180], %swap3A_183 {strides = array<i32>} : memref<32x256xf32, #tpu.memory_space<vmem>>, vector<1x16xf32>,
        %mul3A_184 = arith.constant 3 : i32
        %mul3A_185 = arith.muli %mul3A_184, %scan3A_136 : i32
        %get3A_186 = arith.index_cast %mul3A_185 : i32 to index
        %get3A_187 = arith.constant 16 : index
        %get3A_188 = tpu.vector_load %arg10[%get3A_186, %get3A_187] {strides = array<i32>} : memref<96x256xf32, #tpu.memory_space<vmem>>, vector<1x16xf32>,
        %get3A_189 = vector.shape_cast %get3A_188 : vector<1x16xf32> to vector<16xf32>
        %mul3A_190 = arith.mulf %get3A_189, %get3A_142 : vector<16xf32>
        %mul3A_191 = arith.constant 3 : i32
        %mul3A_192 = arith.muli %mul3A_191, %scan3A_136 : i32
        %add3A_193 = arith.constant 1 : i32
        %add3A_194 = arith.addi %mul3A_192, %add3A_193 : i32
        %get3A_195 = arith.index_cast %add3A_194 : i32 to index
        %get3A_196 = arith.constant 16 : index
        %get3A_197 = tpu.vector_load %arg10[%get3A_195, %get3A_196] {strides = array<i32>} : memref<96x256xf32, #tpu.memory_space<vmem>>, vector<1x16xf32>,
        %get3A_198 = vector.shape_cast %get3A_197 : vector<1x16xf32> to vector<16xf32>
        %mul3A_199 = arith.mulf %get3A_198, %get3A_147 : vector<16xf32>
        %add3A_200 = arith.addf %mul3A_190, %mul3A_199 : vector<16xf32>
        %mul3A_201 = arith.constant 3 : i32
        %mul3A_202 = arith.muli %mul3A_201, %scan3A_136 : i32
        %add3A_203 = arith.constant 2 : i32
        %add3A_204 = arith.addi %mul3A_202, %add3A_203 : i32
        %get3A_205 = arith.index_cast %add3A_204 : i32 to index
        %get3A_206 = arith.constant 16 : index
        %get3A_207 = tpu.vector_load %arg10[%get3A_205, %get3A_206] {strides = array<i32>} : memref<96x256xf32, #tpu.memory_space<vmem>>, vector<1x16xf32>,
        %get3A_208 = vector.shape_cast %get3A_207 : vector<1x16xf32> to vector<16xf32>
        %mul3A_209 = arith.mulf %get3A_208, %get3A_152 : vector<16xf32>
        %add3A_210 = arith.addf %add3A_200, %mul3A_209 : vector<16xf32>
        %swap3A_211 = arith.index_cast %scan3A_136 : i32 to index
        %swap3A_212 = arith.constant 16 : index
        %swap3A_213 = tpu.vector_load %arg12[%swap3A_211, %swap3A_212] {strides = array<i32>} : memref<32x256xf32, #tpu.memory_space<vmem>>, vector<1x16xf32>,
        %swap3A_214 = vector.shape_cast %swap3A_213 : vector<1x16xf32> to vector<16xf32>
        %swap3A_215 = vector.shape_cast %add3A_210 : vector<16xf32> to vector<1x16xf32>
        tpu.vector_store %arg12[%swap3A_211, %swap3A_212], %swap3A_215 {strides = array<i32>} : memref<32x256xf32, #tpu.memory_space<vmem>>, vector<1x16xf32>,
        %mul3A_216 = arith.constant 3 : i32
        %mul3A_217 = arith.muli %mul3A_216, %scan3A_136 : i32
        %get3A_218 = arith.index_cast %mul3A_217 : i32 to index
        %get3A_219 = arith.constant 32 : index
        %get3A_220 = tpu.vector_load %arg10[%get3A_218, %get3A_219] {strides = array<i32>} : memref<96x256xf32, #tpu.memory_space<vmem>>, vector<1x16xf32>,
        %get3A_221 = vector.shape_cast %get3A_220 : vector<1x16xf32> to vector<16xf32>
        %mul3A_222 = arith.mulf %get3A_221, %get3A_142 : vector<16xf32>
        %mul3A_223 = arith.constant 3 : i32
        %mul3A_224 = arith.muli %mul3A_223, %scan3A_136 : i32
        %add3A_225 = arith.constant 1 : i32
        %add3A_226 = arith.addi %mul3A_224, %add3A_225 : i32
        %get3A_227 = arith.index_cast %add3A_226 : i32 to index
        %get3A_228 = arith.constant 32 : index
        %get3A_229 = tpu.vector_load %arg10[%get3A_227, %get3A_228] {strides = array<i32>} : memref<96x256xf32, #tpu.memory_space<vmem>>, vector<1x16xf32>,
        %get3A_230 = vector.shape_cast %get3A_229 : vector<1x16xf32> to vector<16xf32>
        %mul3A_231 = arith.mulf %get3A_230, %get3A_147 : vector<16xf32>
        %add3A_232 = arith.addf %mul3A_222, %mul3A_231 : vector<16xf32>
        %mul3A_233 = arith.constant 3 : i32
        %mul3A_234 = arith.muli %mul3A_233, %scan3A_136 : i32
        %add3A_235 = arith.constant 2 : i32
        %add3A_236 = arith.addi %mul3A_234, %add3A_235 : i32
        %get3A_237 = arith.index_cast %add3A_236 : i32 to index
        %get3A_238 = arith.constant 32 : index
        %get3A_239 = tpu.vector_load %arg10[%get3A_237, %get3A_238] {strides = array<i32>} : memref<96x256xf32, #tpu.memory_space<vmem>>, vector<1x16xf32>,
        %get3A_240 = vector.shape_cast %get3A_239 : vector<1x16xf32> to vector<16xf32>
        %mul3A_241 = arith.mulf %get3A_240, %get3A_152 : vector<16xf32>
        %add3A_242 = arith.addf %add3A_232, %mul3A_241 : vector<16xf32>
        %swap3A_243 = arith.index_cast %scan3A_136 : i32 to index
        %swap3A_244 = arith.constant 32 : index
        %swap3A_245 = tpu.vector_load %arg12[%swap3A_243, %swap3A_244] {strides = array<i32>} : memref<32x256xf32, #tpu.memory_space<vmem>>, vector<1x16xf32>,
        %swap3A_246 = vector.shape_cast %swap3A_245 : vector<1x16xf32> to vector<16xf32>
        %swap3A_247 = vector.shape_cast %add3A_242 : vector<16xf32> to vector<1x16xf32>
        tpu.vector_store %arg12[%swap3A_243, %swap3A_244], %swap3A_247 {strides = array<i32>} : memref<32x256xf32, #tpu.memory_space<vmem>>, vector<1x16xf32>,
        %mul3A_248 = arith.constant 3 : i32
        %mul3A_249 = arith.muli %mul3A_248, %scan3A_136 : i32
        %get3A_250 = arith.index_cast %mul3A_249 : i32 to index
        %get3A_251 = arith.constant 48 : index
        %get3A_252 = tpu.vector_load %arg10[%get3A_250, %get3A_251] {strides = array<i32>} : memref<96x256xf32, #tpu.memory_space<vmem>>, vector<1x16xf32>,
        %get3A_253 = vector.shape_cast %get3A_252 : vector<1x16xf32> to vector<16xf32>
        %mul3A_254 = arith.mulf %get3A_253, %get3A_142 : vector<16xf32>
        %mul3A_255 = arith.constant 3 : i32
        %mul3A_256 = arith.muli %mul3A_255, %scan3A_136 : i32
        %add3A_257 = arith.constant 1 : i32
        %add3A_258 = arith.addi %mul3A_256, %add3A_257 : i32
        %get3A_259 = arith.index_cast %add3A_258 : i32 to index
        %get3A_260 = arith.constant 48 : index
        %get3A_261 = tpu.vector_load %arg10[%get3A_259, %get3A_260] {strides = array<i32>} : memref<96x256xf32, #tpu.memory_space<vmem>>, vector<1x16xf32>,
        %get3A_262 = vector.shape_cast %get3A_261 : vector<1x16xf32> to vector<16xf32>
        %mul3A_263 = arith.mulf %get3A_262, %get3A_147 : vector<16xf32>
        %add3A_264 = arith.addf %mul3A_254, %mul3A_263 : vector<16xf32>
        %mul3A_265 = arith.constant 3 : i32
        %mul3A_266 = arith.muli %mul3A_265, %scan3A_136 : i32
        %add3A_267 = arith.constant 2 : i32
        %add3A_268 = arith.addi %mul3A_266, %add3A_267 : i32
        %get3A_269 = arith.index_cast %add3A_268 : i32 to index
        %get3A_270 = arith.constant 48 : index
        %get3A_271 = tpu.vector_load %arg10[%get3A_269, %get3A_270] {strides = array<i32>} : memref<96x256xf32, #tpu.memory_space<vmem>>, vector<1x16xf32>,
        %get3A_272 = vector.shape_cast %get3A_271 : vector<1x16xf32> to vector<16xf32>
        %mul3A_273 = arith.mulf %get3A_272, %get3A_152 : vector<16xf32>
        %add3A_274 = arith.addf %add3A_264, %mul3A_273 : vector<16xf32>
        %swap3A_275 = arith.index_cast %scan3A_136 : i32 to index
        %swap3A_276 = arith.constant 48 : index
        %swap3A_277 = tpu.vector_load %arg12[%swap3A_275, %swap3A_276] {strides = array<i32>} : memref<32x256xf32, #tpu.memory_space<vmem>>, vector<1x16xf32>,
        %swap3A_278 = vector.shape_cast %swap3A_277 : vector<1x16xf32> to vector<16xf32>
        %swap3A_279 = vector.shape_cast %add3A_274 : vector<16xf32> to vector<1x16xf32>
        tpu.vector_store %arg12[%swap3A_275, %swap3A_276], %swap3A_279 {strides = array<i32>} : memref<32x256xf32, #tpu.memory_space<vmem>>, vector<1x16xf32>,
        %mul3A_280 = arith.constant 3 : i32
        %mul3A_281 = arith.muli %mul3A_280, %scan3A_136 : i32
        %get3A_282 = arith.index_cast %mul3A_281 : i32 to index
        %get3A_283 = arith.constant 64 : index
        %get3A_284 = tpu.vector_load %arg10[%get3A_282, %get3A_283] {strides = array<i32>} : memref<96x256xf32, #tpu.memory_space<vmem>>, vector<1x16xf32>,
        %get3A_285 = vector.shape_cast %get3A_284 : vector<1x16xf32> to vector<16xf32>
        %mul3A_286 = arith.mulf %get3A_285, %get3A_142 : vector<16xf32>
        %mul3A_287 = arith.constant 3 : i32
        %mul3A_288 = arith.muli %mul3A_287, %scan3A_136 : i32
        %add3A_289 = arith.constant 1 : i32
        %add3A_290 = arith.addi %mul3A_288, %add3A_289 : i32
        %get3A_291 = arith.index_cast %add3A_290 : i32 to index
        %get3A_292 = arith.constant 64 : index
        %get3A_293 = tpu.vector_load %arg10[%get3A_291, %get3A_292] {strides = array<i32>} : memref<96x256xf32, #tpu.memory_space<vmem>>, vector<1x16xf32>,
        %get3A_294 = vector.shape_cast %get3A_293 : vector<1x16xf32> to vector<16xf32>
        %mul3A_295 = arith.mulf %get3A_294, %get3A_147 : vector<16xf32>
        %add3A_296 = arith.addf %mul3A_286, %mul3A_295 : vector<16xf32>
        %mul3A_297 = arith.constant 3 : i32
        %mul3A_298 = arith.muli %mul3A_297, %scan3A_136 : i32
        %add3A_299 = arith.constant 2 : i32
        %add3A_300 = arith.addi %mul3A_298, %add3A_299 : i32
        %get3A_301 = arith.index_cast %add3A_300 : i32 to index
        %get3A_302 = arith.constant 64 : index
        %get3A_303 = tpu.vector_load %arg10[%get3A_301, %get3A_302] {strides = array<i32>} : memref<96x256xf32, #tpu.memory_space<vmem>>, vector<1x16xf32>,
        %get3A_304 = vector.shape_cast %get3A_303 : vector<1x16xf32> to vector<16xf32>
        %mul3A_305 = arith.mulf %get3A_304, %get3A_152 : vector<16xf32>
        %add3A_306 = arith.addf %add3A_296, %mul3A_305 : vector<16xf32>
        %swap3A_307 = arith.index_cast %scan3A_136 : i32 to index
        %swap3A_308 = arith.constant 64 : index
        %swap3A_309 = tpu.vector_load %arg12[%swap3A_307, %swap3A_308] {strides = array<i32>} : memref<32x256xf32, #tpu.memory_space<vmem>>, vector<1x16xf32>,
        %swap3A_310 = vector.shape_cast %swap3A_309 : vector<1x16xf32> to vector<16xf32>
        %swap3A_311 = vector.shape_cast %add3A_306 : vector<16xf32> to vector<1x16xf32>
        tpu.vector_store %arg12[%swap3A_307, %swap3A_308], %swap3A_311 {strides = array<i32>} : memref<32x256xf32, #tpu.memory_space<vmem>>, vector<1x16xf32>,
        %mul3A_312 = arith.constant 3 : i32
        %mul3A_313 = arith.muli %mul3A_312, %scan3A_136 : i32
        %get3A_314 = arith.index_cast %mul3A_313 : i32 to index
        %get3A_315 = arith.constant 80 : index
        %get3A_316 = tpu.vector_load %arg10[%get3A_314, %get3A_315] {strides = array<i32>} : memref<96x256xf32, #tpu.memory_space<vmem>>, vector<1x16xf32>,
        %get3A_317 = vector.shape_cast %get3A_316 : vector<1x16xf32> to vector<16xf32>
        %mul3A_318 = arith.mulf %get3A_317, %get3A_142 : vector<16xf32>
        %mul3A_319 = arith.constant 3 : i32
        %mul3A_320 = arith.muli %mul3A_319, %scan3A_136 : i32
        %add3A_321 = arith.constant 1 : i32
        %add3A_322 = arith.addi %mul3A_320, %add3A_321 : i32
        %get3A_323 = arith.index_cast %add3A_322 : i32 to index
        %get3A_324 = arith.constant 80 : index
        %get3A_325 = tpu.vector_load %arg10[%get3A_323, %get3A_324] {strides = array<i32>} : memref<96x256xf32, #tpu.memory_space<vmem>>, vector<1x16xf32>,
        %get3A_326 = vector.shape_cast %get3A_325 : vector<1x16xf32> to vector<16xf32>
        %mul3A_327 = arith.mulf %get3A_326, %get3A_147 : vector<16xf32>
        %add3A_328 = arith.addf %mul3A_318, %mul3A_327 : vector<16xf32>
        %mul3A_329 = arith.constant 3 : i32
        %mul3A_330 = arith.muli %mul3A_329, %scan3A_136 : i32
        %add3A_331 = arith.constant 2 : i32
        %add3A_332 = arith.addi %mul3A_330, %add3A_331 : i32
        %get3A_333 = arith.index_cast %add3A_332 : i32 to index
        %get3A_334 = arith.constant 80 : index
        %get3A_335 = tpu.vector_load %arg10[%get3A_333, %get3A_334] {strides = array<i32>} : memref<96x256xf32, #tpu.memory_space<vmem>>, vector<1x16xf32>,
        %get3A_336 = vector.shape_cast %get3A_335 : vector<1x16xf32> to vector<16xf32>
        %mul3A_337 = arith.mulf %get3A_336, %get3A_152 : vector<16xf32>
        %add3A_338 = arith.addf %add3A_328, %mul3A_337 : vector<16xf32>
        %swap3A_339 = arith.index_cast %scan3A_136 : i32 to index
        %swap3A_340 = arith.constant 80 : index
        %swap3A_341 = tpu.vector_load %arg12[%swap3A_339, %swap3A_340] {strides = array<i32>} : memref<32x256xf32, #tpu.memory_space<vmem>>, vector<1x16xf32>,
        %swap3A_342 = vector.shape_cast %swap3A_341 : vector<1x16xf32> to vector<16xf32>
        %swap3A_343 = vector.shape_cast %add3A_338 : vector<16xf32> to vector<1x16xf32>
        tpu.vector_store %arg12[%swap3A_339, %swap3A_340], %swap3A_343 {strides = array<i32>} : memref<32x256xf32, #tpu.memory_space<vmem>>, vector<1x16xf32>,
        %mul3A_344 = arith.constant 3 : i32
        %mul3A_345 = arith.muli %mul3A_344, %scan3A_136 : i32
        %get3A_346 = arith.index_cast %mul3A_345 : i32 to index
        %get3A_347 = arith.constant 96 : index
        %get3A_348 = tpu.vector_load %arg10[%get3A_346, %get3A_347] {strides = array<i32>} : memref<96x256xf32, #tpu.memory_space<vmem>>, vector<1x16xf32>,
        %get3A_349 = vector.shape_cast %get3A_348 : vector<1x16xf32> to vector<16xf32>
        %mul3A_350 = arith.mulf %get3A_349, %get3A_142 : vector<16xf32>
        %mul3A_351 = arith.constant 3 : i32
        %mul3A_352 = arith.muli %mul3A_351, %scan3A_136 : i32
        %add3A_353 = arith.constant 1 : i32
        %add3A_354 = arith.addi %mul3A_352, %add3A_353 : i32
        %get3A_355 = arith.index_cast %add3A_354 : i32 to index
        %get3A_356 = arith.constant 96 : index
        %get3A_357 = tpu.vector_load %arg10[%get3A_355, %get3A_356] {strides = array<i32>} : memref<96x256xf32, #tpu.memory_space<vmem>>, vector<1x16xf32>,
        %get3A_358 = vector.shape_cast %get3A_357 : vector<1x16xf32> to vector<16xf32>
        %mul3A_359 = arith.mulf %get3A_358, %get3A_147 : vector<16xf32>
        %add3A_360 = arith.addf %mul3A_350, %mul3A_359 : vector<16xf32>
        %mul3A_361 = arith.constant 3 : i32
        %mul3A_362 = arith.muli %mul3A_361, %scan3A_136 : i32
        %add3A_363 = arith.constant 2 : i32
        %add3A_364 = arith.addi %mul3A_362, %add3A_363 : i32
        %get3A_365 = arith.index_cast %add3A_364 : i32 to index
        %get3A_366 = arith.constant 96 : index
        %get3A_367 = tpu.vector_load %arg10[%get3A_365, %get3A_366] {strides = array<i32>} : memref<96x256xf32, #tpu.memory_space<vmem>>, vector<1x16xf32>,
        %get3A_368 = vector.shape_cast %get3A_367 : vector<1x16xf32> to vector<16xf32>
        %mul3A_369 = arith.mulf %get3A_368, %get3A_152 : vector<16xf32>
        %add3A_370 = arith.addf %add3A_360, %mul3A_369 : vector<16xf32>
        %swap3A_371 = arith.index_cast %scan3A_136 : i32 to index
        %swap3A_372 = arith.constant 96 : index
        %swap3A_373 = tpu.vector_load %arg12[%swap3A_371, %swap3A_372] {strides = array<i32>} : memref<32x256xf32, #tpu.memory_space<vmem>>, vector<1x16xf32>,
        %swap3A_374 = vector.shape_cast %swap3A_373 : vector<1x16xf32> to vector<16xf32>
        %swap3A_375 = vector.shape_cast %add3A_370 : vector<16xf32> to vector<1x16xf32>
        tpu.vector_store %arg12[%swap3A_371, %swap3A_372], %swap3A_375 {strides = array<i32>} : memref<32x256xf32, #tpu.memory_space<vmem>>, vector<1x16xf32>,
        %mul3A_376 = arith.constant 3 : i32
        %mul3A_377 = arith.muli %mul3A_376, %scan3A_136 : i32
        %get3A_378 = arith.index_cast %mul3A_377 : i32 to index
        %get3A_379 = arith.constant 112 : index
        %get3A_380 = tpu.vector_load %arg10[%get3A_378, %get3A_379] {strides = array<i32>} : memref<96x256xf32, #tpu.memory_space<vmem>>, vector<1x16xf32>,
        %get3A_381 = vector.shape_cast %get3A_380 : vector<1x16xf32> to vector<16xf32>
        %mul3A_382 = arith.mulf %get3A_381, %get3A_142 : vector<16xf32>
        %mul3A_383 = arith.constant 3 : i32
        %mul3A_384 = arith.muli %mul3A_383, %scan3A_136 : i32
        %add3A_385 = arith.constant 1 : i32
        %add3A_386 = arith.addi %mul3A_384, %add3A_385 : i32
        %get3A_387 = arith.index_cast %add3A_386 : i32 to index
        %get3A_388 = arith.constant 112 : index
        %get3A_389 = tpu.vector_load %arg10[%get3A_387, %get3A_388] {strides = array<i32>} : memref<96x256xf32, #tpu.memory_space<vmem>>, vector<1x16xf32>,
        %get3A_390 = vector.shape_cast %get3A_389 : vector<1x16xf32> to vector<16xf32>
        %mul3A_391 = arith.mulf %get3A_390, %get3A_147 : vector<16xf32>
        %add3A_392 = arith.addf %mul3A_382, %mul3A_391 : vector<16xf32>
        %mul3A_393 = arith.constant 3 : i32
        %mul3A_394 = arith.muli %mul3A_393, %scan3A_136 : i32
        %add3A_395 = arith.constant 2 : i32
        %add3A_396 = arith.addi %mul3A_394, %add3A_395 : i32
        %get3A_397 = arith.index_cast %add3A_396 : i32 to index
        %get3A_398 = arith.constant 112 : index
        %get3A_399 = tpu.vector_load %arg10[%get3A_397, %get3A_398] {strides = array<i32>} : memref<96x256xf32, #tpu.memory_space<vmem>>, vector<1x16xf32>,
        %get3A_400 = vector.shape_cast %get3A_399 : vector<1x16xf32> to vector<16xf32>
        %mul3A_401 = arith.mulf %get3A_400, %get3A_152 : vector<16xf32>
        %add3A_402 = arith.addf %add3A_392, %mul3A_401 : vector<16xf32>
        %swap3A_403 = arith.index_cast %scan3A_136 : i32 to index
        %swap3A_404 = arith.constant 112 : index
        %swap3A_405 = tpu.vector_load %arg12[%swap3A_403, %swap3A_404] {strides = array<i32>} : memref<32x256xf32, #tpu.memory_space<vmem>>, vector<1x16xf32>,
        %swap3A_406 = vector.shape_cast %swap3A_405 : vector<1x16xf32> to vector<16xf32>
        %swap3A_407 = vector.shape_cast %add3A_402 : vector<16xf32> to vector<1x16xf32>
        tpu.vector_store %arg12[%swap3A_403, %swap3A_404], %swap3A_407 {strides = array<i32>} : memref<32x256xf32, #tpu.memory_space<vmem>>, vector<1x16xf32>,
        %mul3A_408 = arith.constant 3 : i32
        %mul3A_409 = arith.muli %mul3A_408, %scan3A_136 : i32
        %get3A_410 = arith.index_cast %mul3A_409 : i32 to index
        %get3A_411 = arith.constant 128 : index
        %get3A_412 = tpu.vector_load %arg10[%get3A_410, %get3A_411] {strides = array<i32>} : memref<96x256xf32, #tpu.memory_space<vmem>>, vector<1x16xf32>,
        %get3A_413 = vector.shape_cast %get3A_412 : vector<1x16xf32> to vector<16xf32>
        %mul3A_414 = arith.mulf %get3A_413, %get3A_142 : vector<16xf32>
        %mul3A_415 = arith.constant 3 : i32
        %mul3A_416 = arith.muli %mul3A_415, %scan3A_136 : i32
        %add3A_417 = arith.constant 1 : i32
        %add3A_418 = arith.addi %mul3A_416, %add3A_417 : i32
        %get3A_419 = arith.index_cast %add3A_418 : i32 to index
        %get3A_420 = arith.constant 128 : index
        %get3A_421 = tpu.vector_load %arg10[%get3A_419, %get3A_420] {strides = array<i32>} : memref<96x256xf32, #tpu.memory_space<vmem>>, vector<1x16xf32>,
        %get3A_422 = vector.shape_cast %get3A_421 : vector<1x16xf32> to vector<16xf32>
        %mul3A_423 = arith.mulf %get3A_422, %get3A_147 : vector<16xf32>
        %add3A_424 = arith.addf %mul3A_414, %mul3A_423 : vector<16xf32>
        %mul3A_425 = arith.constant 3 : i32
        %mul3A_426 = arith.muli %mul3A_425, %scan3A_136 : i32
        %add3A_427 = arith.constant 2 : i32
        %add3A_428 = arith.addi %mul3A_426, %add3A_427 : i32
        %get3A_429 = arith.index_cast %add3A_428 : i32 to index
        %get3A_430 = arith.constant 128 : index
        %get3A_431 = tpu.vector_load %arg10[%get3A_429, %get3A_430] {strides = array<i32>} : memref<96x256xf32, #tpu.memory_space<vmem>>, vector<1x16xf32>,
        %get3A_432 = vector.shape_cast %get3A_431 : vector<1x16xf32> to vector<16xf32>
        %mul3A_433 = arith.mulf %get3A_432, %get3A_152 : vector<16xf32>
        %add3A_434 = arith.addf %add3A_424, %mul3A_433 : vector<16xf32>
        %swap3A_435 = arith.index_cast %scan3A_136 : i32 to index
        %swap3A_436 = arith.constant 128 : index
        %swap3A_437 = tpu.vector_load %arg12[%swap3A_435, %swap3A_436] {strides = array<i32>} : memref<32x256xf32, #tpu.memory_space<vmem>>, vector<1x16xf32>,
        %swap3A_438 = vector.shape_cast %swap3A_437 : vector<1x16xf32> to vector<16xf32>
        %swap3A_439 = vector.shape_cast %add3A_434 : vector<16xf32> to vector<1x16xf32>
        tpu.vector_store %arg12[%swap3A_435, %swap3A_436], %swap3A_439 {strides = array<i32>} : memref<32x256xf32, #tpu.memory_space<vmem>>, vector<1x16xf32>,
        %mul3A_440 = arith.constant 3 : i32
        %mul3A_441 = arith.muli %mul3A_440, %scan3A_136 : i32
        %get3A_442 = arith.index_cast %mul3A_441 : i32 to index
        %get3A_443 = arith.constant 144 : index
        %get3A_444 = tpu.vector_load %arg10[%get3A_442, %get3A_443] {strides = array<i32>} : memref<96x256xf32, #tpu.memory_space<vmem>>, vector<1x16xf32>,
        %get3A_445 = vector.shape_cast %get3A_444 : vector<1x16xf32> to vector<16xf32>
        %mul3A_446 = arith.mulf %get3A_445, %get3A_142 : vector<16xf32>
        %mul3A_447 = arith.constant 3 : i32
        %mul3A_448 = arith.muli %mul3A_447, %scan3A_136 : i32
        %add3A_449 = arith.constant 1 : i32
        %add3A_450 = arith.addi %mul3A_448, %add3A_449 : i32
        %get3A_451 = arith.index_cast %add3A_450 : i32 to index
        %get3A_452 = arith.constant 144 : index
        %get3A_453 = tpu.vector_load %arg10[%get3A_451, %get3A_452] {strides = array<i32>} : memref<96x256xf32, #tpu.memory_space<vmem>>, vector<1x16xf32>,
        %get3A_454 = vector.shape_cast %get3A_453 : vector<1x16xf32> to vector<16xf32>
        %mul3A_455 = arith.mulf %get3A_454, %get3A_147 : vector<16xf32>
        %add3A_456 = arith.addf %mul3A_446, %mul3A_455 : vector<16xf32>
        %mul3A_457 = arith.constant 3 : i32
        %mul3A_458 = arith.muli %mul3A_457, %scan3A_136 : i32
        %add3A_459 = arith.constant 2 : i32
        %add3A_460 = arith.addi %mul3A_458, %add3A_459 : i32
        %get3A_461 = arith.index_cast %add3A_460 : i32 to index
        %get3A_462 = arith.constant 144 : index
        %get3A_463 = tpu.vector_load %arg10[%get3A_461, %get3A_462] {strides = array<i32>} : memref<96x256xf32, #tpu.memory_space<vmem>>, vector<1x16xf32>,
        %get3A_464 = vector.shape_cast %get3A_463 : vector<1x16xf32> to vector<16xf32>
        %mul3A_465 = arith.mulf %get3A_464, %get3A_152 : vector<16xf32>
        %add3A_466 = arith.addf %add3A_456, %mul3A_465 : vector<16xf32>
        %swap3A_467 = arith.index_cast %scan3A_136 : i32 to index
        %swap3A_468 = arith.constant 144 : index
        %swap3A_469 = tpu.vector_load %arg12[%swap3A_467, %swap3A_468] {strides = array<i32>} : memref<32x256xf32, #tpu.memory_space<vmem>>, vector<1x16xf32>,
        %swap3A_470 = vector.shape_cast %swap3A_469 : vector<1x16xf32> to vector<16xf32>
        %swap3A_471 = vector.shape_cast %add3A_466 : vector<16xf32> to vector<1x16xf32>
        tpu.vector_store %arg12[%swap3A_467, %swap3A_468], %swap3A_471 {strides = array<i32>} : memref<32x256xf32, #tpu.memory_space<vmem>>, vector<1x16xf32>,
        %mul3A_472 = arith.constant 3 : i32
        %mul3A_473 = arith.muli %mul3A_472, %scan3A_136 : i32
        %get3A_474 = arith.index_cast %mul3A_473 : i32 to index
        %get3A_475 = arith.constant 160 : index
        %get3A_476 = tpu.vector_load %arg10[%get3A_474, %get3A_475] {strides = array<i32>} : memref<96x256xf32, #tpu.memory_space<vmem>>, vector<1x16xf32>,
        %get3A_477 = vector.shape_cast %get3A_476 : vector<1x16xf32> to vector<16xf32>
        %mul3A_478 = arith.mulf %get3A_477, %get3A_142 : vector<16xf32>
        %mul3A_479 = arith.constant 3 : i32
        %mul3A_480 = arith.muli %mul3A_479, %scan3A_136 : i32
        %add3A_481 = arith.constant 1 : i32
        %add3A_482 = arith.addi %mul3A_480, %add3A_481 : i32
        %get3A_483 = arith.index_cast %add3A_482 : i32 to index
        %get3A_484 = arith.constant 160 : index
        %get3A_485 = tpu.vector_load %arg10[%get3A_483, %get3A_484] {strides = array<i32>} : memref<96x256xf32, #tpu.memory_space<vmem>>, vector<1x16xf32>,
        %get3A_486 = vector.shape_cast %get3A_485 : vector<1x16xf32> to vector<16xf32>
        %mul3A_487 = arith.mulf %get3A_486, %get3A_147 : vector<16xf32>
        %add3A_488 = arith.addf %mul3A_478, %mul3A_487 : vector<16xf32>
        %mul3A_489 = arith.constant 3 : i32
        %mul3A_490 = arith.muli %mul3A_489, %scan3A_136 : i32
        %add3A_491 = arith.constant 2 : i32
        %add3A_492 = arith.addi %mul3A_490, %add3A_491 : i32
        %get3A_493 = arith.index_cast %add3A_492 : i32 to index
        %get3A_494 = arith.constant 160 : index
        %get3A_495 = tpu.vector_load %arg10[%get3A_493, %get3A_494] {strides = array<i32>} : memref<96x256xf32, #tpu.memory_space<vmem>>, vector<1x16xf32>,
        %get3A_496 = vector.shape_cast %get3A_495 : vector<1x16xf32> to vector<16xf32>
        %mul3A_497 = arith.mulf %get3A_496, %get3A_152 : vector<16xf32>
        %add3A_498 = arith.addf %add3A_488, %mul3A_497 : vector<16xf32>
        %swap3A_499 = arith.index_cast %scan3A_136 : i32 to index
        %swap3A_500 = arith.constant 160 : index
        %swap3A_501 = tpu.vector_load %arg12[%swap3A_499, %swap3A_500] {strides = array<i32>} : memref<32x256xf32, #tpu.memory_space<vmem>>, vector<1x16xf32>,
        %swap3A_502 = vector.shape_cast %swap3A_501 : vector<1x16xf32> to vector<16xf32>
        %swap3A_503 = vector.shape_cast %add3A_498 : vector<16xf32> to vector<1x16xf32>
        tpu.vector_store %arg12[%swap3A_499, %swap3A_500], %swap3A_503 {strides = array<i32>} : memref<32x256xf32, #tpu.memory_space<vmem>>, vector<1x16xf32>,
        %mul3A_504 = arith.constant 3 : i32
        %mul3A_505 = arith.muli %mul3A_504, %scan3A_136 : i32
        %get3A_506 = arith.index_cast %mul3A_505 : i32 to index
        %get3A_507 = arith.constant 176 : index
        %get3A_508 = tpu.vector_load %arg10[%get3A_506, %get3A_507] {strides = array<i32>} : memref<96x256xf32, #tpu.memory_space<vmem>>, vector<1x16xf32>,
        %get3A_509 = vector.shape_cast %get3A_508 : vector<1x16xf32> to vector<16xf32>
        %mul3A_510 = arith.mulf %get3A_509, %get3A_142 : vector<16xf32>
        %mul3A_511 = arith.constant 3 : i32
        %mul3A_512 = arith.muli %mul3A_511, %scan3A_136 : i32
        %add3A_513 = arith.constant 1 : i32
        %add3A_514 = arith.addi %mul3A_512, %add3A_513 : i32
        %get3A_515 = arith.index_cast %add3A_514 : i32 to index
        %get3A_516 = arith.constant 176 : index
        %get3A_517 = tpu.vector_load %arg10[%get3A_515, %get3A_516] {strides = array<i32>} : memref<96x256xf32, #tpu.memory_space<vmem>>, vector<1x16xf32>,
        %get3A_518 = vector.shape_cast %get3A_517 : vector<1x16xf32> to vector<16xf32>
        %mul3A_519 = arith.mulf %get3A_518, %get3A_147 : vector<16xf32>
        %add3A_520 = arith.addf %mul3A_510, %mul3A_519 : vector<16xf32>
        %mul3A_521 = arith.constant 3 : i32
        %mul3A_522 = arith.muli %mul3A_521, %scan3A_136 : i32
        %add3A_523 = arith.constant 2 : i32
        %add3A_524 = arith.addi %mul3A_522, %add3A_523 : i32
        %get3A_525 = arith.index_cast %add3A_524 : i32 to index
        %get3A_526 = arith.constant 176 : index
        %get3A_527 = tpu.vector_load %arg10[%get3A_525, %get3A_526] {strides = array<i32>} : memref<96x256xf32, #tpu.memory_space<vmem>>, vector<1x16xf32>,
        %get3A_528 = vector.shape_cast %get3A_527 : vector<1x16xf32> to vector<16xf32>
        %mul3A_529 = arith.mulf %get3A_528, %get3A_152 : vector<16xf32>
        %add3A_530 = arith.addf %add3A_520, %mul3A_529 : vector<16xf32>
        %swap3A_531 = arith.index_cast %scan3A_136 : i32 to index
        %swap3A_532 = arith.constant 176 : index
        %swap3A_533 = tpu.vector_load %arg12[%swap3A_531, %swap3A_532] {strides = array<i32>} : memref<32x256xf32, #tpu.memory_space<vmem>>, vector<1x16xf32>,
        %swap3A_534 = vector.shape_cast %swap3A_533 : vector<1x16xf32> to vector<16xf32>
        %swap3A_535 = vector.shape_cast %add3A_530 : vector<16xf32> to vector<1x16xf32>
        tpu.vector_store %arg12[%swap3A_531, %swap3A_532], %swap3A_535 {strides = array<i32>} : memref<32x256xf32, #tpu.memory_space<vmem>>, vector<1x16xf32>,
        %mul3A_536 = arith.constant 3 : i32
        %mul3A_537 = arith.muli %mul3A_536, %scan3A_136 : i32
        %get3A_538 = arith.index_cast %mul3A_537 : i32 to index
        %get3A_539 = arith.constant 192 : index
        %get3A_540 = tpu.vector_load %arg10[%get3A_538, %get3A_539] {strides = array<i32>} : memref<96x256xf32, #tpu.memory_space<vmem>>, vector<1x16xf32>,
        %get3A_541 = vector.shape_cast %get3A_540 : vector<1x16xf32> to vector<16xf32>
        %mul3A_542 = arith.mulf %get3A_541, %get3A_142 : vector<16xf32>
        %mul3A_543 = arith.constant 3 : i32
        %mul3A_544 = arith.muli %mul3A_543, %scan3A_136 : i32
        %add3A_545 = arith.constant 1 : i32
        %add3A_546 = arith.addi %mul3A_544, %add3A_545 : i32
        %get3A_547 = arith.index_cast %add3A_546 : i32 to index
        %get3A_548 = arith.constant 192 : index
        %get3A_549 = tpu.vector_load %arg10[%get3A_547, %get3A_548] {strides = array<i32>} : memref<96x256xf32, #tpu.memory_space<vmem>>, vector<1x16xf32>,
        %get3A_550 = vector.shape_cast %get3A_549 : vector<1x16xf32> to vector<16xf32>
        %mul3A_551 = arith.mulf %get3A_550, %get3A_147 : vector<16xf32>
        %add3A_552 = arith.addf %mul3A_542, %mul3A_551 : vector<16xf32>
        %mul3A_553 = arith.constant 3 : i32
        %mul3A_554 = arith.muli %mul3A_553, %scan3A_136 : i32
        %add3A_555 = arith.constant 2 : i32
        %add3A_556 = arith.addi %mul3A_554, %add3A_555 : i32
        %get3A_557 = arith.index_cast %add3A_556 : i32 to index
        %get3A_558 = arith.constant 192 : index
        %get3A_559 = tpu.vector_load %arg10[%get3A_557, %get3A_558] {strides = array<i32>} : memref<96x256xf32, #tpu.memory_space<vmem>>, vector<1x16xf32>,
        %get3A_560 = vector.shape_cast %get3A_559 : vector<1x16xf32> to vector<16xf32>
        %mul3A_561 = arith.mulf %get3A_560, %get3A_152 : vector<16xf32>
        %add3A_562 = arith.addf %add3A_552, %mul3A_561 : vector<16xf32>
        %swap3A_563 = arith.index_cast %scan3A_136 : i32 to index
        %swap3A_564 = arith.constant 192 : index
        %swap3A_565 = tpu.vector_load %arg12[%swap3A_563, %swap3A_564] {strides = array<i32>} : memref<32x256xf32, #tpu.memory_space<vmem>>, vector<1x16xf32>,
        %swap3A_566 = vector.shape_cast %swap3A_565 : vector<1x16xf32> to vector<16xf32>
        %swap3A_567 = vector.shape_cast %add3A_562 : vector<16xf32> to vector<1x16xf32>
        tpu.vector_store %arg12[%swap3A_563, %swap3A_564], %swap3A_567 {strides = array<i32>} : memref<32x256xf32, #tpu.memory_space<vmem>>, vector<1x16xf32>,
        %mul3A_568 = arith.constant 3 : i32
        %mul3A_569 = arith.muli %mul3A_568, %scan3A_136 : i32
        %get3A_570 = arith.index_cast %mul3A_569 : i32 to index
        %get3A_571 = arith.constant 208 : index
        %get3A_572 = tpu.vector_load %arg10[%get3A_570, %get3A_571] {strides = array<i32>} : memref<96x256xf32, #tpu.memory_space<vmem>>, vector<1x16xf32>,
        %get3A_573 = vector.shape_cast %get3A_572 : vector<1x16xf32> to vector<16xf32>
        %mul3A_574 = arith.mulf %get3A_573, %get3A_142 : vector<16xf32>
        %mul3A_575 = arith.constant 3 : i32
        %mul3A_576 = arith.muli %mul3A_575, %scan3A_136 : i32
        %add3A_577 = arith.constant 1 : i32
        %add3A_578 = arith.addi %mul3A_576, %add3A_577 : i32
        %get3A_579 = arith.index_cast %add3A_578 : i32 to index
        %get3A_580 = arith.constant 208 : index
        %get3A_581 = tpu.vector_load %arg10[%get3A_579, %get3A_580] {strides = array<i32>} : memref<96x256xf32, #tpu.memory_space<vmem>>, vector<1x16xf32>,
        %get3A_582 = vector.shape_cast %get3A_581 : vector<1x16xf32> to vector<16xf32>
        %mul3A_583 = arith.mulf %get3A_582, %get3A_147 : vector<16xf32>
        %add3A_584 = arith.addf %mul3A_574, %mul3A_583 : vector<16xf32>
        %mul3A_585 = arith.constant 3 : i32
        %mul3A_586 = arith.muli %mul3A_585, %scan3A_136 : i32
        %add3A_587 = arith.constant 2 : i32
        %add3A_588 = arith.addi %mul3A_586, %add3A_587 : i32
        %get3A_589 = arith.index_cast %add3A_588 : i32 to index
        %get3A_590 = arith.constant 208 : index
        %get3A_591 = tpu.vector_load %arg10[%get3A_589, %get3A_590] {strides = array<i32>} : memref<96x256xf32, #tpu.memory_space<vmem>>, vector<1x16xf32>,
        %get3A_592 = vector.shape_cast %get3A_591 : vector<1x16xf32> to vector<16xf32>
        %mul3A_593 = arith.mulf %get3A_592, %get3A_152 : vector<16xf32>
        %add3A_594 = arith.addf %add3A_584, %mul3A_593 : vector<16xf32>
        %swap3A_595 = arith.index_cast %scan3A_136 : i32 to index
        %swap3A_596 = arith.constant 208 : index
        %swap3A_597 = tpu.vector_load %arg12[%swap3A_595, %swap3A_596] {strides = array<i32>} : memref<32x256xf32, #tpu.memory_space<vmem>>, vector<1x16xf32>,
        %swap3A_598 = vector.shape_cast %swap3A_597 : vector<1x16xf32> to vector<16xf32>
        %swap3A_599 = vector.shape_cast %add3A_594 : vector<16xf32> to vector<1x16xf32>
        tpu.vector_store %arg12[%swap3A_595, %swap3A_596], %swap3A_599 {strides = array<i32>} : memref<32x256xf32, #tpu.memory_space<vmem>>, vector<1x16xf32>,
        %mul3A_600 = arith.constant 3 : i32
        %mul3A_601 = arith.muli %mul3A_600, %scan3A_136 : i32
        %get3A_602 = arith.index_cast %mul3A_601 : i32 to index
        %get3A_603 = arith.constant 224 : index
        %get3A_604 = tpu.vector_load %arg10[%get3A_602, %get3A_603] {strides = array<i32>} : memref<96x256xf32, #tpu.memory_space<vmem>>, vector<1x16xf32>,
        %get3A_605 = vector.shape_cast %get3A_604 : vector<1x16xf32> to vector<16xf32>
        %mul3A_606 = arith.mulf %get3A_605, %get3A_142 : vector<16xf32>
        %mul3A_607 = arith.constant 3 : i32
        %mul3A_608 = arith.muli %mul3A_607, %scan3A_136 : i32
        %add3A_609 = arith.constant 1 : i32
        %add3A_610 = arith.addi %mul3A_608, %add3A_609 : i32
        %get3A_611 = arith.index_cast %add3A_610 : i32 to index
        %get3A_612 = arith.constant 224 : index
        %get3A_613 = tpu.vector_load %arg10[%get3A_611, %get3A_612] {strides = array<i32>} : memref<96x256xf32, #tpu.memory_space<vmem>>, vector<1x16xf32>,
        %get3A_614 = vector.shape_cast %get3A_613 : vector<1x16xf32> to vector<16xf32>
        %mul3A_615 = arith.mulf %get3A_614, %get3A_147 : vector<16xf32>
        %add3A_616 = arith.addf %mul3A_606, %mul3A_615 : vector<16xf32>
        %mul3A_617 = arith.constant 3 : i32
        %mul3A_618 = arith.muli %mul3A_617, %scan3A_136 : i32
        %add3A_619 = arith.constant 2 : i32
        %add3A_620 = arith.addi %mul3A_618, %add3A_619 : i32
        %get3A_621 = arith.index_cast %add3A_620 : i32 to index
        %get3A_622 = arith.constant 224 : index
        %get3A_623 = tpu.vector_load %arg10[%get3A_621, %get3A_622] {strides = array<i32>} : memref<96x256xf32, #tpu.memory_space<vmem>>, vector<1x16xf32>,
        %get3A_624 = vector.shape_cast %get3A_623 : vector<1x16xf32> to vector<16xf32>
        %mul3A_625 = arith.mulf %get3A_624, %get3A_152 : vector<16xf32>
        %add3A_626 = arith.addf %add3A_616, %mul3A_625 : vector<16xf32>
        %swap3A_627 = arith.index_cast %scan3A_136 : i32 to index
        %swap3A_628 = arith.constant 224 : index
        %swap3A_629 = tpu.vector_load %arg12[%swap3A_627, %swap3A_628] {strides = array<i32>} : memref<32x256xf32, #tpu.memory_space<vmem>>, vector<1x16xf32>,
        %swap3A_630 = vector.shape_cast %swap3A_629 : vector<1x16xf32> to vector<16xf32>
        %swap3A_631 = vector.shape_cast %add3A_626 : vector<16xf32> to vector<1x16xf32>
        tpu.vector_store %arg12[%swap3A_627, %swap3A_628], %swap3A_631 {strides = array<i32>} : memref<32x256xf32, #tpu.memory_space<vmem>>, vector<1x16xf32>,
        %mul3A_632 = arith.constant 3 : i32
        %mul3A_633 = arith.muli %mul3A_632, %scan3A_136 : i32
        %get3A_634 = arith.index_cast %mul3A_633 : i32 to index
        %get3A_635 = arith.constant 240 : index
        %get3A_636 = tpu.vector_load %arg10[%get3A_634, %get3A_635] {strides = array<i32>} : memref<96x256xf32, #tpu.memory_space<vmem>>, vector<1x16xf32>,
        %get3A_637 = vector.shape_cast %get3A_636 : vector<1x16xf32> to vector<16xf32>
        %mul3A_638 = arith.mulf %get3A_637, %get3A_142 : vector<16xf32>
        %mul3A_639 = arith.constant 3 : i32
        %mul3A_640 = arith.muli %mul3A_639, %scan3A_136 : i32
        %add3A_641 = arith.constant 1 : i32
        %add3A_642 = arith.addi %mul3A_640, %add3A_641 : i32
        %get3A_643 = arith.index_cast %add3A_642 : i32 to index
        %get3A_644 = arith.constant 240 : index
        %get3A_645 = tpu.vector_load %arg10[%get3A_643, %get3A_644] {strides = array<i32>} : memref<96x256xf32, #tpu.memory_space<vmem>>, vector<1x16xf32>,
        %get3A_646 = vector.shape_cast %get3A_645 : vector<1x16xf32> to vector<16xf32>
        %mul3A_647 = arith.mulf %get3A_646, %get3A_147 : vector<16xf32>
        %add3A_648 = arith.addf %mul3A_638, %mul3A_647 : vector<16xf32>
        %mul3A_649 = arith.constant 3 : i32
        %mul3A_650 = arith.muli %mul3A_649, %scan3A_136 : i32
        %add3A_651 = arith.constant 2 : i32
        %add3A_652 = arith.addi %mul3A_650, %add3A_651 : i32
        %get3A_653 = arith.index_cast %add3A_652 : i32 to index
        %get3A_654 = arith.constant 240 : index
        %get3A_655 = tpu.vector_load %arg10[%get3A_653, %get3A_654] {strides = array<i32>} : memref<96x256xf32, #tpu.memory_space<vmem>>, vector<1x16xf32>,
        %get3A_656 = vector.shape_cast %get3A_655 : vector<1x16xf32> to vector<16xf32>
        %mul3A_657 = arith.mulf %get3A_656, %get3A_152 : vector<16xf32>
        %add3A_658 = arith.addf %add3A_648, %mul3A_657 : vector<16xf32>
        %swap3A_659 = arith.index_cast %scan3A_136 : i32 to index
        %swap3A_660 = arith.constant 240 : index
        %swap3A_661 = tpu.vector_load %arg12[%swap3A_659, %swap3A_660] {strides = array<i32>} : memref<32x256xf32, #tpu.memory_space<vmem>>, vector<1x16xf32>,
        %swap3A_662 = vector.shape_cast %swap3A_661 : vector<1x16xf32> to vector<16xf32>
        %swap3A_663 = vector.shape_cast %add3A_658 : vector<16xf32> to vector<1x16xf32>
        tpu.vector_store %arg12[%swap3A_659, %swap3A_660], %swap3A_663 {strides = array<i32>} : memref<32x256xf32, #tpu.memory_space<vmem>>, vector<1x16xf32>,
      }
      %scan3A_79 = arith.constant 32 : i32
      %mul3A_80 = arith.constant 32 : i32
      %mul3A_81 = arith.muli %add3A_45, %mul3A_80 : i32
      %add3A_82 = arith.addi %mul3A_2, %mul3A_81 : i32
      %dma_start3A_83 = arith.constant 0 : i32
      %dma_start3A_84 = tpu.memref_slice %arg5[%add3A_82, %dma_start3A_83] : memref<16384x256xf32, #tpu.memory_space<hbm>> -> memref<32x256xf32, #tpu.memory_space<hbm>>
      %dma_start3A_85 = arith.constant 0 : i32
      %dma_start3A_86 = tpu.memref_slice %arg5[%add3A_82, %dma_start3A_85] : memref<16384x256xf32, #tpu.memory_space<hbm>> -> memref<32x256xf32, #tpu.memory_space<hbm>>
      tpu.enqueue_dma source(%arg12 : memref<32x256xf32, #tpu.memory_space<vmem>>) target(%dma_start3A_86 : memref<32x256xf32, #tpu.memory_space<hbm>>) target_semaphore(%arg20 : memref<!tpu.dma_semaphore, #tpu.memory_space<semaphore_mem>>)
      %mul3A_87 = arith.constant 2 : i32
      %mul3A_88 = arith.muli %mul3A_87, %scan3A_41 : i32
      %add3A_89 = arith.constant 1 : i32
      %add3A_90 = arith.addi %mul3A_88, %add3A_89 : i32
      %dma_wait3A_91 = arith.constant 0 : i32
      %dma_wait3A_92 = arith.constant 0 : i32
      %dma_wait3A_93 = tpu.memref_slice %arg2[%dma_wait3A_91, %dma_wait3A_92] : memref<8192x256xf32, #tpu.memory_space<hbm>> -> memref<8192x256xf32, #tpu.memory_space<hbm>>
      tpu.wait_indirect_dma semaphore(%arg15 : memref<!tpu.dma_semaphore, #tpu.memory_space<semaphore_mem>>) src(%dma_wait3A_93 : memref<8192x256xf32, #tpu.memory_space<hbm>>) dst(%arg11 : memref<96x256xf32, #tpu.memory_space<vmem>>)
      %lt3A_94 = arith.constant 14 : i32
      %lt3A_95 = arith.cmpi slt, %add3A_90, %lt3A_94 : i32
      %convert_element_type3A_96 = arith.extui %lt3A_95 : i1 to i32
      %cond3A_97 = arith.constant 0 : i32
      %cond3A_98 = arith.cmpi ne, %convert_element_type3A_96, %cond3A_97 : i32
      scf.if %cond3A_98 {
        %add3A_136 = arith.constant 2 : i32
        %add3A_137 = arith.addi %add3A_90, %add3A_136 : i32
        %mul3A_138 = arith.constant 32 : i32
        %mul3A_139 = arith.muli %add3A_137, %mul3A_138 : i32
        %add3A_140 = arith.addi %mul3A_2, %mul3A_139 : i32
        %mul3A_141 = arith.constant 3 : i32
        %mul3A_142 = arith.muli %add3A_140, %mul3A_141 : i32
        %dma_start3A_143 = tpu.memref_slice %arg3[%mul3A_142] : memref<49152xi32, #tpu.memory_space<hbm>> -> memref<96xi32, #tpu.memory_space<hbm>>
        %dma_start3A_144 = tpu.memref_slice %arg3[%mul3A_142] : memref<49152xi32, #tpu.memory_space<hbm>> -> memref<96xi32, #tpu.memory_space<hbm>>
        tpu.enqueue_dma source(%dma_start3A_144 : memref<96xi32, #tpu.memory_space<hbm>>) target(%arg7 : memref<96xi32, #tpu.memory_space<vmem>>) target_semaphore(%arg17 : memref<!tpu.dma_semaphore, #tpu.memory_space<semaphore_mem>>)
      } else {
      }
      %lt3A_99 = arith.constant 15 : i32
      %lt3A_100 = arith.cmpi slt, %add3A_90, %lt3A_99 : i32
      %convert_element_type3A_101 = arith.extui %lt3A_100 : i1 to i32
      %cond3A_102 = arith.constant 0 : i32
      %cond3A_103 = arith.cmpi ne, %convert_element_type3A_101, %cond3A_102 : i32
      scf.if %cond3A_103 {
        %dma_wait3A_136 = arith.constant 0 : i32
        %dma_wait3A_137 = tpu.memref_slice %arg3[%dma_wait3A_136] : memref<49152xi32, #tpu.memory_space<hbm>> -> memref<96xi32, #tpu.memory_space<hbm>>
        %dma_wait3A_138 = arith.constant 0 : i32
        %dma_wait3A_139 = tpu.memref_slice %arg3[%dma_wait3A_138] : memref<49152xi32, #tpu.memory_space<hbm>> -> memref<96xi32, #tpu.memory_space<hbm>>
        tpu.wait_dma2 semaphore(%arg16 : memref<!tpu.dma_semaphore, #tpu.memory_space<semaphore_mem>>) src(%dma_wait3A_139 : memref<96xi32, #tpu.memory_space<hbm>>) dst(%arg6 : memref<96xi32, #tpu.memory_space<vmem>>)
      } else {
      }
      %lt3A_104 = arith.constant 15 : i32
      %lt3A_105 = arith.cmpi slt, %add3A_90, %lt3A_104 : i32
      %convert_element_type3A_106 = arith.extui %lt3A_105 : i1 to i32
      %cond3A_107 = arith.constant 0 : i32
      %cond3A_108 = arith.cmpi ne, %convert_element_type3A_106, %cond3A_107 : i32
      scf.if %cond3A_108 {
        %dma_start3A_136 = arith.constant 0 : i32
        %dma_start3A_137 = arith.constant 0 : i32
        %dma_start3A_138 = tpu.memref_slice %arg2[%dma_start3A_136, %dma_start3A_137] : memref<8192x256xf32, #tpu.memory_space<hbm>> -> memref<8192x256xf32, #tpu.memory_space<hbm>>
        tpu.enqueue_indirect_dma source(%dma_start3A_138 : memref<8192x256xf32, #tpu.memory_space<hbm>>) target(%arg10 : memref<96x256xf32, #tpu.memory_space<vmem>>) offsets(%arg6 : memref<96xi32, #tpu.memory_space<vmem>>) semaphore(%arg14 : memref<!tpu.dma_semaphore, #tpu.memory_space<semaphore_mem>>)
      } else {
      }
      %lt3A_109 = arith.constant 15 : i32
      %lt3A_110 = arith.cmpi slt, %add3A_90, %lt3A_109 : i32
      %convert_element_type3A_111 = arith.extui %lt3A_110 : i1 to i32
      %cond3A_112 = arith.constant 0 : i32
      %cond3A_113 = arith.cmpi ne, %convert_element_type3A_111, %cond3A_112 : i32
      scf.if %cond3A_113 {
        %add3A_136 = arith.constant 1 : i32
        %add3A_137 = arith.addi %add3A_90, %add3A_136 : i32
        %mul3A_138 = arith.constant 32 : i32
        %mul3A_139 = arith.muli %add3A_137, %mul3A_138 : i32
        %add3A_140 = arith.addi %mul3A_2, %mul3A_139 : i32
        %mul3A_141 = arith.constant 3 : i32
        %mul3A_142 = arith.muli %add3A_140, %mul3A_141 : i32
        %mul3A_143 = arith.constant 16 : i32
        %mul3A_144 = arith.muli %mul3A_142, %mul3A_143 : i32
        %dma_start3A_145 = tpu.memref_slice %arg4[%mul3A_144] : memref<786432xf32, #tpu.memory_space<hbm>> -> memref<1536xf32, #tpu.memory_space<hbm>>
        %dma_start3A_146 = tpu.memref_slice %arg4[%mul3A_144] : memref<786432xf32, #tpu.memory_space<hbm>> -> memref<1536xf32, #tpu.memory_space<hbm>>
        tpu.enqueue_dma source(%dma_start3A_146 : memref<1536xf32, #tpu.memory_space<hbm>>) target(%arg8 : memref<1536xf32, #tpu.memory_space<vmem>>) target_semaphore(%arg18 : memref<!tpu.dma_semaphore, #tpu.memory_space<semaphore_mem>>)
      } else {
      }
      %dma_wait3A_114 = arith.constant 0 : i32
      %dma_wait3A_115 = tpu.memref_slice %arg4[%dma_wait3A_114] : memref<786432xf32, #tpu.memory_space<hbm>> -> memref<1536xf32, #tpu.memory_space<hbm>>
      %dma_wait3A_116 = arith.constant 0 : i32
      %dma_wait3A_117 = tpu.memref_slice %arg4[%dma_wait3A_116] : memref<786432xf32, #tpu.memory_space<hbm>> -> memref<1536xf32, #tpu.memory_space<hbm>>
      tpu.wait_dma2 semaphore(%arg19 : memref<!tpu.dma_semaphore, #tpu.memory_space<semaphore_mem>>) src(%dma_wait3A_117 : memref<1536xf32, #tpu.memory_space<hbm>>) dst(%arg9 : memref<1536xf32, #tpu.memory_space<vmem>>)
      %ge3A_118 = arith.constant 2 : i32
      %ge3A_119 = arith.cmpi sge, %add3A_90, %ge3A_118 : i32
      %convert_element_type3A_120 = arith.extui %ge3A_119 : i1 to i32
      %cond3A_121 = arith.constant 0 : i32
      %cond3A_122 = arith.cmpi ne, %convert_element_type3A_120, %cond3A_121 : i32
      scf.if %cond3A_122 {
        %dma_wait3A_136 = arith.constant 0 : i32
        %dma_wait3A_137 = tpu.memref_slice %arg5[%mul3A_2, %dma_wait3A_136] : memref<16384x256xf32, #tpu.memory_space<hbm>> -> memref<32x256xf32, #tpu.memory_space<hbm>>
        %dma_wait3A_138 = arith.constant 0 : i32
        %dma_wait3A_139 = tpu.memref_slice %arg5[%mul3A_2, %dma_wait3A_138] : memref<16384x256xf32, #tpu.memory_space<hbm>> -> memref<32x256xf32, #tpu.memory_space<hbm>>
        tpu.wait_dma2 semaphore(%arg21 : memref<!tpu.dma_semaphore, #tpu.memory_space<semaphore_mem>>) src(%arg13 : memref<32x256xf32, #tpu.memory_space<vmem>>) dst(%dma_wait3A_139 : memref<32x256xf32, #tpu.memory_space<hbm>>)
      } else {
      }
      %scan3A_123 = arith.constant 0 : i32
      %scan3A_124 = arith.constant 0 : i32
      %scan3A_125 = arith.constant 32 : i32
      %scan3A_126 = arith.addi %scan3A_124, %scan3A_125 : i32
      %scan3A_127 = arith.constant 1 : i32
      scf.for %scan3A_136 = %scan3A_124 to %scan3A_126 step %scan3A_127  : i32 {
        %mul3A_137 = arith.constant 3 : i32
        %mul3A_138 = arith.muli %scan3A_136, %mul3A_137 : i32
        %mul3A_139 = arith.constant 16 : i32
        %mul3A_140 = arith.muli %mul3A_138, %mul3A_139 : i32
        %get3A = arith.index_cast %mul3A_140 : i32 to index
        %get3A_141 = tpu.vector_load %arg9[%get3A] {strides = array<i32>} : memref<1536xf32, #tpu.memory_space<vmem>>, vector<16xf32>,
        %get3A_142 = vector.shape_cast %get3A_141 : vector<16xf32> to vector<16xf32>
        %add3A_143 = arith.constant 16 : i32
        %add3A_144 = arith.addi %mul3A_140, %add3A_143 : i32
        %get3A_145 = arith.index_cast %add3A_144 : i32 to index
        %get3A_146 = tpu.vector_load %arg9[%get3A_145] {strides = array<i32>} : memref<1536xf32, #tpu.memory_space<vmem>>, vector<16xf32>,
        %get3A_147 = vector.shape_cast %get3A_146 : vector<16xf32> to vector<16xf32>
        %add3A_148 = arith.constant 32 : i32
        %add3A_149 = arith.addi %mul3A_140, %add3A_148 : i32
        %get3A_150 = arith.index_cast %add3A_149 : i32 to index
        %get3A_151 = tpu.vector_load %arg9[%get3A_150] {strides = array<i32>} : memref<1536xf32, #tpu.memory_space<vmem>>, vector<16xf32>,
        %get3A_152 = vector.shape_cast %get3A_151 : vector<16xf32> to vector<16xf32>
        %mul3A_153 = arith.constant 3 : i32
        %mul3A_154 = arith.muli %mul3A_153, %scan3A_136 : i32
        %get3A_155 = arith.index_cast %mul3A_154 : i32 to index
        %get3A_156 = arith.constant 0 : index
        %get3A_157 = tpu.vector_load %arg11[%get3A_155, %get3A_156] {strides = array<i32>} : memref<96x256xf32, #tpu.memory_space<vmem>>, vector<1x16xf32>,
        %get3A_158 = vector.shape_cast %get3A_157 : vector<1x16xf32> to vector<16xf32>
        %mul3A_159 = arith.mulf %get3A_158, %get3A_142 : vector<16xf32>
        %mul3A_160 = arith.constant 3 : i32
        %mul3A_161 = arith.muli %mul3A_160, %scan3A_136 : i32
        %add3A_162 = arith.constant 1 : i32
        %add3A_163 = arith.addi %mul3A_161, %add3A_162 : i32
        %get3A_164 = arith.index_cast %add3A_163 : i32 to index
        %get3A_165 = arith.constant 0 : index
        %get3A_166 = tpu.vector_load %arg11[%get3A_164, %get3A_165] {strides = array<i32>} : memref<96x256xf32, #tpu.memory_space<vmem>>, vector<1x16xf32>,
        %get3A_167 = vector.shape_cast %get3A_166 : vector<1x16xf32> to vector<16xf32>
        %mul3A_168 = arith.mulf %get3A_167, %get3A_147 : vector<16xf32>
        %add3A_169 = arith.addf %mul3A_159, %mul3A_168 : vector<16xf32>
        %mul3A_170 = arith.constant 3 : i32
        %mul3A_171 = arith.muli %mul3A_170, %scan3A_136 : i32
        %add3A_172 = arith.constant 2 : i32
        %add3A_173 = arith.addi %mul3A_171, %add3A_172 : i32
        %get3A_174 = arith.index_cast %add3A_173 : i32 to index
        %get3A_175 = arith.constant 0 : index
        %get3A_176 = tpu.vector_load %arg11[%get3A_174, %get3A_175] {strides = array<i32>} : memref<96x256xf32, #tpu.memory_space<vmem>>, vector<1x16xf32>,
        %get3A_177 = vector.shape_cast %get3A_176 : vector<1x16xf32> to vector<16xf32>
        %mul3A_178 = arith.mulf %get3A_177, %get3A_152 : vector<16xf32>
        %add3A_179 = arith.addf %add3A_169, %mul3A_178 : vector<16xf32>
        %swap3A = arith.index_cast %scan3A_136 : i32 to index
        %swap3A_180 = arith.constant 0 : index
        %swap3A_181 = tpu.vector_load %arg13[%swap3A, %swap3A_180] {strides = array<i32>} : memref<32x256xf32, #tpu.memory_space<vmem>>, vector<1x16xf32>,
        %swap3A_182 = vector.shape_cast %swap3A_181 : vector<1x16xf32> to vector<16xf32>
        %swap3A_183 = vector.shape_cast %add3A_179 : vector<16xf32> to vector<1x16xf32>
        tpu.vector_store %arg13[%swap3A, %swap3A_180], %swap3A_183 {strides = array<i32>} : memref<32x256xf32, #tpu.memory_space<vmem>>, vector<1x16xf32>,
        %mul3A_184 = arith.constant 3 : i32
        %mul3A_185 = arith.muli %mul3A_184, %scan3A_136 : i32
        %get3A_186 = arith.index_cast %mul3A_185 : i32 to index
        %get3A_187 = arith.constant 16 : index
        %get3A_188 = tpu.vector_load %arg11[%get3A_186, %get3A_187] {strides = array<i32>} : memref<96x256xf32, #tpu.memory_space<vmem>>, vector<1x16xf32>,
        %get3A_189 = vector.shape_cast %get3A_188 : vector<1x16xf32> to vector<16xf32>
        %mul3A_190 = arith.mulf %get3A_189, %get3A_142 : vector<16xf32>
        %mul3A_191 = arith.constant 3 : i32
        %mul3A_192 = arith.muli %mul3A_191, %scan3A_136 : i32
        %add3A_193 = arith.constant 1 : i32
        %add3A_194 = arith.addi %mul3A_192, %add3A_193 : i32
        %get3A_195 = arith.index_cast %add3A_194 : i32 to index
        %get3A_196 = arith.constant 16 : index
        %get3A_197 = tpu.vector_load %arg11[%get3A_195, %get3A_196] {strides = array<i32>} : memref<96x256xf32, #tpu.memory_space<vmem>>, vector<1x16xf32>,
        %get3A_198 = vector.shape_cast %get3A_197 : vector<1x16xf32> to vector<16xf32>
        %mul3A_199 = arith.mulf %get3A_198, %get3A_147 : vector<16xf32>
        %add3A_200 = arith.addf %mul3A_190, %mul3A_199 : vector<16xf32>
        %mul3A_201 = arith.constant 3 : i32
        %mul3A_202 = arith.muli %mul3A_201, %scan3A_136 : i32
        %add3A_203 = arith.constant 2 : i32
        %add3A_204 = arith.addi %mul3A_202, %add3A_203 : i32
        %get3A_205 = arith.index_cast %add3A_204 : i32 to index
        %get3A_206 = arith.constant 16 : index
        %get3A_207 = tpu.vector_load %arg11[%get3A_205, %get3A_206] {strides = array<i32>} : memref<96x256xf32, #tpu.memory_space<vmem>>, vector<1x16xf32>,
        %get3A_208 = vector.shape_cast %get3A_207 : vector<1x16xf32> to vector<16xf32>
        %mul3A_209 = arith.mulf %get3A_208, %get3A_152 : vector<16xf32>
        %add3A_210 = arith.addf %add3A_200, %mul3A_209 : vector<16xf32>
        %swap3A_211 = arith.index_cast %scan3A_136 : i32 to index
        %swap3A_212 = arith.constant 16 : index
        %swap3A_213 = tpu.vector_load %arg13[%swap3A_211, %swap3A_212] {strides = array<i32>} : memref<32x256xf32, #tpu.memory_space<vmem>>, vector<1x16xf32>,
        %swap3A_214 = vector.shape_cast %swap3A_213 : vector<1x16xf32> to vector<16xf32>
        %swap3A_215 = vector.shape_cast %add3A_210 : vector<16xf32> to vector<1x16xf32>
        tpu.vector_store %arg13[%swap3A_211, %swap3A_212], %swap3A_215 {strides = array<i32>} : memref<32x256xf32, #tpu.memory_space<vmem>>, vector<1x16xf32>,
        %mul3A_216 = arith.constant 3 : i32
        %mul3A_217 = arith.muli %mul3A_216, %scan3A_136 : i32
        %get3A_218 = arith.index_cast %mul3A_217 : i32 to index
        %get3A_219 = arith.constant 32 : index
        %get3A_220 = tpu.vector_load %arg11[%get3A_218, %get3A_219] {strides = array<i32>} : memref<96x256xf32, #tpu.memory_space<vmem>>, vector<1x16xf32>,
        %get3A_221 = vector.shape_cast %get3A_220 : vector<1x16xf32> to vector<16xf32>
        %mul3A_222 = arith.mulf %get3A_221, %get3A_142 : vector<16xf32>
        %mul3A_223 = arith.constant 3 : i32
        %mul3A_224 = arith.muli %mul3A_223, %scan3A_136 : i32
        %add3A_225 = arith.constant 1 : i32
        %add3A_226 = arith.addi %mul3A_224, %add3A_225 : i32
        %get3A_227 = arith.index_cast %add3A_226 : i32 to index
        %get3A_228 = arith.constant 32 : index
        %get3A_229 = tpu.vector_load %arg11[%get3A_227, %get3A_228] {strides = array<i32>} : memref<96x256xf32, #tpu.memory_space<vmem>>, vector<1x16xf32>,
        %get3A_230 = vector.shape_cast %get3A_229 : vector<1x16xf32> to vector<16xf32>
        %mul3A_231 = arith.mulf %get3A_230, %get3A_147 : vector<16xf32>
        %add3A_232 = arith.addf %mul3A_222, %mul3A_231 : vector<16xf32>
        %mul3A_233 = arith.constant 3 : i32
        %mul3A_234 = arith.muli %mul3A_233, %scan3A_136 : i32
        %add3A_235 = arith.constant 2 : i32
        %add3A_236 = arith.addi %mul3A_234, %add3A_235 : i32
        %get3A_237 = arith.index_cast %add3A_236 : i32 to index
        %get3A_238 = arith.constant 32 : index
        %get3A_239 = tpu.vector_load %arg11[%get3A_237, %get3A_238] {strides = array<i32>} : memref<96x256xf32, #tpu.memory_space<vmem>>, vector<1x16xf32>,
        %get3A_240 = vector.shape_cast %get3A_239 : vector<1x16xf32> to vector<16xf32>
        %mul3A_241 = arith.mulf %get3A_240, %get3A_152 : vector<16xf32>
        %add3A_242 = arith.addf %add3A_232, %mul3A_241 : vector<16xf32>
        %swap3A_243 = arith.index_cast %scan3A_136 : i32 to index
        %swap3A_244 = arith.constant 32 : index
        %swap3A_245 = tpu.vector_load %arg13[%swap3A_243, %swap3A_244] {strides = array<i32>} : memref<32x256xf32, #tpu.memory_space<vmem>>, vector<1x16xf32>,
        %swap3A_246 = vector.shape_cast %swap3A_245 : vector<1x16xf32> to vector<16xf32>
        %swap3A_247 = vector.shape_cast %add3A_242 : vector<16xf32> to vector<1x16xf32>
        tpu.vector_store %arg13[%swap3A_243, %swap3A_244], %swap3A_247 {strides = array<i32>} : memref<32x256xf32, #tpu.memory_space<vmem>>, vector<1x16xf32>,
        %mul3A_248 = arith.constant 3 : i32
        %mul3A_249 = arith.muli %mul3A_248, %scan3A_136 : i32
        %get3A_250 = arith.index_cast %mul3A_249 : i32 to index
        %get3A_251 = arith.constant 48 : index
        %get3A_252 = tpu.vector_load %arg11[%get3A_250, %get3A_251] {strides = array<i32>} : memref<96x256xf32, #tpu.memory_space<vmem>>, vector<1x16xf32>,
        %get3A_253 = vector.shape_cast %get3A_252 : vector<1x16xf32> to vector<16xf32>
        %mul3A_254 = arith.mulf %get3A_253, %get3A_142 : vector<16xf32>
        %mul3A_255 = arith.constant 3 : i32
        %mul3A_256 = arith.muli %mul3A_255, %scan3A_136 : i32
        %add3A_257 = arith.constant 1 : i32
        %add3A_258 = arith.addi %mul3A_256, %add3A_257 : i32
        %get3A_259 = arith.index_cast %add3A_258 : i32 to index
        %get3A_260 = arith.constant 48 : index
        %get3A_261 = tpu.vector_load %arg11[%get3A_259, %get3A_260] {strides = array<i32>} : memref<96x256xf32, #tpu.memory_space<vmem>>, vector<1x16xf32>,
        %get3A_262 = vector.shape_cast %get3A_261 : vector<1x16xf32> to vector<16xf32>
        %mul3A_263 = arith.mulf %get3A_262, %get3A_147 : vector<16xf32>
        %add3A_264 = arith.addf %mul3A_254, %mul3A_263 : vector<16xf32>
        %mul3A_265 = arith.constant 3 : i32
        %mul3A_266 = arith.muli %mul3A_265, %scan3A_136 : i32
        %add3A_267 = arith.constant 2 : i32
        %add3A_268 = arith.addi %mul3A_266, %add3A_267 : i32
        %get3A_269 = arith.index_cast %add3A_268 : i32 to index
        %get3A_270 = arith.constant 48 : index
        %get3A_271 = tpu.vector_load %arg11[%get3A_269, %get3A_270] {strides = array<i32>} : memref<96x256xf32, #tpu.memory_space<vmem>>, vector<1x16xf32>,
        %get3A_272 = vector.shape_cast %get3A_271 : vector<1x16xf32> to vector<16xf32>
        %mul3A_273 = arith.mulf %get3A_272, %get3A_152 : vector<16xf32>
        %add3A_274 = arith.addf %add3A_264, %mul3A_273 : vector<16xf32>
        %swap3A_275 = arith.index_cast %scan3A_136 : i32 to index
        %swap3A_276 = arith.constant 48 : index
        %swap3A_277 = tpu.vector_load %arg13[%swap3A_275, %swap3A_276] {strides = array<i32>} : memref<32x256xf32, #tpu.memory_space<vmem>>, vector<1x16xf32>,
        %swap3A_278 = vector.shape_cast %swap3A_277 : vector<1x16xf32> to vector<16xf32>
        %swap3A_279 = vector.shape_cast %add3A_274 : vector<16xf32> to vector<1x16xf32>
        tpu.vector_store %arg13[%swap3A_275, %swap3A_276], %swap3A_279 {strides = array<i32>} : memref<32x256xf32, #tpu.memory_space<vmem>>, vector<1x16xf32>,
        %mul3A_280 = arith.constant 3 : i32
        %mul3A_281 = arith.muli %mul3A_280, %scan3A_136 : i32
        %get3A_282 = arith.index_cast %mul3A_281 : i32 to index
        %get3A_283 = arith.constant 64 : index
        %get3A_284 = tpu.vector_load %arg11[%get3A_282, %get3A_283] {strides = array<i32>} : memref<96x256xf32, #tpu.memory_space<vmem>>, vector<1x16xf32>,
        %get3A_285 = vector.shape_cast %get3A_284 : vector<1x16xf32> to vector<16xf32>
        %mul3A_286 = arith.mulf %get3A_285, %get3A_142 : vector<16xf32>
        %mul3A_287 = arith.constant 3 : i32
        %mul3A_288 = arith.muli %mul3A_287, %scan3A_136 : i32
        %add3A_289 = arith.constant 1 : i32
        %add3A_290 = arith.addi %mul3A_288, %add3A_289 : i32
        %get3A_291 = arith.index_cast %add3A_290 : i32 to index
        %get3A_292 = arith.constant 64 : index
        %get3A_293 = tpu.vector_load %arg11[%get3A_291, %get3A_292] {strides = array<i32>} : memref<96x256xf32, #tpu.memory_space<vmem>>, vector<1x16xf32>,
        %get3A_294 = vector.shape_cast %get3A_293 : vector<1x16xf32> to vector<16xf32>
        %mul3A_295 = arith.mulf %get3A_294, %get3A_147 : vector<16xf32>
        %add3A_296 = arith.addf %mul3A_286, %mul3A_295 : vector<16xf32>
        %mul3A_297 = arith.constant 3 : i32
        %mul3A_298 = arith.muli %mul3A_297, %scan3A_136 : i32
        %add3A_299 = arith.constant 2 : i32
        %add3A_300 = arith.addi %mul3A_298, %add3A_299 : i32
        %get3A_301 = arith.index_cast %add3A_300 : i32 to index
        %get3A_302 = arith.constant 64 : index
        %get3A_303 = tpu.vector_load %arg11[%get3A_301, %get3A_302] {strides = array<i32>} : memref<96x256xf32, #tpu.memory_space<vmem>>, vector<1x16xf32>,
        %get3A_304 = vector.shape_cast %get3A_303 : vector<1x16xf32> to vector<16xf32>
        %mul3A_305 = arith.mulf %get3A_304, %get3A_152 : vector<16xf32>
        %add3A_306 = arith.addf %add3A_296, %mul3A_305 : vector<16xf32>
        %swap3A_307 = arith.index_cast %scan3A_136 : i32 to index
        %swap3A_308 = arith.constant 64 : index
        %swap3A_309 = tpu.vector_load %arg13[%swap3A_307, %swap3A_308] {strides = array<i32>} : memref<32x256xf32, #tpu.memory_space<vmem>>, vector<1x16xf32>,
        %swap3A_310 = vector.shape_cast %swap3A_309 : vector<1x16xf32> to vector<16xf32>
        %swap3A_311 = vector.shape_cast %add3A_306 : vector<16xf32> to vector<1x16xf32>
        tpu.vector_store %arg13[%swap3A_307, %swap3A_308], %swap3A_311 {strides = array<i32>} : memref<32x256xf32, #tpu.memory_space<vmem>>, vector<1x16xf32>,
        %mul3A_312 = arith.constant 3 : i32
        %mul3A_313 = arith.muli %mul3A_312, %scan3A_136 : i32
        %get3A_314 = arith.index_cast %mul3A_313 : i32 to index
        %get3A_315 = arith.constant 80 : index
        %get3A_316 = tpu.vector_load %arg11[%get3A_314, %get3A_315] {strides = array<i32>} : memref<96x256xf32, #tpu.memory_space<vmem>>, vector<1x16xf32>,
        %get3A_317 = vector.shape_cast %get3A_316 : vector<1x16xf32> to vector<16xf32>
        %mul3A_318 = arith.mulf %get3A_317, %get3A_142 : vector<16xf32>
        %mul3A_319 = arith.constant 3 : i32
        %mul3A_320 = arith.muli %mul3A_319, %scan3A_136 : i32
        %add3A_321 = arith.constant 1 : i32
        %add3A_322 = arith.addi %mul3A_320, %add3A_321 : i32
        %get3A_323 = arith.index_cast %add3A_322 : i32 to index
        %get3A_324 = arith.constant 80 : index
        %get3A_325 = tpu.vector_load %arg11[%get3A_323, %get3A_324] {strides = array<i32>} : memref<96x256xf32, #tpu.memory_space<vmem>>, vector<1x16xf32>,
        %get3A_326 = vector.shape_cast %get3A_325 : vector<1x16xf32> to vector<16xf32>
        %mul3A_327 = arith.mulf %get3A_326, %get3A_147 : vector<16xf32>
        %add3A_328 = arith.addf %mul3A_318, %mul3A_327 : vector<16xf32>
        %mul3A_329 = arith.constant 3 : i32
        %mul3A_330 = arith.muli %mul3A_329, %scan3A_136 : i32
        %add3A_331 = arith.constant 2 : i32
        %add3A_332 = arith.addi %mul3A_330, %add3A_331 : i32
        %get3A_333 = arith.index_cast %add3A_332 : i32 to index
        %get3A_334 = arith.constant 80 : index
        %get3A_335 = tpu.vector_load %arg11[%get3A_333, %get3A_334] {strides = array<i32>} : memref<96x256xf32, #tpu.memory_space<vmem>>, vector<1x16xf32>,
        %get3A_336 = vector.shape_cast %get3A_335 : vector<1x16xf32> to vector<16xf32>
        %mul3A_337 = arith.mulf %get3A_336, %get3A_152 : vector<16xf32>
        %add3A_338 = arith.addf %add3A_328, %mul3A_337 : vector<16xf32>
        %swap3A_339 = arith.index_cast %scan3A_136 : i32 to index
        %swap3A_340 = arith.constant 80 : index
        %swap3A_341 = tpu.vector_load %arg13[%swap3A_339, %swap3A_340] {strides = array<i32>} : memref<32x256xf32, #tpu.memory_space<vmem>>, vector<1x16xf32>,
        %swap3A_342 = vector.shape_cast %swap3A_341 : vector<1x16xf32> to vector<16xf32>
        %swap3A_343 = vector.shape_cast %add3A_338 : vector<16xf32> to vector<1x16xf32>
        tpu.vector_store %arg13[%swap3A_339, %swap3A_340], %swap3A_343 {strides = array<i32>} : memref<32x256xf32, #tpu.memory_space<vmem>>, vector<1x16xf32>,
        %mul3A_344 = arith.constant 3 : i32
        %mul3A_345 = arith.muli %mul3A_344, %scan3A_136 : i32
        %get3A_346 = arith.index_cast %mul3A_345 : i32 to index
        %get3A_347 = arith.constant 96 : index
        %get3A_348 = tpu.vector_load %arg11[%get3A_346, %get3A_347] {strides = array<i32>} : memref<96x256xf32, #tpu.memory_space<vmem>>, vector<1x16xf32>,
        %get3A_349 = vector.shape_cast %get3A_348 : vector<1x16xf32> to vector<16xf32>
        %mul3A_350 = arith.mulf %get3A_349, %get3A_142 : vector<16xf32>
        %mul3A_351 = arith.constant 3 : i32
        %mul3A_352 = arith.muli %mul3A_351, %scan3A_136 : i32
        %add3A_353 = arith.constant 1 : i32
        %add3A_354 = arith.addi %mul3A_352, %add3A_353 : i32
        %get3A_355 = arith.index_cast %add3A_354 : i32 to index
        %get3A_356 = arith.constant 96 : index
        %get3A_357 = tpu.vector_load %arg11[%get3A_355, %get3A_356] {strides = array<i32>} : memref<96x256xf32, #tpu.memory_space<vmem>>, vector<1x16xf32>,
        %get3A_358 = vector.shape_cast %get3A_357 : vector<1x16xf32> to vector<16xf32>
        %mul3A_359 = arith.mulf %get3A_358, %get3A_147 : vector<16xf32>
        %add3A_360 = arith.addf %mul3A_350, %mul3A_359 : vector<16xf32>
        %mul3A_361 = arith.constant 3 : i32
        %mul3A_362 = arith.muli %mul3A_361, %scan3A_136 : i32
        %add3A_363 = arith.constant 2 : i32
        %add3A_364 = arith.addi %mul3A_362, %add3A_363 : i32
        %get3A_365 = arith.index_cast %add3A_364 : i32 to index
        %get3A_366 = arith.constant 96 : index
        %get3A_367 = tpu.vector_load %arg11[%get3A_365, %get3A_366] {strides = array<i32>} : memref<96x256xf32, #tpu.memory_space<vmem>>, vector<1x16xf32>,
        %get3A_368 = vector.shape_cast %get3A_367 : vector<1x16xf32> to vector<16xf32>
        %mul3A_369 = arith.mulf %get3A_368, %get3A_152 : vector<16xf32>
        %add3A_370 = arith.addf %add3A_360, %mul3A_369 : vector<16xf32>
        %swap3A_371 = arith.index_cast %scan3A_136 : i32 to index
        %swap3A_372 = arith.constant 96 : index
        %swap3A_373 = tpu.vector_load %arg13[%swap3A_371, %swap3A_372] {strides = array<i32>} : memref<32x256xf32, #tpu.memory_space<vmem>>, vector<1x16xf32>,
        %swap3A_374 = vector.shape_cast %swap3A_373 : vector<1x16xf32> to vector<16xf32>
        %swap3A_375 = vector.shape_cast %add3A_370 : vector<16xf32> to vector<1x16xf32>
        tpu.vector_store %arg13[%swap3A_371, %swap3A_372], %swap3A_375 {strides = array<i32>} : memref<32x256xf32, #tpu.memory_space<vmem>>, vector<1x16xf32>,
        %mul3A_376 = arith.constant 3 : i32
        %mul3A_377 = arith.muli %mul3A_376, %scan3A_136 : i32
        %get3A_378 = arith.index_cast %mul3A_377 : i32 to index
        %get3A_379 = arith.constant 112 : index
        %get3A_380 = tpu.vector_load %arg11[%get3A_378, %get3A_379] {strides = array<i32>} : memref<96x256xf32, #tpu.memory_space<vmem>>, vector<1x16xf32>,
        %get3A_381 = vector.shape_cast %get3A_380 : vector<1x16xf32> to vector<16xf32>
        %mul3A_382 = arith.mulf %get3A_381, %get3A_142 : vector<16xf32>
        %mul3A_383 = arith.constant 3 : i32
        %mul3A_384 = arith.muli %mul3A_383, %scan3A_136 : i32
        %add3A_385 = arith.constant 1 : i32
        %add3A_386 = arith.addi %mul3A_384, %add3A_385 : i32
        %get3A_387 = arith.index_cast %add3A_386 : i32 to index
        %get3A_388 = arith.constant 112 : index
        %get3A_389 = tpu.vector_load %arg11[%get3A_387, %get3A_388] {strides = array<i32>} : memref<96x256xf32, #tpu.memory_space<vmem>>, vector<1x16xf32>,
        %get3A_390 = vector.shape_cast %get3A_389 : vector<1x16xf32> to vector<16xf32>
        %mul3A_391 = arith.mulf %get3A_390, %get3A_147 : vector<16xf32>
        %add3A_392 = arith.addf %mul3A_382, %mul3A_391 : vector<16xf32>
        %mul3A_393 = arith.constant 3 : i32
        %mul3A_394 = arith.muli %mul3A_393, %scan3A_136 : i32
        %add3A_395 = arith.constant 2 : i32
        %add3A_396 = arith.addi %mul3A_394, %add3A_395 : i32
        %get3A_397 = arith.index_cast %add3A_396 : i32 to index
        %get3A_398 = arith.constant 112 : index
        %get3A_399 = tpu.vector_load %arg11[%get3A_397, %get3A_398] {strides = array<i32>} : memref<96x256xf32, #tpu.memory_space<vmem>>, vector<1x16xf32>,
        %get3A_400 = vector.shape_cast %get3A_399 : vector<1x16xf32> to vector<16xf32>
        %mul3A_401 = arith.mulf %get3A_400, %get3A_152 : vector<16xf32>
        %add3A_402 = arith.addf %add3A_392, %mul3A_401 : vector<16xf32>
        %swap3A_403 = arith.index_cast %scan3A_136 : i32 to index
        %swap3A_404 = arith.constant 112 : index
        %swap3A_405 = tpu.vector_load %arg13[%swap3A_403, %swap3A_404] {strides = array<i32>} : memref<32x256xf32, #tpu.memory_space<vmem>>, vector<1x16xf32>,
        %swap3A_406 = vector.shape_cast %swap3A_405 : vector<1x16xf32> to vector<16xf32>
        %swap3A_407 = vector.shape_cast %add3A_402 : vector<16xf32> to vector<1x16xf32>
        tpu.vector_store %arg13[%swap3A_403, %swap3A_404], %swap3A_407 {strides = array<i32>} : memref<32x256xf32, #tpu.memory_space<vmem>>, vector<1x16xf32>,
        %mul3A_408 = arith.constant 3 : i32
        %mul3A_409 = arith.muli %mul3A_408, %scan3A_136 : i32
        %get3A_410 = arith.index_cast %mul3A_409 : i32 to index
        %get3A_411 = arith.constant 128 : index
        %get3A_412 = tpu.vector_load %arg11[%get3A_410, %get3A_411] {strides = array<i32>} : memref<96x256xf32, #tpu.memory_space<vmem>>, vector<1x16xf32>,
        %get3A_413 = vector.shape_cast %get3A_412 : vector<1x16xf32> to vector<16xf32>
        %mul3A_414 = arith.mulf %get3A_413, %get3A_142 : vector<16xf32>
        %mul3A_415 = arith.constant 3 : i32
        %mul3A_416 = arith.muli %mul3A_415, %scan3A_136 : i32
        %add3A_417 = arith.constant 1 : i32
        %add3A_418 = arith.addi %mul3A_416, %add3A_417 : i32
        %get3A_419 = arith.index_cast %add3A_418 : i32 to index
        %get3A_420 = arith.constant 128 : index
        %get3A_421 = tpu.vector_load %arg11[%get3A_419, %get3A_420] {strides = array<i32>} : memref<96x256xf32, #tpu.memory_space<vmem>>, vector<1x16xf32>,
        %get3A_422 = vector.shape_cast %get3A_421 : vector<1x16xf32> to vector<16xf32>
        %mul3A_423 = arith.mulf %get3A_422, %get3A_147 : vector<16xf32>
        %add3A_424 = arith.addf %mul3A_414, %mul3A_423 : vector<16xf32>
        %mul3A_425 = arith.constant 3 : i32
        %mul3A_426 = arith.muli %mul3A_425, %scan3A_136 : i32
        %add3A_427 = arith.constant 2 : i32
        %add3A_428 = arith.addi %mul3A_426, %add3A_427 : i32
        %get3A_429 = arith.index_cast %add3A_428 : i32 to index
        %get3A_430 = arith.constant 128 : index
        %get3A_431 = tpu.vector_load %arg11[%get3A_429, %get3A_430] {strides = array<i32>} : memref<96x256xf32, #tpu.memory_space<vmem>>, vector<1x16xf32>,
        %get3A_432 = vector.shape_cast %get3A_431 : vector<1x16xf32> to vector<16xf32>
        %mul3A_433 = arith.mulf %get3A_432, %get3A_152 : vector<16xf32>
        %add3A_434 = arith.addf %add3A_424, %mul3A_433 : vector<16xf32>
        %swap3A_435 = arith.index_cast %scan3A_136 : i32 to index
        %swap3A_436 = arith.constant 128 : index
        %swap3A_437 = tpu.vector_load %arg13[%swap3A_435, %swap3A_436] {strides = array<i32>} : memref<32x256xf32, #tpu.memory_space<vmem>>, vector<1x16xf32>,
        %swap3A_438 = vector.shape_cast %swap3A_437 : vector<1x16xf32> to vector<16xf32>
        %swap3A_439 = vector.shape_cast %add3A_434 : vector<16xf32> to vector<1x16xf32>
        tpu.vector_store %arg13[%swap3A_435, %swap3A_436], %swap3A_439 {strides = array<i32>} : memref<32x256xf32, #tpu.memory_space<vmem>>, vector<1x16xf32>,
        %mul3A_440 = arith.constant 3 : i32
        %mul3A_441 = arith.muli %mul3A_440, %scan3A_136 : i32
        %get3A_442 = arith.index_cast %mul3A_441 : i32 to index
        %get3A_443 = arith.constant 144 : index
        %get3A_444 = tpu.vector_load %arg11[%get3A_442, %get3A_443] {strides = array<i32>} : memref<96x256xf32, #tpu.memory_space<vmem>>, vector<1x16xf32>,
        %get3A_445 = vector.shape_cast %get3A_444 : vector<1x16xf32> to vector<16xf32>
        %mul3A_446 = arith.mulf %get3A_445, %get3A_142 : vector<16xf32>
        %mul3A_447 = arith.constant 3 : i32
        %mul3A_448 = arith.muli %mul3A_447, %scan3A_136 : i32
        %add3A_449 = arith.constant 1 : i32
        %add3A_450 = arith.addi %mul3A_448, %add3A_449 : i32
        %get3A_451 = arith.index_cast %add3A_450 : i32 to index
        %get3A_452 = arith.constant 144 : index
        %get3A_453 = tpu.vector_load %arg11[%get3A_451, %get3A_452] {strides = array<i32>} : memref<96x256xf32, #tpu.memory_space<vmem>>, vector<1x16xf32>,
        %get3A_454 = vector.shape_cast %get3A_453 : vector<1x16xf32> to vector<16xf32>
        %mul3A_455 = arith.mulf %get3A_454, %get3A_147 : vector<16xf32>
        %add3A_456 = arith.addf %mul3A_446, %mul3A_455 : vector<16xf32>
        %mul3A_457 = arith.constant 3 : i32
        %mul3A_458 = arith.muli %mul3A_457, %scan3A_136 : i32
        %add3A_459 = arith.constant 2 : i32
        %add3A_460 = arith.addi %mul3A_458, %add3A_459 : i32
        %get3A_461 = arith.index_cast %add3A_460 : i32 to index
        %get3A_462 = arith.constant 144 : index
        %get3A_463 = tpu.vector_load %arg11[%get3A_461, %get3A_462] {strides = array<i32>} : memref<96x256xf32, #tpu.memory_space<vmem>>, vector<1x16xf32>,
        %get3A_464 = vector.shape_cast %get3A_463 : vector<1x16xf32> to vector<16xf32>
        %mul3A_465 = arith.mulf %get3A_464, %get3A_152 : vector<16xf32>
        %add3A_466 = arith.addf %add3A_456, %mul3A_465 : vector<16xf32>
        %swap3A_467 = arith.index_cast %scan3A_136 : i32 to index
        %swap3A_468 = arith.constant 144 : index
        %swap3A_469 = tpu.vector_load %arg13[%swap3A_467, %swap3A_468] {strides = array<i32>} : memref<32x256xf32, #tpu.memory_space<vmem>>, vector<1x16xf32>,
        %swap3A_470 = vector.shape_cast %swap3A_469 : vector<1x16xf32> to vector<16xf32>
        %swap3A_471 = vector.shape_cast %add3A_466 : vector<16xf32> to vector<1x16xf32>
        tpu.vector_store %arg13[%swap3A_467, %swap3A_468], %swap3A_471 {strides = array<i32>} : memref<32x256xf32, #tpu.memory_space<vmem>>, vector<1x16xf32>,
        %mul3A_472 = arith.constant 3 : i32
        %mul3A_473 = arith.muli %mul3A_472, %scan3A_136 : i32
        %get3A_474 = arith.index_cast %mul3A_473 : i32 to index
        %get3A_475 = arith.constant 160 : index
        %get3A_476 = tpu.vector_load %arg11[%get3A_474, %get3A_475] {strides = array<i32>} : memref<96x256xf32, #tpu.memory_space<vmem>>, vector<1x16xf32>,
        %get3A_477 = vector.shape_cast %get3A_476 : vector<1x16xf32> to vector<16xf32>
        %mul3A_478 = arith.mulf %get3A_477, %get3A_142 : vector<16xf32>
        %mul3A_479 = arith.constant 3 : i32
        %mul3A_480 = arith.muli %mul3A_479, %scan3A_136 : i32
        %add3A_481 = arith.constant 1 : i32
        %add3A_482 = arith.addi %mul3A_480, %add3A_481 : i32
        %get3A_483 = arith.index_cast %add3A_482 : i32 to index
        %get3A_484 = arith.constant 160 : index
        %get3A_485 = tpu.vector_load %arg11[%get3A_483, %get3A_484] {strides = array<i32>} : memref<96x256xf32, #tpu.memory_space<vmem>>, vector<1x16xf32>,
        %get3A_486 = vector.shape_cast %get3A_485 : vector<1x16xf32> to vector<16xf32>
        %mul3A_487 = arith.mulf %get3A_486, %get3A_147 : vector<16xf32>
        %add3A_488 = arith.addf %mul3A_478, %mul3A_487 : vector<16xf32>
        %mul3A_489 = arith.constant 3 : i32
        %mul3A_490 = arith.muli %mul3A_489, %scan3A_136 : i32
        %add3A_491 = arith.constant 2 : i32
        %add3A_492 = arith.addi %mul3A_490, %add3A_491 : i32
        %get3A_493 = arith.index_cast %add3A_492 : i32 to index
        %get3A_494 = arith.constant 160 : index
        %get3A_495 = tpu.vector_load %arg11[%get3A_493, %get3A_494] {strides = array<i32>} : memref<96x256xf32, #tpu.memory_space<vmem>>, vector<1x16xf32>,
        %get3A_496 = vector.shape_cast %get3A_495 : vector<1x16xf32> to vector<16xf32>
        %mul3A_497 = arith.mulf %get3A_496, %get3A_152 : vector<16xf32>
        %add3A_498 = arith.addf %add3A_488, %mul3A_497 : vector<16xf32>
        %swap3A_499 = arith.index_cast %scan3A_136 : i32 to index
        %swap3A_500 = arith.constant 160 : index
        %swap3A_501 = tpu.vector_load %arg13[%swap3A_499, %swap3A_500] {strides = array<i32>} : memref<32x256xf32, #tpu.memory_space<vmem>>, vector<1x16xf32>,
        %swap3A_502 = vector.shape_cast %swap3A_501 : vector<1x16xf32> to vector<16xf32>
        %swap3A_503 = vector.shape_cast %add3A_498 : vector<16xf32> to vector<1x16xf32>
        tpu.vector_store %arg13[%swap3A_499, %swap3A_500], %swap3A_503 {strides = array<i32>} : memref<32x256xf32, #tpu.memory_space<vmem>>, vector<1x16xf32>,
        %mul3A_504 = arith.constant 3 : i32
        %mul3A_505 = arith.muli %mul3A_504, %scan3A_136 : i32
        %get3A_506 = arith.index_cast %mul3A_505 : i32 to index
        %get3A_507 = arith.constant 176 : index
        %get3A_508 = tpu.vector_load %arg11[%get3A_506, %get3A_507] {strides = array<i32>} : memref<96x256xf32, #tpu.memory_space<vmem>>, vector<1x16xf32>,
        %get3A_509 = vector.shape_cast %get3A_508 : vector<1x16xf32> to vector<16xf32>
        %mul3A_510 = arith.mulf %get3A_509, %get3A_142 : vector<16xf32>
        %mul3A_511 = arith.constant 3 : i32
        %mul3A_512 = arith.muli %mul3A_511, %scan3A_136 : i32
        %add3A_513 = arith.constant 1 : i32
        %add3A_514 = arith.addi %mul3A_512, %add3A_513 : i32
        %get3A_515 = arith.index_cast %add3A_514 : i32 to index
        %get3A_516 = arith.constant 176 : index
        %get3A_517 = tpu.vector_load %arg11[%get3A_515, %get3A_516] {strides = array<i32>} : memref<96x256xf32, #tpu.memory_space<vmem>>, vector<1x16xf32>,
        %get3A_518 = vector.shape_cast %get3A_517 : vector<1x16xf32> to vector<16xf32>
        %mul3A_519 = arith.mulf %get3A_518, %get3A_147 : vector<16xf32>
        %add3A_520 = arith.addf %mul3A_510, %mul3A_519 : vector<16xf32>
        %mul3A_521 = arith.constant 3 : i32
        %mul3A_522 = arith.muli %mul3A_521, %scan3A_136 : i32
        %add3A_523 = arith.constant 2 : i32
        %add3A_524 = arith.addi %mul3A_522, %add3A_523 : i32
        %get3A_525 = arith.index_cast %add3A_524 : i32 to index
        %get3A_526 = arith.constant 176 : index
        %get3A_527 = tpu.vector_load %arg11[%get3A_525, %get3A_526] {strides = array<i32>} : memref<96x256xf32, #tpu.memory_space<vmem>>, vector<1x16xf32>,
        %get3A_528 = vector.shape_cast %get3A_527 : vector<1x16xf32> to vector<16xf32>
        %mul3A_529 = arith.mulf %get3A_528, %get3A_152 : vector<16xf32>
        %add3A_530 = arith.addf %add3A_520, %mul3A_529 : vector<16xf32>
        %swap3A_531 = arith.index_cast %scan3A_136 : i32 to index
        %swap3A_532 = arith.constant 176 : index
        %swap3A_533 = tpu.vector_load %arg13[%swap3A_531, %swap3A_532] {strides = array<i32>} : memref<32x256xf32, #tpu.memory_space<vmem>>, vector<1x16xf32>,
        %swap3A_534 = vector.shape_cast %swap3A_533 : vector<1x16xf32> to vector<16xf32>
        %swap3A_535 = vector.shape_cast %add3A_530 : vector<16xf32> to vector<1x16xf32>
        tpu.vector_store %arg13[%swap3A_531, %swap3A_532], %swap3A_535 {strides = array<i32>} : memref<32x256xf32, #tpu.memory_space<vmem>>, vector<1x16xf32>,
        %mul3A_536 = arith.constant 3 : i32
        %mul3A_537 = arith.muli %mul3A_536, %scan3A_136 : i32
        %get3A_538 = arith.index_cast %mul3A_537 : i32 to index
        %get3A_539 = arith.constant 192 : index
        %get3A_540 = tpu.vector_load %arg11[%get3A_538, %get3A_539] {strides = array<i32>} : memref<96x256xf32, #tpu.memory_space<vmem>>, vector<1x16xf32>,
        %get3A_541 = vector.shape_cast %get3A_540 : vector<1x16xf32> to vector<16xf32>
        %mul3A_542 = arith.mulf %get3A_541, %get3A_142 : vector<16xf32>
        %mul3A_543 = arith.constant 3 : i32
        %mul3A_544 = arith.muli %mul3A_543, %scan3A_136 : i32
        %add3A_545 = arith.constant 1 : i32
        %add3A_546 = arith.addi %mul3A_544, %add3A_545 : i32
        %get3A_547 = arith.index_cast %add3A_546 : i32 to index
        %get3A_548 = arith.constant 192 : index
        %get3A_549 = tpu.vector_load %arg11[%get3A_547, %get3A_548] {strides = array<i32>} : memref<96x256xf32, #tpu.memory_space<vmem>>, vector<1x16xf32>,
        %get3A_550 = vector.shape_cast %get3A_549 : vector<1x16xf32> to vector<16xf32>
        %mul3A_551 = arith.mulf %get3A_550, %get3A_147 : vector<16xf32>
        %add3A_552 = arith.addf %mul3A_542, %mul3A_551 : vector<16xf32>
        %mul3A_553 = arith.constant 3 : i32
        %mul3A_554 = arith.muli %mul3A_553, %scan3A_136 : i32
        %add3A_555 = arith.constant 2 : i32
        %add3A_556 = arith.addi %mul3A_554, %add3A_555 : i32
        %get3A_557 = arith.index_cast %add3A_556 : i32 to index
        %get3A_558 = arith.constant 192 : index
        %get3A_559 = tpu.vector_load %arg11[%get3A_557, %get3A_558] {strides = array<i32>} : memref<96x256xf32, #tpu.memory_space<vmem>>, vector<1x16xf32>,
        %get3A_560 = vector.shape_cast %get3A_559 : vector<1x16xf32> to vector<16xf32>
        %mul3A_561 = arith.mulf %get3A_560, %get3A_152 : vector<16xf32>
        %add3A_562 = arith.addf %add3A_552, %mul3A_561 : vector<16xf32>
        %swap3A_563 = arith.index_cast %scan3A_136 : i32 to index
        %swap3A_564 = arith.constant 192 : index
        %swap3A_565 = tpu.vector_load %arg13[%swap3A_563, %swap3A_564] {strides = array<i32>} : memref<32x256xf32, #tpu.memory_space<vmem>>, vector<1x16xf32>,
        %swap3A_566 = vector.shape_cast %swap3A_565 : vector<1x16xf32> to vector<16xf32>
        %swap3A_567 = vector.shape_cast %add3A_562 : vector<16xf32> to vector<1x16xf32>
        tpu.vector_store %arg13[%swap3A_563, %swap3A_564], %swap3A_567 {strides = array<i32>} : memref<32x256xf32, #tpu.memory_space<vmem>>, vector<1x16xf32>,
        %mul3A_568 = arith.constant 3 : i32
        %mul3A_569 = arith.muli %mul3A_568, %scan3A_136 : i32
        %get3A_570 = arith.index_cast %mul3A_569 : i32 to index
        %get3A_571 = arith.constant 208 : index
        %get3A_572 = tpu.vector_load %arg11[%get3A_570, %get3A_571] {strides = array<i32>} : memref<96x256xf32, #tpu.memory_space<vmem>>, vector<1x16xf32>,
        %get3A_573 = vector.shape_cast %get3A_572 : vector<1x16xf32> to vector<16xf32>
        %mul3A_574 = arith.mulf %get3A_573, %get3A_142 : vector<16xf32>
        %mul3A_575 = arith.constant 3 : i32
        %mul3A_576 = arith.muli %mul3A_575, %scan3A_136 : i32
        %add3A_577 = arith.constant 1 : i32
        %add3A_578 = arith.addi %mul3A_576, %add3A_577 : i32
        %get3A_579 = arith.index_cast %add3A_578 : i32 to index
        %get3A_580 = arith.constant 208 : index
        %get3A_581 = tpu.vector_load %arg11[%get3A_579, %get3A_580] {strides = array<i32>} : memref<96x256xf32, #tpu.memory_space<vmem>>, vector<1x16xf32>,
        %get3A_582 = vector.shape_cast %get3A_581 : vector<1x16xf32> to vector<16xf32>
        %mul3A_583 = arith.mulf %get3A_582, %get3A_147 : vector<16xf32>
        %add3A_584 = arith.addf %mul3A_574, %mul3A_583 : vector<16xf32>
        %mul3A_585 = arith.constant 3 : i32
        %mul3A_586 = arith.muli %mul3A_585, %scan3A_136 : i32
        %add3A_587 = arith.constant 2 : i32
        %add3A_588 = arith.addi %mul3A_586, %add3A_587 : i32
        %get3A_589 = arith.index_cast %add3A_588 : i32 to index
        %get3A_590 = arith.constant 208 : index
        %get3A_591 = tpu.vector_load %arg11[%get3A_589, %get3A_590] {strides = array<i32>} : memref<96x256xf32, #tpu.memory_space<vmem>>, vector<1x16xf32>,
        %get3A_592 = vector.shape_cast %get3A_591 : vector<1x16xf32> to vector<16xf32>
        %mul3A_593 = arith.mulf %get3A_592, %get3A_152 : vector<16xf32>
        %add3A_594 = arith.addf %add3A_584, %mul3A_593 : vector<16xf32>
        %swap3A_595 = arith.index_cast %scan3A_136 : i32 to index
        %swap3A_596 = arith.constant 208 : index
        %swap3A_597 = tpu.vector_load %arg13[%swap3A_595, %swap3A_596] {strides = array<i32>} : memref<32x256xf32, #tpu.memory_space<vmem>>, vector<1x16xf32>,
        %swap3A_598 = vector.shape_cast %swap3A_597 : vector<1x16xf32> to vector<16xf32>
        %swap3A_599 = vector.shape_cast %add3A_594 : vector<16xf32> to vector<1x16xf32>
        tpu.vector_store %arg13[%swap3A_595, %swap3A_596], %swap3A_599 {strides = array<i32>} : memref<32x256xf32, #tpu.memory_space<vmem>>, vector<1x16xf32>,
        %mul3A_600 = arith.constant 3 : i32
        %mul3A_601 = arith.muli %mul3A_600, %scan3A_136 : i32
        %get3A_602 = arith.index_cast %mul3A_601 : i32 to index
        %get3A_603 = arith.constant 224 : index
        %get3A_604 = tpu.vector_load %arg11[%get3A_602, %get3A_603] {strides = array<i32>} : memref<96x256xf32, #tpu.memory_space<vmem>>, vector<1x16xf32>,
        %get3A_605 = vector.shape_cast %get3A_604 : vector<1x16xf32> to vector<16xf32>
        %mul3A_606 = arith.mulf %get3A_605, %get3A_142 : vector<16xf32>
        %mul3A_607 = arith.constant 3 : i32
        %mul3A_608 = arith.muli %mul3A_607, %scan3A_136 : i32
        %add3A_609 = arith.constant 1 : i32
        %add3A_610 = arith.addi %mul3A_608, %add3A_609 : i32
        %get3A_611 = arith.index_cast %add3A_610 : i32 to index
        %get3A_612 = arith.constant 224 : index
        %get3A_613 = tpu.vector_load %arg11[%get3A_611, %get3A_612] {strides = array<i32>} : memref<96x256xf32, #tpu.memory_space<vmem>>, vector<1x16xf32>,
        %get3A_614 = vector.shape_cast %get3A_613 : vector<1x16xf32> to vector<16xf32>
        %mul3A_615 = arith.mulf %get3A_614, %get3A_147 : vector<16xf32>
        %add3A_616 = arith.addf %mul3A_606, %mul3A_615 : vector<16xf32>
        %mul3A_617 = arith.constant 3 : i32
        %mul3A_618 = arith.muli %mul3A_617, %scan3A_136 : i32
        %add3A_619 = arith.constant 2 : i32
        %add3A_620 = arith.addi %mul3A_618, %add3A_619 : i32
        %get3A_621 = arith.index_cast %add3A_620 : i32 to index
        %get3A_622 = arith.constant 224 : index
        %get3A_623 = tpu.vector_load %arg11[%get3A_621, %get3A_622] {strides = array<i32>} : memref<96x256xf32, #tpu.memory_space<vmem>>, vector<1x16xf32>,
        %get3A_624 = vector.shape_cast %get3A_623 : vector<1x16xf32> to vector<16xf32>
        %mul3A_625 = arith.mulf %get3A_624, %get3A_152 : vector<16xf32>
        %add3A_626 = arith.addf %add3A_616, %mul3A_625 : vector<16xf32>
        %swap3A_627 = arith.index_cast %scan3A_136 : i32 to index
        %swap3A_628 = arith.constant 224 : index
        %swap3A_629 = tpu.vector_load %arg13[%swap3A_627, %swap3A_628] {strides = array<i32>} : memref<32x256xf32, #tpu.memory_space<vmem>>, vector<1x16xf32>,
        %swap3A_630 = vector.shape_cast %swap3A_629 : vector<1x16xf32> to vector<16xf32>
        %swap3A_631 = vector.shape_cast %add3A_626 : vector<16xf32> to vector<1x16xf32>
        tpu.vector_store %arg13[%swap3A_627, %swap3A_628], %swap3A_631 {strides = array<i32>} : memref<32x256xf32, #tpu.memory_space<vmem>>, vector<1x16xf32>,
        %mul3A_632 = arith.constant 3 : i32
        %mul3A_633 = arith.muli %mul3A_632, %scan3A_136 : i32
        %get3A_634 = arith.index_cast %mul3A_633 : i32 to index
        %get3A_635 = arith.constant 240 : index
        %get3A_636 = tpu.vector_load %arg11[%get3A_634, %get3A_635] {strides = array<i32>} : memref<96x256xf32, #tpu.memory_space<vmem>>, vector<1x16xf32>,
        %get3A_637 = vector.shape_cast %get3A_636 : vector<1x16xf32> to vector<16xf32>
        %mul3A_638 = arith.mulf %get3A_637, %get3A_142 : vector<16xf32>
        %mul3A_639 = arith.constant 3 : i32
        %mul3A_640 = arith.muli %mul3A_639, %scan3A_136 : i32
        %add3A_641 = arith.constant 1 : i32
        %add3A_642 = arith.addi %mul3A_640, %add3A_641 : i32
        %get3A_643 = arith.index_cast %add3A_642 : i32 to index
        %get3A_644 = arith.constant 240 : index
        %get3A_645 = tpu.vector_load %arg11[%get3A_643, %get3A_644] {strides = array<i32>} : memref<96x256xf32, #tpu.memory_space<vmem>>, vector<1x16xf32>,
        %get3A_646 = vector.shape_cast %get3A_645 : vector<1x16xf32> to vector<16xf32>
        %mul3A_647 = arith.mulf %get3A_646, %get3A_147 : vector<16xf32>
        %add3A_648 = arith.addf %mul3A_638, %mul3A_647 : vector<16xf32>
        %mul3A_649 = arith.constant 3 : i32
        %mul3A_650 = arith.muli %mul3A_649, %scan3A_136 : i32
        %add3A_651 = arith.constant 2 : i32
        %add3A_652 = arith.addi %mul3A_650, %add3A_651 : i32
        %get3A_653 = arith.index_cast %add3A_652 : i32 to index
        %get3A_654 = arith.constant 240 : index
        %get3A_655 = tpu.vector_load %arg11[%get3A_653, %get3A_654] {strides = array<i32>} : memref<96x256xf32, #tpu.memory_space<vmem>>, vector<1x16xf32>,
        %get3A_656 = vector.shape_cast %get3A_655 : vector<1x16xf32> to vector<16xf32>
        %mul3A_657 = arith.mulf %get3A_656, %get3A_152 : vector<16xf32>
        %add3A_658 = arith.addf %add3A_648, %mul3A_657 : vector<16xf32>
        %swap3A_659 = arith.index_cast %scan3A_136 : i32 to index
        %swap3A_660 = arith.constant 240 : index
        %swap3A_661 = tpu.vector_load %arg13[%swap3A_659, %swap3A_660] {strides = array<i32>} : memref<32x256xf32, #tpu.memory_space<vmem>>, vector<1x16xf32>,
        %swap3A_662 = vector.shape_cast %swap3A_661 : vector<1x16xf32> to vector<16xf32>
        %swap3A_663 = vector.shape_cast %add3A_658 : vector<16xf32> to vector<1x16xf32>
        tpu.vector_store %arg13[%swap3A_659, %swap3A_660], %swap3A_663 {strides = array<i32>} : memref<32x256xf32, #tpu.memory_space<vmem>>, vector<1x16xf32>,
      }
      %scan3A_128 = arith.constant 32 : i32
      %mul3A_129 = arith.constant 32 : i32
      %mul3A_130 = arith.muli %add3A_90, %mul3A_129 : i32
      %add3A_131 = arith.addi %mul3A_2, %mul3A_130 : i32
      %dma_start3A_132 = arith.constant 0 : i32
      %dma_start3A_133 = tpu.memref_slice %arg5[%add3A_131, %dma_start3A_132] : memref<16384x256xf32, #tpu.memory_space<hbm>> -> memref<32x256xf32, #tpu.memory_space<hbm>>
      %dma_start3A_134 = arith.constant 0 : i32
      %dma_start3A_135 = tpu.memref_slice %arg5[%add3A_131, %dma_start3A_134] : memref<16384x256xf32, #tpu.memory_space<hbm>> -> memref<32x256xf32, #tpu.memory_space<hbm>>
      tpu.enqueue_dma source(%arg13 : memref<32x256xf32, #tpu.memory_space<vmem>>) target(%dma_start3A_135 : memref<32x256xf32, #tpu.memory_space<hbm>>) target_semaphore(%arg21 : memref<!tpu.dma_semaphore, #tpu.memory_space<semaphore_mem>>)
    }
    %scan3A_32 = arith.constant 8 : i32
    %dma_wait3A_33 = arith.constant 0 : i32
    %dma_wait3A_34 = tpu.memref_slice %arg5[%mul3A_2, %dma_wait3A_33] : memref<16384x256xf32, #tpu.memory_space<hbm>> -> memref<32x256xf32, #tpu.memory_space<hbm>>
    %dma_wait3A_35 = arith.constant 0 : i32
    %dma_wait3A_36 = tpu.memref_slice %arg5[%mul3A_2, %dma_wait3A_35] : memref<16384x256xf32, #tpu.memory_space<hbm>> -> memref<32x256xf32, #tpu.memory_space<hbm>>
    tpu.wait_dma2 semaphore(%arg20 : memref<!tpu.dma_semaphore, #tpu.memory_space<semaphore_mem>>) src(%arg12 : memref<32x256xf32, #tpu.memory_space<vmem>>) dst(%dma_wait3A_36 : memref<32x256xf32, #tpu.memory_space<hbm>>)
    %dma_wait3A_37 = arith.constant 0 : i32
    %dma_wait3A_38 = tpu.memref_slice %arg5[%mul3A_2, %dma_wait3A_37] : memref<16384x256xf32, #tpu.memory_space<hbm>> -> memref<32x256xf32, #tpu.memory_space<hbm>>
    %dma_wait3A_39 = arith.constant 0 : i32
    %dma_wait3A_40 = tpu.memref_slice %arg5[%mul3A_2, %dma_wait3A_39] : memref<16384x256xf32, #tpu.memory_space<hbm>> -> memref<32x256xf32, #tpu.memory_space<hbm>>
    tpu.wait_dma2 semaphore(%arg21 : memref<!tpu.dma_semaphore, #tpu.memory_space<semaphore_mem>>) src(%arg13 : memref<32x256xf32, #tpu.memory_space<vmem>>) dst(%dma_wait3A_40 : memref<32x256xf32, #tpu.memory_space<hbm>>)
    return
  }
}

#map = affine_map<(d0, d1) -> (0, 0)>
#map1 = affine_map<(d0, d1) -> (0)>
module attributes {stable_mosaic.version = 14 : i64} {
  func.func @_sc_interp_body(%arg0: i32, %arg1: i32, %arg2: memref<8192x256xf32, #tpu.memory_space<hbm>>, %arg3: memref<49152xi32, #tpu.memory_space<hbm>>, %arg4: memref<786432xf32, #tpu.memory_space<hbm>>, %arg5: memref<16384x256xf32, #tpu.memory_space<hbm>>, %arg6: memref<96xi32, #tpu.memory_space<vmem>>, %arg7: memref<96xi32, #tpu.memory_space<vmem>>, %arg8: memref<1536xf32, #tpu.memory_space<vmem>>, %arg9: memref<1536xf32, #tpu.memory_space<vmem>>, %arg10: memref<96x256xf32, #tpu.memory_space<vmem>>, %arg11: memref<96x256xf32, #tpu.memory_space<vmem>>, %arg12: memref<32x256xf32, #tpu.memory_space<vmem>>, %arg13: memref<32x256xf32, #tpu.memory_space<vmem>>, %arg14: memref<!tpu.dma_semaphore, #tpu.memory_space<semaphore_mem>>, %arg15: memref<!tpu.dma_semaphore, #tpu.memory_space<semaphore_mem>>, %arg16: memref<!tpu.dma_semaphore, #tpu.memory_space<semaphore_mem>>, %arg17: memref<!tpu.dma_semaphore, #tpu.memory_space<semaphore_mem>>, %arg18: memref<!tpu.dma_semaphore, #tpu.memory_space<semaphore_mem>>, %arg19: memref<!tpu.dma_semaphore, #tpu.memory_space<semaphore_mem>>, %arg20: memref<!tpu.dma_semaphore, #tpu.memory_space<semaphore_mem>>, %arg21: memref<!tpu.dma_semaphore, #tpu.memory_space<semaphore_mem>>) attributes {dimension_semantics = [#tpu.dimension_semantics<core_parallel>, #tpu.dimension_semantics<subcore_parallel>], iteration_bounds = array<i64: 2, 16>, scalar_prefetch = 0 : i64, scratch_operands = 16 : i64, tpu.core_type = #tpu.core_type<sc_vector_subcore>, window_params = [{transform_indices = #map}, {transform_indices = #map1}, {transform_indices = #map1}, {transform_indices = #map}]} {
    %mul3A = arith.constant 16 : i32
    %mul3A_0 = arith.muli %arg0, %mul3A : i32
    %add3A = arith.addi %mul3A_0, %arg1 : i32
    %mul3A_1 = arith.constant 512 : i32
    %mul3A_2 = arith.muli %add3A, %mul3A_1 : i32
    %add3A_3 = arith.constant 0 : i32
    %add3A_4 = arith.addi %mul3A_2, %add3A_3 : i32
    %mul3A_5 = arith.constant 3 : i32
    %mul3A_6 = arith.muli %add3A_4, %mul3A_5 : i32
    %dma_start3A = tpu.memref_slice %arg3[%mul3A_6] : memref<49152xi32, #tpu.memory_space<hbm>> -> memref<96xi32, #tpu.memory_space<hbm>>
    %dma_start3A_7 = tpu.memref_slice %arg3[%mul3A_6] : memref<49152xi32, #tpu.memory_space<hbm>> -> memref<96xi32, #tpu.memory_space<hbm>>
    tpu.enqueue_dma source(%dma_start3A_7 : memref<96xi32, #tpu.memory_space<hbm>>) target(%arg6 : memref<96xi32, #tpu.memory_space<vmem>>) target_semaphore(%arg16 : memref<!tpu.dma_semaphore, #tpu.memory_space<semaphore_mem>>)
    %add3A_8 = arith.constant 32 : i32
    %add3A_9 = arith.addi %mul3A_2, %add3A_8 : i32
    %mul3A_10 = arith.constant 3 : i32
    %mul3A_11 = arith.muli %add3A_9, %mul3A_10 : i32
    %dma_start3A_12 = tpu.memref_slice %arg3[%mul3A_11] : memref<49152xi32, #tpu.memory_space<hbm>> -> memref<96xi32, #tpu.memory_space<hbm>>
    %dma_start3A_13 = tpu.memref_slice %arg3[%mul3A_11] : memref<49152xi32, #tpu.memory_space<hbm>> -> memref<96xi32, #tpu.memory_space<hbm>>
    tpu.enqueue_dma source(%dma_start3A_13 : memref<96xi32, #tpu.memory_space<hbm>>) target(%arg7 : memref<96xi32, #tpu.memory_space<vmem>>) target_semaphore(%arg17 : memref<!tpu.dma_semaphore, #tpu.memory_space<semaphore_mem>>)
    %dma_wait3A = arith.constant 0 : i32
    %dma_wait3A_14 = tpu.memref_slice %arg3[%dma_wait3A] : memref<49152xi32, #tpu.memory_space<hbm>> -> memref<96xi32, #tpu.memory_space<hbm>>
    %dma_wait3A_15 = arith.constant 0 : i32
    %dma_wait3A_16 = tpu.memref_slice %arg3[%dma_wait3A_15] : memref<49152xi32, #tpu.memory_space<hbm>> -> memref<96xi32, #tpu.memory_space<hbm>>
    tpu.wait_dma2 semaphore(%arg16 : memref<!tpu.dma_semaphore, #tpu.memory_space<semaphore_mem>>) src(%dma_wait3A_16 : memref<96xi32, #tpu.memory_space<hbm>>) dst(%arg6 : memref<96xi32, #tpu.memory_space<vmem>>)
    %dma_start3A_17 = arith.constant 0 : i32
    %dma_start3A_18 = arith.constant 0 : i32
    %dma_start3A_19 = tpu.memref_slice %arg2[%dma_start3A_17, %dma_start3A_18] : memref<8192x256xf32, #tpu.memory_space<hbm>> -> memref<8192x256xf32, #tpu.memory_space<hbm>>
    tpu.enqueue_indirect_dma source(%dma_start3A_19 : memref<8192x256xf32, #tpu.memory_space<hbm>>) target(%arg10 : memref<96x256xf32, #tpu.memory_space<vmem>>) offsets(%arg6 : memref<96xi32, #tpu.memory_space<vmem>>) semaphore(%arg14 : memref<!tpu.dma_semaphore, #tpu.memory_space<semaphore_mem>>)
    %add3A_20 = arith.constant 0 : i32
    %add3A_21 = arith.addi %mul3A_2, %add3A_20 : i32
    %mul3A_22 = arith.constant 3 : i32
    %mul3A_23 = arith.muli %add3A_21, %mul3A_22 : i32
    %mul3A_24 = arith.constant 16 : i32
    %mul3A_25 = arith.muli %mul3A_23, %mul3A_24 : i32
    %dma_start3A_26 = tpu.memref_slice %arg4[%mul3A_25] : memref<786432xf32, #tpu.memory_space<hbm>> -> memref<1536xf32, #tpu.memory_space<hbm>>
    %dma_start3A_27 = tpu.memref_slice %arg4[%mul3A_25] : memref<786432xf32, #tpu.memory_space<hbm>> -> memref<1536xf32, #tpu.memory_space<hbm>>
    tpu.enqueue_dma source(%dma_start3A_27 : memref<1536xf32, #tpu.memory_space<hbm>>) target(%arg8 : memref<1536xf32, #tpu.memory_space<vmem>>) target_semaphore(%arg18 : memref<!tpu.dma_semaphore, #tpu.memory_space<semaphore_mem>>)
    %scan3A = arith.constant 0 : i32
    %scan3A_28 = arith.constant 0 : i32
    %scan3A_29 = arith.constant 8 : i32
    %scan3A_30 = arith.addi %scan3A_28, %scan3A_29 : i32
    %scan3A_31 = arith.constant 1 : i32
    scf.for %scan3A_41 = %scan3A_28 to %scan3A_30 step %scan3A_31  : i32 {
      %mul3A_42 = arith.constant 2 : i32
      %mul3A_43 = arith.muli %mul3A_42, %scan3A_41 : i32
      %add3A_44 = arith.constant 0 : i32
      %add3A_45 = arith.addi %mul3A_43, %add3A_44 : i32
      %dma_wait3A_46 = arith.constant 0 : i32
      %dma_wait3A_47 = arith.constant 0 : i32
      %dma_wait3A_48 = tpu.memref_slice %arg2[%dma_wait3A_46, %dma_wait3A_47] : memref<8192x256xf32, #tpu.memory_space<hbm>> -> memref<8192x256xf32, #tpu.memory_space<hbm>>
      tpu.wait_indirect_dma semaphore(%arg14 : memref<!tpu.dma_semaphore, #tpu.memory_space<semaphore_mem>>) src(%dma_wait3A_48 : memref<8192x256xf32, #tpu.memory_space<hbm>>) dst(%arg10 : memref<96x256xf32, #tpu.memory_space<vmem>>)
      %lt3A = arith.constant 14 : i32
      %lt3A_49 = arith.cmpi slt, %add3A_45, %lt3A : i32
      %convert_element_type3A = arith.extui %lt3A_49 : i1 to i32
      %cond3A = arith.constant 0 : i32
      %cond3A_50 = arith.cmpi ne, %convert_element_type3A, %cond3A : i32
      scf.if %cond3A_50 {
        %add3A_136 = arith.constant 2 : i32
        %add3A_137 = arith.addi %add3A_45, %add3A_136 : i32
        %mul3A_138 = arith.constant 32 : i32
        %mul3A_139 = arith.muli %add3A_137, %mul3A_138 : i32
        %add3A_140 = arith.addi %mul3A_2, %mul3A_139 : i32
        %mul3A_141 = arith.constant 3 : i32
        %mul3A_142 = arith.muli %add3A_140, %mul3A_141 : i32
        %dma_start3A_143 = tpu.memref_slice %arg3[%mul3A_142] : memref<49152xi32, #tpu.memory_space<hbm>> -> memref<96xi32, #tpu.memory_space<hbm>>
        %dma_start3A_144 = tpu.memref_slice %arg3[%mul3A_142] : memref<49152xi32, #tpu.memory_space<hbm>> -> memref<96xi32, #tpu.memory_space<hbm>>
        tpu.enqueue_dma source(%dma_start3A_144 : memref<96xi32, #tpu.memory_space<hbm>>) target(%arg6 : memref<96xi32, #tpu.memory_space<vmem>>) target_semaphore(%arg16 : memref<!tpu.dma_semaphore, #tpu.memory_space<semaphore_mem>>)
      } else {
      }
      %lt3A_51 = arith.constant 15 : i32
      %lt3A_52 = arith.cmpi slt, %add3A_45, %lt3A_51 : i32
      %convert_element_type3A_53 = arith.extui %lt3A_52 : i1 to i32
      %cond3A_54 = arith.constant 0 : i32
      %cond3A_55 = arith.cmpi ne, %convert_element_type3A_53, %cond3A_54 : i32
      scf.if %cond3A_55 {
        %dma_wait3A_136 = arith.constant 0 : i32
        %dma_wait3A_137 = tpu.memref_slice %arg3[%dma_wait3A_136] : memref<49152xi32, #tpu.memory_space<hbm>> -> memref<96xi32, #tpu.memory_space<hbm>>
        %dma_wait3A_138 = arith.constant 0 : i32
        %dma_wait3A_139 = tpu.memref_slice %arg3[%dma_wait3A_138] : memref<49152xi32, #tpu.memory_space<hbm>> -> memref<96xi32, #tpu.memory_space<hbm>>
        tpu.wait_dma2 semaphore(%arg17 : memref<!tpu.dma_semaphore, #tpu.memory_space<semaphore_mem>>) src(%dma_wait3A_139 : memref<96xi32, #tpu.memory_space<hbm>>) dst(%arg7 : memref<96xi32, #tpu.memory_space<vmem>>)
      } else {
      }
      %lt3A_56 = arith.constant 15 : i32
      %lt3A_57 = arith.cmpi slt, %add3A_45, %lt3A_56 : i32
      %convert_element_type3A_58 = arith.extui %lt3A_57 : i1 to i32
      %cond3A_59 = arith.constant 0 : i32
      %cond3A_60 = arith.cmpi ne, %convert_element_type3A_58, %cond3A_59 : i32
      scf.if %cond3A_60 {
        %dma_start3A_136 = arith.constant 0 : i32
        %dma_start3A_137 = arith.constant 0 : i32
        %dma_start3A_138 = tpu.memref_slice %arg2[%dma_start3A_136, %dma_start3A_137] : memref<8192x256xf32, #tpu.memory_space<hbm>> -> memref<8192x256xf32, #tpu.memory_space<hbm>>
        tpu.enqueue_indirect_dma source(%dma_start3A_138 : memref<8192x256xf32, #tpu.memory_space<hbm>>) target(%arg11 : memref<96x256xf32, #tpu.memory_space<vmem>>) offsets(%arg7 : memref<96xi32, #tpu.memory_space<vmem>>) semaphore(%arg15 : memref<!tpu.dma_semaphore, #tpu.memory_space<semaphore_mem>>)
      } else {
      }
      %lt3A_61 = arith.constant 15 : i32
      %lt3A_62 = arith.cmpi slt, %add3A_45, %lt3A_61 : i32
      %convert_element_type3A_63 = arith.extui %lt3A_62 : i1 to i32
      %cond3A_64 = arith.constant 0 : i32
      %cond3A_65 = arith.cmpi ne, %convert_element_type3A_63, %cond3A_64 : i32
      scf.if %cond3A_65 {
        %add3A_136 = arith.constant 1 : i32
        %add3A_137 = arith.addi %add3A_45, %add3A_136 : i32
        %mul3A_138 = arith.constant 32 : i32
        %mul3A_139 = arith.muli %add3A_137, %mul3A_138 : i32
        %add3A_140 = arith.addi %mul3A_2, %mul3A_139 : i32
        %mul3A_141 = arith.constant 3 : i32
        %mul3A_142 = arith.muli %add3A_140, %mul3A_141 : i32
        %mul3A_143 = arith.constant 16 : i32
        %mul3A_144 = arith.muli %mul3A_142, %mul3A_143 : i32
        %dma_start3A_145 = tpu.memref_slice %arg4[%mul3A_144] : memref<786432xf32, #tpu.memory_space<hbm>> -> memref<1536xf32, #tpu.memory_space<hbm>>
        %dma_start3A_146 = tpu.memref_slice %arg4[%mul3A_144] : memref<786432xf32, #tpu.memory_space<hbm>> -> memref<1536xf32, #tpu.memory_space<hbm>>
        tpu.enqueue_dma source(%dma_start3A_146 : memref<1536xf32, #tpu.memory_space<hbm>>) target(%arg9 : memref<1536xf32, #tpu.memory_space<vmem>>) target_semaphore(%arg19 : memref<!tpu.dma_semaphore, #tpu.memory_space<semaphore_mem>>)
      } else {
      }
      %dma_wait3A_66 = arith.constant 0 : i32
      %dma_wait3A_67 = tpu.memref_slice %arg4[%dma_wait3A_66] : memref<786432xf32, #tpu.memory_space<hbm>> -> memref<1536xf32, #tpu.memory_space<hbm>>
      %dma_wait3A_68 = arith.constant 0 : i32
      %dma_wait3A_69 = tpu.memref_slice %arg4[%dma_wait3A_68] : memref<786432xf32, #tpu.memory_space<hbm>> -> memref<1536xf32, #tpu.memory_space<hbm>>
      tpu.wait_dma2 semaphore(%arg18 : memref<!tpu.dma_semaphore, #tpu.memory_space<semaphore_mem>>) src(%dma_wait3A_69 : memref<1536xf32, #tpu.memory_space<hbm>>) dst(%arg8 : memref<1536xf32, #tpu.memory_space<vmem>>)
      %ge3A = arith.constant 2 : i32
      %ge3A_70 = arith.cmpi sge, %add3A_45, %ge3A : i32
      %convert_element_type3A_71 = arith.extui %ge3A_70 : i1 to i32
      %cond3A_72 = arith.constant 0 : i32
      %cond3A_73 = arith.cmpi ne, %convert_element_type3A_71, %cond3A_72 : i32
      scf.if %cond3A_73 {
        %dma_wait3A_136 = arith.constant 0 : i32
        %dma_wait3A_137 = tpu.memref_slice %arg5[%mul3A_2, %dma_wait3A_136] : memref<16384x256xf32, #tpu.memory_space<hbm>> -> memref<32x256xf32, #tpu.memory_space<hbm>>
        %dma_wait3A_138 = arith.constant 0 : i32
        %dma_wait3A_139 = tpu.memref_slice %arg5[%mul3A_2, %dma_wait3A_138] : memref<16384x256xf32, #tpu.memory_space<hbm>> -> memref<32x256xf32, #tpu.memory_space<hbm>>
        tpu.wait_dma2 semaphore(%arg20 : memref<!tpu.dma_semaphore, #tpu.memory_space<semaphore_mem>>) src(%arg12 : memref<32x256xf32, #tpu.memory_space<vmem>>) dst(%dma_wait3A_139 : memref<32x256xf32, #tpu.memory_space<hbm>>)
      } else {
      }
      %scan3A_74 = arith.constant 0 : i32
      %scan3A_75 = arith.constant 0 : i32
      %scan3A_76 = arith.constant 32 : i32
      %scan3A_77 = arith.addi %scan3A_75, %scan3A_76 : i32
      %scan3A_78 = arith.constant 1 : i32
      scf.for %scan3A_136 = %scan3A_75 to %scan3A_77 step %scan3A_78  : i32 {
        %mul3A_137 = arith.constant 3 : i32
        %mul3A_138 = arith.muli %scan3A_136, %mul3A_137 : i32
        %mul3A_139 = arith.constant 16 : i32
        %mul3A_140 = arith.muli %mul3A_138, %mul3A_139 : i32
        %get3A = arith.index_cast %mul3A_140 : i32 to index
        %get3A_141 = tpu.vector_load %arg8[%get3A] {strides = array<i32>} : memref<1536xf32, #tpu.memory_space<vmem>>, vector<16xf32>,
        %get3A_142 = vector.shape_cast %get3A_141 : vector<16xf32> to vector<16xf32>
        %add3A_143 = arith.constant 16 : i32
        %add3A_144 = arith.addi %mul3A_140, %add3A_143 : i32
        %get3A_145 = arith.index_cast %add3A_144 : i32 to index
        %get3A_146 = tpu.vector_load %arg8[%get3A_145] {strides = array<i32>} : memref<1536xf32, #tpu.memory_space<vmem>>, vector<16xf32>,
        %get3A_147 = vector.shape_cast %get3A_146 : vector<16xf32> to vector<16xf32>
        %add3A_148 = arith.constant 32 : i32
        %add3A_149 = arith.addi %mul3A_140, %add3A_148 : i32
        %get3A_150 = arith.index_cast %add3A_149 : i32 to index
        %get3A_151 = tpu.vector_load %arg8[%get3A_150] {strides = array<i32>} : memref<1536xf32, #tpu.memory_space<vmem>>, vector<16xf32>,
        %get3A_152 = vector.shape_cast %get3A_151 : vector<16xf32> to vector<16xf32>
        %mul3A_153 = arith.constant 3 : i32
        %mul3A_154 = arith.muli %mul3A_153, %scan3A_136 : i32
        %get3A_155 = arith.index_cast %mul3A_154 : i32 to index
        %get3A_156 = arith.constant 0 : index
        %get3A_157 = tpu.vector_load %arg10[%get3A_155, %get3A_156] {strides = array<i32>} : memref<96x256xf32, #tpu.memory_space<vmem>>, vector<1x16xf32>,
        %get3A_158 = vector.shape_cast %get3A_157 : vector<1x16xf32> to vector<16xf32>
        %mul3A_159 = arith.mulf %get3A_158, %get3A_142 : vector<16xf32>
        %mul3A_160 = arith.constant 3 : i32
        %mul3A_161 = arith.muli %mul3A_160, %scan3A_136 : i32
        %add3A_162 = arith.constant 1 : i32
        %add3A_163 = arith.addi %mul3A_161, %add3A_162 : i32
        %get3A_164 = arith.index_cast %add3A_163 : i32 to index
        %get3A_165 = arith.constant 0 : index
        %get3A_166 = tpu.vector_load %arg10[%get3A_164, %get3A_165] {strides = array<i32>} : memref<96x256xf32, #tpu.memory_space<vmem>>, vector<1x16xf32>,
        %get3A_167 = vector.shape_cast %get3A_166 : vector<1x16xf32> to vector<16xf32>
        %mul3A_168 = arith.mulf %get3A_167, %get3A_147 : vector<16xf32>
        %add3A_169 = arith.addf %mul3A_159, %mul3A_168 : vector<16xf32>
        %mul3A_170 = arith.constant 3 : i32
        %mul3A_171 = arith.muli %mul3A_170, %scan3A_136 : i32
        %add3A_172 = arith.constant 2 : i32
        %add3A_173 = arith.addi %mul3A_171, %add3A_172 : i32
        %get3A_174 = arith.index_cast %add3A_173 : i32 to index
        %get3A_175 = arith.constant 0 : index
        %get3A_176 = tpu.vector_load %arg10[%get3A_174, %get3A_175] {strides = array<i32>} : memref<96x256xf32, #tpu.memory_space<vmem>>, vector<1x16xf32>,
        %get3A_177 = vector.shape_cast %get3A_176 : vector<1x16xf32> to vector<16xf32>
        %mul3A_178 = arith.mulf %get3A_177, %get3A_152 : vector<16xf32>
        %add3A_179 = arith.addf %add3A_169, %mul3A_178 : vector<16xf32>
        %swap3A = arith.index_cast %scan3A_136 : i32 to index
        %swap3A_180 = arith.constant 0 : index
        %swap3A_181 = tpu.vector_load %arg12[%swap3A, %swap3A_180] {strides = array<i32>} : memref<32x256xf32, #tpu.memory_space<vmem>>, vector<1x16xf32>,
        %swap3A_182 = vector.shape_cast %swap3A_181 : vector<1x16xf32> to vector<16xf32>
        %swap3A_183 = vector.shape_cast %add3A_179 : vector<16xf32> to vector<1x16xf32>
        tpu.vector_store %arg12[%swap3A, %swap3A_180], %swap3A_183 {strides = array<i32>} : memref<32x256xf32, #tpu.memory_space<vmem>>, vector<1x16xf32>,
        %mul3A_184 = arith.constant 3 : i32
        %mul3A_185 = arith.muli %mul3A_184, %scan3A_136 : i32
        %get3A_186 = arith.index_cast %mul3A_185 : i32 to index
        %get3A_187 = arith.constant 16 : index
        %get3A_188 = tpu.vector_load %arg10[%get3A_186, %get3A_187] {strides = array<i32>} : memref<96x256xf32, #tpu.memory_space<vmem>>, vector<1x16xf32>,
        %get3A_189 = vector.shape_cast %get3A_188 : vector<1x16xf32> to vector<16xf32>
        %mul3A_190 = arith.mulf %get3A_189, %get3A_142 : vector<16xf32>
        %mul3A_191 = arith.constant 3 : i32
        %mul3A_192 = arith.muli %mul3A_191, %scan3A_136 : i32
        %add3A_193 = arith.constant 1 : i32
        %add3A_194 = arith.addi %mul3A_192, %add3A_193 : i32
        %get3A_195 = arith.index_cast %add3A_194 : i32 to index
        %get3A_196 = arith.constant 16 : index
        %get3A_197 = tpu.vector_load %arg10[%get3A_195, %get3A_196] {strides = array<i32>} : memref<96x256xf32, #tpu.memory_space<vmem>>, vector<1x16xf32>,
        %get3A_198 = vector.shape_cast %get3A_197 : vector<1x16xf32> to vector<16xf32>
        %mul3A_199 = arith.mulf %get3A_198, %get3A_147 : vector<16xf32>
        %add3A_200 = arith.addf %mul3A_190, %mul3A_199 : vector<16xf32>
        %mul3A_201 = arith.constant 3 : i32
        %mul3A_202 = arith.muli %mul3A_201, %scan3A_136 : i32
        %add3A_203 = arith.constant 2 : i32
        %add3A_204 = arith.addi %mul3A_202, %add3A_203 : i32
        %get3A_205 = arith.index_cast %add3A_204 : i32 to index
        %get3A_206 = arith.constant 16 : index
        %get3A_207 = tpu.vector_load %arg10[%get3A_205, %get3A_206] {strides = array<i32>} : memref<96x256xf32, #tpu.memory_space<vmem>>, vector<1x16xf32>,
        %get3A_208 = vector.shape_cast %get3A_207 : vector<1x16xf32> to vector<16xf32>
        %mul3A_209 = arith.mulf %get3A_208, %get3A_152 : vector<16xf32>
        %add3A_210 = arith.addf %add3A_200, %mul3A_209 : vector<16xf32>
        %swap3A_211 = arith.index_cast %scan3A_136 : i32 to index
        %swap3A_212 = arith.constant 16 : index
        %swap3A_213 = tpu.vector_load %arg12[%swap3A_211, %swap3A_212] {strides = array<i32>} : memref<32x256xf32, #tpu.memory_space<vmem>>, vector<1x16xf32>,
        %swap3A_214 = vector.shape_cast %swap3A_213 : vector<1x16xf32> to vector<16xf32>
        %swap3A_215 = vector.shape_cast %add3A_210 : vector<16xf32> to vector<1x16xf32>
        tpu.vector_store %arg12[%swap3A_211, %swap3A_212], %swap3A_215 {strides = array<i32>} : memref<32x256xf32, #tpu.memory_space<vmem>>, vector<1x16xf32>,
        %mul3A_216 = arith.constant 3 : i32
        %mul3A_217 = arith.muli %mul3A_216, %scan3A_136 : i32
        %get3A_218 = arith.index_cast %mul3A_217 : i32 to index
        %get3A_219 = arith.constant 32 : index
        %get3A_220 = tpu.vector_load %arg10[%get3A_218, %get3A_219] {strides = array<i32>} : memref<96x256xf32, #tpu.memory_space<vmem>>, vector<1x16xf32>,
        %get3A_221 = vector.shape_cast %get3A_220 : vector<1x16xf32> to vector<16xf32>
        %mul3A_222 = arith.mulf %get3A_221, %get3A_142 : vector<16xf32>
        %mul3A_223 = arith.constant 3 : i32
        %mul3A_224 = arith.muli %mul3A_223, %scan3A_136 : i32
        %add3A_225 = arith.constant 1 : i32
        %add3A_226 = arith.addi %mul3A_224, %add3A_225 : i32
        %get3A_227 = arith.index_cast %add3A_226 : i32 to index
        %get3A_228 = arith.constant 32 : index
        %get3A_229 = tpu.vector_load %arg10[%get3A_227, %get3A_228] {strides = array<i32>} : memref<96x256xf32, #tpu.memory_space<vmem>>, vector<1x16xf32>,
        %get3A_230 = vector.shape_cast %get3A_229 : vector<1x16xf32> to vector<16xf32>
        %mul3A_231 = arith.mulf %get3A_230, %get3A_147 : vector<16xf32>
        %add3A_232 = arith.addf %mul3A_222, %mul3A_231 : vector<16xf32>
        %mul3A_233 = arith.constant 3 : i32
        %mul3A_234 = arith.muli %mul3A_233, %scan3A_136 : i32
        %add3A_235 = arith.constant 2 : i32
        %add3A_236 = arith.addi %mul3A_234, %add3A_235 : i32
        %get3A_237 = arith.index_cast %add3A_236 : i32 to index
        %get3A_238 = arith.constant 32 : index
        %get3A_239 = tpu.vector_load %arg10[%get3A_237, %get3A_238] {strides = array<i32>} : memref<96x256xf32, #tpu.memory_space<vmem>>, vector<1x16xf32>,
        %get3A_240 = vector.shape_cast %get3A_239 : vector<1x16xf32> to vector<16xf32>
        %mul3A_241 = arith.mulf %get3A_240, %get3A_152 : vector<16xf32>
        %add3A_242 = arith.addf %add3A_232, %mul3A_241 : vector<16xf32>
        %swap3A_243 = arith.index_cast %scan3A_136 : i32 to index
        %swap3A_244 = arith.constant 32 : index
        %swap3A_245 = tpu.vector_load %arg12[%swap3A_243, %swap3A_244] {strides = array<i32>} : memref<32x256xf32, #tpu.memory_space<vmem>>, vector<1x16xf32>,
        %swap3A_246 = vector.shape_cast %swap3A_245 : vector<1x16xf32> to vector<16xf32>
        %swap3A_247 = vector.shape_cast %add3A_242 : vector<16xf32> to vector<1x16xf32>
        tpu.vector_store %arg12[%swap3A_243, %swap3A_244], %swap3A_247 {strides = array<i32>} : memref<32x256xf32, #tpu.memory_space<vmem>>, vector<1x16xf32>,
        %mul3A_248 = arith.constant 3 : i32
        %mul3A_249 = arith.muli %mul3A_248, %scan3A_136 : i32
        %get3A_250 = arith.index_cast %mul3A_249 : i32 to index
        %get3A_251 = arith.constant 48 : index
        %get3A_252 = tpu.vector_load %arg10[%get3A_250, %get3A_251] {strides = array<i32>} : memref<96x256xf32, #tpu.memory_space<vmem>>, vector<1x16xf32>,
        %get3A_253 = vector.shape_cast %get3A_252 : vector<1x16xf32> to vector<16xf32>
        %mul3A_254 = arith.mulf %get3A_253, %get3A_142 : vector<16xf32>
        %mul3A_255 = arith.constant 3 : i32
        %mul3A_256 = arith.muli %mul3A_255, %scan3A_136 : i32
        %add3A_257 = arith.constant 1 : i32
        %add3A_258 = arith.addi %mul3A_256, %add3A_257 : i32
        %get3A_259 = arith.index_cast %add3A_258 : i32 to index
        %get3A_260 = arith.constant 48 : index
        %get3A_261 = tpu.vector_load %arg10[%get3A_259, %get3A_260] {strides = array<i32>} : memref<96x256xf32, #tpu.memory_space<vmem>>, vector<1x16xf32>,
        %get3A_262 = vector.shape_cast %get3A_261 : vector<1x16xf32> to vector<16xf32>
        %mul3A_263 = arith.mulf %get3A_262, %get3A_147 : vector<16xf32>
        %add3A_264 = arith.addf %mul3A_254, %mul3A_263 : vector<16xf32>
        %mul3A_265 = arith.constant 3 : i32
        %mul3A_266 = arith.muli %mul3A_265, %scan3A_136 : i32
        %add3A_267 = arith.constant 2 : i32
        %add3A_268 = arith.addi %mul3A_266, %add3A_267 : i32
        %get3A_269 = arith.index_cast %add3A_268 : i32 to index
        %get3A_270 = arith.constant 48 : index
        %get3A_271 = tpu.vector_load %arg10[%get3A_269, %get3A_270] {strides = array<i32>} : memref<96x256xf32, #tpu.memory_space<vmem>>, vector<1x16xf32>,
        %get3A_272 = vector.shape_cast %get3A_271 : vector<1x16xf32> to vector<16xf32>
        %mul3A_273 = arith.mulf %get3A_272, %get3A_152 : vector<16xf32>
        %add3A_274 = arith.addf %add3A_264, %mul3A_273 : vector<16xf32>
        %swap3A_275 = arith.index_cast %scan3A_136 : i32 to index
        %swap3A_276 = arith.constant 48 : index
        %swap3A_277 = tpu.vector_load %arg12[%swap3A_275, %swap3A_276] {strides = array<i32>} : memref<32x256xf32, #tpu.memory_space<vmem>>, vector<1x16xf32>,
        %swap3A_278 = vector.shape_cast %swap3A_277 : vector<1x16xf32> to vector<16xf32>
        %swap3A_279 = vector.shape_cast %add3A_274 : vector<16xf32> to vector<1x16xf32>
        tpu.vector_store %arg12[%swap3A_275, %swap3A_276], %swap3A_279 {strides = array<i32>} : memref<32x256xf32, #tpu.memory_space<vmem>>, vector<1x16xf32>,
        %mul3A_280 = arith.constant 3 : i32
        %mul3A_281 = arith.muli %mul3A_280, %scan3A_136 : i32
        %get3A_282 = arith.index_cast %mul3A_281 : i32 to index
        %get3A_283 = arith.constant 64 : index
        %get3A_284 = tpu.vector_load %arg10[%get3A_282, %get3A_283] {strides = array<i32>} : memref<96x256xf32, #tpu.memory_space<vmem>>, vector<1x16xf32>,
        %get3A_285 = vector.shape_cast %get3A_284 : vector<1x16xf32> to vector<16xf32>
        %mul3A_286 = arith.mulf %get3A_285, %get3A_142 : vector<16xf32>
        %mul3A_287 = arith.constant 3 : i32
        %mul3A_288 = arith.muli %mul3A_287, %scan3A_136 : i32
        %add3A_289 = arith.constant 1 : i32
        %add3A_290 = arith.addi %mul3A_288, %add3A_289 : i32
        %get3A_291 = arith.index_cast %add3A_290 : i32 to index
        %get3A_292 = arith.constant 64 : index
        %get3A_293 = tpu.vector_load %arg10[%get3A_291, %get3A_292] {strides = array<i32>} : memref<96x256xf32, #tpu.memory_space<vmem>>, vector<1x16xf32>,
        %get3A_294 = vector.shape_cast %get3A_293 : vector<1x16xf32> to vector<16xf32>
        %mul3A_295 = arith.mulf %get3A_294, %get3A_147 : vector<16xf32>
        %add3A_296 = arith.addf %mul3A_286, %mul3A_295 : vector<16xf32>
        %mul3A_297 = arith.constant 3 : i32
        %mul3A_298 = arith.muli %mul3A_297, %scan3A_136 : i32
        %add3A_299 = arith.constant 2 : i32
        %add3A_300 = arith.addi %mul3A_298, %add3A_299 : i32
        %get3A_301 = arith.index_cast %add3A_300 : i32 to index
        %get3A_302 = arith.constant 64 : index
        %get3A_303 = tpu.vector_load %arg10[%get3A_301, %get3A_302] {strides = array<i32>} : memref<96x256xf32, #tpu.memory_space<vmem>>, vector<1x16xf32>,
        %get3A_304 = vector.shape_cast %get3A_303 : vector<1x16xf32> to vector<16xf32>
        %mul3A_305 = arith.mulf %get3A_304, %get3A_152 : vector<16xf32>
        %add3A_306 = arith.addf %add3A_296, %mul3A_305 : vector<16xf32>
        %swap3A_307 = arith.index_cast %scan3A_136 : i32 to index
        %swap3A_308 = arith.constant 64 : index
        %swap3A_309 = tpu.vector_load %arg12[%swap3A_307, %swap3A_308] {strides = array<i32>} : memref<32x256xf32, #tpu.memory_space<vmem>>, vector<1x16xf32>,
        %swap3A_310 = vector.shape_cast %swap3A_309 : vector<1x16xf32> to vector<16xf32>
        %swap3A_311 = vector.shape_cast %add3A_306 : vector<16xf32> to vector<1x16xf32>
        tpu.vector_store %arg12[%swap3A_307, %swap3A_308], %swap3A_311 {strides = array<i32>} : memref<32x256xf32, #tpu.memory_space<vmem>>, vector<1x16xf32>,
        %mul3A_312 = arith.constant 3 : i32
        %mul3A_313 = arith.muli %mul3A_312, %scan3A_136 : i32
        %get3A_314 = arith.index_cast %mul3A_313 : i32 to index
        %get3A_315 = arith.constant 80 : index
        %get3A_316 = tpu.vector_load %arg10[%get3A_314, %get3A_315] {strides = array<i32>} : memref<96x256xf32, #tpu.memory_space<vmem>>, vector<1x16xf32>,
        %get3A_317 = vector.shape_cast %get3A_316 : vector<1x16xf32> to vector<16xf32>
        %mul3A_318 = arith.mulf %get3A_317, %get3A_142 : vector<16xf32>
        %mul3A_319 = arith.constant 3 : i32
        %mul3A_320 = arith.muli %mul3A_319, %scan3A_136 : i32
        %add3A_321 = arith.constant 1 : i32
        %add3A_322 = arith.addi %mul3A_320, %add3A_321 : i32
        %get3A_323 = arith.index_cast %add3A_322 : i32 to index
        %get3A_324 = arith.constant 80 : index
        %get3A_325 = tpu.vector_load %arg10[%get3A_323, %get3A_324] {strides = array<i32>} : memref<96x256xf32, #tpu.memory_space<vmem>>, vector<1x16xf32>,
        %get3A_326 = vector.shape_cast %get3A_325 : vector<1x16xf32> to vector<16xf32>
        %mul3A_327 = arith.mulf %get3A_326, %get3A_147 : vector<16xf32>
        %add3A_328 = arith.addf %mul3A_318, %mul3A_327 : vector<16xf32>
        %mul3A_329 = arith.constant 3 : i32
        %mul3A_330 = arith.muli %mul3A_329, %scan3A_136 : i32
        %add3A_331 = arith.constant 2 : i32
        %add3A_332 = arith.addi %mul3A_330, %add3A_331 : i32
        %get3A_333 = arith.index_cast %add3A_332 : i32 to index
        %get3A_334 = arith.constant 80 : index
        %get3A_335 = tpu.vector_load %arg10[%get3A_333, %get3A_334] {strides = array<i32>} : memref<96x256xf32, #tpu.memory_space<vmem>>, vector<1x16xf32>,
        %get3A_336 = vector.shape_cast %get3A_335 : vector<1x16xf32> to vector<16xf32>
        %mul3A_337 = arith.mulf %get3A_336, %get3A_152 : vector<16xf32>
        %add3A_338 = arith.addf %add3A_328, %mul3A_337 : vector<16xf32>
        %swap3A_339 = arith.index_cast %scan3A_136 : i32 to index
        %swap3A_340 = arith.constant 80 : index
        %swap3A_341 = tpu.vector_load %arg12[%swap3A_339, %swap3A_340] {strides = array<i32>} : memref<32x256xf32, #tpu.memory_space<vmem>>, vector<1x16xf32>,
        %swap3A_342 = vector.shape_cast %swap3A_341 : vector<1x16xf32> to vector<16xf32>
        %swap3A_343 = vector.shape_cast %add3A_338 : vector<16xf32> to vector<1x16xf32>
        tpu.vector_store %arg12[%swap3A_339, %swap3A_340], %swap3A_343 {strides = array<i32>} : memref<32x256xf32, #tpu.memory_space<vmem>>, vector<1x16xf32>,
        %mul3A_344 = arith.constant 3 : i32
        %mul3A_345 = arith.muli %mul3A_344, %scan3A_136 : i32
        %get3A_346 = arith.index_cast %mul3A_345 : i32 to index
        %get3A_347 = arith.constant 96 : index
        %get3A_348 = tpu.vector_load %arg10[%get3A_346, %get3A_347] {strides = array<i32>} : memref<96x256xf32, #tpu.memory_space<vmem>>, vector<1x16xf32>,
        %get3A_349 = vector.shape_cast %get3A_348 : vector<1x16xf32> to vector<16xf32>
        %mul3A_350 = arith.mulf %get3A_349, %get3A_142 : vector<16xf32>
        %mul3A_351 = arith.constant 3 : i32
        %mul3A_352 = arith.muli %mul3A_351, %scan3A_136 : i32
        %add3A_353 = arith.constant 1 : i32
        %add3A_354 = arith.addi %mul3A_352, %add3A_353 : i32
        %get3A_355 = arith.index_cast %add3A_354 : i32 to index
        %get3A_356 = arith.constant 96 : index
        %get3A_357 = tpu.vector_load %arg10[%get3A_355, %get3A_356] {strides = array<i32>} : memref<96x256xf32, #tpu.memory_space<vmem>>, vector<1x16xf32>,
        %get3A_358 = vector.shape_cast %get3A_357 : vector<1x16xf32> to vector<16xf32>
        %mul3A_359 = arith.mulf %get3A_358, %get3A_147 : vector<16xf32>
        %add3A_360 = arith.addf %mul3A_350, %mul3A_359 : vector<16xf32>
        %mul3A_361 = arith.constant 3 : i32
        %mul3A_362 = arith.muli %mul3A_361, %scan3A_136 : i32
        %add3A_363 = arith.constant 2 : i32
        %add3A_364 = arith.addi %mul3A_362, %add3A_363 : i32
        %get3A_365 = arith.index_cast %add3A_364 : i32 to index
        %get3A_366 = arith.constant 96 : index
        %get3A_367 = tpu.vector_load %arg10[%get3A_365, %get3A_366] {strides = array<i32>} : memref<96x256xf32, #tpu.memory_space<vmem>>, vector<1x16xf32>,
        %get3A_368 = vector.shape_cast %get3A_367 : vector<1x16xf32> to vector<16xf32>
        %mul3A_369 = arith.mulf %get3A_368, %get3A_152 : vector<16xf32>
        %add3A_370 = arith.addf %add3A_360, %mul3A_369 : vector<16xf32>
        %swap3A_371 = arith.index_cast %scan3A_136 : i32 to index
        %swap3A_372 = arith.constant 96 : index
        %swap3A_373 = tpu.vector_load %arg12[%swap3A_371, %swap3A_372] {strides = array<i32>} : memref<32x256xf32, #tpu.memory_space<vmem>>, vector<1x16xf32>,
        %swap3A_374 = vector.shape_cast %swap3A_373 : vector<1x16xf32> to vector<16xf32>
        %swap3A_375 = vector.shape_cast %add3A_370 : vector<16xf32> to vector<1x16xf32>
        tpu.vector_store %arg12[%swap3A_371, %swap3A_372], %swap3A_375 {strides = array<i32>} : memref<32x256xf32, #tpu.memory_space<vmem>>, vector<1x16xf32>,
        %mul3A_376 = arith.constant 3 : i32
        %mul3A_377 = arith.muli %mul3A_376, %scan3A_136 : i32
        %get3A_378 = arith.index_cast %mul3A_377 : i32 to index
        %get3A_379 = arith.constant 112 : index
        %get3A_380 = tpu.vector_load %arg10[%get3A_378, %get3A_379] {strides = array<i32>} : memref<96x256xf32, #tpu.memory_space<vmem>>, vector<1x16xf32>,
        %get3A_381 = vector.shape_cast %get3A_380 : vector<1x16xf32> to vector<16xf32>
        %mul3A_382 = arith.mulf %get3A_381, %get3A_142 : vector<16xf32>
        %mul3A_383 = arith.constant 3 : i32
        %mul3A_384 = arith.muli %mul3A_383, %scan3A_136 : i32
        %add3A_385 = arith.constant 1 : i32
        %add3A_386 = arith.addi %mul3A_384, %add3A_385 : i32
        %get3A_387 = arith.index_cast %add3A_386 : i32 to index
        %get3A_388 = arith.constant 112 : index
        %get3A_389 = tpu.vector_load %arg10[%get3A_387, %get3A_388] {strides = array<i32>} : memref<96x256xf32, #tpu.memory_space<vmem>>, vector<1x16xf32>,
        %get3A_390 = vector.shape_cast %get3A_389 : vector<1x16xf32> to vector<16xf32>
        %mul3A_391 = arith.mulf %get3A_390, %get3A_147 : vector<16xf32>
        %add3A_392 = arith.addf %mul3A_382, %mul3A_391 : vector<16xf32>
        %mul3A_393 = arith.constant 3 : i32
        %mul3A_394 = arith.muli %mul3A_393, %scan3A_136 : i32
        %add3A_395 = arith.constant 2 : i32
        %add3A_396 = arith.addi %mul3A_394, %add3A_395 : i32
        %get3A_397 = arith.index_cast %add3A_396 : i32 to index
        %get3A_398 = arith.constant 112 : index
        %get3A_399 = tpu.vector_load %arg10[%get3A_397, %get3A_398] {strides = array<i32>} : memref<96x256xf32, #tpu.memory_space<vmem>>, vector<1x16xf32>,
        %get3A_400 = vector.shape_cast %get3A_399 : vector<1x16xf32> to vector<16xf32>
        %mul3A_401 = arith.mulf %get3A_400, %get3A_152 : vector<16xf32>
        %add3A_402 = arith.addf %add3A_392, %mul3A_401 : vector<16xf32>
        %swap3A_403 = arith.index_cast %scan3A_136 : i32 to index
        %swap3A_404 = arith.constant 112 : index
        %swap3A_405 = tpu.vector_load %arg12[%swap3A_403, %swap3A_404] {strides = array<i32>} : memref<32x256xf32, #tpu.memory_space<vmem>>, vector<1x16xf32>,
        %swap3A_406 = vector.shape_cast %swap3A_405 : vector<1x16xf32> to vector<16xf32>
        %swap3A_407 = vector.shape_cast %add3A_402 : vector<16xf32> to vector<1x16xf32>
        tpu.vector_store %arg12[%swap3A_403, %swap3A_404], %swap3A_407 {strides = array<i32>} : memref<32x256xf32, #tpu.memory_space<vmem>>, vector<1x16xf32>,
        %mul3A_408 = arith.constant 3 : i32
        %mul3A_409 = arith.muli %mul3A_408, %scan3A_136 : i32
        %get3A_410 = arith.index_cast %mul3A_409 : i32 to index
        %get3A_411 = arith.constant 128 : index
        %get3A_412 = tpu.vector_load %arg10[%get3A_410, %get3A_411] {strides = array<i32>} : memref<96x256xf32, #tpu.memory_space<vmem>>, vector<1x16xf32>,
        %get3A_413 = vector.shape_cast %get3A_412 : vector<1x16xf32> to vector<16xf32>
        %mul3A_414 = arith.mulf %get3A_413, %get3A_142 : vector<16xf32>
        %mul3A_415 = arith.constant 3 : i32
        %mul3A_416 = arith.muli %mul3A_415, %scan3A_136 : i32
        %add3A_417 = arith.constant 1 : i32
        %add3A_418 = arith.addi %mul3A_416, %add3A_417 : i32
        %get3A_419 = arith.index_cast %add3A_418 : i32 to index
        %get3A_420 = arith.constant 128 : index
        %get3A_421 = tpu.vector_load %arg10[%get3A_419, %get3A_420] {strides = array<i32>} : memref<96x256xf32, #tpu.memory_space<vmem>>, vector<1x16xf32>,
        %get3A_422 = vector.shape_cast %get3A_421 : vector<1x16xf32> to vector<16xf32>
        %mul3A_423 = arith.mulf %get3A_422, %get3A_147 : vector<16xf32>
        %add3A_424 = arith.addf %mul3A_414, %mul3A_423 : vector<16xf32>
        %mul3A_425 = arith.constant 3 : i32
        %mul3A_426 = arith.muli %mul3A_425, %scan3A_136 : i32
        %add3A_427 = arith.constant 2 : i32
        %add3A_428 = arith.addi %mul3A_426, %add3A_427 : i32
        %get3A_429 = arith.index_cast %add3A_428 : i32 to index
        %get3A_430 = arith.constant 128 : index
        %get3A_431 = tpu.vector_load %arg10[%get3A_429, %get3A_430] {strides = array<i32>} : memref<96x256xf32, #tpu.memory_space<vmem>>, vector<1x16xf32>,
        %get3A_432 = vector.shape_cast %get3A_431 : vector<1x16xf32> to vector<16xf32>
        %mul3A_433 = arith.mulf %get3A_432, %get3A_152 : vector<16xf32>
        %add3A_434 = arith.addf %add3A_424, %mul3A_433 : vector<16xf32>
        %swap3A_435 = arith.index_cast %scan3A_136 : i32 to index
        %swap3A_436 = arith.constant 128 : index
        %swap3A_437 = tpu.vector_load %arg12[%swap3A_435, %swap3A_436] {strides = array<i32>} : memref<32x256xf32, #tpu.memory_space<vmem>>, vector<1x16xf32>,
        %swap3A_438 = vector.shape_cast %swap3A_437 : vector<1x16xf32> to vector<16xf32>
        %swap3A_439 = vector.shape_cast %add3A_434 : vector<16xf32> to vector<1x16xf32>
        tpu.vector_store %arg12[%swap3A_435, %swap3A_436], %swap3A_439 {strides = array<i32>} : memref<32x256xf32, #tpu.memory_space<vmem>>, vector<1x16xf32>,
        %mul3A_440 = arith.constant 3 : i32
        %mul3A_441 = arith.muli %mul3A_440, %scan3A_136 : i32
        %get3A_442 = arith.index_cast %mul3A_441 : i32 to index
        %get3A_443 = arith.constant 144 : index
        %get3A_444 = tpu.vector_load %arg10[%get3A_442, %get3A_443] {strides = array<i32>} : memref<96x256xf32, #tpu.memory_space<vmem>>, vector<1x16xf32>,
        %get3A_445 = vector.shape_cast %get3A_444 : vector<1x16xf32> to vector<16xf32>
        %mul3A_446 = arith.mulf %get3A_445, %get3A_142 : vector<16xf32>
        %mul3A_447 = arith.constant 3 : i32
        %mul3A_448 = arith.muli %mul3A_447, %scan3A_136 : i32
        %add3A_449 = arith.constant 1 : i32
        %add3A_450 = arith.addi %mul3A_448, %add3A_449 : i32
        %get3A_451 = arith.index_cast %add3A_450 : i32 to index
        %get3A_452 = arith.constant 144 : index
        %get3A_453 = tpu.vector_load %arg10[%get3A_451, %get3A_452] {strides = array<i32>} : memref<96x256xf32, #tpu.memory_space<vmem>>, vector<1x16xf32>,
        %get3A_454 = vector.shape_cast %get3A_453 : vector<1x16xf32> to vector<16xf32>
        %mul3A_455 = arith.mulf %get3A_454, %get3A_147 : vector<16xf32>
        %add3A_456 = arith.addf %mul3A_446, %mul3A_455 : vector<16xf32>
        %mul3A_457 = arith.constant 3 : i32
        %mul3A_458 = arith.muli %mul3A_457, %scan3A_136 : i32
        %add3A_459 = arith.constant 2 : i32
        %add3A_460 = arith.addi %mul3A_458, %add3A_459 : i32
        %get3A_461 = arith.index_cast %add3A_460 : i32 to index
        %get3A_462 = arith.constant 144 : index
        %get3A_463 = tpu.vector_load %arg10[%get3A_461, %get3A_462] {strides = array<i32>} : memref<96x256xf32, #tpu.memory_space<vmem>>, vector<1x16xf32>,
        %get3A_464 = vector.shape_cast %get3A_463 : vector<1x16xf32> to vector<16xf32>
        %mul3A_465 = arith.mulf %get3A_464, %get3A_152 : vector<16xf32>
        %add3A_466 = arith.addf %add3A_456, %mul3A_465 : vector<16xf32>
        %swap3A_467 = arith.index_cast %scan3A_136 : i32 to index
        %swap3A_468 = arith.constant 144 : index
        %swap3A_469 = tpu.vector_load %arg12[%swap3A_467, %swap3A_468] {strides = array<i32>} : memref<32x256xf32, #tpu.memory_space<vmem>>, vector<1x16xf32>,
        %swap3A_470 = vector.shape_cast %swap3A_469 : vector<1x16xf32> to vector<16xf32>
        %swap3A_471 = vector.shape_cast %add3A_466 : vector<16xf32> to vector<1x16xf32>
        tpu.vector_store %arg12[%swap3A_467, %swap3A_468], %swap3A_471 {strides = array<i32>} : memref<32x256xf32, #tpu.memory_space<vmem>>, vector<1x16xf32>,
        %mul3A_472 = arith.constant 3 : i32
        %mul3A_473 = arith.muli %mul3A_472, %scan3A_136 : i32
        %get3A_474 = arith.index_cast %mul3A_473 : i32 to index
        %get3A_475 = arith.constant 160 : index
        %get3A_476 = tpu.vector_load %arg10[%get3A_474, %get3A_475] {strides = array<i32>} : memref<96x256xf32, #tpu.memory_space<vmem>>, vector<1x16xf32>,
        %get3A_477 = vector.shape_cast %get3A_476 : vector<1x16xf32> to vector<16xf32>
        %mul3A_478 = arith.mulf %get3A_477, %get3A_142 : vector<16xf32>
        %mul3A_479 = arith.constant 3 : i32
        %mul3A_480 = arith.muli %mul3A_479, %scan3A_136 : i32
        %add3A_481 = arith.constant 1 : i32
        %add3A_482 = arith.addi %mul3A_480, %add3A_481 : i32
        %get3A_483 = arith.index_cast %add3A_482 : i32 to index
        %get3A_484 = arith.constant 160 : index
        %get3A_485 = tpu.vector_load %arg10[%get3A_483, %get3A_484] {strides = array<i32>} : memref<96x256xf32, #tpu.memory_space<vmem>>, vector<1x16xf32>,
        %get3A_486 = vector.shape_cast %get3A_485 : vector<1x16xf32> to vector<16xf32>
        %mul3A_487 = arith.mulf %get3A_486, %get3A_147 : vector<16xf32>
        %add3A_488 = arith.addf %mul3A_478, %mul3A_487 : vector<16xf32>
        %mul3A_489 = arith.constant 3 : i32
        %mul3A_490 = arith.muli %mul3A_489, %scan3A_136 : i32
        %add3A_491 = arith.constant 2 : i32
        %add3A_492 = arith.addi %mul3A_490, %add3A_491 : i32
        %get3A_493 = arith.index_cast %add3A_492 : i32 to index
        %get3A_494 = arith.constant 160 : index
        %get3A_495 = tpu.vector_load %arg10[%get3A_493, %get3A_494] {strides = array<i32>} : memref<96x256xf32, #tpu.memory_space<vmem>>, vector<1x16xf32>,
        %get3A_496 = vector.shape_cast %get3A_495 : vector<1x16xf32> to vector<16xf32>
        %mul3A_497 = arith.mulf %get3A_496, %get3A_152 : vector<16xf32>
        %add3A_498 = arith.addf %add3A_488, %mul3A_497 : vector<16xf32>
        %swap3A_499 = arith.index_cast %scan3A_136 : i32 to index
        %swap3A_500 = arith.constant 160 : index
        %swap3A_501 = tpu.vector_load %arg12[%swap3A_499, %swap3A_500] {strides = array<i32>} : memref<32x256xf32, #tpu.memory_space<vmem>>, vector<1x16xf32>,
        %swap3A_502 = vector.shape_cast %swap3A_501 : vector<1x16xf32> to vector<16xf32>
        %swap3A_503 = vector.shape_cast %add3A_498 : vector<16xf32> to vector<1x16xf32>
        tpu.vector_store %arg12[%swap3A_499, %swap3A_500], %swap3A_503 {strides = array<i32>} : memref<32x256xf32, #tpu.memory_space<vmem>>, vector<1x16xf32>,
        %mul3A_504 = arith.constant 3 : i32
        %mul3A_505 = arith.muli %mul3A_504, %scan3A_136 : i32
        %get3A_506 = arith.index_cast %mul3A_505 : i32 to index
        %get3A_507 = arith.constant 176 : index
        %get3A_508 = tpu.vector_load %arg10[%get3A_506, %get3A_507] {strides = array<i32>} : memref<96x256xf32, #tpu.memory_space<vmem>>, vector<1x16xf32>,
        %get3A_509 = vector.shape_cast %get3A_508 : vector<1x16xf32> to vector<16xf32>
        %mul3A_510 = arith.mulf %get3A_509, %get3A_142 : vector<16xf32>
        %mul3A_511 = arith.constant 3 : i32
        %mul3A_512 = arith.muli %mul3A_511, %scan3A_136 : i32
        %add3A_513 = arith.constant 1 : i32
        %add3A_514 = arith.addi %mul3A_512, %add3A_513 : i32
        %get3A_515 = arith.index_cast %add3A_514 : i32 to index
        %get3A_516 = arith.constant 176 : index
        %get3A_517 = tpu.vector_load %arg10[%get3A_515, %get3A_516] {strides = array<i32>} : memref<96x256xf32, #tpu.memory_space<vmem>>, vector<1x16xf32>,
        %get3A_518 = vector.shape_cast %get3A_517 : vector<1x16xf32> to vector<16xf32>
        %mul3A_519 = arith.mulf %get3A_518, %get3A_147 : vector<16xf32>
        %add3A_520 = arith.addf %mul3A_510, %mul3A_519 : vector<16xf32>
        %mul3A_521 = arith.constant 3 : i32
        %mul3A_522 = arith.muli %mul3A_521, %scan3A_136 : i32
        %add3A_523 = arith.constant 2 : i32
        %add3A_524 = arith.addi %mul3A_522, %add3A_523 : i32
        %get3A_525 = arith.index_cast %add3A_524 : i32 to index
        %get3A_526 = arith.constant 176 : index
        %get3A_527 = tpu.vector_load %arg10[%get3A_525, %get3A_526] {strides = array<i32>} : memref<96x256xf32, #tpu.memory_space<vmem>>, vector<1x16xf32>,
        %get3A_528 = vector.shape_cast %get3A_527 : vector<1x16xf32> to vector<16xf32>
        %mul3A_529 = arith.mulf %get3A_528, %get3A_152 : vector<16xf32>
        %add3A_530 = arith.addf %add3A_520, %mul3A_529 : vector<16xf32>
        %swap3A_531 = arith.index_cast %scan3A_136 : i32 to index
        %swap3A_532 = arith.constant 176 : index
        %swap3A_533 = tpu.vector_load %arg12[%swap3A_531, %swap3A_532] {strides = array<i32>} : memref<32x256xf32, #tpu.memory_space<vmem>>, vector<1x16xf32>,
        %swap3A_534 = vector.shape_cast %swap3A_533 : vector<1x16xf32> to vector<16xf32>
        %swap3A_535 = vector.shape_cast %add3A_530 : vector<16xf32> to vector<1x16xf32>
        tpu.vector_store %arg12[%swap3A_531, %swap3A_532], %swap3A_535 {strides = array<i32>} : memref<32x256xf32, #tpu.memory_space<vmem>>, vector<1x16xf32>,
        %mul3A_536 = arith.constant 3 : i32
        %mul3A_537 = arith.muli %mul3A_536, %scan3A_136 : i32
        %get3A_538 = arith.index_cast %mul3A_537 : i32 to index
        %get3A_539 = arith.constant 192 : index
        %get3A_540 = tpu.vector_load %arg10[%get3A_538, %get3A_539] {strides = array<i32>} : memref<96x256xf32, #tpu.memory_space<vmem>>, vector<1x16xf32>,
        %get3A_541 = vector.shape_cast %get3A_540 : vector<1x16xf32> to vector<16xf32>
        %mul3A_542 = arith.mulf %get3A_541, %get3A_142 : vector<16xf32>
        %mul3A_543 = arith.constant 3 : i32
        %mul3A_544 = arith.muli %mul3A_543, %scan3A_136 : i32
        %add3A_545 = arith.constant 1 : i32
        %add3A_546 = arith.addi %mul3A_544, %add3A_545 : i32
        %get3A_547 = arith.index_cast %add3A_546 : i32 to index
        %get3A_548 = arith.constant 192 : index
        %get3A_549 = tpu.vector_load %arg10[%get3A_547, %get3A_548] {strides = array<i32>} : memref<96x256xf32, #tpu.memory_space<vmem>>, vector<1x16xf32>,
        %get3A_550 = vector.shape_cast %get3A_549 : vector<1x16xf32> to vector<16xf32>
        %mul3A_551 = arith.mulf %get3A_550, %get3A_147 : vector<16xf32>
        %add3A_552 = arith.addf %mul3A_542, %mul3A_551 : vector<16xf32>
        %mul3A_553 = arith.constant 3 : i32
        %mul3A_554 = arith.muli %mul3A_553, %scan3A_136 : i32
        %add3A_555 = arith.constant 2 : i32
        %add3A_556 = arith.addi %mul3A_554, %add3A_555 : i32
        %get3A_557 = arith.index_cast %add3A_556 : i32 to index
        %get3A_558 = arith.constant 192 : index
        %get3A_559 = tpu.vector_load %arg10[%get3A_557, %get3A_558] {strides = array<i32>} : memref<96x256xf32, #tpu.memory_space<vmem>>, vector<1x16xf32>,
        %get3A_560 = vector.shape_cast %get3A_559 : vector<1x16xf32> to vector<16xf32>
        %mul3A_561 = arith.mulf %get3A_560, %get3A_152 : vector<16xf32>
        %add3A_562 = arith.addf %add3A_552, %mul3A_561 : vector<16xf32>
        %swap3A_563 = arith.index_cast %scan3A_136 : i32 to index
        %swap3A_564 = arith.constant 192 : index
        %swap3A_565 = tpu.vector_load %arg12[%swap3A_563, %swap3A_564] {strides = array<i32>} : memref<32x256xf32, #tpu.memory_space<vmem>>, vector<1x16xf32>,
        %swap3A_566 = vector.shape_cast %swap3A_565 : vector<1x16xf32> to vector<16xf32>
        %swap3A_567 = vector.shape_cast %add3A_562 : vector<16xf32> to vector<1x16xf32>
        tpu.vector_store %arg12[%swap3A_563, %swap3A_564], %swap3A_567 {strides = array<i32>} : memref<32x256xf32, #tpu.memory_space<vmem>>, vector<1x16xf32>,
        %mul3A_568 = arith.constant 3 : i32
        %mul3A_569 = arith.muli %mul3A_568, %scan3A_136 : i32
        %get3A_570 = arith.index_cast %mul3A_569 : i32 to index
        %get3A_571 = arith.constant 208 : index
        %get3A_572 = tpu.vector_load %arg10[%get3A_570, %get3A_571] {strides = array<i32>} : memref<96x256xf32, #tpu.memory_space<vmem>>, vector<1x16xf32>,
        %get3A_573 = vector.shape_cast %get3A_572 : vector<1x16xf32> to vector<16xf32>
        %mul3A_574 = arith.mulf %get3A_573, %get3A_142 : vector<16xf32>
        %mul3A_575 = arith.constant 3 : i32
        %mul3A_576 = arith.muli %mul3A_575, %scan3A_136 : i32
        %add3A_577 = arith.constant 1 : i32
        %add3A_578 = arith.addi %mul3A_576, %add3A_577 : i32
        %get3A_579 = arith.index_cast %add3A_578 : i32 to index
        %get3A_580 = arith.constant 208 : index
        %get3A_581 = tpu.vector_load %arg10[%get3A_579, %get3A_580] {strides = array<i32>} : memref<96x256xf32, #tpu.memory_space<vmem>>, vector<1x16xf32>,
        %get3A_582 = vector.shape_cast %get3A_581 : vector<1x16xf32> to vector<16xf32>
        %mul3A_583 = arith.mulf %get3A_582, %get3A_147 : vector<16xf32>
        %add3A_584 = arith.addf %mul3A_574, %mul3A_583 : vector<16xf32>
        %mul3A_585 = arith.constant 3 : i32
        %mul3A_586 = arith.muli %mul3A_585, %scan3A_136 : i32
        %add3A_587 = arith.constant 2 : i32
        %add3A_588 = arith.addi %mul3A_586, %add3A_587 : i32
        %get3A_589 = arith.index_cast %add3A_588 : i32 to index
        %get3A_590 = arith.constant 208 : index
        %get3A_591 = tpu.vector_load %arg10[%get3A_589, %get3A_590] {strides = array<i32>} : memref<96x256xf32, #tpu.memory_space<vmem>>, vector<1x16xf32>,
        %get3A_592 = vector.shape_cast %get3A_591 : vector<1x16xf32> to vector<16xf32>
        %mul3A_593 = arith.mulf %get3A_592, %get3A_152 : vector<16xf32>
        %add3A_594 = arith.addf %add3A_584, %mul3A_593 : vector<16xf32>
        %swap3A_595 = arith.index_cast %scan3A_136 : i32 to index
        %swap3A_596 = arith.constant 208 : index
        %swap3A_597 = tpu.vector_load %arg12[%swap3A_595, %swap3A_596] {strides = array<i32>} : memref<32x256xf32, #tpu.memory_space<vmem>>, vector<1x16xf32>,
        %swap3A_598 = vector.shape_cast %swap3A_597 : vector<1x16xf32> to vector<16xf32>
        %swap3A_599 = vector.shape_cast %add3A_594 : vector<16xf32> to vector<1x16xf32>
        tpu.vector_store %arg12[%swap3A_595, %swap3A_596], %swap3A_599 {strides = array<i32>} : memref<32x256xf32, #tpu.memory_space<vmem>>, vector<1x16xf32>,
        %mul3A_600 = arith.constant 3 : i32
        %mul3A_601 = arith.muli %mul3A_600, %scan3A_136 : i32
        %get3A_602 = arith.index_cast %mul3A_601 : i32 to index
        %get3A_603 = arith.constant 224 : index
        %get3A_604 = tpu.vector_load %arg10[%get3A_602, %get3A_603] {strides = array<i32>} : memref<96x256xf32, #tpu.memory_space<vmem>>, vector<1x16xf32>,
        %get3A_605 = vector.shape_cast %get3A_604 : vector<1x16xf32> to vector<16xf32>
        %mul3A_606 = arith.mulf %get3A_605, %get3A_142 : vector<16xf32>
        %mul3A_607 = arith.constant 3 : i32
        %mul3A_608 = arith.muli %mul3A_607, %scan3A_136 : i32
        %add3A_609 = arith.constant 1 : i32
        %add3A_610 = arith.addi %mul3A_608, %add3A_609 : i32
        %get3A_611 = arith.index_cast %add3A_610 : i32 to index
        %get3A_612 = arith.constant 224 : index
        %get3A_613 = tpu.vector_load %arg10[%get3A_611, %get3A_612] {strides = array<i32>} : memref<96x256xf32, #tpu.memory_space<vmem>>, vector<1x16xf32>,
        %get3A_614 = vector.shape_cast %get3A_613 : vector<1x16xf32> to vector<16xf32>
        %mul3A_615 = arith.mulf %get3A_614, %get3A_147 : vector<16xf32>
        %add3A_616 = arith.addf %mul3A_606, %mul3A_615 : vector<16xf32>
        %mul3A_617 = arith.constant 3 : i32
        %mul3A_618 = arith.muli %mul3A_617, %scan3A_136 : i32
        %add3A_619 = arith.constant 2 : i32
        %add3A_620 = arith.addi %mul3A_618, %add3A_619 : i32
        %get3A_621 = arith.index_cast %add3A_620 : i32 to index
        %get3A_622 = arith.constant 224 : index
        %get3A_623 = tpu.vector_load %arg10[%get3A_621, %get3A_622] {strides = array<i32>} : memref<96x256xf32, #tpu.memory_space<vmem>>, vector<1x16xf32>,
        %get3A_624 = vector.shape_cast %get3A_623 : vector<1x16xf32> to vector<16xf32>
        %mul3A_625 = arith.mulf %get3A_624, %get3A_152 : vector<16xf32>
        %add3A_626 = arith.addf %add3A_616, %mul3A_625 : vector<16xf32>
        %swap3A_627 = arith.index_cast %scan3A_136 : i32 to index
        %swap3A_628 = arith.constant 224 : index
        %swap3A_629 = tpu.vector_load %arg12[%swap3A_627, %swap3A_628] {strides = array<i32>} : memref<32x256xf32, #tpu.memory_space<vmem>>, vector<1x16xf32>,
        %swap3A_630 = vector.shape_cast %swap3A_629 : vector<1x16xf32> to vector<16xf32>
        %swap3A_631 = vector.shape_cast %add3A_626 : vector<16xf32> to vector<1x16xf32>
        tpu.vector_store %arg12[%swap3A_627, %swap3A_628], %swap3A_631 {strides = array<i32>} : memref<32x256xf32, #tpu.memory_space<vmem>>, vector<1x16xf32>,
        %mul3A_632 = arith.constant 3 : i32
        %mul3A_633 = arith.muli %mul3A_632, %scan3A_136 : i32
        %get3A_634 = arith.index_cast %mul3A_633 : i32 to index
        %get3A_635 = arith.constant 240 : index
        %get3A_636 = tpu.vector_load %arg10[%get3A_634, %get3A_635] {strides = array<i32>} : memref<96x256xf32, #tpu.memory_space<vmem>>, vector<1x16xf32>,
        %get3A_637 = vector.shape_cast %get3A_636 : vector<1x16xf32> to vector<16xf32>
        %mul3A_638 = arith.mulf %get3A_637, %get3A_142 : vector<16xf32>
        %mul3A_639 = arith.constant 3 : i32
        %mul3A_640 = arith.muli %mul3A_639, %scan3A_136 : i32
        %add3A_641 = arith.constant 1 : i32
        %add3A_642 = arith.addi %mul3A_640, %add3A_641 : i32
        %get3A_643 = arith.index_cast %add3A_642 : i32 to index
        %get3A_644 = arith.constant 240 : index
        %get3A_645 = tpu.vector_load %arg10[%get3A_643, %get3A_644] {strides = array<i32>} : memref<96x256xf32, #tpu.memory_space<vmem>>, vector<1x16xf32>,
        %get3A_646 = vector.shape_cast %get3A_645 : vector<1x16xf32> to vector<16xf32>
        %mul3A_647 = arith.mulf %get3A_646, %get3A_147 : vector<16xf32>
        %add3A_648 = arith.addf %mul3A_638, %mul3A_647 : vector<16xf32>
        %mul3A_649 = arith.constant 3 : i32
        %mul3A_650 = arith.muli %mul3A_649, %scan3A_136 : i32
        %add3A_651 = arith.constant 2 : i32
        %add3A_652 = arith.addi %mul3A_650, %add3A_651 : i32
        %get3A_653 = arith.index_cast %add3A_652 : i32 to index
        %get3A_654 = arith.constant 240 : index
        %get3A_655 = tpu.vector_load %arg10[%get3A_653, %get3A_654] {strides = array<i32>} : memref<96x256xf32, #tpu.memory_space<vmem>>, vector<1x16xf32>,
        %get3A_656 = vector.shape_cast %get3A_655 : vector<1x16xf32> to vector<16xf32>
        %mul3A_657 = arith.mulf %get3A_656, %get3A_152 : vector<16xf32>
        %add3A_658 = arith.addf %add3A_648, %mul3A_657 : vector<16xf32>
        %swap3A_659 = arith.index_cast %scan3A_136 : i32 to index
        %swap3A_660 = arith.constant 240 : index
        %swap3A_661 = tpu.vector_load %arg12[%swap3A_659, %swap3A_660] {strides = array<i32>} : memref<32x256xf32, #tpu.memory_space<vmem>>, vector<1x16xf32>,
        %swap3A_662 = vector.shape_cast %swap3A_661 : vector<1x16xf32> to vector<16xf32>
        %swap3A_663 = vector.shape_cast %add3A_658 : vector<16xf32> to vector<1x16xf32>
        tpu.vector_store %arg12[%swap3A_659, %swap3A_660], %swap3A_663 {strides = array<i32>} : memref<32x256xf32, #tpu.memory_space<vmem>>, vector<1x16xf32>,
      }
      %scan3A_79 = arith.constant 32 : i32
      %mul3A_80 = arith.constant 32 : i32
      %mul3A_81 = arith.muli %add3A_45, %mul3A_80 : i32
      %add3A_82 = arith.addi %mul3A_2, %mul3A_81 : i32
      %dma_start3A_83 = arith.constant 0 : i32
      %dma_start3A_84 = tpu.memref_slice %arg5[%add3A_82, %dma_start3A_83] : memref<16384x256xf32, #tpu.memory_space<hbm>> -> memref<32x256xf32, #tpu.memory_space<hbm>>
      %dma_start3A_85 = arith.constant 0 : i32
      %dma_start3A_86 = tpu.memref_slice %arg5[%add3A_82, %dma_start3A_85] : memref<16384x256xf32, #tpu.memory_space<hbm>> -> memref<32x256xf32, #tpu.memory_space<hbm>>
      tpu.enqueue_dma source(%arg12 : memref<32x256xf32, #tpu.memory_space<vmem>>) target(%dma_start3A_86 : memref<32x256xf32, #tpu.memory_space<hbm>>) target_semaphore(%arg20 : memref<!tpu.dma_semaphore, #tpu.memory_space<semaphore_mem>>)
      %mul3A_87 = arith.constant 2 : i32
      %mul3A_88 = arith.muli %mul3A_87, %scan3A_41 : i32
      %add3A_89 = arith.constant 1 : i32
      %add3A_90 = arith.addi %mul3A_88, %add3A_89 : i32
      %dma_wait3A_91 = arith.constant 0 : i32
      %dma_wait3A_92 = arith.constant 0 : i32
      %dma_wait3A_93 = tpu.memref_slice %arg2[%dma_wait3A_91, %dma_wait3A_92] : memref<8192x256xf32, #tpu.memory_space<hbm>> -> memref<8192x256xf32, #tpu.memory_space<hbm>>
      tpu.wait_indirect_dma semaphore(%arg15 : memref<!tpu.dma_semaphore, #tpu.memory_space<semaphore_mem>>) src(%dma_wait3A_93 : memref<8192x256xf32, #tpu.memory_space<hbm>>) dst(%arg11 : memref<96x256xf32, #tpu.memory_space<vmem>>)
      %lt3A_94 = arith.constant 14 : i32
      %lt3A_95 = arith.cmpi slt, %add3A_90, %lt3A_94 : i32
      %convert_element_type3A_96 = arith.extui %lt3A_95 : i1 to i32
      %cond3A_97 = arith.constant 0 : i32
      %cond3A_98 = arith.cmpi ne, %convert_element_type3A_96, %cond3A_97 : i32
      scf.if %cond3A_98 {
        %add3A_136 = arith.constant 2 : i32
        %add3A_137 = arith.addi %add3A_90, %add3A_136 : i32
        %mul3A_138 = arith.constant 32 : i32
        %mul3A_139 = arith.muli %add3A_137, %mul3A_138 : i32
        %add3A_140 = arith.addi %mul3A_2, %mul3A_139 : i32
        %mul3A_141 = arith.constant 3 : i32
        %mul3A_142 = arith.muli %add3A_140, %mul3A_141 : i32
        %dma_start3A_143 = tpu.memref_slice %arg3[%mul3A_142] : memref<49152xi32, #tpu.memory_space<hbm>> -> memref<96xi32, #tpu.memory_space<hbm>>
        %dma_start3A_144 = tpu.memref_slice %arg3[%mul3A_142] : memref<49152xi32, #tpu.memory_space<hbm>> -> memref<96xi32, #tpu.memory_space<hbm>>
        tpu.enqueue_dma source(%dma_start3A_144 : memref<96xi32, #tpu.memory_space<hbm>>) target(%arg7 : memref<96xi32, #tpu.memory_space<vmem>>) target_semaphore(%arg17 : memref<!tpu.dma_semaphore, #tpu.memory_space<semaphore_mem>>)
      } else {
      }
      %lt3A_99 = arith.constant 15 : i32
      %lt3A_100 = arith.cmpi slt, %add3A_90, %lt3A_99 : i32
      %convert_element_type3A_101 = arith.extui %lt3A_100 : i1 to i32
      %cond3A_102 = arith.constant 0 : i32
      %cond3A_103 = arith.cmpi ne, %convert_element_type3A_101, %cond3A_102 : i32
      scf.if %cond3A_103 {
        %dma_wait3A_136 = arith.constant 0 : i32
        %dma_wait3A_137 = tpu.memref_slice %arg3[%dma_wait3A_136] : memref<49152xi32, #tpu.memory_space<hbm>> -> memref<96xi32, #tpu.memory_space<hbm>>
        %dma_wait3A_138 = arith.constant 0 : i32
        %dma_wait3A_139 = tpu.memref_slice %arg3[%dma_wait3A_138] : memref<49152xi32, #tpu.memory_space<hbm>> -> memref<96xi32, #tpu.memory_space<hbm>>
        tpu.wait_dma2 semaphore(%arg16 : memref<!tpu.dma_semaphore, #tpu.memory_space<semaphore_mem>>) src(%dma_wait3A_139 : memref<96xi32, #tpu.memory_space<hbm>>) dst(%arg6 : memref<96xi32, #tpu.memory_space<vmem>>)
      } else {
      }
      %lt3A_104 = arith.constant 15 : i32
      %lt3A_105 = arith.cmpi slt, %add3A_90, %lt3A_104 : i32
      %convert_element_type3A_106 = arith.extui %lt3A_105 : i1 to i32
      %cond3A_107 = arith.constant 0 : i32
      %cond3A_108 = arith.cmpi ne, %convert_element_type3A_106, %cond3A_107 : i32
      scf.if %cond3A_108 {
        %dma_start3A_136 = arith.constant 0 : i32
        %dma_start3A_137 = arith.constant 0 : i32
        %dma_start3A_138 = tpu.memref_slice %arg2[%dma_start3A_136, %dma_start3A_137] : memref<8192x256xf32, #tpu.memory_space<hbm>> -> memref<8192x256xf32, #tpu.memory_space<hbm>>
        tpu.enqueue_indirect_dma source(%dma_start3A_138 : memref<8192x256xf32, #tpu.memory_space<hbm>>) target(%arg10 : memref<96x256xf32, #tpu.memory_space<vmem>>) offsets(%arg6 : memref<96xi32, #tpu.memory_space<vmem>>) semaphore(%arg14 : memref<!tpu.dma_semaphore, #tpu.memory_space<semaphore_mem>>)
      } else {
      }
      %lt3A_109 = arith.constant 15 : i32
      %lt3A_110 = arith.cmpi slt, %add3A_90, %lt3A_109 : i32
      %convert_element_type3A_111 = arith.extui %lt3A_110 : i1 to i32
      %cond3A_112 = arith.constant 0 : i32
      %cond3A_113 = arith.cmpi ne, %convert_element_type3A_111, %cond3A_112 : i32
      scf.if %cond3A_113 {
        %add3A_136 = arith.constant 1 : i32
        %add3A_137 = arith.addi %add3A_90, %add3A_136 : i32
        %mul3A_138 = arith.constant 32 : i32
        %mul3A_139 = arith.muli %add3A_137, %mul3A_138 : i32
        %add3A_140 = arith.addi %mul3A_2, %mul3A_139 : i32
        %mul3A_141 = arith.constant 3 : i32
        %mul3A_142 = arith.muli %add3A_140, %mul3A_141 : i32
        %mul3A_143 = arith.constant 16 : i32
        %mul3A_144 = arith.muli %mul3A_142, %mul3A_143 : i32
        %dma_start3A_145 = tpu.memref_slice %arg4[%mul3A_144] : memref<786432xf32, #tpu.memory_space<hbm>> -> memref<1536xf32, #tpu.memory_space<hbm>>
        %dma_start3A_146 = tpu.memref_slice %arg4[%mul3A_144] : memref<786432xf32, #tpu.memory_space<hbm>> -> memref<1536xf32, #tpu.memory_space<hbm>>
        tpu.enqueue_dma source(%dma_start3A_146 : memref<1536xf32, #tpu.memory_space<hbm>>) target(%arg8 : memref<1536xf32, #tpu.memory_space<vmem>>) target_semaphore(%arg18 : memref<!tpu.dma_semaphore, #tpu.memory_space<semaphore_mem>>)
      } else {
      }
      %dma_wait3A_114 = arith.constant 0 : i32
      %dma_wait3A_115 = tpu.memref_slice %arg4[%dma_wait3A_114] : memref<786432xf32, #tpu.memory_space<hbm>> -> memref<1536xf32, #tpu.memory_space<hbm>>
      %dma_wait3A_116 = arith.constant 0 : i32
      %dma_wait3A_117 = tpu.memref_slice %arg4[%dma_wait3A_116] : memref<786432xf32, #tpu.memory_space<hbm>> -> memref<1536xf32, #tpu.memory_space<hbm>>
      tpu.wait_dma2 semaphore(%arg19 : memref<!tpu.dma_semaphore, #tpu.memory_space<semaphore_mem>>) src(%dma_wait3A_117 : memref<1536xf32, #tpu.memory_space<hbm>>) dst(%arg9 : memref<1536xf32, #tpu.memory_space<vmem>>)
      %ge3A_118 = arith.constant 2 : i32
      %ge3A_119 = arith.cmpi sge, %add3A_90, %ge3A_118 : i32
      %convert_element_type3A_120 = arith.extui %ge3A_119 : i1 to i32
      %cond3A_121 = arith.constant 0 : i32
      %cond3A_122 = arith.cmpi ne, %convert_element_type3A_120, %cond3A_121 : i32
      scf.if %cond3A_122 {
        %dma_wait3A_136 = arith.constant 0 : i32
        %dma_wait3A_137 = tpu.memref_slice %arg5[%mul3A_2, %dma_wait3A_136] : memref<16384x256xf32, #tpu.memory_space<hbm>> -> memref<32x256xf32, #tpu.memory_space<hbm>>
        %dma_wait3A_138 = arith.constant 0 : i32
        %dma_wait3A_139 = tpu.memref_slice %arg5[%mul3A_2, %dma_wait3A_138] : memref<16384x256xf32, #tpu.memory_space<hbm>> -> memref<32x256xf32, #tpu.memory_space<hbm>>
        tpu.wait_dma2 semaphore(%arg21 : memref<!tpu.dma_semaphore, #tpu.memory_space<semaphore_mem>>) src(%arg13 : memref<32x256xf32, #tpu.memory_space<vmem>>) dst(%dma_wait3A_139 : memref<32x256xf32, #tpu.memory_space<hbm>>)
      } else {
      }
      %scan3A_123 = arith.constant 0 : i32
      %scan3A_124 = arith.constant 0 : i32
      %scan3A_125 = arith.constant 32 : i32
      %scan3A_126 = arith.addi %scan3A_124, %scan3A_125 : i32
      %scan3A_127 = arith.constant 1 : i32
      scf.for %scan3A_136 = %scan3A_124 to %scan3A_126 step %scan3A_127  : i32 {
        %mul3A_137 = arith.constant 3 : i32
        %mul3A_138 = arith.muli %scan3A_136, %mul3A_137 : i32
        %mul3A_139 = arith.constant 16 : i32
        %mul3A_140 = arith.muli %mul3A_138, %mul3A_139 : i32
        %get3A = arith.index_cast %mul3A_140 : i32 to index
        %get3A_141 = tpu.vector_load %arg9[%get3A] {strides = array<i32>} : memref<1536xf32, #tpu.memory_space<vmem>>, vector<16xf32>,
        %get3A_142 = vector.shape_cast %get3A_141 : vector<16xf32> to vector<16xf32>
        %add3A_143 = arith.constant 16 : i32
        %add3A_144 = arith.addi %mul3A_140, %add3A_143 : i32
        %get3A_145 = arith.index_cast %add3A_144 : i32 to index
        %get3A_146 = tpu.vector_load %arg9[%get3A_145] {strides = array<i32>} : memref<1536xf32, #tpu.memory_space<vmem>>, vector<16xf32>,
        %get3A_147 = vector.shape_cast %get3A_146 : vector<16xf32> to vector<16xf32>
        %add3A_148 = arith.constant 32 : i32
        %add3A_149 = arith.addi %mul3A_140, %add3A_148 : i32
        %get3A_150 = arith.index_cast %add3A_149 : i32 to index
        %get3A_151 = tpu.vector_load %arg9[%get3A_150] {strides = array<i32>} : memref<1536xf32, #tpu.memory_space<vmem>>, vector<16xf32>,
        %get3A_152 = vector.shape_cast %get3A_151 : vector<16xf32> to vector<16xf32>
        %mul3A_153 = arith.constant 3 : i32
        %mul3A_154 = arith.muli %mul3A_153, %scan3A_136 : i32
        %get3A_155 = arith.index_cast %mul3A_154 : i32 to index
        %get3A_156 = arith.constant 0 : index
        %get3A_157 = tpu.vector_load %arg11[%get3A_155, %get3A_156] {strides = array<i32>} : memref<96x256xf32, #tpu.memory_space<vmem>>, vector<1x16xf32>,
        %get3A_158 = vector.shape_cast %get3A_157 : vector<1x16xf32> to vector<16xf32>
        %mul3A_159 = arith.mulf %get3A_158, %get3A_142 : vector<16xf32>
        %mul3A_160 = arith.constant 3 : i32
        %mul3A_161 = arith.muli %mul3A_160, %scan3A_136 : i32
        %add3A_162 = arith.constant 1 : i32
        %add3A_163 = arith.addi %mul3A_161, %add3A_162 : i32
        %get3A_164 = arith.index_cast %add3A_163 : i32 to index
        %get3A_165 = arith.constant 0 : index
        %get3A_166 = tpu.vector_load %arg11[%get3A_164, %get3A_165] {strides = array<i32>} : memref<96x256xf32, #tpu.memory_space<vmem>>, vector<1x16xf32>,
        %get3A_167 = vector.shape_cast %get3A_166 : vector<1x16xf32> to vector<16xf32>
        %mul3A_168 = arith.mulf %get3A_167, %get3A_147 : vector<16xf32>
        %add3A_169 = arith.addf %mul3A_159, %mul3A_168 : vector<16xf32>
        %mul3A_170 = arith.constant 3 : i32
        %mul3A_171 = arith.muli %mul3A_170, %scan3A_136 : i32
        %add3A_172 = arith.constant 2 : i32
        %add3A_173 = arith.addi %mul3A_171, %add3A_172 : i32
        %get3A_174 = arith.index_cast %add3A_173 : i32 to index
        %get3A_175 = arith.constant 0 : index
        %get3A_176 = tpu.vector_load %arg11[%get3A_174, %get3A_175] {strides = array<i32>} : memref<96x256xf32, #tpu.memory_space<vmem>>, vector<1x16xf32>,
        %get3A_177 = vector.shape_cast %get3A_176 : vector<1x16xf32> to vector<16xf32>
        %mul3A_178 = arith.mulf %get3A_177, %get3A_152 : vector<16xf32>
        %add3A_179 = arith.addf %add3A_169, %mul3A_178 : vector<16xf32>
        %swap3A = arith.index_cast %scan3A_136 : i32 to index
        %swap3A_180 = arith.constant 0 : index
        %swap3A_181 = tpu.vector_load %arg13[%swap3A, %swap3A_180] {strides = array<i32>} : memref<32x256xf32, #tpu.memory_space<vmem>>, vector<1x16xf32>,
        %swap3A_182 = vector.shape_cast %swap3A_181 : vector<1x16xf32> to vector<16xf32>
        %swap3A_183 = vector.shape_cast %add3A_179 : vector<16xf32> to vector<1x16xf32>
        tpu.vector_store %arg13[%swap3A, %swap3A_180], %swap3A_183 {strides = array<i32>} : memref<32x256xf32, #tpu.memory_space<vmem>>, vector<1x16xf32>,
        %mul3A_184 = arith.constant 3 : i32
        %mul3A_185 = arith.muli %mul3A_184, %scan3A_136 : i32
        %get3A_186 = arith.index_cast %mul3A_185 : i32 to index
        %get3A_187 = arith.constant 16 : index
        %get3A_188 = tpu.vector_load %arg11[%get3A_186, %get3A_187] {strides = array<i32>} : memref<96x256xf32, #tpu.memory_space<vmem>>, vector<1x16xf32>,
        %get3A_189 = vector.shape_cast %get3A_188 : vector<1x16xf32> to vector<16xf32>
        %mul3A_190 = arith.mulf %get3A_189, %get3A_142 : vector<16xf32>
        %mul3A_191 = arith.constant 3 : i32
        %mul3A_192 = arith.muli %mul3A_191, %scan3A_136 : i32
        %add3A_193 = arith.constant 1 : i32
        %add3A_194 = arith.addi %mul3A_192, %add3A_193 : i32
        %get3A_195 = arith.index_cast %add3A_194 : i32 to index
        %get3A_196 = arith.constant 16 : index
        %get3A_197 = tpu.vector_load %arg11[%get3A_195, %get3A_196] {strides = array<i32>} : memref<96x256xf32, #tpu.memory_space<vmem>>, vector<1x16xf32>,
        %get3A_198 = vector.shape_cast %get3A_197 : vector<1x16xf32> to vector<16xf32>
        %mul3A_199 = arith.mulf %get3A_198, %get3A_147 : vector<16xf32>
        %add3A_200 = arith.addf %mul3A_190, %mul3A_199 : vector<16xf32>
        %mul3A_201 = arith.constant 3 : i32
        %mul3A_202 = arith.muli %mul3A_201, %scan3A_136 : i32
        %add3A_203 = arith.constant 2 : i32
        %add3A_204 = arith.addi %mul3A_202, %add3A_203 : i32
        %get3A_205 = arith.index_cast %add3A_204 : i32 to index
        %get3A_206 = arith.constant 16 : index
        %get3A_207 = tpu.vector_load %arg11[%get3A_205, %get3A_206] {strides = array<i32>} : memref<96x256xf32, #tpu.memory_space<vmem>>, vector<1x16xf32>,
        %get3A_208 = vector.shape_cast %get3A_207 : vector<1x16xf32> to vector<16xf32>
        %mul3A_209 = arith.mulf %get3A_208, %get3A_152 : vector<16xf32>
        %add3A_210 = arith.addf %add3A_200, %mul3A_209 : vector<16xf32>
        %swap3A_211 = arith.index_cast %scan3A_136 : i32 to index
        %swap3A_212 = arith.constant 16 : index
        %swap3A_213 = tpu.vector_load %arg13[%swap3A_211, %swap3A_212] {strides = array<i32>} : memref<32x256xf32, #tpu.memory_space<vmem>>, vector<1x16xf32>,
        %swap3A_214 = vector.shape_cast %swap3A_213 : vector<1x16xf32> to vector<16xf32>
        %swap3A_215 = vector.shape_cast %add3A_210 : vector<16xf32> to vector<1x16xf32>
        tpu.vector_store %arg13[%swap3A_211, %swap3A_212], %swap3A_215 {strides = array<i32>} : memref<32x256xf32, #tpu.memory_space<vmem>>, vector<1x16xf32>,
        %mul3A_216 = arith.constant 3 : i32
        %mul3A_217 = arith.muli %mul3A_216, %scan3A_136 : i32
        %get3A_218 = arith.index_cast %mul3A_217 : i32 to index
        %get3A_219 = arith.constant 32 : index
        %get3A_220 = tpu.vector_load %arg11[%get3A_218, %get3A_219] {strides = array<i32>} : memref<96x256xf32, #tpu.memory_space<vmem>>, vector<1x16xf32>,
        %get3A_221 = vector.shape_cast %get3A_220 : vector<1x16xf32> to vector<16xf32>
        %mul3A_222 = arith.mulf %get3A_221, %get3A_142 : vector<16xf32>
        %mul3A_223 = arith.constant 3 : i32
        %mul3A_224 = arith.muli %mul3A_223, %scan3A_136 : i32
        %add3A_225 = arith.constant 1 : i32
        %add3A_226 = arith.addi %mul3A_224, %add3A_225 : i32
        %get3A_227 = arith.index_cast %add3A_226 : i32 to index
        %get3A_228 = arith.constant 32 : index
        %get3A_229 = tpu.vector_load %arg11[%get3A_227, %get3A_228] {strides = array<i32>} : memref<96x256xf32, #tpu.memory_space<vmem>>, vector<1x16xf32>,
        %get3A_230 = vector.shape_cast %get3A_229 : vector<1x16xf32> to vector<16xf32>
        %mul3A_231 = arith.mulf %get3A_230, %get3A_147 : vector<16xf32>
        %add3A_232 = arith.addf %mul3A_222, %mul3A_231 : vector<16xf32>
        %mul3A_233 = arith.constant 3 : i32
        %mul3A_234 = arith.muli %mul3A_233, %scan3A_136 : i32
        %add3A_235 = arith.constant 2 : i32
        %add3A_236 = arith.addi %mul3A_234, %add3A_235 : i32
        %get3A_237 = arith.index_cast %add3A_236 : i32 to index
        %get3A_238 = arith.constant 32 : index
        %get3A_239 = tpu.vector_load %arg11[%get3A_237, %get3A_238] {strides = array<i32>} : memref<96x256xf32, #tpu.memory_space<vmem>>, vector<1x16xf32>,
        %get3A_240 = vector.shape_cast %get3A_239 : vector<1x16xf32> to vector<16xf32>
        %mul3A_241 = arith.mulf %get3A_240, %get3A_152 : vector<16xf32>
        %add3A_242 = arith.addf %add3A_232, %mul3A_241 : vector<16xf32>
        %swap3A_243 = arith.index_cast %scan3A_136 : i32 to index
        %swap3A_244 = arith.constant 32 : index
        %swap3A_245 = tpu.vector_load %arg13[%swap3A_243, %swap3A_244] {strides = array<i32>} : memref<32x256xf32, #tpu.memory_space<vmem>>, vector<1x16xf32>,
        %swap3A_246 = vector.shape_cast %swap3A_245 : vector<1x16xf32> to vector<16xf32>
        %swap3A_247 = vector.shape_cast %add3A_242 : vector<16xf32> to vector<1x16xf32>
        tpu.vector_store %arg13[%swap3A_243, %swap3A_244], %swap3A_247 {strides = array<i32>} : memref<32x256xf32, #tpu.memory_space<vmem>>, vector<1x16xf32>,
        %mul3A_248 = arith.constant 3 : i32
        %mul3A_249 = arith.muli %mul3A_248, %scan3A_136 : i32
        %get3A_250 = arith.index_cast %mul3A_249 : i32 to index
        %get3A_251 = arith.constant 48 : index
        %get3A_252 = tpu.vector_load %arg11[%get3A_250, %get3A_251] {strides = array<i32>} : memref<96x256xf32, #tpu.memory_space<vmem>>, vector<1x16xf32>,
        %get3A_253 = vector.shape_cast %get3A_252 : vector<1x16xf32> to vector<16xf32>
        %mul3A_254 = arith.mulf %get3A_253, %get3A_142 : vector<16xf32>
        %mul3A_255 = arith.constant 3 : i32
        %mul3A_256 = arith.muli %mul3A_255, %scan3A_136 : i32
        %add3A_257 = arith.constant 1 : i32
        %add3A_258 = arith.addi %mul3A_256, %add3A_257 : i32
        %get3A_259 = arith.index_cast %add3A_258 : i32 to index
        %get3A_260 = arith.constant 48 : index
        %get3A_261 = tpu.vector_load %arg11[%get3A_259, %get3A_260] {strides = array<i32>} : memref<96x256xf32, #tpu.memory_space<vmem>>, vector<1x16xf32>,
        %get3A_262 = vector.shape_cast %get3A_261 : vector<1x16xf32> to vector<16xf32>
        %mul3A_263 = arith.mulf %get3A_262, %get3A_147 : vector<16xf32>
        %add3A_264 = arith.addf %mul3A_254, %mul3A_263 : vector<16xf32>
        %mul3A_265 = arith.constant 3 : i32
        %mul3A_266 = arith.muli %mul3A_265, %scan3A_136 : i32
        %add3A_267 = arith.constant 2 : i32
        %add3A_268 = arith.addi %mul3A_266, %add3A_267 : i32
        %get3A_269 = arith.index_cast %add3A_268 : i32 to index
        %get3A_270 = arith.constant 48 : index
        %get3A_271 = tpu.vector_load %arg11[%get3A_269, %get3A_270] {strides = array<i32>} : memref<96x256xf32, #tpu.memory_space<vmem>>, vector<1x16xf32>,
        %get3A_272 = vector.shape_cast %get3A_271 : vector<1x16xf32> to vector<16xf32>
        %mul3A_273 = arith.mulf %get3A_272, %get3A_152 : vector<16xf32>
        %add3A_274 = arith.addf %add3A_264, %mul3A_273 : vector<16xf32>
        %swap3A_275 = arith.index_cast %scan3A_136 : i32 to index
        %swap3A_276 = arith.constant 48 : index
        %swap3A_277 = tpu.vector_load %arg13[%swap3A_275, %swap3A_276] {strides = array<i32>} : memref<32x256xf32, #tpu.memory_space<vmem>>, vector<1x16xf32>,
        %swap3A_278 = vector.shape_cast %swap3A_277 : vector<1x16xf32> to vector<16xf32>
        %swap3A_279 = vector.shape_cast %add3A_274 : vector<16xf32> to vector<1x16xf32>
        tpu.vector_store %arg13[%swap3A_275, %swap3A_276], %swap3A_279 {strides = array<i32>} : memref<32x256xf32, #tpu.memory_space<vmem>>, vector<1x16xf32>,
        %mul3A_280 = arith.constant 3 : i32
        %mul3A_281 = arith.muli %mul3A_280, %scan3A_136 : i32
        %get3A_282 = arith.index_cast %mul3A_281 : i32 to index
        %get3A_283 = arith.constant 64 : index
        %get3A_284 = tpu.vector_load %arg11[%get3A_282, %get3A_283] {strides = array<i32>} : memref<96x256xf32, #tpu.memory_space<vmem>>, vector<1x16xf32>,
        %get3A_285 = vector.shape_cast %get3A_284 : vector<1x16xf32> to vector<16xf32>
        %mul3A_286 = arith.mulf %get3A_285, %get3A_142 : vector<16xf32>
        %mul3A_287 = arith.constant 3 : i32
        %mul3A_288 = arith.muli %mul3A_287, %scan3A_136 : i32
        %add3A_289 = arith.constant 1 : i32
        %add3A_290 = arith.addi %mul3A_288, %add3A_289 : i32
        %get3A_291 = arith.index_cast %add3A_290 : i32 to index
        %get3A_292 = arith.constant 64 : index
        %get3A_293 = tpu.vector_load %arg11[%get3A_291, %get3A_292] {strides = array<i32>} : memref<96x256xf32, #tpu.memory_space<vmem>>, vector<1x16xf32>,
        %get3A_294 = vector.shape_cast %get3A_293 : vector<1x16xf32> to vector<16xf32>
        %mul3A_295 = arith.mulf %get3A_294, %get3A_147 : vector<16xf32>
        %add3A_296 = arith.addf %mul3A_286, %mul3A_295 : vector<16xf32>
        %mul3A_297 = arith.constant 3 : i32
        %mul3A_298 = arith.muli %mul3A_297, %scan3A_136 : i32
        %add3A_299 = arith.constant 2 : i32
        %add3A_300 = arith.addi %mul3A_298, %add3A_299 : i32
        %get3A_301 = arith.index_cast %add3A_300 : i32 to index
        %get3A_302 = arith.constant 64 : index
        %get3A_303 = tpu.vector_load %arg11[%get3A_301, %get3A_302] {strides = array<i32>} : memref<96x256xf32, #tpu.memory_space<vmem>>, vector<1x16xf32>,
        %get3A_304 = vector.shape_cast %get3A_303 : vector<1x16xf32> to vector<16xf32>
        %mul3A_305 = arith.mulf %get3A_304, %get3A_152 : vector<16xf32>
        %add3A_306 = arith.addf %add3A_296, %mul3A_305 : vector<16xf32>
        %swap3A_307 = arith.index_cast %scan3A_136 : i32 to index
        %swap3A_308 = arith.constant 64 : index
        %swap3A_309 = tpu.vector_load %arg13[%swap3A_307, %swap3A_308] {strides = array<i32>} : memref<32x256xf32, #tpu.memory_space<vmem>>, vector<1x16xf32>,
        %swap3A_310 = vector.shape_cast %swap3A_309 : vector<1x16xf32> to vector<16xf32>
        %swap3A_311 = vector.shape_cast %add3A_306 : vector<16xf32> to vector<1x16xf32>
        tpu.vector_store %arg13[%swap3A_307, %swap3A_308], %swap3A_311 {strides = array<i32>} : memref<32x256xf32, #tpu.memory_space<vmem>>, vector<1x16xf32>,
        %mul3A_312 = arith.constant 3 : i32
        %mul3A_313 = arith.muli %mul3A_312, %scan3A_136 : i32
        %get3A_314 = arith.index_cast %mul3A_313 : i32 to index
        %get3A_315 = arith.constant 80 : index
        %get3A_316 = tpu.vector_load %arg11[%get3A_314, %get3A_315] {strides = array<i32>} : memref<96x256xf32, #tpu.memory_space<vmem>>, vector<1x16xf32>,
        %get3A_317 = vector.shape_cast %get3A_316 : vector<1x16xf32> to vector<16xf32>
        %mul3A_318 = arith.mulf %get3A_317, %get3A_142 : vector<16xf32>
        %mul3A_319 = arith.constant 3 : i32
        %mul3A_320 = arith.muli %mul3A_319, %scan3A_136 : i32
        %add3A_321 = arith.constant 1 : i32
        %add3A_322 = arith.addi %mul3A_320, %add3A_321 : i32
        %get3A_323 = arith.index_cast %add3A_322 : i32 to index
        %get3A_324 = arith.constant 80 : index
        %get3A_325 = tpu.vector_load %arg11[%get3A_323, %get3A_324] {strides = array<i32>} : memref<96x256xf32, #tpu.memory_space<vmem>>, vector<1x16xf32>,
        %get3A_326 = vector.shape_cast %get3A_325 : vector<1x16xf32> to vector<16xf32>
        %mul3A_327 = arith.mulf %get3A_326, %get3A_147 : vector<16xf32>
        %add3A_328 = arith.addf %mul3A_318, %mul3A_327 : vector<16xf32>
        %mul3A_329 = arith.constant 3 : i32
        %mul3A_330 = arith.muli %mul3A_329, %scan3A_136 : i32
        %add3A_331 = arith.constant 2 : i32
        %add3A_332 = arith.addi %mul3A_330, %add3A_331 : i32
        %get3A_333 = arith.index_cast %add3A_332 : i32 to index
        %get3A_334 = arith.constant 80 : index
        %get3A_335 = tpu.vector_load %arg11[%get3A_333, %get3A_334] {strides = array<i32>} : memref<96x256xf32, #tpu.memory_space<vmem>>, vector<1x16xf32>,
        %get3A_336 = vector.shape_cast %get3A_335 : vector<1x16xf32> to vector<16xf32>
        %mul3A_337 = arith.mulf %get3A_336, %get3A_152 : vector<16xf32>
        %add3A_338 = arith.addf %add3A_328, %mul3A_337 : vector<16xf32>
        %swap3A_339 = arith.index_cast %scan3A_136 : i32 to index
        %swap3A_340 = arith.constant 80 : index
        %swap3A_341 = tpu.vector_load %arg13[%swap3A_339, %swap3A_340] {strides = array<i32>} : memref<32x256xf32, #tpu.memory_space<vmem>>, vector<1x16xf32>,
        %swap3A_342 = vector.shape_cast %swap3A_341 : vector<1x16xf32> to vector<16xf32>
        %swap3A_343 = vector.shape_cast %add3A_338 : vector<16xf32> to vector<1x16xf32>
        tpu.vector_store %arg13[%swap3A_339, %swap3A_340], %swap3A_343 {strides = array<i32>} : memref<32x256xf32, #tpu.memory_space<vmem>>, vector<1x16xf32>,
        %mul3A_344 = arith.constant 3 : i32
        %mul3A_345 = arith.muli %mul3A_344, %scan3A_136 : i32
        %get3A_346 = arith.index_cast %mul3A_345 : i32 to index
        %get3A_347 = arith.constant 96 : index
        %get3A_348 = tpu.vector_load %arg11[%get3A_346, %get3A_347] {strides = array<i32>} : memref<96x256xf32, #tpu.memory_space<vmem>>, vector<1x16xf32>,
        %get3A_349 = vector.shape_cast %get3A_348 : vector<1x16xf32> to vector<16xf32>
        %mul3A_350 = arith.mulf %get3A_349, %get3A_142 : vector<16xf32>
        %mul3A_351 = arith.constant 3 : i32
        %mul3A_352 = arith.muli %mul3A_351, %scan3A_136 : i32
        %add3A_353 = arith.constant 1 : i32
        %add3A_354 = arith.addi %mul3A_352, %add3A_353 : i32
        %get3A_355 = arith.index_cast %add3A_354 : i32 to index
        %get3A_356 = arith.constant 96 : index
        %get3A_357 = tpu.vector_load %arg11[%get3A_355, %get3A_356] {strides = array<i32>} : memref<96x256xf32, #tpu.memory_space<vmem>>, vector<1x16xf32>,
        %get3A_358 = vector.shape_cast %get3A_357 : vector<1x16xf32> to vector<16xf32>
        %mul3A_359 = arith.mulf %get3A_358, %get3A_147 : vector<16xf32>
        %add3A_360 = arith.addf %mul3A_350, %mul3A_359 : vector<16xf32>
        %mul3A_361 = arith.constant 3 : i32
        %mul3A_362 = arith.muli %mul3A_361, %scan3A_136 : i32
        %add3A_363 = arith.constant 2 : i32
        %add3A_364 = arith.addi %mul3A_362, %add3A_363 : i32
        %get3A_365 = arith.index_cast %add3A_364 : i32 to index
        %get3A_366 = arith.constant 96 : index
        %get3A_367 = tpu.vector_load %arg11[%get3A_365, %get3A_366] {strides = array<i32>} : memref<96x256xf32, #tpu.memory_space<vmem>>, vector<1x16xf32>,
        %get3A_368 = vector.shape_cast %get3A_367 : vector<1x16xf32> to vector<16xf32>
        %mul3A_369 = arith.mulf %get3A_368, %get3A_152 : vector<16xf32>
        %add3A_370 = arith.addf %add3A_360, %mul3A_369 : vector<16xf32>
        %swap3A_371 = arith.index_cast %scan3A_136 : i32 to index
        %swap3A_372 = arith.constant 96 : index
        %swap3A_373 = tpu.vector_load %arg13[%swap3A_371, %swap3A_372] {strides = array<i32>} : memref<32x256xf32, #tpu.memory_space<vmem>>, vector<1x16xf32>,
        %swap3A_374 = vector.shape_cast %swap3A_373 : vector<1x16xf32> to vector<16xf32>
        %swap3A_375 = vector.shape_cast %add3A_370 : vector<16xf32> to vector<1x16xf32>
        tpu.vector_store %arg13[%swap3A_371, %swap3A_372], %swap3A_375 {strides = array<i32>} : memref<32x256xf32, #tpu.memory_space<vmem>>, vector<1x16xf32>,
        %mul3A_376 = arith.constant 3 : i32
        %mul3A_377 = arith.muli %mul3A_376, %scan3A_136 : i32
        %get3A_378 = arith.index_cast %mul3A_377 : i32 to index
        %get3A_379 = arith.constant 112 : index
        %get3A_380 = tpu.vector_load %arg11[%get3A_378, %get3A_379] {strides = array<i32>} : memref<96x256xf32, #tpu.memory_space<vmem>>, vector<1x16xf32>,
        %get3A_381 = vector.shape_cast %get3A_380 : vector<1x16xf32> to vector<16xf32>
        %mul3A_382 = arith.mulf %get3A_381, %get3A_142 : vector<16xf32>
        %mul3A_383 = arith.constant 3 : i32
        %mul3A_384 = arith.muli %mul3A_383, %scan3A_136 : i32
        %add3A_385 = arith.constant 1 : i32
        %add3A_386 = arith.addi %mul3A_384, %add3A_385 : i32
        %get3A_387 = arith.index_cast %add3A_386 : i32 to index
        %get3A_388 = arith.constant 112 : index
        %get3A_389 = tpu.vector_load %arg11[%get3A_387, %get3A_388] {strides = array<i32>} : memref<96x256xf32, #tpu.memory_space<vmem>>, vector<1x16xf32>,
        %get3A_390 = vector.shape_cast %get3A_389 : vector<1x16xf32> to vector<16xf32>
        %mul3A_391 = arith.mulf %get3A_390, %get3A_147 : vector<16xf32>
        %add3A_392 = arith.addf %mul3A_382, %mul3A_391 : vector<16xf32>
        %mul3A_393 = arith.constant 3 : i32
        %mul3A_394 = arith.muli %mul3A_393, %scan3A_136 : i32
        %add3A_395 = arith.constant 2 : i32
        %add3A_396 = arith.addi %mul3A_394, %add3A_395 : i32
        %get3A_397 = arith.index_cast %add3A_396 : i32 to index
        %get3A_398 = arith.constant 112 : index
        %get3A_399 = tpu.vector_load %arg11[%get3A_397, %get3A_398] {strides = array<i32>} : memref<96x256xf32, #tpu.memory_space<vmem>>, vector<1x16xf32>,
        %get3A_400 = vector.shape_cast %get3A_399 : vector<1x16xf32> to vector<16xf32>
        %mul3A_401 = arith.mulf %get3A_400, %get3A_152 : vector<16xf32>
        %add3A_402 = arith.addf %add3A_392, %mul3A_401 : vector<16xf32>
        %swap3A_403 = arith.index_cast %scan3A_136 : i32 to index
        %swap3A_404 = arith.constant 112 : index
        %swap3A_405 = tpu.vector_load %arg13[%swap3A_403, %swap3A_404] {strides = array<i32>} : memref<32x256xf32, #tpu.memory_space<vmem>>, vector<1x16xf32>,
        %swap3A_406 = vector.shape_cast %swap3A_405 : vector<1x16xf32> to vector<16xf32>
        %swap3A_407 = vector.shape_cast %add3A_402 : vector<16xf32> to vector<1x16xf32>
        tpu.vector_store %arg13[%swap3A_403, %swap3A_404], %swap3A_407 {strides = array<i32>} : memref<32x256xf32, #tpu.memory_space<vmem>>, vector<1x16xf32>,
        %mul3A_408 = arith.constant 3 : i32
        %mul3A_409 = arith.muli %mul3A_408, %scan3A_136 : i32
        %get3A_410 = arith.index_cast %mul3A_409 : i32 to index
        %get3A_411 = arith.constant 128 : index
        %get3A_412 = tpu.vector_load %arg11[%get3A_410, %get3A_411] {strides = array<i32>} : memref<96x256xf32, #tpu.memory_space<vmem>>, vector<1x16xf32>,
        %get3A_413 = vector.shape_cast %get3A_412 : vector<1x16xf32> to vector<16xf32>
        %mul3A_414 = arith.mulf %get3A_413, %get3A_142 : vector<16xf32>
        %mul3A_415 = arith.constant 3 : i32
        %mul3A_416 = arith.muli %mul3A_415, %scan3A_136 : i32
        %add3A_417 = arith.constant 1 : i32
        %add3A_418 = arith.addi %mul3A_416, %add3A_417 : i32
        %get3A_419 = arith.index_cast %add3A_418 : i32 to index
        %get3A_420 = arith.constant 128 : index
        %get3A_421 = tpu.vector_load %arg11[%get3A_419, %get3A_420] {strides = array<i32>} : memref<96x256xf32, #tpu.memory_space<vmem>>, vector<1x16xf32>,
        %get3A_422 = vector.shape_cast %get3A_421 : vector<1x16xf32> to vector<16xf32>
        %mul3A_423 = arith.mulf %get3A_422, %get3A_147 : vector<16xf32>
        %add3A_424 = arith.addf %mul3A_414, %mul3A_423 : vector<16xf32>
        %mul3A_425 = arith.constant 3 : i32
        %mul3A_426 = arith.muli %mul3A_425, %scan3A_136 : i32
        %add3A_427 = arith.constant 2 : i32
        %add3A_428 = arith.addi %mul3A_426, %add3A_427 : i32
        %get3A_429 = arith.index_cast %add3A_428 : i32 to index
        %get3A_430 = arith.constant 128 : index
        %get3A_431 = tpu.vector_load %arg11[%get3A_429, %get3A_430] {strides = array<i32>} : memref<96x256xf32, #tpu.memory_space<vmem>>, vector<1x16xf32>,
        %get3A_432 = vector.shape_cast %get3A_431 : vector<1x16xf32> to vector<16xf32>
        %mul3A_433 = arith.mulf %get3A_432, %get3A_152 : vector<16xf32>
        %add3A_434 = arith.addf %add3A_424, %mul3A_433 : vector<16xf32>
        %swap3A_435 = arith.index_cast %scan3A_136 : i32 to index
        %swap3A_436 = arith.constant 128 : index
        %swap3A_437 = tpu.vector_load %arg13[%swap3A_435, %swap3A_436] {strides = array<i32>} : memref<32x256xf32, #tpu.memory_space<vmem>>, vector<1x16xf32>,
        %swap3A_438 = vector.shape_cast %swap3A_437 : vector<1x16xf32> to vector<16xf32>
        %swap3A_439 = vector.shape_cast %add3A_434 : vector<16xf32> to vector<1x16xf32>
        tpu.vector_store %arg13[%swap3A_435, %swap3A_436], %swap3A_439 {strides = array<i32>} : memref<32x256xf32, #tpu.memory_space<vmem>>, vector<1x16xf32>,
        %mul3A_440 = arith.constant 3 : i32
        %mul3A_441 = arith.muli %mul3A_440, %scan3A_136 : i32
        %get3A_442 = arith.index_cast %mul3A_441 : i32 to index
        %get3A_443 = arith.constant 144 : index
        %get3A_444 = tpu.vector_load %arg11[%get3A_442, %get3A_443] {strides = array<i32>} : memref<96x256xf32, #tpu.memory_space<vmem>>, vector<1x16xf32>,
        %get3A_445 = vector.shape_cast %get3A_444 : vector<1x16xf32> to vector<16xf32>
        %mul3A_446 = arith.mulf %get3A_445, %get3A_142 : vector<16xf32>
        %mul3A_447 = arith.constant 3 : i32
        %mul3A_448 = arith.muli %mul3A_447, %scan3A_136 : i32
        %add3A_449 = arith.constant 1 : i32
        %add3A_450 = arith.addi %mul3A_448, %add3A_449 : i32
        %get3A_451 = arith.index_cast %add3A_450 : i32 to index
        %get3A_452 = arith.constant 144 : index
        %get3A_453 = tpu.vector_load %arg11[%get3A_451, %get3A_452] {strides = array<i32>} : memref<96x256xf32, #tpu.memory_space<vmem>>, vector<1x16xf32>,
        %get3A_454 = vector.shape_cast %get3A_453 : vector<1x16xf32> to vector<16xf32>
        %mul3A_455 = arith.mulf %get3A_454, %get3A_147 : vector<16xf32>
        %add3A_456 = arith.addf %mul3A_446, %mul3A_455 : vector<16xf32>
        %mul3A_457 = arith.constant 3 : i32
        %mul3A_458 = arith.muli %mul3A_457, %scan3A_136 : i32
        %add3A_459 = arith.constant 2 : i32
        %add3A_460 = arith.addi %mul3A_458, %add3A_459 : i32
        %get3A_461 = arith.index_cast %add3A_460 : i32 to index
        %get3A_462 = arith.constant 144 : index
        %get3A_463 = tpu.vector_load %arg11[%get3A_461, %get3A_462] {strides = array<i32>} : memref<96x256xf32, #tpu.memory_space<vmem>>, vector<1x16xf32>,
        %get3A_464 = vector.shape_cast %get3A_463 : vector<1x16xf32> to vector<16xf32>
        %mul3A_465 = arith.mulf %get3A_464, %get3A_152 : vector<16xf32>
        %add3A_466 = arith.addf %add3A_456, %mul3A_465 : vector<16xf32>
        %swap3A_467 = arith.index_cast %scan3A_136 : i32 to index
        %swap3A_468 = arith.constant 144 : index
        %swap3A_469 = tpu.vector_load %arg13[%swap3A_467, %swap3A_468] {strides = array<i32>} : memref<32x256xf32, #tpu.memory_space<vmem>>, vector<1x16xf32>,
        %swap3A_470 = vector.shape_cast %swap3A_469 : vector<1x16xf32> to vector<16xf32>
        %swap3A_471 = vector.shape_cast %add3A_466 : vector<16xf32> to vector<1x16xf32>
        tpu.vector_store %arg13[%swap3A_467, %swap3A_468], %swap3A_471 {strides = array<i32>} : memref<32x256xf32, #tpu.memory_space<vmem>>, vector<1x16xf32>,
        %mul3A_472 = arith.constant 3 : i32
        %mul3A_473 = arith.muli %mul3A_472, %scan3A_136 : i32
        %get3A_474 = arith.index_cast %mul3A_473 : i32 to index
        %get3A_475 = arith.constant 160 : index
        %get3A_476 = tpu.vector_load %arg11[%get3A_474, %get3A_475] {strides = array<i32>} : memref<96x256xf32, #tpu.memory_space<vmem>>, vector<1x16xf32>,
        %get3A_477 = vector.shape_cast %get3A_476 : vector<1x16xf32> to vector<16xf32>
        %mul3A_478 = arith.mulf %get3A_477, %get3A_142 : vector<16xf32>
        %mul3A_479 = arith.constant 3 : i32
        %mul3A_480 = arith.muli %mul3A_479, %scan3A_136 : i32
        %add3A_481 = arith.constant 1 : i32
        %add3A_482 = arith.addi %mul3A_480, %add3A_481 : i32
        %get3A_483 = arith.index_cast %add3A_482 : i32 to index
        %get3A_484 = arith.constant 160 : index
        %get3A_485 = tpu.vector_load %arg11[%get3A_483, %get3A_484] {strides = array<i32>} : memref<96x256xf32, #tpu.memory_space<vmem>>, vector<1x16xf32>,
        %get3A_486 = vector.shape_cast %get3A_485 : vector<1x16xf32> to vector<16xf32>
        %mul3A_487 = arith.mulf %get3A_486, %get3A_147 : vector<16xf32>
        %add3A_488 = arith.addf %mul3A_478, %mul3A_487 : vector<16xf32>
        %mul3A_489 = arith.constant 3 : i32
        %mul3A_490 = arith.muli %mul3A_489, %scan3A_136 : i32
        %add3A_491 = arith.constant 2 : i32
        %add3A_492 = arith.addi %mul3A_490, %add3A_491 : i32
        %get3A_493 = arith.index_cast %add3A_492 : i32 to index
        %get3A_494 = arith.constant 160 : index
        %get3A_495 = tpu.vector_load %arg11[%get3A_493, %get3A_494] {strides = array<i32>} : memref<96x256xf32, #tpu.memory_space<vmem>>, vector<1x16xf32>,
        %get3A_496 = vector.shape_cast %get3A_495 : vector<1x16xf32> to vector<16xf32>
        %mul3A_497 = arith.mulf %get3A_496, %get3A_152 : vector<16xf32>
        %add3A_498 = arith.addf %add3A_488, %mul3A_497 : vector<16xf32>
        %swap3A_499 = arith.index_cast %scan3A_136 : i32 to index
        %swap3A_500 = arith.constant 160 : index
        %swap3A_501 = tpu.vector_load %arg13[%swap3A_499, %swap3A_500] {strides = array<i32>} : memref<32x256xf32, #tpu.memory_space<vmem>>, vector<1x16xf32>,
        %swap3A_502 = vector.shape_cast %swap3A_501 : vector<1x16xf32> to vector<16xf32>
        %swap3A_503 = vector.shape_cast %add3A_498 : vector<16xf32> to vector<1x16xf32>
        tpu.vector_store %arg13[%swap3A_499, %swap3A_500], %swap3A_503 {strides = array<i32>} : memref<32x256xf32, #tpu.memory_space<vmem>>, vector<1x16xf32>,
        %mul3A_504 = arith.constant 3 : i32
        %mul3A_505 = arith.muli %mul3A_504, %scan3A_136 : i32
        %get3A_506 = arith.index_cast %mul3A_505 : i32 to index
        %get3A_507 = arith.constant 176 : index
        %get3A_508 = tpu.vector_load %arg11[%get3A_506, %get3A_507] {strides = array<i32>} : memref<96x256xf32, #tpu.memory_space<vmem>>, vector<1x16xf32>,
        %get3A_509 = vector.shape_cast %get3A_508 : vector<1x16xf32> to vector<16xf32>
        %mul3A_510 = arith.mulf %get3A_509, %get3A_142 : vector<16xf32>
        %mul3A_511 = arith.constant 3 : i32
        %mul3A_512 = arith.muli %mul3A_511, %scan3A_136 : i32
        %add3A_513 = arith.constant 1 : i32
        %add3A_514 = arith.addi %mul3A_512, %add3A_513 : i32
        %get3A_515 = arith.index_cast %add3A_514 : i32 to index
        %get3A_516 = arith.constant 176 : index
        %get3A_517 = tpu.vector_load %arg11[%get3A_515, %get3A_516] {strides = array<i32>} : memref<96x256xf32, #tpu.memory_space<vmem>>, vector<1x16xf32>,
        %get3A_518 = vector.shape_cast %get3A_517 : vector<1x16xf32> to vector<16xf32>
        %mul3A_519 = arith.mulf %get3A_518, %get3A_147 : vector<16xf32>
        %add3A_520 = arith.addf %mul3A_510, %mul3A_519 : vector<16xf32>
        %mul3A_521 = arith.constant 3 : i32
        %mul3A_522 = arith.muli %mul3A_521, %scan3A_136 : i32
        %add3A_523 = arith.constant 2 : i32
        %add3A_524 = arith.addi %mul3A_522, %add3A_523 : i32
        %get3A_525 = arith.index_cast %add3A_524 : i32 to index
        %get3A_526 = arith.constant 176 : index
        %get3A_527 = tpu.vector_load %arg11[%get3A_525, %get3A_526] {strides = array<i32>} : memref<96x256xf32, #tpu.memory_space<vmem>>, vector<1x16xf32>,
        %get3A_528 = vector.shape_cast %get3A_527 : vector<1x16xf32> to vector<16xf32>
        %mul3A_529 = arith.mulf %get3A_528, %get3A_152 : vector<16xf32>
        %add3A_530 = arith.addf %add3A_520, %mul3A_529 : vector<16xf32>
        %swap3A_531 = arith.index_cast %scan3A_136 : i32 to index
        %swap3A_532 = arith.constant 176 : index
        %swap3A_533 = tpu.vector_load %arg13[%swap3A_531, %swap3A_532] {strides = array<i32>} : memref<32x256xf32, #tpu.memory_space<vmem>>, vector<1x16xf32>,
        %swap3A_534 = vector.shape_cast %swap3A_533 : vector<1x16xf32> to vector<16xf32>
        %swap3A_535 = vector.shape_cast %add3A_530 : vector<16xf32> to vector<1x16xf32>
        tpu.vector_store %arg13[%swap3A_531, %swap3A_532], %swap3A_535 {strides = array<i32>} : memref<32x256xf32, #tpu.memory_space<vmem>>, vector<1x16xf32>,
        %mul3A_536 = arith.constant 3 : i32
        %mul3A_537 = arith.muli %mul3A_536, %scan3A_136 : i32
        %get3A_538 = arith.index_cast %mul3A_537 : i32 to index
        %get3A_539 = arith.constant 192 : index
        %get3A_540 = tpu.vector_load %arg11[%get3A_538, %get3A_539] {strides = array<i32>} : memref<96x256xf32, #tpu.memory_space<vmem>>, vector<1x16xf32>,
        %get3A_541 = vector.shape_cast %get3A_540 : vector<1x16xf32> to vector<16xf32>
        %mul3A_542 = arith.mulf %get3A_541, %get3A_142 : vector<16xf32>
        %mul3A_543 = arith.constant 3 : i32
        %mul3A_544 = arith.muli %mul3A_543, %scan3A_136 : i32
        %add3A_545 = arith.constant 1 : i32
        %add3A_546 = arith.addi %mul3A_544, %add3A_545 : i32
        %get3A_547 = arith.index_cast %add3A_546 : i32 to index
        %get3A_548 = arith.constant 192 : index
        %get3A_549 = tpu.vector_load %arg11[%get3A_547, %get3A_548] {strides = array<i32>} : memref<96x256xf32, #tpu.memory_space<vmem>>, vector<1x16xf32>,
        %get3A_550 = vector.shape_cast %get3A_549 : vector<1x16xf32> to vector<16xf32>
        %mul3A_551 = arith.mulf %get3A_550, %get3A_147 : vector<16xf32>
        %add3A_552 = arith.addf %mul3A_542, %mul3A_551 : vector<16xf32>
        %mul3A_553 = arith.constant 3 : i32
        %mul3A_554 = arith.muli %mul3A_553, %scan3A_136 : i32
        %add3A_555 = arith.constant 2 : i32
        %add3A_556 = arith.addi %mul3A_554, %add3A_555 : i32
        %get3A_557 = arith.index_cast %add3A_556 : i32 to index
        %get3A_558 = arith.constant 192 : index
        %get3A_559 = tpu.vector_load %arg11[%get3A_557, %get3A_558] {strides = array<i32>} : memref<96x256xf32, #tpu.memory_space<vmem>>, vector<1x16xf32>,
        %get3A_560 = vector.shape_cast %get3A_559 : vector<1x16xf32> to vector<16xf32>
        %mul3A_561 = arith.mulf %get3A_560, %get3A_152 : vector<16xf32>
        %add3A_562 = arith.addf %add3A_552, %mul3A_561 : vector<16xf32>
        %swap3A_563 = arith.index_cast %scan3A_136 : i32 to index
        %swap3A_564 = arith.constant 192 : index
        %swap3A_565 = tpu.vector_load %arg13[%swap3A_563, %swap3A_564] {strides = array<i32>} : memref<32x256xf32, #tpu.memory_space<vmem>>, vector<1x16xf32>,
        %swap3A_566 = vector.shape_cast %swap3A_565 : vector<1x16xf32> to vector<16xf32>
        %swap3A_567 = vector.shape_cast %add3A_562 : vector<16xf32> to vector<1x16xf32>
        tpu.vector_store %arg13[%swap3A_563, %swap3A_564], %swap3A_567 {strides = array<i32>} : memref<32x256xf32, #tpu.memory_space<vmem>>, vector<1x16xf32>,
        %mul3A_568 = arith.constant 3 : i32
        %mul3A_569 = arith.muli %mul3A_568, %scan3A_136 : i32
        %get3A_570 = arith.index_cast %mul3A_569 : i32 to index
        %get3A_571 = arith.constant 208 : index
        %get3A_572 = tpu.vector_load %arg11[%get3A_570, %get3A_571] {strides = array<i32>} : memref<96x256xf32, #tpu.memory_space<vmem>>, vector<1x16xf32>,
        %get3A_573 = vector.shape_cast %get3A_572 : vector<1x16xf32> to vector<16xf32>
        %mul3A_574 = arith.mulf %get3A_573, %get3A_142 : vector<16xf32>
        %mul3A_575 = arith.constant 3 : i32
        %mul3A_576 = arith.muli %mul3A_575, %scan3A_136 : i32
        %add3A_577 = arith.constant 1 : i32
        %add3A_578 = arith.addi %mul3A_576, %add3A_577 : i32
        %get3A_579 = arith.index_cast %add3A_578 : i32 to index
        %get3A_580 = arith.constant 208 : index
        %get3A_581 = tpu.vector_load %arg11[%get3A_579, %get3A_580] {strides = array<i32>} : memref<96x256xf32, #tpu.memory_space<vmem>>, vector<1x16xf32>,
        %get3A_582 = vector.shape_cast %get3A_581 : vector<1x16xf32> to vector<16xf32>
        %mul3A_583 = arith.mulf %get3A_582, %get3A_147 : vector<16xf32>
        %add3A_584 = arith.addf %mul3A_574, %mul3A_583 : vector<16xf32>
        %mul3A_585 = arith.constant 3 : i32
        %mul3A_586 = arith.muli %mul3A_585, %scan3A_136 : i32
        %add3A_587 = arith.constant 2 : i32
        %add3A_588 = arith.addi %mul3A_586, %add3A_587 : i32
        %get3A_589 = arith.index_cast %add3A_588 : i32 to index
        %get3A_590 = arith.constant 208 : index
        %get3A_591 = tpu.vector_load %arg11[%get3A_589, %get3A_590] {strides = array<i32>} : memref<96x256xf32, #tpu.memory_space<vmem>>, vector<1x16xf32>,
        %get3A_592 = vector.shape_cast %get3A_591 : vector<1x16xf32> to vector<16xf32>
        %mul3A_593 = arith.mulf %get3A_592, %get3A_152 : vector<16xf32>
        %add3A_594 = arith.addf %add3A_584, %mul3A_593 : vector<16xf32>
        %swap3A_595 = arith.index_cast %scan3A_136 : i32 to index
        %swap3A_596 = arith.constant 208 : index
        %swap3A_597 = tpu.vector_load %arg13[%swap3A_595, %swap3A_596] {strides = array<i32>} : memref<32x256xf32, #tpu.memory_space<vmem>>, vector<1x16xf32>,
        %swap3A_598 = vector.shape_cast %swap3A_597 : vector<1x16xf32> to vector<16xf32>
        %swap3A_599 = vector.shape_cast %add3A_594 : vector<16xf32> to vector<1x16xf32>
        tpu.vector_store %arg13[%swap3A_595, %swap3A_596], %swap3A_599 {strides = array<i32>} : memref<32x256xf32, #tpu.memory_space<vmem>>, vector<1x16xf32>,
        %mul3A_600 = arith.constant 3 : i32
        %mul3A_601 = arith.muli %mul3A_600, %scan3A_136 : i32
        %get3A_602 = arith.index_cast %mul3A_601 : i32 to index
        %get3A_603 = arith.constant 224 : index
        %get3A_604 = tpu.vector_load %arg11[%get3A_602, %get3A_603] {strides = array<i32>} : memref<96x256xf32, #tpu.memory_space<vmem>>, vector<1x16xf32>,
        %get3A_605 = vector.shape_cast %get3A_604 : vector<1x16xf32> to vector<16xf32>
        %mul3A_606 = arith.mulf %get3A_605, %get3A_142 : vector<16xf32>
        %mul3A_607 = arith.constant 3 : i32
        %mul3A_608 = arith.muli %mul3A_607, %scan3A_136 : i32
        %add3A_609 = arith.constant 1 : i32
        %add3A_610 = arith.addi %mul3A_608, %add3A_609 : i32
        %get3A_611 = arith.index_cast %add3A_610 : i32 to index
        %get3A_612 = arith.constant 224 : index
        %get3A_613 = tpu.vector_load %arg11[%get3A_611, %get3A_612] {strides = array<i32>} : memref<96x256xf32, #tpu.memory_space<vmem>>, vector<1x16xf32>,
        %get3A_614 = vector.shape_cast %get3A_613 : vector<1x16xf32> to vector<16xf32>
        %mul3A_615 = arith.mulf %get3A_614, %get3A_147 : vector<16xf32>
        %add3A_616 = arith.addf %mul3A_606, %mul3A_615 : vector<16xf32>
        %mul3A_617 = arith.constant 3 : i32
        %mul3A_618 = arith.muli %mul3A_617, %scan3A_136 : i32
        %add3A_619 = arith.constant 2 : i32
        %add3A_620 = arith.addi %mul3A_618, %add3A_619 : i32
        %get3A_621 = arith.index_cast %add3A_620 : i32 to index
        %get3A_622 = arith.constant 224 : index
        %get3A_623 = tpu.vector_load %arg11[%get3A_621, %get3A_622] {strides = array<i32>} : memref<96x256xf32, #tpu.memory_space<vmem>>, vector<1x16xf32>,
        %get3A_624 = vector.shape_cast %get3A_623 : vector<1x16xf32> to vector<16xf32>
        %mul3A_625 = arith.mulf %get3A_624, %get3A_152 : vector<16xf32>
        %add3A_626 = arith.addf %add3A_616, %mul3A_625 : vector<16xf32>
        %swap3A_627 = arith.index_cast %scan3A_136 : i32 to index
        %swap3A_628 = arith.constant 224 : index
        %swap3A_629 = tpu.vector_load %arg13[%swap3A_627, %swap3A_628] {strides = array<i32>} : memref<32x256xf32, #tpu.memory_space<vmem>>, vector<1x16xf32>,
        %swap3A_630 = vector.shape_cast %swap3A_629 : vector<1x16xf32> to vector<16xf32>
        %swap3A_631 = vector.shape_cast %add3A_626 : vector<16xf32> to vector<1x16xf32>
        tpu.vector_store %arg13[%swap3A_627, %swap3A_628], %swap3A_631 {strides = array<i32>} : memref<32x256xf32, #tpu.memory_space<vmem>>, vector<1x16xf32>,
        %mul3A_632 = arith.constant 3 : i32
        %mul3A_633 = arith.muli %mul3A_632, %scan3A_136 : i32
        %get3A_634 = arith.index_cast %mul3A_633 : i32 to index
        %get3A_635 = arith.constant 240 : index
        %get3A_636 = tpu.vector_load %arg11[%get3A_634, %get3A_635] {strides = array<i32>} : memref<96x256xf32, #tpu.memory_space<vmem>>, vector<1x16xf32>,
        %get3A_637 = vector.shape_cast %get3A_636 : vector<1x16xf32> to vector<16xf32>
        %mul3A_638 = arith.mulf %get3A_637, %get3A_142 : vector<16xf32>
        %mul3A_639 = arith.constant 3 : i32
        %mul3A_640 = arith.muli %mul3A_639, %scan3A_136 : i32
        %add3A_641 = arith.constant 1 : i32
        %add3A_642 = arith.addi %mul3A_640, %add3A_641 : i32
        %get3A_643 = arith.index_cast %add3A_642 : i32 to index
        %get3A_644 = arith.constant 240 : index
        %get3A_645 = tpu.vector_load %arg11[%get3A_643, %get3A_644] {strides = array<i32>} : memref<96x256xf32, #tpu.memory_space<vmem>>, vector<1x16xf32>,
        %get3A_646 = vector.shape_cast %get3A_645 : vector<1x16xf32> to vector<16xf32>
        %mul3A_647 = arith.mulf %get3A_646, %get3A_147 : vector<16xf32>
        %add3A_648 = arith.addf %mul3A_638, %mul3A_647 : vector<16xf32>
        %mul3A_649 = arith.constant 3 : i32
        %mul3A_650 = arith.muli %mul3A_649, %scan3A_136 : i32
        %add3A_651 = arith.constant 2 : i32
        %add3A_652 = arith.addi %mul3A_650, %add3A_651 : i32
        %get3A_653 = arith.index_cast %add3A_652 : i32 to index
        %get3A_654 = arith.constant 240 : index
        %get3A_655 = tpu.vector_load %arg11[%get3A_653, %get3A_654] {strides = array<i32>} : memref<96x256xf32, #tpu.memory_space<vmem>>, vector<1x16xf32>,
        %get3A_656 = vector.shape_cast %get3A_655 : vector<1x16xf32> to vector<16xf32>
        %mul3A_657 = arith.mulf %get3A_656, %get3A_152 : vector<16xf32>
        %add3A_658 = arith.addf %add3A_648, %mul3A_657 : vector<16xf32>
        %swap3A_659 = arith.index_cast %scan3A_136 : i32 to index
        %swap3A_660 = arith.constant 240 : index
        %swap3A_661 = tpu.vector_load %arg13[%swap3A_659, %swap3A_660] {strides = array<i32>} : memref<32x256xf32, #tpu.memory_space<vmem>>, vector<1x16xf32>,
        %swap3A_662 = vector.shape_cast %swap3A_661 : vector<1x16xf32> to vector<16xf32>
        %swap3A_663 = vector.shape_cast %add3A_658 : vector<16xf32> to vector<1x16xf32>
        tpu.vector_store %arg13[%swap3A_659, %swap3A_660], %swap3A_663 {strides = array<i32>} : memref<32x256xf32, #tpu.memory_space<vmem>>, vector<1x16xf32>,
      }
      %scan3A_128 = arith.constant 32 : i32
      %mul3A_129 = arith.constant 32 : i32
      %mul3A_130 = arith.muli %add3A_90, %mul3A_129 : i32
      %add3A_131 = arith.addi %mul3A_2, %mul3A_130 : i32
      %dma_start3A_132 = arith.constant 0 : i32
      %dma_start3A_133 = tpu.memref_slice %arg5[%add3A_131, %dma_start3A_132] : memref<16384x256xf32, #tpu.memory_space<hbm>> -> memref<32x256xf32, #tpu.memory_space<hbm>>
      %dma_start3A_134 = arith.constant 0 : i32
      %dma_start3A_135 = tpu.memref_slice %arg5[%add3A_131, %dma_start3A_134] : memref<16384x256xf32, #tpu.memory_space<hbm>> -> memref<32x256xf32, #tpu.memory_space<hbm>>
      tpu.enqueue_dma source(%arg13 : memref<32x256xf32, #tpu.memory_space<vmem>>) target(%dma_start3A_135 : memref<32x256xf32, #tpu.memory_space<hbm>>) target_semaphore(%arg21 : memref<!tpu.dma_semaphore, #tpu.memory_space<semaphore_mem>>)
    }
    %scan3A_32 = arith.constant 8 : i32
    %dma_wait3A_33 = arith.constant 0 : i32
    %dma_wait3A_34 = tpu.memref_slice %arg5[%mul3A_2, %dma_wait3A_33] : memref<16384x256xf32, #tpu.memory_space<hbm>> -> memref<32x256xf32, #tpu.memory_space<hbm>>
    %dma_wait3A_35 = arith.constant 0 : i32
    %dma_wait3A_36 = tpu.memref_slice %arg5[%mul3A_2, %dma_wait3A_35] : memref<16384x256xf32, #tpu.memory_space<hbm>> -> memref<32x256xf32, #tpu.memory_space<hbm>>
    tpu.wait_dma2 semaphore(%arg20 : memref<!tpu.dma_semaphore, #tpu.memory_space<semaphore_mem>>) src(%arg12 : memref<32x256xf32, #tpu.memory_space<vmem>>) dst(%dma_wait3A_36 : memref<32x256xf32, #tpu.memory_space<hbm>>)
    %dma_wait3A_37 = arith.constant 0 : i32
    %dma_wait3A_38 = tpu.memref_slice %arg5[%mul3A_2, %dma_wait3A_37] : memref<16384x256xf32, #tpu.memory_space<hbm>> -> memref<32x256xf32, #tpu.memory_space<hbm>>
    %dma_wait3A_39 = arith.constant 0 : i32
    %dma_wait3A_40 = tpu.memref_slice %arg5[%mul3A_2, %dma_wait3A_39] : memref<16384x256xf32, #tpu.memory_space<hbm>> -> memref<32x256xf32, #tpu.memory_space<hbm>>
    tpu.wait_dma2 semaphore(%arg21 : memref<!tpu.dma_semaphore, #tpu.memory_space<semaphore_mem>>) src(%arg13 : memref<32x256xf32, #tpu.memory_space<vmem>>) dst(%dma_wait3A_40 : memref<32x256xf32, #tpu.memory_space<hbm>>)
    return
  }
}

module attributes {stable_mosaic.version = 14 : i64} {
  func.func @_knn_body(%arg0: i32, %arg1: i32, %arg2: memref<1x8x512xf32, #tpu.memory_space<vmem>>, %arg3: memref<1x8x1024xf32, #tpu.memory_space<vmem>>, %arg4: memref<1x512x3xi32, #tpu.memory_space<vmem>>, %arg5: memref<1x512x48xf32, #tpu.memory_space<vmem>>) attributes {dimension_semantics = [#tpu.dimension_semantics<arbitrary>, #tpu.dimension_semantics<arbitrary>], iteration_bounds = array<i64: 4, 8>, scalar_prefetch = 0 : i64, scratch_operands = 0 : i64, tpu.core_type = #tpu.core_type<tc>, window_params = [{transform_indices = @transform_0, window_bounds = array<i64: 1, 8, 512>}, {transform_indices = @transform_1, window_bounds = array<i64: 1, 8, 1024>}, {transform_indices = @transform_2, window_bounds = array<i64: 1, 512, 3>}, {transform_indices = @transform_3, window_bounds = array<i64: 1, 512, 48>}]} {
    %add3A = arith.constant 0 : i32
    %add3A_0 = arith.addi %arg0, %add3A : i32
    %get3A = arith.constant 0 : index
    %get3A_1 = arith.constant 0 : index
    %get3A_2 = arith.constant 0 : index
    %get3A_3 = vector.load %arg2[%get3A, %get3A_1, %get3A_2] : memref<1x8x512xf32, #tpu.memory_space<vmem>>, vector<1x8x512xf32>
    %get3A_4 = vector.shape_cast %get3A_3 : vector<1x8x512xf32> to vector<8x512xf32>
    %get3A_5 = arith.constant 0 : index
    %get3A_6 = arith.constant 0 : index
    %get3A_7 = arith.constant 0 : index
    %get3A_8 = vector.load %arg3[%get3A_5, %get3A_6, %get3A_7] : memref<1x8x1024xf32, #tpu.memory_space<vmem>>, vector<1x8x1024xf32>
    %get3A_9 = vector.shape_cast %get3A_8 : vector<1x8x1024xf32> to vector<8x1024xf32>
    %dot_general3A = arith.constant dense<0.000000e+00> : vector<512x1024xf32>
    %dot_general3A_10 = tpu.matmul %get3A_4, %get3A_9, %dot_general3A {dimension_numbers = #tpu.dot_dimension_numbers<[0], [0], [1], [1], [0, 1, 1, 1], [], []>, transpose_lhs_hint = false} : vector<8x512xf32>, vector<8x1024xf32>, vector<512x1024xf32> -> vector<512x1024xf32>
    %mul3A = arith.mulf %get3A_4, %get3A_4 : vector<8x512xf32>
    %reduce_sum3A = arith.constant dense<0.000000e+00> : vector<512xf32>
    %reduce_sum3A_11 = vector.multi_reduction <add>, %mul3A, %reduce_sum3A [0] : vector<8x512xf32> to vector<512xf32>
    %mul3A_12 = arith.mulf %get3A_9, %get3A_9 : vector<8x1024xf32>
    %reduce_sum3A_13 = arith.constant dense<0.000000e+00> : vector<1024xf32>
    %reduce_sum3A_14 = vector.multi_reduction <add>, %mul3A_12, %reduce_sum3A_13 [0] : vector<8x1024xf32> to vector<1024xf32>
    %mul3A_15 = arith.constant -2.000000e+00 : f32
    %mul3A_16 = vector.broadcast %mul3A_15 : f32 to vector<512x1024xf32>
    %mul3A_17 = arith.mulf %mul3A_16, %dot_general3A_10 : vector<512x1024xf32>
    %broadcast_in_dim3A = vector.shape_cast %reduce_sum3A_11 : vector<512xf32> to vector<512x1xf32>
    %add3A_18 = vector.broadcast %broadcast_in_dim3A : vector<512x1xf32> to vector<512x1024xf32>
    %add3A_19 = arith.addf %mul3A_17, %add3A_18 : vector<512x1024xf32>
    %broadcast_in_dim3A_20 = vector.shape_cast %reduce_sum3A_14 : vector<1024xf32> to vector<1x1024xf32>
    %add3A_21 = vector.broadcast %broadcast_in_dim3A_20 : vector<1x1024xf32> to vector<512x1024xf32>
    %add3A_22 = arith.addf %add3A_19, %add3A_21 : vector<512x1024xf32>
    %slice3A = vector.extract_strided_slice %add3A_22 {offsets = [0, 0], sizes = [512, 128], strides = [1, 1]} : vector<512x1024xf32> to vector<512x128xf32>
    %broadcast_in_dim3A_23 = arith.constant 0.000000e+00 : f32
    %broadcast_in_dim3A_24 = vector.broadcast %broadcast_in_dim3A_23 : f32 to vector<512x128xf32>
    %broadcast_in_dim3A_25 = arith.constant 3.000000e+38 : f32
    %broadcast_in_dim3A_26 = vector.broadcast %broadcast_in_dim3A_25 : f32 to vector<512x128xf32>
    %broadcast_in_dim3A_27 = arith.constant 0.000000e+00 : f32
    %broadcast_in_dim3A_28 = vector.broadcast %broadcast_in_dim3A_27 : f32 to vector<512x128xf32>
    %slice3A_29 = vector.extract_strided_slice %add3A_22 {offsets = [0, 128], sizes = [512, 128], strides = [1, 1]} : vector<512x1024xf32> to vector<512x128xf32>
    %lt3A = arith.cmpf olt, %slice3A_29, %slice3A : vector<512x128xf32>
    %lt3A_30 = arith.cmpf olt, %slice3A_29, %broadcast_in_dim3A_26 : vector<512x128xf32>
    %select_n3A = arith.select %lt3A_30, %slice3A_29, %broadcast_in_dim3A_26 : vector<512x128xi1>, vector<512x128xf32>
    %select_n3A_31 = arith.select %lt3A, %slice3A, %select_n3A : vector<512x128xi1>, vector<512x128xf32>
    %jit3A = arith.constant 1.000000e+00 : f32
    %broadcast_in_dim3A_32 = vector.broadcast %jit3A : f32 to vector<512x128xf32>
    %select_n3A_33 = arith.select %lt3A_30, %broadcast_in_dim3A_32, %broadcast_in_dim3A_28 : vector<512x128xi1>, vector<512x128xf32>
    %select_n3A_34 = arith.select %lt3A, %broadcast_in_dim3A_24, %select_n3A_33 : vector<512x128xi1>, vector<512x128xf32>
    %select_n3A_35 = arith.select %lt3A, %slice3A_29, %slice3A : vector<512x128xi1>, vector<512x128xf32>
    %jit3A_36 = arith.constant 1.000000e+00 : f32
    %broadcast_in_dim3A_37 = vector.broadcast %jit3A_36 : f32 to vector<512x128xf32>
    %select_n3A_38 = arith.select %lt3A, %broadcast_in_dim3A_37, %broadcast_in_dim3A_24 : vector<512x128xi1>, vector<512x128xf32>
    %slice3A_39 = vector.extract_strided_slice %add3A_22 {offsets = [0, 256], sizes = [512, 128], strides = [1, 1]} : vector<512x1024xf32> to vector<512x128xf32>
    %lt3A_40 = arith.cmpf olt, %slice3A_39, %select_n3A_35 : vector<512x128xf32>
    %lt3A_41 = arith.cmpf olt, %slice3A_39, %select_n3A_31 : vector<512x128xf32>
    %select_n3A_42 = arith.select %lt3A_41, %slice3A_39, %select_n3A_31 : vector<512x128xi1>, vector<512x128xf32>
    %select_n3A_43 = arith.select %lt3A_40, %select_n3A_35, %select_n3A_42 : vector<512x128xi1>, vector<512x128xf32>
    %jit3A_44 = arith.constant 2.000000e+00 : f32
    %broadcast_in_dim3A_45 = vector.broadcast %jit3A_44 : f32 to vector<512x128xf32>
    %select_n3A_46 = arith.select %lt3A_41, %broadcast_in_dim3A_45, %select_n3A_34 : vector<512x128xi1>, vector<512x128xf32>
    %select_n3A_47 = arith.select %lt3A_40, %select_n3A_38, %select_n3A_46 : vector<512x128xi1>, vector<512x128xf32>
    %select_n3A_48 = arith.select %lt3A_40, %slice3A_39, %select_n3A_35 : vector<512x128xi1>, vector<512x128xf32>
    %jit3A_49 = arith.constant 2.000000e+00 : f32
    %broadcast_in_dim3A_50 = vector.broadcast %jit3A_49 : f32 to vector<512x128xf32>
    %select_n3A_51 = arith.select %lt3A_40, %broadcast_in_dim3A_50, %select_n3A_38 : vector<512x128xi1>, vector<512x128xf32>
    %slice3A_52 = vector.extract_strided_slice %add3A_22 {offsets = [0, 384], sizes = [512, 128], strides = [1, 1]} : vector<512x1024xf32> to vector<512x128xf32>
    %lt3A_53 = arith.cmpf olt, %slice3A_52, %select_n3A_48 : vector<512x128xf32>
    %lt3A_54 = arith.cmpf olt, %slice3A_52, %select_n3A_43 : vector<512x128xf32>
    %select_n3A_55 = arith.select %lt3A_54, %slice3A_52, %select_n3A_43 : vector<512x128xi1>, vector<512x128xf32>
    %select_n3A_56 = arith.select %lt3A_53, %select_n3A_48, %select_n3A_55 : vector<512x128xi1>, vector<512x128xf32>
    %jit3A_57 = arith.constant 3.000000e+00 : f32
    %broadcast_in_dim3A_58 = vector.broadcast %jit3A_57 : f32 to vector<512x128xf32>
    %select_n3A_59 = arith.select %lt3A_54, %broadcast_in_dim3A_58, %select_n3A_47 : vector<512x128xi1>, vector<512x128xf32>
    %select_n3A_60 = arith.select %lt3A_53, %select_n3A_51, %select_n3A_59 : vector<512x128xi1>, vector<512x128xf32>
    %select_n3A_61 = arith.select %lt3A_53, %slice3A_52, %select_n3A_48 : vector<512x128xi1>, vector<512x128xf32>
    %jit3A_62 = arith.constant 3.000000e+00 : f32
    %broadcast_in_dim3A_63 = vector.broadcast %jit3A_62 : f32 to vector<512x128xf32>
    %select_n3A_64 = arith.select %lt3A_53, %broadcast_in_dim3A_63, %select_n3A_51 : vector<512x128xi1>, vector<512x128xf32>
    %slice3A_65 = vector.extract_strided_slice %add3A_22 {offsets = [0, 512], sizes = [512, 128], strides = [1, 1]} : vector<512x1024xf32> to vector<512x128xf32>
    %lt3A_66 = arith.cmpf olt, %slice3A_65, %select_n3A_61 : vector<512x128xf32>
    %lt3A_67 = arith.cmpf olt, %slice3A_65, %select_n3A_56 : vector<512x128xf32>
    %select_n3A_68 = arith.select %lt3A_67, %slice3A_65, %select_n3A_56 : vector<512x128xi1>, vector<512x128xf32>
    %select_n3A_69 = arith.select %lt3A_66, %select_n3A_61, %select_n3A_68 : vector<512x128xi1>, vector<512x128xf32>
    %jit3A_70 = arith.constant 4.000000e+00 : f32
    %broadcast_in_dim3A_71 = vector.broadcast %jit3A_70 : f32 to vector<512x128xf32>
    %select_n3A_72 = arith.select %lt3A_67, %broadcast_in_dim3A_71, %select_n3A_60 : vector<512x128xi1>, vector<512x128xf32>
    %select_n3A_73 = arith.select %lt3A_66, %select_n3A_64, %select_n3A_72 : vector<512x128xi1>, vector<512x128xf32>
    %select_n3A_74 = arith.select %lt3A_66, %slice3A_65, %select_n3A_61 : vector<512x128xi1>, vector<512x128xf32>
    %jit3A_75 = arith.constant 4.000000e+00 : f32
    %broadcast_in_dim3A_76 = vector.broadcast %jit3A_75 : f32 to vector<512x128xf32>
    %select_n3A_77 = arith.select %lt3A_66, %broadcast_in_dim3A_76, %select_n3A_64 : vector<512x128xi1>, vector<512x128xf32>
    %slice3A_78 = vector.extract_strided_slice %add3A_22 {offsets = [0, 640], sizes = [512, 128], strides = [1, 1]} : vector<512x1024xf32> to vector<512x128xf32>
    %lt3A_79 = arith.cmpf olt, %slice3A_78, %select_n3A_74 : vector<512x128xf32>
    %lt3A_80 = arith.cmpf olt, %slice3A_78, %select_n3A_69 : vector<512x128xf32>
    %select_n3A_81 = arith.select %lt3A_80, %slice3A_78, %select_n3A_69 : vector<512x128xi1>, vector<512x128xf32>
    %select_n3A_82 = arith.select %lt3A_79, %select_n3A_74, %select_n3A_81 : vector<512x128xi1>, vector<512x128xf32>
    %jit3A_83 = arith.constant 5.000000e+00 : f32
    %broadcast_in_dim3A_84 = vector.broadcast %jit3A_83 : f32 to vector<512x128xf32>
    %select_n3A_85 = arith.select %lt3A_80, %broadcast_in_dim3A_84, %select_n3A_73 : vector<512x128xi1>, vector<512x128xf32>
    %select_n3A_86 = arith.select %lt3A_79, %select_n3A_77, %select_n3A_85 : vector<512x128xi1>, vector<512x128xf32>
    %select_n3A_87 = arith.select %lt3A_79, %slice3A_78, %select_n3A_74 : vector<512x128xi1>, vector<512x128xf32>
    %jit3A_88 = arith.constant 5.000000e+00 : f32
    %broadcast_in_dim3A_89 = vector.broadcast %jit3A_88 : f32 to vector<512x128xf32>
    %select_n3A_90 = arith.select %lt3A_79, %broadcast_in_dim3A_89, %select_n3A_77 : vector<512x128xi1>, vector<512x128xf32>
    %slice3A_91 = vector.extract_strided_slice %add3A_22 {offsets = [0, 768], sizes = [512, 128], strides = [1, 1]} : vector<512x1024xf32> to vector<512x128xf32>
    %lt3A_92 = arith.cmpf olt, %slice3A_91, %select_n3A_87 : vector<512x128xf32>
    %lt3A_93 = arith.cmpf olt, %slice3A_91, %select_n3A_82 : vector<512x128xf32>
    %select_n3A_94 = arith.select %lt3A_93, %slice3A_91, %select_n3A_82 : vector<512x128xi1>, vector<512x128xf32>
    %select_n3A_95 = arith.select %lt3A_92, %select_n3A_87, %select_n3A_94 : vector<512x128xi1>, vector<512x128xf32>
    %jit3A_96 = arith.constant 6.000000e+00 : f32
    %broadcast_in_dim3A_97 = vector.broadcast %jit3A_96 : f32 to vector<512x128xf32>
    %select_n3A_98 = arith.select %lt3A_93, %broadcast_in_dim3A_97, %select_n3A_86 : vector<512x128xi1>, vector<512x128xf32>
    %select_n3A_99 = arith.select %lt3A_92, %select_n3A_90, %select_n3A_98 : vector<512x128xi1>, vector<512x128xf32>
    %select_n3A_100 = arith.select %lt3A_92, %slice3A_91, %select_n3A_87 : vector<512x128xi1>, vector<512x128xf32>
    %jit3A_101 = arith.constant 6.000000e+00 : f32
    %broadcast_in_dim3A_102 = vector.broadcast %jit3A_101 : f32 to vector<512x128xf32>
    %select_n3A_103 = arith.select %lt3A_92, %broadcast_in_dim3A_102, %select_n3A_90 : vector<512x128xi1>, vector<512x128xf32>
    %slice3A_104 = vector.extract_strided_slice %add3A_22 {offsets = [0, 896], sizes = [512, 128], strides = [1, 1]} : vector<512x1024xf32> to vector<512x128xf32>
    %lt3A_105 = arith.cmpf olt, %slice3A_104, %select_n3A_100 : vector<512x128xf32>
    %lt3A_106 = arith.cmpf olt, %slice3A_104, %select_n3A_95 : vector<512x128xf32>
    %select_n3A_107 = arith.select %lt3A_106, %slice3A_104, %select_n3A_95 : vector<512x128xi1>, vector<512x128xf32>
    %select_n3A_108 = arith.select %lt3A_105, %select_n3A_100, %select_n3A_107 : vector<512x128xi1>, vector<512x128xf32>
    %jit3A_109 = arith.constant 7.000000e+00 : f32
    %broadcast_in_dim3A_110 = vector.broadcast %jit3A_109 : f32 to vector<512x128xf32>
    %select_n3A_111 = arith.select %lt3A_106, %broadcast_in_dim3A_110, %select_n3A_99 : vector<512x128xi1>, vector<512x128xf32>
    %select_n3A_112 = arith.select %lt3A_105, %select_n3A_103, %select_n3A_111 : vector<512x128xi1>, vector<512x128xf32>
    %select_n3A_113 = arith.select %lt3A_105, %slice3A_104, %select_n3A_100 : vector<512x128xi1>, vector<512x128xf32>
    %jit3A_114 = arith.constant 7.000000e+00 : f32
    %broadcast_in_dim3A_115 = vector.broadcast %jit3A_114 : f32 to vector<512x128xf32>
    %select_n3A_116 = arith.select %lt3A_105, %broadcast_in_dim3A_115, %select_n3A_103 : vector<512x128xi1>, vector<512x128xf32>
    %iota3A = tpu.iota {dimensions = array<i32: 1>} : vector<512x128xi32>
    %convert_element_type3A = arith.sitofp %iota3A : vector<512x128xi32> to vector<512x128xf32>
    %mul3A_117 = arith.constant 1.280000e+02 : f32
    %mul3A_118 = vector.broadcast %mul3A_117 : f32 to vector<512x128xf32>
    %mul3A_119 = arith.mulf %select_n3A_116, %mul3A_118 : vector<512x128xf32>
    %add3A_120 = arith.addf %mul3A_119, %convert_element_type3A : vector<512x128xf32>
    %mul3A_121 = arith.constant 1.280000e+02 : f32
    %mul3A_122 = vector.broadcast %mul3A_121 : f32 to vector<512x128xf32>
    %mul3A_123 = arith.mulf %select_n3A_112, %mul3A_122 : vector<512x128xf32>
    %add3A_124 = arith.addf %mul3A_123, %convert_element_type3A : vector<512x128xf32>
    %min3A = arith.minimumf %select_n3A_113, %select_n3A_108 : vector<512x128xf32>
    %reduce_min3A = arith.constant dense<0x7F800000> : vector<512xf32>
    %reduce_min3A_125 = vector.multi_reduction <minimumf>, %min3A, %reduce_min3A [1] : vector<512x128xf32> to vector<512xf32>
    %broadcast_in_dim3A_126 = vector.shape_cast %reduce_min3A_125 : vector<512xf32> to vector<512x1xf32>
    %eq3A = vector.broadcast %broadcast_in_dim3A_126 : vector<512x1xf32> to vector<512x128xf32>
    %eq3A_127 = arith.cmpf oeq, %select_n3A_113, %eq3A : vector<512x128xf32>
    %eq3A_128 = vector.broadcast %broadcast_in_dim3A_126 : vector<512x1xf32> to vector<512x128xf32>
    %eq3A_129 = arith.cmpf oeq, %select_n3A_108, %eq3A_128 : vector<512x128xf32>
    %jit3A_130 = arith.constant 1.024000e+03 : f32
    %broadcast_in_dim3A_131 = vector.broadcast %jit3A_130 : f32 to vector<512x128xf32>
    %select_n3A_132 = arith.select %eq3A_129, %add3A_124, %broadcast_in_dim3A_131 : vector<512x128xi1>, vector<512x128xf32>
    %select_n3A_133 = arith.select %eq3A_127, %add3A_120, %select_n3A_132 : vector<512x128xi1>, vector<512x128xf32>
    %reduce_min3A_134 = arith.constant dense<0x7F800000> : vector<512xf32>
    %reduce_min3A_135 = vector.multi_reduction <minimumf>, %select_n3A_133, %reduce_min3A_134 [1] : vector<512x128xf32> to vector<512xf32>
    %broadcast_in_dim3A_136 = vector.shape_cast %reduce_min3A_135 : vector<512xf32> to vector<512x1xf32>
    %jit3A_137 = arith.constant 3.000000e+38 : f32
    %broadcast_in_dim3A_138 = vector.broadcast %jit3A_137 : f32 to vector<512x128xf32>
    %select_n3A_139 = arith.select %eq3A_127, %broadcast_in_dim3A_138, %select_n3A_113 : vector<512x128xi1>, vector<512x128xf32>
    %jit3A_140 = arith.constant 3.000000e+38 : f32
    %broadcast_in_dim3A_141 = vector.broadcast %jit3A_140 : f32 to vector<512x128xf32>
    %select_n3A_142 = arith.select %eq3A_129, %broadcast_in_dim3A_141, %select_n3A_108 : vector<512x128xi1>, vector<512x128xf32>
    %min3A_143 = arith.minimumf %select_n3A_139, %select_n3A_142 : vector<512x128xf32>
    %reduce_min3A_144 = arith.constant dense<0x7F800000> : vector<512xf32>
    %reduce_min3A_145 = vector.multi_reduction <minimumf>, %min3A_143, %reduce_min3A_144 [1] : vector<512x128xf32> to vector<512xf32>
    %broadcast_in_dim3A_146 = vector.shape_cast %reduce_min3A_145 : vector<512xf32> to vector<512x1xf32>
    %eq3A_147 = vector.broadcast %broadcast_in_dim3A_146 : vector<512x1xf32> to vector<512x128xf32>
    %eq3A_148 = arith.cmpf oeq, %select_n3A_139, %eq3A_147 : vector<512x128xf32>
    %eq3A_149 = vector.broadcast %broadcast_in_dim3A_146 : vector<512x1xf32> to vector<512x128xf32>
    %eq3A_150 = arith.cmpf oeq, %select_n3A_142, %eq3A_149 : vector<512x128xf32>
    %jit3A_151 = arith.constant 1.024000e+03 : f32
    %broadcast_in_dim3A_152 = vector.broadcast %jit3A_151 : f32 to vector<512x128xf32>
    %select_n3A_153 = arith.select %eq3A_150, %add3A_124, %broadcast_in_dim3A_152 : vector<512x128xi1>, vector<512x128xf32>
    %select_n3A_154 = arith.select %eq3A_148, %add3A_120, %select_n3A_153 : vector<512x128xi1>, vector<512x128xf32>
    %reduce_min3A_155 = arith.constant dense<0x7F800000> : vector<512xf32>
    %reduce_min3A_156 = vector.multi_reduction <minimumf>, %select_n3A_154, %reduce_min3A_155 [1] : vector<512x128xf32> to vector<512xf32>
    %broadcast_in_dim3A_157 = vector.shape_cast %reduce_min3A_156 : vector<512xf32> to vector<512x1xf32>
    %jit3A_158 = arith.constant 3.000000e+38 : f32
    %broadcast_in_dim3A_159 = vector.broadcast %jit3A_158 : f32 to vector<512x128xf32>
    %select_n3A_160 = arith.select %eq3A_148, %broadcast_in_dim3A_159, %select_n3A_139 : vector<512x128xi1>, vector<512x128xf32>
    %jit3A_161 = arith.constant 3.000000e+38 : f32
    %broadcast_in_dim3A_162 = vector.broadcast %jit3A_161 : f32 to vector<512x128xf32>
    %select_n3A_163 = arith.select %eq3A_150, %broadcast_in_dim3A_162, %select_n3A_142 : vector<512x128xi1>, vector<512x128xf32>
    %min3A_164 = arith.minimumf %select_n3A_160, %select_n3A_163 : vector<512x128xf32>
    %reduce_min3A_165 = arith.constant dense<0x7F800000> : vector<512xf32>
    %reduce_min3A_166 = vector.multi_reduction <minimumf>, %min3A_164, %reduce_min3A_165 [1] : vector<512x128xf32> to vector<512xf32>
    %broadcast_in_dim3A_167 = vector.shape_cast %reduce_min3A_166 : vector<512xf32> to vector<512x1xf32>
    %eq3A_168 = vector.broadcast %broadcast_in_dim3A_167 : vector<512x1xf32> to vector<512x128xf32>
    %eq3A_169 = arith.cmpf oeq, %select_n3A_160, %eq3A_168 : vector<512x128xf32>
    %eq3A_170 = vector.broadcast %broadcast_in_dim3A_167 : vector<512x1xf32> to vector<512x128xf32>
    %eq3A_171 = arith.cmpf oeq, %select_n3A_163, %eq3A_170 : vector<512x128xf32>
    %jit3A_172 = arith.constant 1.024000e+03 : f32
    %broadcast_in_dim3A_173 = vector.broadcast %jit3A_172 : f32 to vector<512x128xf32>
    %select_n3A_174 = arith.select %eq3A_171, %add3A_124, %broadcast_in_dim3A_173 : vector<512x128xi1>, vector<512x128xf32>
    %select_n3A_175 = arith.select %eq3A_169, %add3A_120, %select_n3A_174 : vector<512x128xi1>, vector<512x128xf32>
    %reduce_min3A_176 = arith.constant dense<0x7F800000> : vector<512xf32>
    %reduce_min3A_177 = vector.multi_reduction <minimumf>, %select_n3A_175, %reduce_min3A_176 [1] : vector<512x128xf32> to vector<512xf32>
    %broadcast_in_dim3A_178 = vector.shape_cast %reduce_min3A_177 : vector<512xf32> to vector<512x1xf32>
    %add3A_179 = arith.constant 9.99999993E-9 : f32
    %add3A_180 = vector.broadcast %add3A_179 : f32 to vector<512x1xf32>
    %add3A_181 = arith.addf %broadcast_in_dim3A_126, %add3A_180 : vector<512x1xf32>
    %div3A = arith.constant 1.000000e+00 : f32
    %div3A_182 = vector.broadcast %div3A : f32 to vector<512x1xf32>
    %div3A_183 = arith.divf %div3A_182, %add3A_181 : vector<512x1xf32>
    %add3A_184 = arith.constant 9.99999993E-9 : f32
    %add3A_185 = vector.broadcast %add3A_184 : f32 to vector<512x1xf32>
    %add3A_186 = arith.addf %broadcast_in_dim3A_146, %add3A_185 : vector<512x1xf32>
    %div3A_187 = arith.constant 1.000000e+00 : f32
    %div3A_188 = vector.broadcast %div3A_187 : f32 to vector<512x1xf32>
    %div3A_189 = arith.divf %div3A_188, %add3A_186 : vector<512x1xf32>
    %add3A_190 = arith.constant 9.99999993E-9 : f32
    %add3A_191 = vector.broadcast %add3A_190 : f32 to vector<512x1xf32>
    %add3A_192 = arith.addf %broadcast_in_dim3A_167, %add3A_191 : vector<512x1xf32>
    %div3A_193 = arith.constant 1.000000e+00 : f32
    %div3A_194 = vector.broadcast %div3A_193 : f32 to vector<512x1xf32>
    %div3A_195 = arith.divf %div3A_194, %add3A_192 : vector<512x1xf32>
    %add3A_196 = arith.addf %div3A_183, %div3A_189 : vector<512x1xf32>
    %add3A_197 = arith.addf %add3A_196, %div3A_195 : vector<512x1xf32>
    %mul3A_198 = arith.constant 1024 : i32
    %mul3A_199 = arith.muli %add3A_0, %mul3A_198 : i32
    %concatenate3A = tpu.concatenate %broadcast_in_dim3A_136, %broadcast_in_dim3A_157, %broadcast_in_dim3A_178 in 1 : vector<512x1xf32>, vector<512x1xf32>, vector<512x1xf32> -> vector<512x3xf32>
    %convert_element_type3A_200 = arith.fptosi %concatenate3A : vector<512x3xf32> to vector<512x3xi32>
    %add3A_201 = vector.broadcast %mul3A_199 : i32 to vector<512x3xi32>
    %add3A_202 = arith.addi %convert_element_type3A_200, %add3A_201 : vector<512x3xi32>
    %swap3A = arith.constant 0 : index
    %swap3A_203 = arith.constant 0 : index
    %swap3A_204 = arith.constant 0 : index
    %swap3A_205 = vector.load %arg4[%swap3A, %swap3A_203, %swap3A_204] : memref<1x512x3xi32, #tpu.memory_space<vmem>>, vector<1x512x3xi32>
    %swap3A_206 = vector.shape_cast %swap3A_205 : vector<1x512x3xi32> to vector<512x3xi32>
    %swap3A_207 = vector.shape_cast %add3A_202 : vector<512x3xi32> to vector<1x512x3xi32>
    tpu.vector_store %arg4[%swap3A, %swap3A_203, %swap3A_204], %swap3A_207 {strides = array<i32>} : memref<1x512x3xi32, #tpu.memory_space<vmem>>, vector<1x512x3xi32>,
    %div3A_208 = arith.divf %div3A_183, %add3A_197 : vector<512x1xf32>
    %broadcast_in_dim3A_209 = vector.shape_cast %div3A_208 : vector<512x1xf32> to vector<512x1xf32>
    %broadcast_in_dim3A_210 = vector.broadcast %broadcast_in_dim3A_209 : vector<512x1xf32> to vector<512x16xf32>
    %div3A_211 = arith.divf %div3A_189, %add3A_197 : vector<512x1xf32>
    %broadcast_in_dim3A_212 = vector.shape_cast %div3A_211 : vector<512x1xf32> to vector<512x1xf32>
    %broadcast_in_dim3A_213 = vector.broadcast %broadcast_in_dim3A_212 : vector<512x1xf32> to vector<512x16xf32>
    %div3A_214 = arith.divf %div3A_195, %add3A_197 : vector<512x1xf32>
    %broadcast_in_dim3A_215 = vector.shape_cast %div3A_214 : vector<512x1xf32> to vector<512x1xf32>
    %broadcast_in_dim3A_216 = vector.broadcast %broadcast_in_dim3A_215 : vector<512x1xf32> to vector<512x16xf32>
    %concatenate3A_217 = tpu.concatenate %broadcast_in_dim3A_210, %broadcast_in_dim3A_213, %broadcast_in_dim3A_216 in 1 : vector<512x16xf32>, vector<512x16xf32>, vector<512x16xf32> -> vector<512x48xf32>
    %swap3A_218 = arith.constant 0 : index
    %swap3A_219 = arith.constant 0 : index
    %swap3A_220 = arith.constant 0 : index
    %swap3A_221 = vector.load %arg5[%swap3A_218, %swap3A_219, %swap3A_220] : memref<1x512x48xf32, #tpu.memory_space<vmem>>, vector<1x512x48xf32>
    %swap3A_222 = vector.shape_cast %swap3A_221 : vector<1x512x48xf32> to vector<512x48xf32>
    %swap3A_223 = vector.shape_cast %concatenate3A_217 : vector<512x48xf32> to vector<1x512x48xf32>
    tpu.vector_store %arg5[%swap3A_218, %swap3A_219, %swap3A_220], %swap3A_223 {strides = array<i32>} : memref<1x512x48xf32, #tpu.memory_space<vmem>>, vector<1x512x48xf32>,
    return
  }
  func.func @transform_0(%arg0: i32, %arg1: i32) -> (i32, i32, i32) {
    %add3A = arith.constant 0 : i32
    %add3A_0 = arith.addi %arg0, %add3A : i32
    %c0_i32 = arith.constant 0 : i32
    %c0_i32_1 = arith.constant 0 : i32
    return %add3A_0, %c0_i32, %arg1 : i32, i32, i32
  }
  func.func @transform_1(%arg0: i32, %arg1: i32) -> (i32, i32, i32) {
    %add3A = arith.constant 0 : i32
    %add3A_0 = arith.addi %arg0, %add3A : i32
    %c0_i32 = arith.constant 0 : i32
    %c0_i32_1 = arith.constant 0 : i32
    %c0_i32_2 = arith.constant 0 : i32
    return %add3A_0, %c0_i32, %c0_i32_1 : i32, i32, i32
  }
  func.func @transform_2(%arg0: i32, %arg1: i32) -> (i32, i32, i32) {
    %c0_i32 = arith.constant 0 : i32
    %c0_i32_0 = arith.constant 0 : i32
    return %arg0, %arg1, %c0_i32 : i32, i32, i32
  }
  func.func @transform_3(%arg0: i32, %arg1: i32) -> (i32, i32, i32) {
    %c0_i32 = arith.constant 0 : i32
    %c0_i32_0 = arith.constant 0 : i32
    return %arg0, %arg1, %c0_i32 : i32, i32, i32
  }
}

module attributes {stable_mosaic.version = 14 : i64} {
  func.func @_knn_body(%arg0: i32, %arg1: i32, %arg2: memref<1x8x512xf32, #tpu.memory_space<vmem>>, %arg3: memref<1x8x1024xf32, #tpu.memory_space<vmem>>, %arg4: memref<1x512x3xi32, #tpu.memory_space<vmem>>, %arg5: memref<1x512x48xf32, #tpu.memory_space<vmem>>) attributes {dimension_semantics = [#tpu.dimension_semantics<arbitrary>, #tpu.dimension_semantics<arbitrary>], iteration_bounds = array<i64: 4, 8>, scalar_prefetch = 0 : i64, scratch_operands = 0 : i64, tpu.core_type = #tpu.core_type<tc>, window_params = [{transform_indices = @transform_0, window_bounds = array<i64: 1, 8, 512>}, {transform_indices = @transform_1, window_bounds = array<i64: 1, 8, 1024>}, {transform_indices = @transform_2, window_bounds = array<i64: 1, 512, 3>}, {transform_indices = @transform_3, window_bounds = array<i64: 1, 512, 48>}]} {
    %add3A = arith.constant 4 : i32
    %add3A_0 = arith.addi %arg0, %add3A : i32
    %get3A = arith.constant 0 : index
    %get3A_1 = arith.constant 0 : index
    %get3A_2 = arith.constant 0 : index
    %get3A_3 = vector.load %arg2[%get3A, %get3A_1, %get3A_2] : memref<1x8x512xf32, #tpu.memory_space<vmem>>, vector<1x8x512xf32>
    %get3A_4 = vector.shape_cast %get3A_3 : vector<1x8x512xf32> to vector<8x512xf32>
    %get3A_5 = arith.constant 0 : index
    %get3A_6 = arith.constant 0 : index
    %get3A_7 = arith.constant 0 : index
    %get3A_8 = vector.load %arg3[%get3A_5, %get3A_6, %get3A_7] : memref<1x8x1024xf32, #tpu.memory_space<vmem>>, vector<1x8x1024xf32>
    %get3A_9 = vector.shape_cast %get3A_8 : vector<1x8x1024xf32> to vector<8x1024xf32>
    %dot_general3A = arith.constant dense<0.000000e+00> : vector<512x1024xf32>
    %dot_general3A_10 = tpu.matmul %get3A_4, %get3A_9, %dot_general3A {dimension_numbers = #tpu.dot_dimension_numbers<[0], [0], [1], [1], [0, 1, 1, 1], [], []>, transpose_lhs_hint = false} : vector<8x512xf32>, vector<8x1024xf32>, vector<512x1024xf32> -> vector<512x1024xf32>
    %mul3A = arith.mulf %get3A_4, %get3A_4 : vector<8x512xf32>
    %reduce_sum3A = arith.constant dense<0.000000e+00> : vector<512xf32>
    %reduce_sum3A_11 = vector.multi_reduction <add>, %mul3A, %reduce_sum3A [0] : vector<8x512xf32> to vector<512xf32>
    %mul3A_12 = arith.mulf %get3A_9, %get3A_9 : vector<8x1024xf32>
    %reduce_sum3A_13 = arith.constant dense<0.000000e+00> : vector<1024xf32>
    %reduce_sum3A_14 = vector.multi_reduction <add>, %mul3A_12, %reduce_sum3A_13 [0] : vector<8x1024xf32> to vector<1024xf32>
    %mul3A_15 = arith.constant -2.000000e+00 : f32
    %mul3A_16 = vector.broadcast %mul3A_15 : f32 to vector<512x1024xf32>
    %mul3A_17 = arith.mulf %mul3A_16, %dot_general3A_10 : vector<512x1024xf32>
    %broadcast_in_dim3A = vector.shape_cast %reduce_sum3A_11 : vector<512xf32> to vector<512x1xf32>
    %add3A_18 = vector.broadcast %broadcast_in_dim3A : vector<512x1xf32> to vector<512x1024xf32>
    %add3A_19 = arith.addf %mul3A_17, %add3A_18 : vector<512x1024xf32>
    %broadcast_in_dim3A_20 = vector.shape_cast %reduce_sum3A_14 : vector<1024xf32> to vector<1x1024xf32>
    %add3A_21 = vector.broadcast %broadcast_in_dim3A_20 : vector<1x1024xf32> to vector<512x1024xf32>
    %add3A_22 = arith.addf %add3A_19, %add3A_21 : vector<512x1024xf32>
    %slice3A = vector.extract_strided_slice %add3A_22 {offsets = [0, 0], sizes = [512, 128], strides = [1, 1]} : vector<512x1024xf32> to vector<512x128xf32>
    %broadcast_in_dim3A_23 = arith.constant 0.000000e+00 : f32
    %broadcast_in_dim3A_24 = vector.broadcast %broadcast_in_dim3A_23 : f32 to vector<512x128xf32>
    %broadcast_in_dim3A_25 = arith.constant 3.000000e+38 : f32
    %broadcast_in_dim3A_26 = vector.broadcast %broadcast_in_dim3A_25 : f32 to vector<512x128xf32>
    %broadcast_in_dim3A_27 = arith.constant 0.000000e+00 : f32
    %broadcast_in_dim3A_28 = vector.broadcast %broadcast_in_dim3A_27 : f32 to vector<512x128xf32>
    %slice3A_29 = vector.extract_strided_slice %add3A_22 {offsets = [0, 128], sizes = [512, 128], strides = [1, 1]} : vector<512x1024xf32> to vector<512x128xf32>
    %lt3A = arith.cmpf olt, %slice3A_29, %slice3A : vector<512x128xf32>
    %lt3A_30 = arith.cmpf olt, %slice3A_29, %broadcast_in_dim3A_26 : vector<512x128xf32>
    %select_n3A = arith.select %lt3A_30, %slice3A_29, %broadcast_in_dim3A_26 : vector<512x128xi1>, vector<512x128xf32>
    %select_n3A_31 = arith.select %lt3A, %slice3A, %select_n3A : vector<512x128xi1>, vector<512x128xf32>
    %jit3A = arith.constant 1.000000e+00 : f32
    %broadcast_in_dim3A_32 = vector.broadcast %jit3A : f32 to vector<512x128xf32>
    %select_n3A_33 = arith.select %lt3A_30, %broadcast_in_dim3A_32, %broadcast_in_dim3A_28 : vector<512x128xi1>, vector<512x128xf32>
    %select_n3A_34 = arith.select %lt3A, %broadcast_in_dim3A_24, %select_n3A_33 : vector<512x128xi1>, vector<512x128xf32>
    %select_n3A_35 = arith.select %lt3A, %slice3A_29, %slice3A : vector<512x128xi1>, vector<512x128xf32>
    %jit3A_36 = arith.constant 1.000000e+00 : f32
    %broadcast_in_dim3A_37 = vector.broadcast %jit3A_36 : f32 to vector<512x128xf32>
    %select_n3A_38 = arith.select %lt3A, %broadcast_in_dim3A_37, %broadcast_in_dim3A_24 : vector<512x128xi1>, vector<512x128xf32>
    %slice3A_39 = vector.extract_strided_slice %add3A_22 {offsets = [0, 256], sizes = [512, 128], strides = [1, 1]} : vector<512x1024xf32> to vector<512x128xf32>
    %lt3A_40 = arith.cmpf olt, %slice3A_39, %select_n3A_35 : vector<512x128xf32>
    %lt3A_41 = arith.cmpf olt, %slice3A_39, %select_n3A_31 : vector<512x128xf32>
    %select_n3A_42 = arith.select %lt3A_41, %slice3A_39, %select_n3A_31 : vector<512x128xi1>, vector<512x128xf32>
    %select_n3A_43 = arith.select %lt3A_40, %select_n3A_35, %select_n3A_42 : vector<512x128xi1>, vector<512x128xf32>
    %jit3A_44 = arith.constant 2.000000e+00 : f32
    %broadcast_in_dim3A_45 = vector.broadcast %jit3A_44 : f32 to vector<512x128xf32>
    %select_n3A_46 = arith.select %lt3A_41, %broadcast_in_dim3A_45, %select_n3A_34 : vector<512x128xi1>, vector<512x128xf32>
    %select_n3A_47 = arith.select %lt3A_40, %select_n3A_38, %select_n3A_46 : vector<512x128xi1>, vector<512x128xf32>
    %select_n3A_48 = arith.select %lt3A_40, %slice3A_39, %select_n3A_35 : vector<512x128xi1>, vector<512x128xf32>
    %jit3A_49 = arith.constant 2.000000e+00 : f32
    %broadcast_in_dim3A_50 = vector.broadcast %jit3A_49 : f32 to vector<512x128xf32>
    %select_n3A_51 = arith.select %lt3A_40, %broadcast_in_dim3A_50, %select_n3A_38 : vector<512x128xi1>, vector<512x128xf32>
    %slice3A_52 = vector.extract_strided_slice %add3A_22 {offsets = [0, 384], sizes = [512, 128], strides = [1, 1]} : vector<512x1024xf32> to vector<512x128xf32>
    %lt3A_53 = arith.cmpf olt, %slice3A_52, %select_n3A_48 : vector<512x128xf32>
    %lt3A_54 = arith.cmpf olt, %slice3A_52, %select_n3A_43 : vector<512x128xf32>
    %select_n3A_55 = arith.select %lt3A_54, %slice3A_52, %select_n3A_43 : vector<512x128xi1>, vector<512x128xf32>
    %select_n3A_56 = arith.select %lt3A_53, %select_n3A_48, %select_n3A_55 : vector<512x128xi1>, vector<512x128xf32>
    %jit3A_57 = arith.constant 3.000000e+00 : f32
    %broadcast_in_dim3A_58 = vector.broadcast %jit3A_57 : f32 to vector<512x128xf32>
    %select_n3A_59 = arith.select %lt3A_54, %broadcast_in_dim3A_58, %select_n3A_47 : vector<512x128xi1>, vector<512x128xf32>
    %select_n3A_60 = arith.select %lt3A_53, %select_n3A_51, %select_n3A_59 : vector<512x128xi1>, vector<512x128xf32>
    %select_n3A_61 = arith.select %lt3A_53, %slice3A_52, %select_n3A_48 : vector<512x128xi1>, vector<512x128xf32>
    %jit3A_62 = arith.constant 3.000000e+00 : f32
    %broadcast_in_dim3A_63 = vector.broadcast %jit3A_62 : f32 to vector<512x128xf32>
    %select_n3A_64 = arith.select %lt3A_53, %broadcast_in_dim3A_63, %select_n3A_51 : vector<512x128xi1>, vector<512x128xf32>
    %slice3A_65 = vector.extract_strided_slice %add3A_22 {offsets = [0, 512], sizes = [512, 128], strides = [1, 1]} : vector<512x1024xf32> to vector<512x128xf32>
    %lt3A_66 = arith.cmpf olt, %slice3A_65, %select_n3A_61 : vector<512x128xf32>
    %lt3A_67 = arith.cmpf olt, %slice3A_65, %select_n3A_56 : vector<512x128xf32>
    %select_n3A_68 = arith.select %lt3A_67, %slice3A_65, %select_n3A_56 : vector<512x128xi1>, vector<512x128xf32>
    %select_n3A_69 = arith.select %lt3A_66, %select_n3A_61, %select_n3A_68 : vector<512x128xi1>, vector<512x128xf32>
    %jit3A_70 = arith.constant 4.000000e+00 : f32
    %broadcast_in_dim3A_71 = vector.broadcast %jit3A_70 : f32 to vector<512x128xf32>
    %select_n3A_72 = arith.select %lt3A_67, %broadcast_in_dim3A_71, %select_n3A_60 : vector<512x128xi1>, vector<512x128xf32>
    %select_n3A_73 = arith.select %lt3A_66, %select_n3A_64, %select_n3A_72 : vector<512x128xi1>, vector<512x128xf32>
    %select_n3A_74 = arith.select %lt3A_66, %slice3A_65, %select_n3A_61 : vector<512x128xi1>, vector<512x128xf32>
    %jit3A_75 = arith.constant 4.000000e+00 : f32
    %broadcast_in_dim3A_76 = vector.broadcast %jit3A_75 : f32 to vector<512x128xf32>
    %select_n3A_77 = arith.select %lt3A_66, %broadcast_in_dim3A_76, %select_n3A_64 : vector<512x128xi1>, vector<512x128xf32>
    %slice3A_78 = vector.extract_strided_slice %add3A_22 {offsets = [0, 640], sizes = [512, 128], strides = [1, 1]} : vector<512x1024xf32> to vector<512x128xf32>
    %lt3A_79 = arith.cmpf olt, %slice3A_78, %select_n3A_74 : vector<512x128xf32>
    %lt3A_80 = arith.cmpf olt, %slice3A_78, %select_n3A_69 : vector<512x128xf32>
    %select_n3A_81 = arith.select %lt3A_80, %slice3A_78, %select_n3A_69 : vector<512x128xi1>, vector<512x128xf32>
    %select_n3A_82 = arith.select %lt3A_79, %select_n3A_74, %select_n3A_81 : vector<512x128xi1>, vector<512x128xf32>
    %jit3A_83 = arith.constant 5.000000e+00 : f32
    %broadcast_in_dim3A_84 = vector.broadcast %jit3A_83 : f32 to vector<512x128xf32>
    %select_n3A_85 = arith.select %lt3A_80, %broadcast_in_dim3A_84, %select_n3A_73 : vector<512x128xi1>, vector<512x128xf32>
    %select_n3A_86 = arith.select %lt3A_79, %select_n3A_77, %select_n3A_85 : vector<512x128xi1>, vector<512x128xf32>
    %select_n3A_87 = arith.select %lt3A_79, %slice3A_78, %select_n3A_74 : vector<512x128xi1>, vector<512x128xf32>
    %jit3A_88 = arith.constant 5.000000e+00 : f32
    %broadcast_in_dim3A_89 = vector.broadcast %jit3A_88 : f32 to vector<512x128xf32>
    %select_n3A_90 = arith.select %lt3A_79, %broadcast_in_dim3A_89, %select_n3A_77 : vector<512x128xi1>, vector<512x128xf32>
    %slice3A_91 = vector.extract_strided_slice %add3A_22 {offsets = [0, 768], sizes = [512, 128], strides = [1, 1]} : vector<512x1024xf32> to vector<512x128xf32>
    %lt3A_92 = arith.cmpf olt, %slice3A_91, %select_n3A_87 : vector<512x128xf32>
    %lt3A_93 = arith.cmpf olt, %slice3A_91, %select_n3A_82 : vector<512x128xf32>
    %select_n3A_94 = arith.select %lt3A_93, %slice3A_91, %select_n3A_82 : vector<512x128xi1>, vector<512x128xf32>
    %select_n3A_95 = arith.select %lt3A_92, %select_n3A_87, %select_n3A_94 : vector<512x128xi1>, vector<512x128xf32>
    %jit3A_96 = arith.constant 6.000000e+00 : f32
    %broadcast_in_dim3A_97 = vector.broadcast %jit3A_96 : f32 to vector<512x128xf32>
    %select_n3A_98 = arith.select %lt3A_93, %broadcast_in_dim3A_97, %select_n3A_86 : vector<512x128xi1>, vector<512x128xf32>
    %select_n3A_99 = arith.select %lt3A_92, %select_n3A_90, %select_n3A_98 : vector<512x128xi1>, vector<512x128xf32>
    %select_n3A_100 = arith.select %lt3A_92, %slice3A_91, %select_n3A_87 : vector<512x128xi1>, vector<512x128xf32>
    %jit3A_101 = arith.constant 6.000000e+00 : f32
    %broadcast_in_dim3A_102 = vector.broadcast %jit3A_101 : f32 to vector<512x128xf32>
    %select_n3A_103 = arith.select %lt3A_92, %broadcast_in_dim3A_102, %select_n3A_90 : vector<512x128xi1>, vector<512x128xf32>
    %slice3A_104 = vector.extract_strided_slice %add3A_22 {offsets = [0, 896], sizes = [512, 128], strides = [1, 1]} : vector<512x1024xf32> to vector<512x128xf32>
    %lt3A_105 = arith.cmpf olt, %slice3A_104, %select_n3A_100 : vector<512x128xf32>
    %lt3A_106 = arith.cmpf olt, %slice3A_104, %select_n3A_95 : vector<512x128xf32>
    %select_n3A_107 = arith.select %lt3A_106, %slice3A_104, %select_n3A_95 : vector<512x128xi1>, vector<512x128xf32>
    %select_n3A_108 = arith.select %lt3A_105, %select_n3A_100, %select_n3A_107 : vector<512x128xi1>, vector<512x128xf32>
    %jit3A_109 = arith.constant 7.000000e+00 : f32
    %broadcast_in_dim3A_110 = vector.broadcast %jit3A_109 : f32 to vector<512x128xf32>
    %select_n3A_111 = arith.select %lt3A_106, %broadcast_in_dim3A_110, %select_n3A_99 : vector<512x128xi1>, vector<512x128xf32>
    %select_n3A_112 = arith.select %lt3A_105, %select_n3A_103, %select_n3A_111 : vector<512x128xi1>, vector<512x128xf32>
    %select_n3A_113 = arith.select %lt3A_105, %slice3A_104, %select_n3A_100 : vector<512x128xi1>, vector<512x128xf32>
    %jit3A_114 = arith.constant 7.000000e+00 : f32
    %broadcast_in_dim3A_115 = vector.broadcast %jit3A_114 : f32 to vector<512x128xf32>
    %select_n3A_116 = arith.select %lt3A_105, %broadcast_in_dim3A_115, %select_n3A_103 : vector<512x128xi1>, vector<512x128xf32>
    %iota3A = tpu.iota {dimensions = array<i32: 1>} : vector<512x128xi32>
    %convert_element_type3A = arith.sitofp %iota3A : vector<512x128xi32> to vector<512x128xf32>
    %mul3A_117 = arith.constant 1.280000e+02 : f32
    %mul3A_118 = vector.broadcast %mul3A_117 : f32 to vector<512x128xf32>
    %mul3A_119 = arith.mulf %select_n3A_116, %mul3A_118 : vector<512x128xf32>
    %add3A_120 = arith.addf %mul3A_119, %convert_element_type3A : vector<512x128xf32>
    %mul3A_121 = arith.constant 1.280000e+02 : f32
    %mul3A_122 = vector.broadcast %mul3A_121 : f32 to vector<512x128xf32>
    %mul3A_123 = arith.mulf %select_n3A_112, %mul3A_122 : vector<512x128xf32>
    %add3A_124 = arith.addf %mul3A_123, %convert_element_type3A : vector<512x128xf32>
    %min3A = arith.minimumf %select_n3A_113, %select_n3A_108 : vector<512x128xf32>
    %reduce_min3A = arith.constant dense<0x7F800000> : vector<512xf32>
    %reduce_min3A_125 = vector.multi_reduction <minimumf>, %min3A, %reduce_min3A [1] : vector<512x128xf32> to vector<512xf32>
    %broadcast_in_dim3A_126 = vector.shape_cast %reduce_min3A_125 : vector<512xf32> to vector<512x1xf32>
    %eq3A = vector.broadcast %broadcast_in_dim3A_126 : vector<512x1xf32> to vector<512x128xf32>
    %eq3A_127 = arith.cmpf oeq, %select_n3A_113, %eq3A : vector<512x128xf32>
    %eq3A_128 = vector.broadcast %broadcast_in_dim3A_126 : vector<512x1xf32> to vector<512x128xf32>
    %eq3A_129 = arith.cmpf oeq, %select_n3A_108, %eq3A_128 : vector<512x128xf32>
    %jit3A_130 = arith.constant 1.024000e+03 : f32
    %broadcast_in_dim3A_131 = vector.broadcast %jit3A_130 : f32 to vector<512x128xf32>
    %select_n3A_132 = arith.select %eq3A_129, %add3A_124, %broadcast_in_dim3A_131 : vector<512x128xi1>, vector<512x128xf32>
    %select_n3A_133 = arith.select %eq3A_127, %add3A_120, %select_n3A_132 : vector<512x128xi1>, vector<512x128xf32>
    %reduce_min3A_134 = arith.constant dense<0x7F800000> : vector<512xf32>
    %reduce_min3A_135 = vector.multi_reduction <minimumf>, %select_n3A_133, %reduce_min3A_134 [1] : vector<512x128xf32> to vector<512xf32>
    %broadcast_in_dim3A_136 = vector.shape_cast %reduce_min3A_135 : vector<512xf32> to vector<512x1xf32>
    %jit3A_137 = arith.constant 3.000000e+38 : f32
    %broadcast_in_dim3A_138 = vector.broadcast %jit3A_137 : f32 to vector<512x128xf32>
    %select_n3A_139 = arith.select %eq3A_127, %broadcast_in_dim3A_138, %select_n3A_113 : vector<512x128xi1>, vector<512x128xf32>
    %jit3A_140 = arith.constant 3.000000e+38 : f32
    %broadcast_in_dim3A_141 = vector.broadcast %jit3A_140 : f32 to vector<512x128xf32>
    %select_n3A_142 = arith.select %eq3A_129, %broadcast_in_dim3A_141, %select_n3A_108 : vector<512x128xi1>, vector<512x128xf32>
    %min3A_143 = arith.minimumf %select_n3A_139, %select_n3A_142 : vector<512x128xf32>
    %reduce_min3A_144 = arith.constant dense<0x7F800000> : vector<512xf32>
    %reduce_min3A_145 = vector.multi_reduction <minimumf>, %min3A_143, %reduce_min3A_144 [1] : vector<512x128xf32> to vector<512xf32>
    %broadcast_in_dim3A_146 = vector.shape_cast %reduce_min3A_145 : vector<512xf32> to vector<512x1xf32>
    %eq3A_147 = vector.broadcast %broadcast_in_dim3A_146 : vector<512x1xf32> to vector<512x128xf32>
    %eq3A_148 = arith.cmpf oeq, %select_n3A_139, %eq3A_147 : vector<512x128xf32>
    %eq3A_149 = vector.broadcast %broadcast_in_dim3A_146 : vector<512x1xf32> to vector<512x128xf32>
    %eq3A_150 = arith.cmpf oeq, %select_n3A_142, %eq3A_149 : vector<512x128xf32>
    %jit3A_151 = arith.constant 1.024000e+03 : f32
    %broadcast_in_dim3A_152 = vector.broadcast %jit3A_151 : f32 to vector<512x128xf32>
    %select_n3A_153 = arith.select %eq3A_150, %add3A_124, %broadcast_in_dim3A_152 : vector<512x128xi1>, vector<512x128xf32>
    %select_n3A_154 = arith.select %eq3A_148, %add3A_120, %select_n3A_153 : vector<512x128xi1>, vector<512x128xf32>
    %reduce_min3A_155 = arith.constant dense<0x7F800000> : vector<512xf32>
    %reduce_min3A_156 = vector.multi_reduction <minimumf>, %select_n3A_154, %reduce_min3A_155 [1] : vector<512x128xf32> to vector<512xf32>
    %broadcast_in_dim3A_157 = vector.shape_cast %reduce_min3A_156 : vector<512xf32> to vector<512x1xf32>
    %jit3A_158 = arith.constant 3.000000e+38 : f32
    %broadcast_in_dim3A_159 = vector.broadcast %jit3A_158 : f32 to vector<512x128xf32>
    %select_n3A_160 = arith.select %eq3A_148, %broadcast_in_dim3A_159, %select_n3A_139 : vector<512x128xi1>, vector<512x128xf32>
    %jit3A_161 = arith.constant 3.000000e+38 : f32
    %broadcast_in_dim3A_162 = vector.broadcast %jit3A_161 : f32 to vector<512x128xf32>
    %select_n3A_163 = arith.select %eq3A_150, %broadcast_in_dim3A_162, %select_n3A_142 : vector<512x128xi1>, vector<512x128xf32>
    %min3A_164 = arith.minimumf %select_n3A_160, %select_n3A_163 : vector<512x128xf32>
    %reduce_min3A_165 = arith.constant dense<0x7F800000> : vector<512xf32>
    %reduce_min3A_166 = vector.multi_reduction <minimumf>, %min3A_164, %reduce_min3A_165 [1] : vector<512x128xf32> to vector<512xf32>
    %broadcast_in_dim3A_167 = vector.shape_cast %reduce_min3A_166 : vector<512xf32> to vector<512x1xf32>
    %eq3A_168 = vector.broadcast %broadcast_in_dim3A_167 : vector<512x1xf32> to vector<512x128xf32>
    %eq3A_169 = arith.cmpf oeq, %select_n3A_160, %eq3A_168 : vector<512x128xf32>
    %eq3A_170 = vector.broadcast %broadcast_in_dim3A_167 : vector<512x1xf32> to vector<512x128xf32>
    %eq3A_171 = arith.cmpf oeq, %select_n3A_163, %eq3A_170 : vector<512x128xf32>
    %jit3A_172 = arith.constant 1.024000e+03 : f32
    %broadcast_in_dim3A_173 = vector.broadcast %jit3A_172 : f32 to vector<512x128xf32>
    %select_n3A_174 = arith.select %eq3A_171, %add3A_124, %broadcast_in_dim3A_173 : vector<512x128xi1>, vector<512x128xf32>
    %select_n3A_175 = arith.select %eq3A_169, %add3A_120, %select_n3A_174 : vector<512x128xi1>, vector<512x128xf32>
    %reduce_min3A_176 = arith.constant dense<0x7F800000> : vector<512xf32>
    %reduce_min3A_177 = vector.multi_reduction <minimumf>, %select_n3A_175, %reduce_min3A_176 [1] : vector<512x128xf32> to vector<512xf32>
    %broadcast_in_dim3A_178 = vector.shape_cast %reduce_min3A_177 : vector<512xf32> to vector<512x1xf32>
    %add3A_179 = arith.constant 9.99999993E-9 : f32
    %add3A_180 = vector.broadcast %add3A_179 : f32 to vector<512x1xf32>
    %add3A_181 = arith.addf %broadcast_in_dim3A_126, %add3A_180 : vector<512x1xf32>
    %div3A = arith.constant 1.000000e+00 : f32
    %div3A_182 = vector.broadcast %div3A : f32 to vector<512x1xf32>
    %div3A_183 = arith.divf %div3A_182, %add3A_181 : vector<512x1xf32>
    %add3A_184 = arith.constant 9.99999993E-9 : f32
    %add3A_185 = vector.broadcast %add3A_184 : f32 to vector<512x1xf32>
    %add3A_186 = arith.addf %broadcast_in_dim3A_146, %add3A_185 : vector<512x1xf32>
    %div3A_187 = arith.constant 1.000000e+00 : f32
    %div3A_188 = vector.broadcast %div3A_187 : f32 to vector<512x1xf32>
    %div3A_189 = arith.divf %div3A_188, %add3A_186 : vector<512x1xf32>
    %add3A_190 = arith.constant 9.99999993E-9 : f32
    %add3A_191 = vector.broadcast %add3A_190 : f32 to vector<512x1xf32>
    %add3A_192 = arith.addf %broadcast_in_dim3A_167, %add3A_191 : vector<512x1xf32>
    %div3A_193 = arith.constant 1.000000e+00 : f32
    %div3A_194 = vector.broadcast %div3A_193 : f32 to vector<512x1xf32>
    %div3A_195 = arith.divf %div3A_194, %add3A_192 : vector<512x1xf32>
    %add3A_196 = arith.addf %div3A_183, %div3A_189 : vector<512x1xf32>
    %add3A_197 = arith.addf %add3A_196, %div3A_195 : vector<512x1xf32>
    %mul3A_198 = arith.constant 1024 : i32
    %mul3A_199 = arith.muli %add3A_0, %mul3A_198 : i32
    %concatenate3A = tpu.concatenate %broadcast_in_dim3A_136, %broadcast_in_dim3A_157, %broadcast_in_dim3A_178 in 1 : vector<512x1xf32>, vector<512x1xf32>, vector<512x1xf32> -> vector<512x3xf32>
    %convert_element_type3A_200 = arith.fptosi %concatenate3A : vector<512x3xf32> to vector<512x3xi32>
    %add3A_201 = vector.broadcast %mul3A_199 : i32 to vector<512x3xi32>
    %add3A_202 = arith.addi %convert_element_type3A_200, %add3A_201 : vector<512x3xi32>
    %swap3A = arith.constant 0 : index
    %swap3A_203 = arith.constant 0 : index
    %swap3A_204 = arith.constant 0 : index
    %swap3A_205 = vector.load %arg4[%swap3A, %swap3A_203, %swap3A_204] : memref<1x512x3xi32, #tpu.memory_space<vmem>>, vector<1x512x3xi32>
    %swap3A_206 = vector.shape_cast %swap3A_205 : vector<1x512x3xi32> to vector<512x3xi32>
    %swap3A_207 = vector.shape_cast %add3A_202 : vector<512x3xi32> to vector<1x512x3xi32>
    tpu.vector_store %arg4[%swap3A, %swap3A_203, %swap3A_204], %swap3A_207 {strides = array<i32>} : memref<1x512x3xi32, #tpu.memory_space<vmem>>, vector<1x512x3xi32>,
    %div3A_208 = arith.divf %div3A_183, %add3A_197 : vector<512x1xf32>
    %broadcast_in_dim3A_209 = vector.shape_cast %div3A_208 : vector<512x1xf32> to vector<512x1xf32>
    %broadcast_in_dim3A_210 = vector.broadcast %broadcast_in_dim3A_209 : vector<512x1xf32> to vector<512x16xf32>
    %div3A_211 = arith.divf %div3A_189, %add3A_197 : vector<512x1xf32>
    %broadcast_in_dim3A_212 = vector.shape_cast %div3A_211 : vector<512x1xf32> to vector<512x1xf32>
    %broadcast_in_dim3A_213 = vector.broadcast %broadcast_in_dim3A_212 : vector<512x1xf32> to vector<512x16xf32>
    %div3A_214 = arith.divf %div3A_195, %add3A_197 : vector<512x1xf32>
    %broadcast_in_dim3A_215 = vector.shape_cast %div3A_214 : vector<512x1xf32> to vector<512x1xf32>
    %broadcast_in_dim3A_216 = vector.broadcast %broadcast_in_dim3A_215 : vector<512x1xf32> to vector<512x16xf32>
    %concatenate3A_217 = tpu.concatenate %broadcast_in_dim3A_210, %broadcast_in_dim3A_213, %broadcast_in_dim3A_216 in 1 : vector<512x16xf32>, vector<512x16xf32>, vector<512x16xf32> -> vector<512x48xf32>
    %swap3A_218 = arith.constant 0 : index
    %swap3A_219 = arith.constant 0 : index
    %swap3A_220 = arith.constant 0 : index
    %swap3A_221 = vector.load %arg5[%swap3A_218, %swap3A_219, %swap3A_220] : memref<1x512x48xf32, #tpu.memory_space<vmem>>, vector<1x512x48xf32>
    %swap3A_222 = vector.shape_cast %swap3A_221 : vector<1x512x48xf32> to vector<512x48xf32>
    %swap3A_223 = vector.shape_cast %concatenate3A_217 : vector<512x48xf32> to vector<1x512x48xf32>
    tpu.vector_store %arg5[%swap3A_218, %swap3A_219, %swap3A_220], %swap3A_223 {strides = array<i32>} : memref<1x512x48xf32, #tpu.memory_space<vmem>>, vector<1x512x48xf32>,
    return
  }
  func.func @transform_0(%arg0: i32, %arg1: i32) -> (i32, i32, i32) {
    %add3A = arith.constant 4 : i32
    %add3A_0 = arith.addi %arg0, %add3A : i32
    %c0_i32 = arith.constant 0 : i32
    %c0_i32_1 = arith.constant 0 : i32
    return %add3A_0, %c0_i32, %arg1 : i32, i32, i32
  }
  func.func @transform_1(%arg0: i32, %arg1: i32) -> (i32, i32, i32) {
    %add3A = arith.constant 4 : i32
    %add3A_0 = arith.addi %arg0, %add3A : i32
    %c0_i32 = arith.constant 0 : i32
    %c0_i32_1 = arith.constant 0 : i32
    %c0_i32_2 = arith.constant 0 : i32
    return %add3A_0, %c0_i32, %c0_i32_1 : i32, i32, i32
  }
  func.func @transform_2(%arg0: i32, %arg1: i32) -> (i32, i32, i32) {
    %c0_i32 = arith.constant 0 : i32
    %c0_i32_0 = arith.constant 0 : i32
    return %arg0, %arg1, %c0_i32 : i32, i32, i32
  }
  func.func @transform_3(%arg0: i32, %arg1: i32) -> (i32, i32, i32) {
    %c0_i32 = arith.constant 0 : i32
    %c0_i32_0 = arith.constant 0 : i32
    return %arg0, %arg1, %c0_i32 : i32, i32, i32
  }
}

module attributes {stable_mosaic.version = 14 : i64} {
  func.func @_stats_body(%arg0: i32, %arg1: memref<2048x256xf32, #tpu.memory_space<vmem>>, %arg2: memref<512x256xf32, #tpu.memory_space<vmem>>, %arg3: memref<1x512xf32, #tpu.memory_space<vmem>>, %arg4: memref<1x1x512xf32, #tpu.memory_space<vmem>>, %arg5: memref<1x1x512xf32, #tpu.memory_space<vmem>>) attributes {dimension_semantics = [#tpu.dimension_semantics<arbitrary>], iteration_bounds = array<i64: 8>, scalar_prefetch = 0 : i64, scratch_operands = 0 : i64, tpu.core_type = #tpu.core_type<tc>, window_params = [{transform_indices = @transform_0, window_bounds = array<i64: 2048, 256>}, {pipeline_mode = #tpu.pipeline_mode<synchronous>, transform_indices = @transform_1, window_bounds = array<i64: 512, 256>}, {pipeline_mode = #tpu.pipeline_mode<synchronous>, transform_indices = @transform_2, window_bounds = array<i64: 1, 512>}, {transform_indices = @transform_3, window_bounds = array<i64: 1, 1, 512>}, {transform_indices = @transform_4, window_bounds = array<i64: 1, 1, 512>}]} {
    %get3A = arith.constant 0 : index
    %get3A_0 = arith.constant 0 : index
    %get3A_1 = vector.load %arg1[%get3A, %get3A_0] : memref<2048x256xf32, #tpu.memory_space<vmem>>, vector<2048x256xf32>
    %get3A_2 = arith.constant 0 : index
    %get3A_3 = arith.constant 0 : index
    %get3A_4 = vector.load %arg2[%get3A_2, %get3A_3] : memref<512x256xf32, #tpu.memory_space<vmem>>, vector<512x256xf32>
    %dot_general3A = arith.constant dense<0.000000e+00> : vector<2048x512xf32>
    %dot_general3A_5 = tpu.matmul %get3A_1, %get3A_4, %dot_general3A {dimension_numbers = #tpu.dot_dimension_numbers<[1], [1], [0], [0], [0, 0, 1, 0], [], []>, transpose_lhs_hint = false} : vector<2048x256xf32>, vector<512x256xf32>, vector<2048x512xf32> -> vector<2048x512xf32>
    %get3A_6 = arith.constant 0 : index
    %get3A_7 = arith.constant 0 : index
    %get3A_8 = vector.load %arg3[%get3A_6, %get3A_7] : memref<1x512xf32, #tpu.memory_space<vmem>>, vector<1x512xf32>
    %add3A = vector.broadcast %get3A_8 : vector<1x512xf32> to vector<2048x512xf32>
    %add3A_9 = arith.addf %dot_general3A_5, %add3A : vector<2048x512xf32>
    %reduce_sum3A = arith.constant dense<0.000000e+00> : vector<512xf32>
    %reduce_sum3A_10 = vector.multi_reduction <add>, %add3A_9, %reduce_sum3A [0] : vector<2048x512xf32> to vector<512xf32>
    %broadcast_in_dim3A = vector.shape_cast %reduce_sum3A_10 : vector<512xf32> to vector<1x512xf32>
    %swap3A = arith.constant 0 : index
    %swap3A_11 = arith.constant 0 : index
    %swap3A_12 = arith.constant 0 : index
    %swap3A_13 = vector.load %arg4[%swap3A, %swap3A_11, %swap3A_12] : memref<1x1x512xf32, #tpu.memory_space<vmem>>, vector<1x1x512xf32>
    %swap3A_14 = vector.shape_cast %swap3A_13 : vector<1x1x512xf32> to vector<1x512xf32>
    %swap3A_15 = vector.shape_cast %broadcast_in_dim3A : vector<1x512xf32> to vector<1x1x512xf32>
    tpu.vector_store %arg4[%swap3A, %swap3A_11, %swap3A_12], %swap3A_15 {strides = array<i32>} : memref<1x1x512xf32, #tpu.memory_space<vmem>>, vector<1x1x512xf32>,
    %mul3A = arith.mulf %add3A_9, %add3A_9 : vector<2048x512xf32>
    %reduce_sum3A_16 = arith.constant dense<0.000000e+00> : vector<512xf32>
    %reduce_sum3A_17 = vector.multi_reduction <add>, %mul3A, %reduce_sum3A_16 [0] : vector<2048x512xf32> to vector<512xf32>
    %broadcast_in_dim3A_18 = vector.shape_cast %reduce_sum3A_17 : vector<512xf32> to vector<1x512xf32>
    %swap3A_19 = arith.constant 0 : index
    %swap3A_20 = arith.constant 0 : index
    %swap3A_21 = arith.constant 0 : index
    %swap3A_22 = vector.load %arg5[%swap3A_19, %swap3A_20, %swap3A_21] : memref<1x1x512xf32, #tpu.memory_space<vmem>>, vector<1x1x512xf32>
    %swap3A_23 = vector.shape_cast %swap3A_22 : vector<1x1x512xf32> to vector<1x512xf32>
    %swap3A_24 = vector.shape_cast %broadcast_in_dim3A_18 : vector<1x512xf32> to vector<1x1x512xf32>
    tpu.vector_store %arg5[%swap3A_19, %swap3A_20, %swap3A_21], %swap3A_24 {strides = array<i32>} : memref<1x1x512xf32, #tpu.memory_space<vmem>>, vector<1x1x512xf32>,
    return
  }
  func.func @transform_0(%arg0: i32) -> (i32, i32) {
    %c0_i32 = arith.constant 0 : i32
    %c0_i32_0 = arith.constant 0 : i32
    return %arg0, %c0_i32 : i32, i32
  }
  func.func @transform_1(%arg0: i32) -> (i32, i32) {
    %c0_i32 = arith.constant 0 : i32
    %c0_i32_0 = arith.constant 0 : i32
    %c0_i32_1 = arith.constant 0 : i32
    return %c0_i32, %c0_i32_0 : i32, i32
  }
  func.func @transform_2(%arg0: i32) -> (i32, i32) {
    %c0_i32 = arith.constant 0 : i32
    %c0_i32_0 = arith.constant 0 : i32
    %c0_i32_1 = arith.constant 0 : i32
    return %c0_i32, %c0_i32_0 : i32, i32
  }
  func.func @transform_3(%arg0: i32) -> (i32, i32, i32) {
    %c0_i32 = arith.constant 0 : i32
    %c0_i32_0 = arith.constant 0 : i32
    %c0_i32_1 = arith.constant 0 : i32
    return %arg0, %c0_i32, %c0_i32_0 : i32, i32, i32
  }
  func.func @transform_4(%arg0: i32) -> (i32, i32, i32) {
    %c0_i32 = arith.constant 0 : i32
    %c0_i32_0 = arith.constant 0 : i32
    %c0_i32_1 = arith.constant 0 : i32
    return %arg0, %c0_i32, %c0_i32_0 : i32, i32, i32
  }
}

module attributes {stable_mosaic.version = 14 : i64} {
  func.func @_apply_body(%arg0: i32, %arg1: memref<2048x256xf32, #tpu.memory_space<vmem>>, %arg2: memref<2048x256xf32, #tpu.memory_space<vmem>>, %arg3: memref<512x256xf32, #tpu.memory_space<vmem>>, %arg4: memref<1x512xf32, #tpu.memory_space<vmem>>, %arg5: memref<8x1x512xf32, #tpu.memory_space<vmem>>, %arg6: memref<8x1x512xf32, #tpu.memory_space<vmem>>, %arg7: memref<8x1x512xf32, #tpu.memory_space<vmem>>, %arg8: memref<8x1x512xf32, #tpu.memory_space<vmem>>, %arg9: memref<1x512xf32, #tpu.memory_space<vmem>>, %arg10: memref<1x512xf32, #tpu.memory_space<vmem>>, %arg11: memref<2048x512xf32, #tpu.memory_space<vmem>>) attributes {dimension_semantics = [#tpu.dimension_semantics<arbitrary>], iteration_bounds = array<i64: 16>, scalar_prefetch = 0 : i64, scratch_operands = 0 : i64, tpu.core_type = #tpu.core_type<tc>, window_params = [{transform_indices = @transform_0, window_bounds = array<i64: 2048, 256>}, {transform_indices = @transform_1, window_bounds = array<i64: 2048, 256>}, {pipeline_mode = #tpu.pipeline_mode<synchronous>, transform_indices = @transform_2, window_bounds = array<i64: 512, 256>}, {pipeline_mode = #tpu.pipeline_mode<synchronous>, transform_indices = @transform_3, window_bounds = array<i64: 1, 512>}, {pipeline_mode = #tpu.pipeline_mode<synchronous>, transform_indices = @transform_4, window_bounds = array<i64: 8, 1, 512>}, {pipeline_mode = #tpu.pipeline_mode<synchronous>, transform_indices = @transform_5, window_bounds = array<i64: 8, 1, 512>}, {pipeline_mode = #tpu.pipeline_mode<synchronous>, transform_indices = @transform_6, window_bounds = array<i64: 8, 1, 512>}, {pipeline_mode = #tpu.pipeline_mode<synchronous>, transform_indices = @transform_7, window_bounds = array<i64: 8, 1, 512>}, {pipeline_mode = #tpu.pipeline_mode<synchronous>, transform_indices = @transform_8, window_bounds = array<i64: 1, 512>}, {pipeline_mode = #tpu.pipeline_mode<synchronous>, transform_indices = @transform_9, window_bounds = array<i64: 1, 512>}, {transform_indices = @transform_10, window_bounds = array<i64: 2048, 512>}]} {
    %lt3A = arith.constant 8 : i32
    %lt3A_0 = arith.cmpi slt, %arg0, %lt3A : i32
    %get3A = arith.constant 0 : index
    %get3A_1 = arith.constant 0 : index
    %get3A_2 = vector.load %arg1[%get3A, %get3A_1] : memref<2048x256xf32, #tpu.memory_space<vmem>>, vector<2048x256xf32>
    %get3A_3 = arith.constant 0 : index
    %get3A_4 = arith.constant 0 : index
    %get3A_5 = vector.load %arg2[%get3A_3, %get3A_4] : memref<2048x256xf32, #tpu.memory_space<vmem>>, vector<2048x256xf32>
    %select_n3A = arith.select %lt3A_0, %get3A_2, %get3A_5 : vector<2048x256xf32>
    %get3A_6 = arith.constant 0 : index
    %get3A_7 = arith.constant 0 : index
    %get3A_8 = vector.load %arg3[%get3A_6, %get3A_7] : memref<512x256xf32, #tpu.memory_space<vmem>>, vector<512x256xf32>
    %dot_general3A = arith.constant dense<0.000000e+00> : vector<2048x512xf32>
    %dot_general3A_9 = tpu.matmul %select_n3A, %get3A_8, %dot_general3A {dimension_numbers = #tpu.dot_dimension_numbers<[1], [1], [0], [0], [0, 0, 1, 0], [], []>, transpose_lhs_hint = false} : vector<2048x256xf32>, vector<512x256xf32>, vector<2048x512xf32> -> vector<2048x512xf32>
    %get3A_10 = arith.constant 0 : index
    %get3A_11 = arith.constant 0 : index
    %get3A_12 = vector.load %arg4[%get3A_10, %get3A_11] : memref<1x512xf32, #tpu.memory_space<vmem>>, vector<1x512xf32>
    %add3A = vector.broadcast %get3A_12 : vector<1x512xf32> to vector<2048x512xf32>
    %add3A_13 = arith.addf %dot_general3A_9, %add3A : vector<2048x512xf32>
    %get3A_14 = arith.constant 0 : index
    %get3A_15 = arith.constant 0 : index
    %get3A_16 = arith.constant 0 : index
    %get3A_17 = vector.load %arg5[%get3A_14, %get3A_15, %get3A_16] : memref<8x1x512xf32, #tpu.memory_space<vmem>>, vector<8x1x512xf32>
    %get3A_18 = vector.shape_cast %get3A_17 : vector<8x1x512xf32> to vector<8x512xf32>
    %reduce_sum3A = arith.constant dense<0.000000e+00> : vector<512xf32>
    %reduce_sum3A_19 = vector.multi_reduction <add>, %get3A_18, %reduce_sum3A [0] : vector<8x512xf32> to vector<512xf32>
    %broadcast_in_dim3A = vector.shape_cast %reduce_sum3A_19 : vector<512xf32> to vector<1x512xf32>
    %get3A_20 = arith.constant 0 : index
    %get3A_21 = arith.constant 0 : index
    %get3A_22 = arith.constant 0 : index
    %get3A_23 = vector.load %arg7[%get3A_20, %get3A_21, %get3A_22] : memref<8x1x512xf32, #tpu.memory_space<vmem>>, vector<8x1x512xf32>
    %get3A_24 = vector.shape_cast %get3A_23 : vector<8x1x512xf32> to vector<8x512xf32>
    %reduce_sum3A_25 = arith.constant dense<0.000000e+00> : vector<512xf32>
    %reduce_sum3A_26 = vector.multi_reduction <add>, %get3A_24, %reduce_sum3A_25 [0] : vector<8x512xf32> to vector<512xf32>
    %broadcast_in_dim3A_27 = vector.shape_cast %reduce_sum3A_26 : vector<512xf32> to vector<1x512xf32>
    %add3A_28 = arith.addf %broadcast_in_dim3A, %broadcast_in_dim3A_27 : vector<1x512xf32>
    %get3A_29 = arith.constant 0 : index
    %get3A_30 = arith.constant 0 : index
    %get3A_31 = arith.constant 0 : index
    %get3A_32 = vector.load %arg6[%get3A_29, %get3A_30, %get3A_31] : memref<8x1x512xf32, #tpu.memory_space<vmem>>, vector<8x1x512xf32>
    %get3A_33 = vector.shape_cast %get3A_32 : vector<8x1x512xf32> to vector<8x512xf32>
    %reduce_sum3A_34 = arith.constant dense<0.000000e+00> : vector<512xf32>
    %reduce_sum3A_35 = vector.multi_reduction <add>, %get3A_33, %reduce_sum3A_34 [0] : vector<8x512xf32> to vector<512xf32>
    %broadcast_in_dim3A_36 = vector.shape_cast %reduce_sum3A_35 : vector<512xf32> to vector<1x512xf32>
    %get3A_37 = arith.constant 0 : index
    %get3A_38 = arith.constant 0 : index
    %get3A_39 = arith.constant 0 : index
    %get3A_40 = vector.load %arg8[%get3A_37, %get3A_38, %get3A_39] : memref<8x1x512xf32, #tpu.memory_space<vmem>>, vector<8x1x512xf32>
    %get3A_41 = vector.shape_cast %get3A_40 : vector<8x1x512xf32> to vector<8x512xf32>
    %reduce_sum3A_42 = arith.constant dense<0.000000e+00> : vector<512xf32>
    %reduce_sum3A_43 = vector.multi_reduction <add>, %get3A_41, %reduce_sum3A_42 [0] : vector<8x512xf32> to vector<512xf32>
    %broadcast_in_dim3A_44 = vector.shape_cast %reduce_sum3A_43 : vector<512xf32> to vector<1x512xf32>
    %add3A_45 = arith.addf %broadcast_in_dim3A_36, %broadcast_in_dim3A_44 : vector<1x512xf32>
    %div3A = arith.constant 3.276800e+04 : f32
    %div3A_46 = vector.broadcast %div3A : f32 to vector<1x512xf32>
    %div3A_47 = arith.divf %add3A_28, %div3A_46 : vector<1x512xf32>
    %div3A_48 = arith.constant 3.276800e+04 : f32
    %div3A_49 = vector.broadcast %div3A_48 : f32 to vector<1x512xf32>
    %div3A_50 = arith.divf %add3A_45, %div3A_49 : vector<1x512xf32>
    %mul3A = arith.mulf %div3A_47, %div3A_47 : vector<1x512xf32>
    %sub3A = arith.subf %div3A_50, %mul3A : vector<1x512xf32>
    %get3A_51 = arith.constant 0 : index
    %get3A_52 = arith.constant 0 : index
    %get3A_53 = vector.load %arg9[%get3A_51, %get3A_52] : memref<1x512xf32, #tpu.memory_space<vmem>>, vector<1x512xf32>
    %add3A_54 = arith.constant 9.99999974E-6 : f32
    %add3A_55 = vector.broadcast %add3A_54 : f32 to vector<1x512xf32>
    %add3A_56 = arith.addf %sub3A, %add3A_55 : vector<1x512xf32>
    %sqrt3A = math.sqrt %add3A_56 : vector<1x512xf32>
    %div3A_57 = arith.divf %get3A_53, %sqrt3A : vector<1x512xf32>
    %get3A_58 = arith.constant 0 : index
    %get3A_59 = arith.constant 0 : index
    %get3A_60 = vector.load %arg10[%get3A_58, %get3A_59] : memref<1x512xf32, #tpu.memory_space<vmem>>, vector<1x512xf32>
    %mul3A_61 = arith.mulf %div3A_47, %div3A_57 : vector<1x512xf32>
    %sub3A_62 = arith.subf %get3A_60, %mul3A_61 : vector<1x512xf32>
    %mul3A_63 = vector.broadcast %div3A_57 : vector<1x512xf32> to vector<2048x512xf32>
    %mul3A_64 = arith.mulf %add3A_13, %mul3A_63 : vector<2048x512xf32>
    %add3A_65 = vector.broadcast %sub3A_62 : vector<1x512xf32> to vector<2048x512xf32>
    %add3A_66 = arith.addf %mul3A_64, %add3A_65 : vector<2048x512xf32>
    %swap3A = arith.constant 0 : index
    %swap3A_67 = arith.constant 0 : index
    %swap3A_68 = vector.load %arg11[%swap3A, %swap3A_67] : memref<2048x512xf32, #tpu.memory_space<vmem>>, vector<2048x512xf32>
    tpu.vector_store %arg11[%swap3A, %swap3A_67], %add3A_66 {strides = array<i32>} : memref<2048x512xf32, #tpu.memory_space<vmem>>, vector<2048x512xf32>,
    return
  }
  func.func @transform_0(%arg0: i32) -> (i32, i32) {
    %min3A = arith.constant 7 : i32
    %min3A_0 = arith.minsi %arg0, %min3A : i32
    %c0_i32 = arith.constant 0 : i32
    %c0_i32_1 = arith.constant 0 : i32
    return %min3A_0, %c0_i32 : i32, i32
  }
  func.func @transform_1(%arg0: i32) -> (i32, i32) {
    %sub3A = arith.constant 8 : i32
    %sub3A_0 = arith.subi %arg0, %sub3A : i32
    %max3A = arith.constant 0 : i32
    %max3A_1 = arith.maxsi %sub3A_0, %max3A : i32
    %c0_i32 = arith.constant 0 : i32
    %c0_i32_2 = arith.constant 0 : i32
    return %max3A_1, %c0_i32 : i32, i32
  }
  func.func @transform_2(%arg0: i32) -> (i32, i32) {
    %c0_i32 = arith.constant 0 : i32
    %c0_i32_0 = arith.constant 0 : i32
    %c0_i32_1 = arith.constant 0 : i32
    return %c0_i32, %c0_i32_0 : i32, i32
  }
  func.func @transform_3(%arg0: i32) -> (i32, i32) {
    %c0_i32 = arith.constant 0 : i32
    %c0_i32_0 = arith.constant 0 : i32
    %c0_i32_1 = arith.constant 0 : i32
    return %c0_i32, %c0_i32_0 : i32, i32
  }
  func.func @transform_4(%arg0: i32) -> (i32, i32, i32) {
    %c0_i32 = arith.constant 0 : i32
    %c0_i32_0 = arith.constant 0 : i32
    %c0_i32_1 = arith.constant 0 : i32
    %c0_i32_2 = arith.constant 0 : i32
    return %c0_i32, %c0_i32_0, %c0_i32_1 : i32, i32, i32
  }
  func.func @transform_5(%arg0: i32) -> (i32, i32, i32) {
    %c0_i32 = arith.constant 0 : i32
    %c0_i32_0 = arith.constant 0 : i32
    %c0_i32_1 = arith.constant 0 : i32
    %c0_i32_2 = arith.constant 0 : i32
    return %c0_i32, %c0_i32_0, %c0_i32_1 : i32, i32, i32
  }
  func.func @transform_6(%arg0: i32) -> (i32, i32, i32) {
    %c0_i32 = arith.constant 0 : i32
    %c0_i32_0 = arith.constant 0 : i32
    %c0_i32_1 = arith.constant 0 : i32
    %c0_i32_2 = arith.constant 0 : i32
    return %c0_i32, %c0_i32_0, %c0_i32_1 : i32, i32, i32
  }
  func.func @transform_7(%arg0: i32) -> (i32, i32, i32) {
    %c0_i32 = arith.constant 0 : i32
    %c0_i32_0 = arith.constant 0 : i32
    %c0_i32_1 = arith.constant 0 : i32
    %c0_i32_2 = arith.constant 0 : i32
    return %c0_i32, %c0_i32_0, %c0_i32_1 : i32, i32, i32
  }
  func.func @transform_8(%arg0: i32) -> (i32, i32) {
    %c0_i32 = arith.constant 0 : i32
    %c0_i32_0 = arith.constant 0 : i32
    %c0_i32_1 = arith.constant 0 : i32
    return %c0_i32, %c0_i32_0 : i32, i32
  }
  func.func @transform_9(%arg0: i32) -> (i32, i32) {
    %c0_i32 = arith.constant 0 : i32
    %c0_i32_0 = arith.constant 0 : i32
    %c0_i32_1 = arith.constant 0 : i32
    return %c0_i32, %c0_i32_0 : i32, i32
  }
  func.func @transform_10(%arg0: i32) -> (i32, i32) {
    %c0_i32 = arith.constant 0 : i32
    %c0_i32_0 = arith.constant 0 : i32
    return %arg0, %c0_i32 : i32, i32
  }
}

</mosaic_0001>

<sc_bundles>
// kernel: kernel.12.cloned.1.call-start
scs
__scs_entry_jumppad:
0x0: {  	(pc) =	sbr.rel $0x88, $3  }
0x1: {  	(tag) =	ssettag $0x0;
	lr =	simm.s32 $0x1  }
0x2: {  	[smem:$0x3F9A] =	sst lr;
	_ =	strace $0xD0000000  }
0x3: {  	_ = 	snop  }
0x4: {  	_ = 	snop  }
0x5: {  	_ = 	snop  }
0x6: {  	_ = 	snop  }
0x7: {  	_ = 	snop  }
__scs_overlays_trampoline_lowered:
0x8: {  	[smem:$0x3FA9] =	sst s0  }
0x9: {  	[smem:$0x3FAA] =	sst s1  }
0xa: {  	[smem:$0x3FAB] =	sst s2  }
0xb: {  	[smem:$0x3FAC] =	sst s3  }
0xc: {  	[smem:$0x3FAD] =	sst s4  }
0xd: {  	[smem:$0x3FAE] =	sst s5  }
0xe: {  	[smem:$0x3FAF] =	sst s6  }
0xf: {  	[smem:$0x3FB0] =	sst s7  }
0x10: {  	[smem:$0x3FB1] =	sst s8  }
0x11: {  	[smem:$0x3FB2] =	sst s9;
	s0 =	simm.s32 @!p0 $0x0  }
0x12: {  	s1 =	sld [smem:$0x3F98];
	s0 =	simm.s32 @p0 $0x1  }
0x13: {  	[smem:$0x3FB3] =	sst s0;
	s0 =	simm.s32 @!p1 $0x0  }
0x14: {  	s2 =	sld [smem:$0x3F97];
	s0 =	simm.s32 @p1 $0x1  }
0x15: {  	[smem:$0x3FB4] =	sst s0;
	s0 =	simm.s32 @!p2 $0x0  }
0x16: {  	s3 =	sld [smem:$0x3FDB];
	s0 =	simm.s32 @p2 $0x1  }
0x17: {  	s4 =	simm.s32 $0x1BF5;
	[smem:$0x3FB6] =	sst s0  }
0x18: {  	s0 =	sld [smem:$0x3F99];
	_ =	swait.ge [sflag:s4], $0x0  }
0x19: {  	s7 =	sld [smem:$0x3F9A]  }
0x1a: {  	s8 =	sadd.s32 $0xFFFFE003, lr  }
0x1b: {  	s9 =	sadd.s32 $0xFFFFFEF7, lr;
	s5 =	simm.s32 $0xFFFFFFFF;
	p2 =	slt.u32 s8, $0xFFFFF086  }
0x1c: {  	p1 =	slt.u32 s9, $0xF7A;
	s5 =	simm.s32 @!p2 $0x0  }
0x1d: {  	s5 =	simm.s32 @p1 $0x1;
	p0 =	seq.s32 s7, s2  }
0x1e: {  	s7 =	smul.u32 @!p0 $0xF7A, s2;
	p2 =	seq.s32 @!p0 s5, $0x0  }
0x1f: {  	s9 =	smul.u32 $0xF7A, s1;
	s8 =	simm.s32 @!p0 $0x1BF5;
	p2 =	por !p2, p0  }
0x20: {  	[sflag:s8] =	ssyncset.s32 @!p0 $0xFFFFF086;
	s6 =	sadd.s32 @!p0 s3, s7;
	s7 =	simm.s32 @!p0 $0x108  }
0x21: {  	s3 =	sadd.s32 s3, s9;
	s6 =	sadd.s32 @!p0 $0x88, s6;
	s7 =	simm.s32 @p2 $0x1082  }
0x22: {  	[simem:s7], [sflag:s8] =	dma.local @!p0 [hbm:s6], $0xF7A  }
0x23: {  	s9 =	sor.u32 $0xD0000000, s2;
	s6 =	simm.s32 $0x108;
	_ =	swait.ge @!p0 [sflag:s8], $0x0  }
0x24: {  	s3 =	sadd.s32 $0x88, s3;
	s6 =	simm.s32 @!p1 $0x1082;
	[sflag:s4] =	ssyncset.s32 $0xFFFFF086  }
0x25: {  	[simem:s6], [sflag:s4] =	dma.local [hbm:s3], $0xF7A  }
0x26: {  	[smem:$0x3F9A] =	sst s1;
	(tag) =	ssettag s2;
	_ =	strace s9  }
0x27: {  	s1 =	sld [smem:$0x3FAA]  }
0x28: {  	s2 =	sld [smem:$0x3FAB]  }
0x29: {  	s4 =	sld [smem:$0x3FAD]  }
0x2a: {  	p0 =	seq.s32 s5, $0x0;
	s5 =	sld [smem:$0x3FAE]  }
0x2b: {  	s6 =	sld [smem:$0x3FAF]  }
0x2c: {  	s7 =	sld [smem:$0x3FB0]  }
0x2d: {  	s3 =	simm.s32 $0x108;
	s8 =	sld [smem:$0x3FB1]  }
0x2e: {  	s3 =	simm.s32 @!p0 $0x1082;
	s9 =	sld [smem:$0x3FB2]  }
0x2f: {  	lr =	sadd.s32 s0, s3;
	s0 =	sld [smem:$0x3FA9]  }
0x30: {  	s3 =	sld [smem:$0x3FAC]  }
0x31: {  	[smem:$0x3FB5] =	sst s10  }
0x32: {  	s10 =	sld [smem:$0x3FB3];
	_ =	sdelay $0x3  }
0x33: {  	p0 =	seq.s32 s10, $0x1;
	s10 =	sld [smem:$0x3FB5];
	_ =	sdelay $0x3  }
0x34: {  	[smem:$0x3FB5] =	sst s10  }
0x35: {  	s10 =	sld [smem:$0x3FB4];
	_ =	sdelay $0x3  }
0x36: {  	p1 =	seq.s32 s10, $0x1;
	s10 =	sld [smem:$0x3FB5];
	_ =	sdelay $0x3  }
0x37: {  	[smem:$0x3FB5] =	sst s10  }
0x38: {  	s10 =	sld [smem:$0x3FB6]  }
0x39: {  	_ = 	snop;
	(pc) =	sbr.ind lr, $3  }
0x3a: {  	_ = 	snop  }
0x3b: {  	_ = 	snop  }
0x3c: {  	p2 =	seq.s32 s10, $0x1;
	s10 =	sld [smem:$0x3FB5]  }
0x3d: {  	_ =	shalt  }
0x3e: {  	_ =	shalt  }
0x3f: {  	_ =	shalt  }
0x40: {  	_ =	shalt  }
0x41: {  	_ =	shalt  }
0x42: {  	_ =	shalt  }
0x43: {  	_ =	shalt  }
0x44: {  	_ =	shalt  }
0x45: {  	_ =	shalt  }
0x46: {  	_ =	shalt  }
0x47: {  	_ =	shalt  }
0x48: {  	_ =	shalt  }
0x49: {  	_ =	shalt  }
0x4a: {  	_ =	shalt  }
0x4b: {  	_ =	shalt  }
0x4c: {  	_ =	shalt  }
0x4d: {  	_ =	shalt  }
0x4e: {  	_ =	shalt  }
0x4f: {  	_ =	shalt  }
0x50: {  	_ =	shalt  }
0x51: {  	_ =	shalt  }
0x52: {  	_ =	shalt  }
0x53: {  	_ =	shalt  }
0x54: {  	_ =	shalt  }
0x55: {  	_ =	shalt  }
0x56: {  	_ =	shalt  }
0x57: {  	_ =	shalt  }
0x58: {  	_ =	shalt  }
0x59: {  	_ =	shalt  }
0x5a: {  	_ =	shalt  }
0x5b: {  	_ =	shalt  }
0x5c: {  	_ =	shalt  }
0x5d: {  	_ =	shalt  }
0x5e: {  	_ =	shalt  }
0x5f: {  	_ =	shalt  }
0x60: {  	_ =	shalt  }
0x61: {  	_ =	shalt  }
0x62: {  	_ =	shalt  }
0x63: {  	_ =	shalt  }
0x64: {  	_ =	shalt  }
0x65: {  	_ =	shalt  }
0x66: {  	_ =	shalt  }
0x67: {  	_ =	shalt  }
0x68: {  	_ =	shalt  }
0x69: {  	_ =	shalt  }
0x6a: {  	_ =	shalt  }
0x6b: {  	_ =	shalt  }
0x6c: {  	_ =	shalt  }
0x6d: {  	_ =	shalt  }
0x6e: {  	_ =	shalt  }
0x6f: {  	_ =	shalt  }
0x70: {  	_ =	shalt  }
0x71: {  	_ =	shalt  }
0x72: {  	_ =	shalt  }
0x73: {  	_ =	shalt  }
0x74: {  	_ =	shalt  }
0x75: {  	_ =	shalt  }
0x76: {  	_ =	shalt  }
0x77: {  	_ =	shalt  }
0x78: {  	_ =	shalt  }
0x79: {  	_ =	shalt  }
0x7a: {  	_ =	shalt  }
0x7b: {  	_ =	shalt  }
0x7c: {  	_ =	shalt  }
0x7d: {  	_ =	shalt  }
0x7e: {  	_ =	shalt  }
0x7f: {  	_ =	shalt  }
0x80: {  	_ =	shalt  }
0x81: {  	_ =	shalt  }
0x82: {  	_ =	shalt  }
0x83: {  	_ =	shalt  }
0x84: {  	_ =	shalt  }
0x85: {  	_ =	shalt  }
0x86: {  	_ =	shalt  }
0x87: {  	_ =	shalt  }
.Lfunc_end0:
.L_simem_size_0:
called_computation.1_lowered:
.L_overlay_start_0:
0x88: {  	s2 =	sld [smem:$0x3FD9]  }
0x89: {  	s3 =	sld [smem:$0x3FFE];
	_ =	sdelay $0x1  }
0x8a: {  	s1 =	srdreg.scid  }
0x8b: {  	s0 =	sand.u32 $0x1, s1  }
0x8c: {  	s17 =	sshll.u32 s0, $0xA;
	s2 =	sadd.s32 s3, s2  }
0x8d: {  	s2 =	sadd.s32 s2, s17  }
0x8e: {  	[smem:$0x3FC1] =	sst s2  }
0x8f: {  	_ = 	snop  }
0x90: {  	s18 =	sld [smem:$0x3FC7];
	(tm) =	ssettm $0x1  }
0x91: {  	s19 =	sld [smem:$0x3FFB];
	_ =	sdelay $0x3  }
0x92: {  	_ =	strace s19  }
0x93: {  	s2 =	sld [smem:$0x3FFC];
	_ =	sdelay $0x3  }
0x94: {  	_ =	strace s2  }
0x95: {  	s2 =	sld [smem:$0x3FFD];
	_ =	sdelay $0x3  }
0x96: {  	_ =	strace s2  }
0x97: {  	_ =	strace $0x8FFFFFFF  }
0x98: {  	s20 =	sld [smem:$0x3FDB];
	_ =	sdelay $0x1  }
0x99: {  	s4 =	simm.s32 $_scs_section_size  }
0x9a: {  	s5 =	simm.s32 $_size__tile_overlayer_lowered;
	s6 =	simm.s32 $_tile_overlayer_lowered  }
0x9b: {  	s7 =	simm.s32 $0x1BFF;
	s21 =	sshll.u32 s6, $0x1;
	s4 =	sadd.s32 s4, s20  }
0x9c: {  	s22 =	simm.s32 $0x0;
	s5 =	sshll.u32 s5, $0x1;
	s6 =	sadd.s32 s21, s4  }
0x9d: {  	[timem:s22], [sflag:s7] =	dma.local [hbm:s6], s5  }
0x9e: {  	_ =	swait.ge [sflag:s7], s5  }
0x9f: {  	s5 =	ssub.s32 $0x0, s5;
	[sflag:s7] =	ssyncset.done $0x0  }
0xa0: {  	[sflag:s7] =	ssyncadd.s32 s5;
	_ =	sdelay $0x1  }
0xa1: {  	s23 =	simm.s32 $0x1B8B  }
0xa2: {  	_ =	swait.ge [sflag:s23], $0x1  }
0xa3: {  	[sflag:s23] =	ssyncset.done $0x0  }
0xa4: {  	[sflag:s23] =	ssyncadd.s32 $0xFFFFFFFF  }
0xa5: {  	s5 =	sld [smem:$0x0]  }
0xa6: {  	s6 =	sand.u32 $0xFFFFFFFE, s1  }
0xa7: {  	p0 =	sne.s32 s1, s6  }
0xa8: {  	s6 =	sshll.u32 @p0 s6, $0xE  }
0xa9: {  	s6 =	sadd.s32 @p0 $0x11B8D, s6;
	s7 =	sshll.u32 @p0 s5, $0x11  }
0xaa: {  	s6 =	sor.u32 @p0 s7, s6  }
0xab: {  	[sflag:s6] =	ssyncadd.remote.s32 @p0 $0x1;
	_ =	sdelay $0x1  }
0xac: {  	s6 =	simm.s32 @p0 $0x1B8D  }
0xad: {  	_ =	swait.eq @p0 [sflag:s6], $0x1  }
0xae: {  	[sflag:s6] =	ssyncadd.s32 @p0 $0xFFFFFFFF  }
0xaf: {  	s7 =	sshll.u32 @!p0 s1, $0xE  }
0xb0: {  	s7 =	sor.u32 @!p0 $0x4000, s7;
	s6 =	simm.s32 @!p0 $0x1B8D  }
0xb1: {  	s5 =	sshll.u32 @!p0 s5, $0x11;
	s7 =	sadd.s32 @!p0 $0x11B8D, s7;
	_ =	swait.eq @!p0 [sflag:s6], $0x1  }
0xb2: {  	s5 =	sor.u32 @!p0 s5, s7;
	[sflag:s6] =	ssyncadd.s32 @!p0 $0xFFFFFFFF  }
0xb3: {  	s25 =	simm.s32 $0x1B8E;
	s24 =	sld [smem:$0x3FFE];
	[sflag:s5] =	ssyncadd.remote.s32 @!p0 $0x1  }
0xb4: {  	s26 =	simm.s32 $execute0_lowered;
	[smem:$0x3FD2] =	sst s25  }
0xb5: {  	s6 =	sshll.u32 s26, $0x1;
	_ =	strace $0x80000049;
	[dreg:$0x1] =	wrdreg $0xFFFFFFFF  }
0xb6: {  	s28 =	simm.s32 $_size_execute0_lowered;
	s4 =	sadd.s32 s4, s6;
	[dreg:$0x0] =	wrdreg $0x0  }
0xb7: {  	s6 =	sshll.u32 s28, $0x1;
	[dreg:$0x2] =	wrdreg s4  }
0xb8: {  	[dreg:$0x3] =	wrdreg s6  }
0xb9: {  	[dreg:$0x4] =	wrdreg $0xC0  }
0xba: {  	_ =	task [dreg:s22], $0x5FFFF  }
0xbb: {  	[dreg:$0x1] =	wrdreg $0xFFFFFFFF  }
0xbc: {  	[dreg:$0x0] =	wrdreg $0x60  }
0xbd: {  	[dreg:$0x2] =	wrdreg s18  }
0xbe: {  	[dreg:$0x3] =	wrdreg s24  }
0xbf: {  	[dreg:$0x4] =	wrdreg $0xA  }
0xc0: {  	_ =	task.clear_ibuf [dreg:s22], $0x5FFFF;
	_ =	strace $0x90000049  }
0xc1: {  	s29 =	simm.s32 $0xA;
	_ =	strace $0x8000004B  }
0xc2: {  	_ =	swait.ge [sflag:s29], $0x1  }
0xc3: {  	[sflag:s29] =	ssyncadd.s32 $0xFFFFFFFF  }
0xc4: {  	_ =	strace $0x9000004B  }
0xc5: {  	_ =	sfence  }
0xc6: {  	s30 =	sld [smem:$0x0];
	_ =	sdelay $0x2  }
0xc7: {  	s31 =	sshll.u32 s1, $0xD;
	s1 =	sshrl.u32 s1, $0x2  }
0xc8: {  	s4 =	sand.u32 $0x4000, s31;
	s1 =	sadd.s32 s1, s30  }
0xc9: {  	s0 =	sor.u32 s4, s0;
	s1 =	sshll.u32 s1, $0x11  }
0xca: {  	s0 =	sor.u32 s1, s0  }
0xcb: {  	s0 =	sadd.s32 $0x8F2B, s0  }
0xcc: {  	[sflag:s0] =	ssyncadd.remote.s32 $0x1  }
0xcd: {  	_ =	sfence.sel $0xFFFF  }
0xce: {  	[dreg:$0x0] =	wrdreg $0xFFFFFFFF;
	(pc) =	sbr.abs _section_cstart, $3  }
0xcf: {  	[dreg:$0x1] =	wrdreg $0xFFFFFFFF  }
0xd0: {  	_ =	task.clear_ibuf [dreg:s22], $0x2FFFF;
	_ =	strace $0x9FFFFFFF  }
0xd1: {  	(tm) =	ssettm $0x7FFFFFFF  }
tec
execute0_lowered:
.L_overlay_start_1:
0x0: {  	(tag) =	ssettag $0x1  }
0x1: {  	s1 =	rddreg [dreg:$0x0]  }
0x2: {  	s0 =	rddreg [dreg:$0x1]  }
0x3: {  	s2 =	srdreg.scid;
	s3 =	simm.s32 $0x0;
	s6 =	stileid.u32  }
0x4: {  	s15 =	simm.s32 $0x3;
	s30 =	simm.s32 $0x1;
	s31 =	simm.s32 $0x4  }
0x5: {  	s22 =	simm.s32 $0x5;
	s24 =	simm.s32 $0x2;
	s2 =	sand.u32 $0x1, s2  }
0x6: {  	[smem:$0x7FF] =	sst s3;
	s4 =	sadd.s32 $0x1B600, s0;
	s5 =	sshll.u32 s2, $0x4  }
0x7: {  	_ =	strace $0x8000004A;
	s2 =	ssub.s32 $0x2, s2;
	s6 =	sor.u32 s6, s5  }
0x8: {  	s5 =	sadd.s32 $0x1CE00, s0;
	s9 =	sshrl.u32 s2, $0x1;
	s7 =	smul.u32 $0xC0, s6  }
0x9: {  	s8 =	sshll.u32 s6, $0xE;
	s10 =	smul.u32 $0xC00, s6;
	s2 =	ssub.s32 s2, s9  }
0xa: {  	s0 =	sadd.s32 s8, s0;
	s29 =	smax.u32 s2, $0x1;
	s25 =	sadd.s32 s4, s7  }
0xb: {  	s7 =	sshll.u32 s6, $0x9;
	s28 =	sadd.s32 s5, s10;
	[dreg:$0x6] =	wrdreg s29  }
0xc: {  	v2 =	vlaneseq.u32;
	s11 =	sadd.s32 $0x34E00, s0;
	s6 =	simm.s32 $0x0;
	[dreg:$0x3] =	wrdreg s25  }
0xd: {  	vm0 =	vmmov $0xffff;
	v1 =	vshrl.u32 v2, $0x3;
	s26 =	sadd.s32 $0xC, s25;
	[dreg:$0x5] =	wrdreg s28;
	s10 =	sor.u32 $0x40, s7  }
0xe: {  	v0 =	vand.u32 $0x7, v2;
	v2 =	vor.u32 $0x8, v2;
	v1 =	vmul.u32 $0x8, v1;
	s12 =	sor.u32 $0x60, s7;
	s25 =	simm.s32 $0x6;
	[dreg:$0x4] =	wrdreg s26  }
.LBB2_1:
0xf: {  	[dreg:$0x7] =	wrdreg s6  }
0x10: {  	s0 =	rddreg [dreg:$0x3]  }
0x11: {  	[tilespmem:s3], [sflag:$0x3] =	stream.linear.gather [hbm4b:s0+s3], $0x60, $0x38;
	[tilespmem:$0x10D00] =	vst v63  }
0x12: {  	s29 =	rddreg [dreg:$0x4];
	s2 =	simm.s32 $0x80  }
0x13: {  	[tilespmem:s2], [sflag:$0x4] =	stream.linear.gather [hbm4b:s29+s3], $0x60, $0x38;
	[tilespmem:$0x10D00] =	vst v63  }
0x14: {  	_ =	swait.ge [sflag:s15], $0x60  }
0x15: {  	[sflag:s15] =	ssyncset.done $0x0  }
0x16: {  	[sflag:s15] =	ssyncadd.s32 $0xFFFFFFA0  }
0x17: {  	v3 =	vld [tilespmem:$0x0];
	_ =	sdelay $0x4  }
0x18: {  	v4 =	vshll.u32 v3, $0x1  }
0x19: {  	v3 =	vand.u32 $0x7, v3;
	v4 =	vand.u32 $0xFFFFFFF0, v4  }
0x1a: {  	v3 =	vor.u32 v3, v4  }
0x1b: {  	v4 =	vperm.xlane v3, v0;
	_ =	sdelay $0x1  }
0x1c: {  	v3 =	vperm.xlane v3, v2;
	v4 =	vadd.s32 v1, v4;
	_ =	sdelay $0x1  }
0x1d: {  	v3 =	vadd.s32 v1, v3;
	_ =	sdelay $0x1  }
0x1e: {  	s6 =	simm.s32 $0xD00  }
0x1f: {  	[tilespmem:s6], [sflag:$0x1] =	stream.indirect_vreg.gather [hbm4b:s1+s3], $0x80, v4, vm0, $0xb8;
	[tilespmem:$0x10D00] =	vst v63  }
0x20: {  	s8 =	simm.s32 $0x1500  }
0x21: {  	[tilespmem:s8], [sflag:$0x1] =	stream.indirect_vreg.gather [hbm4b:s1+s3], $0x80, v3, vm0, $0xb8;
	[tilespmem:$0x10D00] =	vst v63  }
0x22: {  	v3 =	vld [tilespmem:$0x10];
	_ =	sdelay $0x4  }
0x23: {  	v59 =	vshll.u32 v3, $0x1  }
0x24: {  	v3 =	vand.u32 $0x7, v3;
	v4 =	vand.u32 $0xFFFFFFF0, v59  }
0x25: {  	v3 =	vor.u32 v3, v4  }
0x26: {  	v4 =	vperm.xlane v3, v0;
	_ =	sdelay $0x1  }
0x27: {  	v3 =	vperm.xlane v3, v2;
	v4 =	vadd.s32 v1, v4;
	_ =	sdelay $0x1  }
0x28: {  	v3 =	vadd.s32 v1, v3;
	_ =	sdelay $0x1  }
0x29: {  	s9 =	simm.s32 $0x1D00  }
0x2a: {  	[tilespmem:s9], [sflag:$0x1] =	stream.indirect_vreg.gather [hbm4b:s1+s3], $0x80, v4, vm0, $0xb8;
	[tilespmem:$0x10D00] =	vst v63  }
0x2b: {  	s13 =	simm.s32 $0x2500  }
0x2c: {  	[tilespmem:s13], [sflag:$0x1] =	stream.indirect_vreg.gather [hbm4b:s1+s3], $0x80, v3, vm0, $0xb8;
	[tilespmem:$0x10D00] =	vst v63  }
0x2d: {  	v3 =	vld [tilespmem:$0x20];
	_ =	sdelay $0x4  }
0x2e: {  	v60 =	vshll.u32 v3, $0x1  }
0x2f: {  	v3 =	vand.u32 $0x7, v3;
	v4 =	vand.u32 $0xFFFFFFF0, v60  }
0x30: {  	v3 =	vor.u32 v3, v4  }
0x31: {  	v4 =	vperm.xlane v3, v0;
	_ =	sdelay $0x1  }
0x32: {  	v3 =	vperm.xlane v3, v2;
	v4 =	vadd.s32 v1, v4;
	_ =	sdelay $0x1  }
0x33: {  	v3 =	vadd.s32 v1, v3;
	_ =	sdelay $0x1  }
0x34: {  	s14 =	simm.s32 $0x2D00  }
0x35: {  	[tilespmem:s14], [sflag:$0x1] =	stream.indirect_vreg.gather [hbm4b:s1+s3], $0x80, v4, vm0, $0xb8;
	[tilespmem:$0x10D00] =	vst v63  }
0x36: {  	s16 =	simm.s32 $0x3500  }
0x37: {  	[tilespmem:s16], [sflag:$0x1] =	stream.indirect_vreg.gather [hbm4b:s1+s3], $0x80, v3, vm0, $0xb8;
	[tilespmem:$0x10D00] =	vst v63  }
0x38: {  	v3 =	vld [tilespmem:$0x30];
	_ =	sdelay $0x4  }
0x39: {  	v61 =	vshll.u32 v3, $0x1  }
0x3a: {  	v3 =	vand.u32 $0x7, v3;
	v4 =	vand.u32 $0xFFFFFFF0, v61  }
0x3b: {  	v3 =	vor.u32 v3, v4  }
0x3c: {  	v4 =	vperm.xlane v3, v0;
	_ =	sdelay $0x1  }
0x3d: {  	v3 =	vperm.xlane v3, v2;
	v4 =	vadd.s32 v1, v4;
	_ =	sdelay $0x1  }
0x3e: {  	v3 =	vadd.s32 v1, v3;
	_ =	sdelay $0x1  }
0x3f: {  	s17 =	simm.s32 $0x3D00  }
0x40: {  	[tilespmem:s17], [sflag:$0x1] =	stream.indirect_vreg.gather [hbm4b:s1+s3], $0x80, v4, vm0, $0xb8;
	[tilespmem:$0x10D00] =	vst v63  }
0x41: {  	s18 =	simm.s32 $0x4500  }
0x42: {  	[tilespmem:s18], [sflag:$0x1] =	stream.indirect_vreg.gather [hbm4b:s1+s3], $0x80, v3, vm0, $0xb8;
	[tilespmem:$0x10D00] =	vst v63  }
0x43: {  	v3 =	vld [tilespmem:$0x40];
	_ =	sdelay $0x4  }
0x44: {  	v62 =	vshll.u32 v3, $0x1  }
0x45: {  	v3 =	vand.u32 $0x7, v3;
	v4 =	vand.u32 $0xFFFFFFF0, v62  }
0x46: {  	v3 =	vor.u32 v3, v4  }
0x47: {  	v4 =	vperm.xlane v3, v0;
	_ =	sdelay $0x1  }
0x48: {  	v3 =	vperm.xlane v3, v2;
	v4 =	vadd.s32 v1, v4;
	_ =	sdelay $0x1  }
0x49: {  	v3 =	vadd.s32 v1, v3;
	_ =	sdelay $0x1  }
0x4a: {  	s19 =	simm.s32 $0x4D00  }
0x4b: {  	[tilespmem:s19], [sflag:$0x1] =	stream.indirect_vreg.gather [hbm4b:s1+s3], $0x80, v4, vm0, $0xb8;
	[tilespmem:$0x10D00] =	vst v63  }
0x4c: {  	s20 =	simm.s32 $0x5500  }
0x4d: {  	[tilespmem:s20], [sflag:$0x1] =	stream.indirect_vreg.gather [hbm4b:s1+s3], $0x80, v3, vm0, $0xb8;
	[tilespmem:$0x10D00] =	vst v63  }
0x4e: {  	v3 =	vld [tilespmem:$0x50];
	_ =	sdelay $0x4  }
0x4f: {  	v63 =	vshll.u32 v3, $0x1  }
0x50: {  	v3 =	vand.u32 $0x7, v3;
	v4 =	vand.u32 $0xFFFFFFF0, v63  }
0x51: {  	v3 =	vor.u32 v3, v4  }
0x52: {  	v4 =	vperm.xlane v3, v0;
	_ =	sdelay $0x1  }
0x53: {  	v3 =	vperm.xlane v3, v2;
	v4 =	vadd.s32 v1, v4;
	_ =	sdelay $0x1  }
0x54: {  	v3 =	vadd.s32 v1, v3;
	_ =	sdelay $0x1  }
0x55: {  	s21 =	simm.s32 $0x5D00  }
0x56: {  	[tilespmem:s21], [sflag:$0x1] =	stream.indirect_vreg.gather [hbm4b:s1+s3], $0x80, v4, vm0, $0xb8;
	[tilespmem:$0x10D00] =	vst v63  }
0x57: {  	s23 =	simm.s32 $0x6500  }
0x58: {  	[tilespmem:s23], [sflag:$0x1] =	stream.indirect_vreg.gather [hbm4b:s1+s3], $0x80, v3, vm0, $0xb8;
	[tilespmem:$0x10D00] =	vst v63  }
0x59: {  	s28 =	simm.s32 $0x0;
	s29 =	simm.s32 $0x100;
	s26 =	rddreg [dreg:$0x5]  }
0x5a: {  	[tilespmem:s29], [sflag:$0x5] =	stream.linear.gather [hbm4b:s26+s3], $0x600, $0x38;
	[tilespmem:$0x10D00] =	vst v63  }
.LBB2_2:
0x5b: {  	p0 =	seq.s32 s28, $0x7  }
0x5c: {  	s29 =	sshll.u32 @!p0 s28, $0x6  }
0x5d: {  	s0 =	sadd.s32 @!p0 s29, s10  }
0x5e: {  	s0 =	smul.u32 @!p0 $0x3, s0  }
0x5f: {  	_ =	swait.ge [sflag:s30], $0x6000  }
0x60: {  	[sflag:s30] =	ssyncset.done $0x0;
	s0 =	sshrl.u32 @!p0 s0, $0x3  }
0x61: {  	s2 =	simm.s32 @!p0 $0x0;
	[sflag:s30] =	ssyncadd.s32 $0xFFFFA000;
	s0 =	sadd.s32 @!p0 s4, s0  }
0x62: {  	[tilespmem:s2], [sflag:$0x3] =	stream.linear.gather @!p0 [hbm4b:s0+s2], $0x60, $0x38;
	[tilespmem:$0x10D00] =	vst v63  }
0x63: {  	_ =	swait.ge [sflag:s31], $0x60  }
0x64: {  	[sflag:s31] =	ssyncset.done $0x0  }
0x65: {  	[sflag:s31] =	ssyncadd.s32 $0xFFFFFFA0  }
0x66: {  	v3 =	vld [tilespmem:$0x80];
	_ =	sdelay $0x4  }
0x67: {  	v4 =	vshll.u32 v3, $0x1  }
0x68: {  	v3 =	vand.u32 $0x7, v3;
	v4 =	vand.u32 $0xFFFFFFF0, v4  }
0x69: {  	v3 =	vor.u32 v3, v4  }
0x6a: {  	v4 =	vperm.xlane v3, v0;
	_ =	sdelay $0x1  }
0x6b: {  	v3 =	vperm.xlane v3, v2;
	v4 =	vadd.s32 v1, v4;
	_ =	sdelay $0x1  }
0x6c: {  	v3 =	vadd.s32 v1, v3;
	_ =	sdelay $0x1  }
0x6d: {  	s18 =	simm.s32 $0x6D00  }
0x6e: {  	[tilespmem:s18], [sflag:$0x2] =	stream.indirect_vreg.gather [hbm4b:s1+s3], $0x80, v4, vm0, $0xb8;
	[tilespmem:$0x10D00] =	vst v63  }
0x6f: {  	s19 =	simm.s32 $0x7500  }
0x70: {  	[tilespmem:s19], [sflag:$0x2] =	stream.indirect_vreg.gather [hbm4b:s1+s3], $0x80, v3, vm0, $0xb8;
	[tilespmem:$0x10D00] =	vst v63  }
0x71: {  	v3 =	vld [tilespmem:$0x90];
	_ =	sdelay $0x4  }
0x72: {  	v4 =	vshll.u32 v3, $0x1  }
0x73: {  	v3 =	vand.u32 $0x7, v3;
	v4 =	vand.u32 $0xFFFFFFF0, v4  }
0x74: {  	v3 =	vor.u32 v3, v4  }
0x75: {  	v4 =	vperm.xlane v3, v0;
	_ =	sdelay $0x1  }
0x76: {  	v3 =	vperm.xlane v3, v2;
	v4 =	vadd.s32 v1, v4;
	_ =	sdelay $0x1  }
0x77: {  	v3 =	vadd.s32 v1, v3;
	_ =	sdelay $0x1  }
0x78: {  	s20 =	simm.s32 $0x7D00  }
0x79: {  	[tilespmem:s20], [sflag:$0x2] =	stream.indirect_vreg.gather [hbm4b:s1+s3], $0x80, v4, vm0, $0xb8;
	[tilespmem:$0x10D00] =	vst v63  }
0x7a: {  	s21 =	simm.s32 $0x8500  }
0x7b: {  	[tilespmem:s21], [sflag:$0x2] =	stream.indirect_vreg.gather [hbm4b:s1+s3], $0x80, v3, vm0, $0xb8;
	[tilespmem:$0x10D00] =	vst v63  }
0x7c: {  	v3 =	vld [tilespmem:$0xA0];
	_ =	sdelay $0x4  }
0x7d: {  	v4 =	vshll.u32 v3, $0x1  }
0x7e: {  	v3 =	vand.u32 $0x7, v3;
	v4 =	vand.u32 $0xFFFFFFF0, v4  }
0x7f: {  	v3 =	vor.u32 v3, v4  }
0x80: {  	v4 =	vperm.xlane v3, v0;
	_ =	sdelay $0x1  }
0x81: {  	v3 =	vperm.xlane v3, v2;
	v4 =	vadd.s32 v1, v4;
	_ =	sdelay $0x1  }
0x82: {  	v3 =	vadd.s32 v1, v3;
	_ =	sdelay $0x1  }
0x83: {  	s23 =	simm.s32 $0x8D00  }
0x84: {  	[tilespmem:s23], [sflag:$0x2] =	stream.indirect_vreg.gather [hbm4b:s1+s3], $0x80, v4, vm0, $0xb8;
	[tilespmem:$0x10D00] =	vst v63  }
0x85: {  	s26 =	simm.s32 $0x9500  }
0x86: {  	[tilespmem:s26], [sflag:$0x2] =	stream.indirect_vreg.gather [hbm4b:s1+s3], $0x80, v3, vm0, $0xb8;
	[tilespmem:$0x10D00] =	vst v63  }
0x87: {  	v3 =	vld [tilespmem:$0xB0];
	_ =	sdelay $0x4  }
0x88: {  	v4 =	vshll.u32 v3, $0x1  }
0x89: {  	v3 =	vand.u32 $0x7, v3;
	v4 =	vand.u32 $0xFFFFFFF0, v4  }
0x8a: {  	v3 =	vor.u32 v3, v4  }
0x8b: {  	v4 =	vperm.xlane v3, v0;
	_ =	sdelay $0x1  }
0x8c: {  	v3 =	vperm.xlane v3, v2;
	v4 =	vadd.s32 v1, v4;
	_ =	sdelay $0x1  }
0x8d: {  	v3 =	vadd.s32 v1, v3;
	_ =	sdelay $0x1  }
0x8e: {  	s2 =	simm.s32 $0x9D00  }
0x8f: {  	[tilespmem:s2], [sflag:$0x2] =	stream.indirect_vreg.gather [hbm4b:s1+s3], $0x80, v4, vm0, $0xb8;
	[tilespmem:$0x10D00] =	vst v63  }
0x90: {  	s6 =	simm.s32 $0xA500  }
0x91: {  	[tilespmem:s6], [sflag:$0x2] =	stream.indirect_vreg.gather [hbm4b:s1+s3], $0x80, v3, vm0, $0xb8;
	[tilespmem:$0x10D00] =	vst v63  }
0x92: {  	v3 =	vld [tilespmem:$0xC0];
	_ =	sdelay $0x4  }
0x93: {  	v4 =	vshll.u32 v3, $0x1  }
0x94: {  	v3 =	vand.u32 $0x7, v3;
	v4 =	vand.u32 $0xFFFFFFF0, v4  }
0x95: {  	v3 =	vor.u32 v3, v4  }
0x96: {  	v4 =	vperm.xlane v3, v0;
	_ =	sdelay $0x1  }
0x97: {  	v3 =	vperm.xlane v3, v2;
	v4 =	vadd.s32 v1, v4;
	_ =	sdelay $0x1  }
0x98: {  	v3 =	vadd.s32 v1, v3;
	_ =	sdelay $0x1  }
0x99: {  	s8 =	simm.s32 $0xAD00  }
0x9a: {  	[tilespmem:s8], [sflag:$0x2] =	stream.indirect_vreg.gather [hbm4b:s1+s3], $0x80, v4, vm0, $0xb8;
	[tilespmem:$0x10D00] =	vst v63  }
0x9b: {  	s9 =	simm.s32 $0xB500  }
0x9c: {  	[tilespmem:s9], [sflag:$0x2] =	stream.indirect_vreg.gather [hbm4b:s1+s3], $0x80, v3, vm0, $0xb8;
	[tilespmem:$0x10D00] =	vst v63  }
0x9d: {  	v3 =	vld [tilespmem:$0xD0];
	_ =	sdelay $0x4  }
0x9e: {  	v4 =	vshll.u32 v3, $0x1  }
0x9f: {  	v3 =	vand.u32 $0x7, v3;
	v4 =	vand.u32 $0xFFFFFFF0, v4  }
0xa0: {  	v3 =	vor.u32 v3, v4  }
0xa1: {  	v4 =	vperm.xlane v3, v0;
	_ =	sdelay $0x1  }
0xa2: {  	v3 =	vperm.xlane v3, v2;
	v4 =	vadd.s32 v1, v4;
	_ =	sdelay $0x1  }
0xa3: {  	s29 =	simm.s32 @p0 $0x1C0;
	v3 =	vadd.s32 v1, v3  }
0xa4: {  	s14 =	sadd.s32 s29, s7  }
0xa5: {  	s13 =	simm.s32 $0xBD00;
	s0 =	smul.u32 $0x6, s14  }
0xa6: {  	[tilespmem:s13], [sflag:$0x2] =	stream.indirect_vreg.gather [hbm4b:s1+s3], $0x80, v4, vm0, $0xb8;
	[tilespmem:$0x10D00] =	vst v63  }
0xa7: {  	s16 =	simm.s32 $0xC500;
	s0 =	sadd.s32 s5, s0  }
0xa8: {  	[tilespmem:s16], [sflag:$0x2] =	stream.indirect_vreg.gather [hbm4b:s1+s3], $0x80, v3, vm0, $0xb8;
	[tilespmem:$0x10D00] =	vst v63  }
0xa9: {  	s17 =	simm.s32 $0x700;
	s0 =	sadd.s32 $0xC0, s0  }
0xaa: {  	[tilespmem:s17], [sflag:$0x6] =	stream.linear.gather [hbm4b:s0+s3], $0x600, $0x38;
	[tilespmem:$0x10D00] =	vst v63  }
0xab: {  	_ =	swait.ge [sflag:s22], $0x600  }
0xac: {  	p1 =	seq.s32 s28, $0x0;
	[sflag:s22] =	ssyncset.done $0x0  }
0xad: {  	s0 =	simm.s32 @!p1 $0x7;
	[sflag:s22] =	ssyncadd.s32 $0xFFFFFA00  }
0xae: {  	s20 =	simm.s32 $0x100;
	s8 =	simm.s32 $0x0;
	_ =	swait.ge @!p1 [sflag:s0], $0x2000  }
0xaf: {  	s18 =	sand.u32 $0x7800, s8;
	s19 =	sand.u32 $0x380, s8;
	[sflag:s0] =	ssyncset.done @!p1 $0x0  }
0xb0: {  	s6 =	simm.s32 $0x80;
	[sflag:s0] =	ssyncadd.s32 @!p1 $0xFFFFE000;
	s0 =	sor.u32 s19, s18  }
0xb1: {  	s2 =	sand.u32 $0xF800, s20;
	s6 =	sand.u32 $0x380, s6;
	s9 =	simm.s32 $0x110;
	v6 =	vld [tilespmem:s0+$0xD00]  }
0xb2: {  	s2 =	sor.u32 s6, s2;
	v3 =	vld [tilespmem:s9+$0xFFFFFFF0]  }
0xb3: {  	s21 =	simm.s32 $0x100;
	s13 =	simm.s32 $0x200;
	v7 =	vld [tilespmem:s2+$0xD00]  }
0xb4: {  	s6 =	sand.u32 $0x380, s21;
	s13 =	sand.u32 $0xF800, s13;
	v5 =	vld [tilespmem:s9+$0x0]  }
0xb5: {  	s14 =	sor.u32 s6, s13;
	v4 =	vld [tilespmem:s9+$0x10]  }
0xb6: {  	v8 =	vld [tilespmem:s14+$0xD00];
	_ =	sdelay $0x2  }
0xb7: {  	v6 =	vmul.f32 v6, v3;
	v7 =	vmul.f32 v7, v5;
	_ =	sdelay $0x1  }
0xb8: {  	v6 =	vadd.f32 v7, v6;
	v7 =	vmul.f32 v8, v4;
	_ =	sdelay $0x1  }
0xb9: {  	s23 =	sand.u32 $0x1800, s8;
	s26 =	sand.u32 $0x380, s8;
	v6 =	vadd.f32 v7, v6  }
0xba: {  	s9 =	sor.u32 s26, s23  }
0xbb: {  	[tilespmem:s9+$0xCD00] =	vst v6  }
0xbc: {  	v6 =	vld [tilespmem:s0+$0xD10]  }
0xbd: {  	v7 =	vld [tilespmem:s2+$0xD10];
	_ =	sdelay $0x1  }
0xbe: {  	v8 =	vld [tilespmem:s14+$0xD10];
	_ =	sdelay $0x2  }
0xbf: {  	v6 =	vmul.f32 v6, v3;
	v7 =	vmul.f32 v7, v5;
	_ =	sdelay $0x1  }
0xc0: {  	v6 =	vadd.f32 v7, v6;
	v7 =	vmul.f32 v8, v4;
	_ =	sdelay $0x1  }
0xc1: {  	v6 =	vadd.f32 v7, v6;
	_ =	sdelay $0x1  }
0xc2: {  	[tilespmem:s9+$0xCD10] =	vst v6  }
0xc3: {  	v6 =	vld [tilespmem:s0+$0xD20]  }
0xc4: {  	v7 =	vld [tilespmem:s2+$0xD20];
	_ =	sdelay $0x1  }
0xc5: {  	v8 =	vld [tilespmem:s14+$0xD20];
	_ =	sdelay $0x2  }
0xc6: {  	v6 =	vmul.f32 v6, v3;
	v7 =	vmul.f32 v7, v5;
	_ =	sdelay $0x1  }
0xc7: {  	v6 =	vadd.f32 v7, v6;
	v7 =	vmul.f32 v8, v4;
	_ =	sdelay $0x1  }
0xc8: {  	v6 =	vadd.f32 v7, v6;
	_ =	sdelay $0x1  }
0xc9: {  	[tilespmem:s9+$0xCD20] =	vst v6  }
0xca: {  	v6 =	vld [tilespmem:s0+$0xD30]  }
0xcb: {  	v7 =	vld [tilespmem:s2+$0xD30];
	_ =	sdelay $0x1  }
0xcc: {  	v8 =	vld [tilespmem:s14+$0xD30];
	_ =	sdelay $0x2  }
0xcd: {  	v6 =	vmul.f32 v6, v3;
	v7 =	vmul.f32 v7, v5;
	_ =	sdelay $0x1  }
0xce: {  	v6 =	vadd.f32 v7, v6;
	v7 =	vmul.f32 v8, v4;
	_ =	sdelay $0x1  }
0xcf: {  	v6 =	vadd.f32 v7, v6;
	_ =	sdelay $0x1  }
0xd0: {  	[tilespmem:s9+$0xCD30] =	vst v6  }
0xd1: {  	v6 =	vld [tilespmem:s0+$0xD40]  }
0xd2: {  	v7 =	vld [tilespmem:s2+$0xD40];
	_ =	sdelay $0x1  }
0xd3: {  	v8 =	vld [tilespmem:s14+$0xD40];
	_ =	sdelay $0x2  }
0xd4: {  	v6 =	vmul.f32 v6, v3;
	v7 =	vmul.f32 v7, v5;
	_ =	sdelay $0x1  }
0xd5: {  	v6 =	vadd.f32 v7, v6;
	v7 =	vmul.f32 v8, v4;
	_ =	sdelay $0x1  }
0xd6: {  	v6 =	vadd.f32 v7, v6;
	_ =	sdelay $0x1  }
0xd7: {  	[tilespmem:s9+$0xCD40] =	vst v6  }
0xd8: {  	v6 =	vld [tilespmem:s0+$0xD50]  }
0xd9: {  	v7 =	vld [tilespmem:s2+$0xD50];
	_ =	sdelay $0x1  }
0xda: {  	v8 =	vld [tilespmem:s14+$0xD50];
	_ =	sdelay $0x2  }
0xdb: {  	v6 =	vmul.f32 v6, v3;
	v7 =	vmul.f32 v7, v5;
	_ =	sdelay $0x1  }
0xdc: {  	v6 =	vadd.f32 v7, v6;
	v7 =	vmul.f32 v8, v4;
	_ =	sdelay $0x1  }
0xdd: {  	v6 =	vadd.f32 v7, v6;
	_ =	sdelay $0x1  }
0xde: {  	[tilespmem:s9+$0xCD50] =	vst v6  }
0xdf: {  	v6 =	vld [tilespmem:s0+$0xD60]  }
0xe0: {  	v7 =	vld [tilespmem:s2+$0xD60];
	_ =	sdelay $0x1  }
0xe1: {  	v8 =	vld [tilespmem:s14+$0xD60];
	_ =	sdelay $0x2  }
0xe2: {  	v6 =	vmul.f32 v6, v3;
	v7 =	vmul.f32 v7, v5;
	_ =	sdelay $0x1  }
0xe3: {  	v6 =	vadd.f32 v7, v6;
	v7 =	vmul.f32 v8, v4;
	_ =	sdelay $0x1  }
0xe4: {  	v6 =	vadd.f32 v7, v6;
	_ =	sdelay $0x1  }
0xe5: {  	[tilespmem:s9+$0xCD60] =	vst v6  }
0xe6: {  	v6 =	vld [tilespmem:s0+$0xD70]  }
0xe7: {  	v7 =	vld [tilespmem:s2+$0xD70];
	_ =	sdelay $0x1  }
0xe8: {  	v8 =	vld [tilespmem:s14+$0xD70];
	_ =	sdelay $0x2  }
0xe9: {  	v6 =	vmul.f32 v6, v3;
	v7 =	vmul.f32 v7, v5;
	_ =	sdelay $0x1  }
0xea: {  	v6 =	vadd.f32 v7, v6;
	v7 =	vmul.f32 v8, v4;
	_ =	sdelay $0x1  }
0xeb: {  	v6 =	vadd.f32 v7, v6;
	_ =	sdelay $0x1  }
0xec: {  	[tilespmem:s9+$0xCD70] =	vst v6  }
0xed: {  	v6 =	vld [tilespmem:s0+$0x1100]  }
0xee: {  	v7 =	vld [tilespmem:s2+$0x1100];
	_ =	sdelay $0x1  }
0xef: {  	v8 =	vld [tilespmem:s14+$0x1100];
	_ =	sdelay $0x2  }
0xf0: {  	v6 =	vmul.f32 v6, v3;
	v7 =	vmul.f32 v7, v5;
	_ =	sdelay $0x1  }
0xf1: {  	v6 =	vadd.f32 v7, v6;
	v7 =	vmul.f32 v8, v4;
	_ =	sdelay $0x1  }
0xf2: {  	v6 =	vadd.f32 v7, v6;
	_ =	sdelay $0x1  }
0xf3: {  	[tilespmem:s9+$0xD100] =	vst v6  }
0xf4: {  	v6 =	vld [tilespmem:s0+$0x1110]  }
0xf5: {  	v7 =	vld [tilespmem:s2+$0x1110];
	_ =	sdelay $0x1  }
0xf6: {  	v8 =	vld [tilespmem:s14+$0x1110];
	_ =	sdelay $0x2  }
0xf7: {  	v6 =	vmul.f32 v6, v3;
	v7 =	vmul.f32 v7, v5;
	_ =	sdelay $0x1  }
0xf8: {  	v6 =	vadd.f32 v7, v6;
	v7 =	vmul.f32 v8, v4;
	_ =	sdelay $0x1  }
0xf9: {  	v6 =	vadd.f32 v7, v6;
	_ =	sdelay $0x1  }
0xfa: {  	[tilespmem:s9+$0xD110] =	vst v6  }
0xfb: {  	v6 =	vld [tilespmem:s0+$0x1120]  }
0xfc: {  	v7 =	vld [tilespmem:s2+$0x1120];
	_ =	sdelay $0x1  }
0xfd: {  	v8 =	vld [tilespmem:s14+$0x1120];
	_ =	sdelay $0x2  }
0xfe: {  	v6 =	vmul.f32 v6, v3;
	v7 =	vmul.f32 v7, v5;
	_ =	sdelay $0x1  }
0xff: {  	v6 =	vadd.f32 v7, v6;
	v7 =	vmul.f32 v8, v4;
	_ =	sdelay $0x1  }
0x100: {  	v6 =	vadd.f32 v7, v6;
	_ =	sdelay $0x1  }
0x101: {  	[tilespmem:s9+$0xD120] =	vst v6  }
0x102: {  	v6 =	vld [tilespmem:s0+$0x1130]  }
0x103: {  	v7 =	vld [tilespmem:s2+$0x1130];
	_ =	sdelay $0x1  }
0x104: {  	v8 =	vld [tilespmem:s14+$0x1130];
	_ =	sdelay $0x2  }
0x105: {  	v6 =	vmul.f32 v6, v3;
	v7 =	vmul.f32 v7, v5;
	_ =	sdelay $0x1  }
0x106: {  	v6 =	vadd.f32 v7, v6;
	v7 =	vmul.f32 v8, v4;
	_ =	sdelay $0x1  }
0x107: {  	v6 =	vadd.f32 v7, v6;
	_ =	sdelay $0x1  }
0x108: {  	[tilespmem:s9+$0xD130] =	vst v6  }
0x109: {  	v7 =	vld [tilespmem:s0+$0x1140]  }
0x10a: {  	v8 =	vld [tilespmem:s2+$0x1140];
	_ =	sdelay $0x1  }
0x10b: {  	s13 =	sshll.u32 s28, $0x1;
	s6 =	simm.s32 $0x180;
	v6 =	vld [tilespmem:s14+$0x1140]  }
0x10c: {  	s16 =	simm.s32 $0x140;
	s17 =	simm.s32 $0x0;
	s18 =	simm.s32 $0x0  }
.LBB2_3:
0x10d: {  	s8 =	sadd.s32 $0x80, s8;
	s17 =	sadd.s32 $0x100, s17;
	s18 =	sadd.s32 $0x300, s18  }
0x10e: {  	p2 =	sne.s32 s6, $0x2E80;
	v7 =	vmul.f32 v7, v3;
	s19 =	smov.u32 s6;
	s6 =	sadd.s32 $0x180, s6;
	v8 =	vmul.f32 v8, v5  }
0x10f: {  	_ = 	snop  }
0x110: {  	v6 =	vmul.f32 v6, v4;
	v7 =	vadd.f32 v8, v7;
	_ =	sdelay $0x1  }
0x111: {  	v6 =	vadd.f32 v6, v7;
	_ =	sdelay $0x1  }
0x112: {  	[tilespmem:s9+$0xD140] =	vst v6  }
0x113: {  	v6 =	vld [tilespmem:s0+$0x1150]  }
0x114: {  	v7 =	vld [tilespmem:s2+$0x1150]  }
0x115: {  	v8 =	vld [tilespmem:s14+$0x1150];
	_ =	sdelay $0x2  }
0x116: {  	v6 =	vmul.f32 v6, v3  }
0x117: {  	v7 =	vmul.f32 v7, v5  }
0x118: {  	s20 =	sand.u32 $0x7800, s18;
	s21 =	sand.u32 $0x380, s19;
	s23 =	sadd.s32 $0x100, s19  }
0x119: {  	s19 =	sadd.s32 $0x80, s19;
	s20 =	sor.u32 s21, s20;
	s21 =	sadd.s32 $0x100, s18;
	v6 =	vadd.f32 v7, v6;
	v7 =	vmul.f32 v8, v4  }
0x11a: {  	s26 =	sadd.s32 $0x200, s18;
	s19 =	sand.u32 $0x380, s19;
	s21 =	sand.u32 $0xF800, s21  }
0x11b: {  	s23 =	sand.u32 $0x380, s23;
	s19 =	sor.u32 s19, s21;
	s21 =	sand.u32 $0xF800, s26;
	v6 =	vadd.f32 v7, v6  }
0x11c: {  	s21 =	sor.u32 s23, s21  }
0x11d: {  	[tilespmem:s9+$0xD150] =	vst v6  }
0x11e: {  	v6 =	vld [tilespmem:s0+$0x1160]  }
0x11f: {  	v7 =	vld [tilespmem:s2+$0x1160]  }
0x120: {  	v8 =	vld [tilespmem:s14+$0x1160];
	_ =	sdelay $0x2  }
0x121: {  	v6 =	vmul.f32 v6, v3  }
0x122: {  	v7 =	vmul.f32 v7, v5;
	_ =	sdelay $0x1  }
0x123: {  	v6 =	vadd.f32 v7, v6;
	v7 =	vmul.f32 v8, v4;
	_ =	sdelay $0x1  }
0x124: {  	v6 =	vadd.f32 v7, v6;
	_ =	sdelay $0x1  }
0x125: {  	[tilespmem:s9+$0xD160] =	vst v6  }
0x126: {  	v6 =	vld [tilespmem:s0+$0x1170];
	s0 =	smov.u32 s20  }
0x127: {  	v7 =	vld [tilespmem:s2+$0x1170];
	s2 =	smov.u32 s19  }
0x128: {  	v8 =	vld [tilespmem:s14+$0x1170];
	s14 =	smov.u32 s21;
	_ =	sdelay $0x2  }
0x129: {  	v3 =	vmul.f32 v6, v3  }
0x12a: {  	v5 =	vmul.f32 v7, v5;
	_ =	sdelay $0x1  }
0x12b: {  	v4 =	vmul.f32 v8, v4;
	v3 =	vadd.f32 v5, v3;
	_ =	sdelay $0x1  }
0x12c: {  	v3 =	vadd.f32 v4, v3;
	_ =	sdelay $0x1  }
0x12d: {  	[tilespmem:s9+$0xD170] =	vst v3  }
0x12e: {  	v6 =	vld [tilespmem:s0+$0xD00]  }
0x12f: {  	v3 =	vld [tilespmem:s16+$0xFFFFFFF0]  }
0x130: {  	v7 =	vld [tilespmem:s2+$0xD00]  }
0x131: {  	v5 =	vld [tilespmem:s16+$0x0]  }
0x132: {  	v4 =	vld [tilespmem:s16+$0x10]  }
0x133: {  	v8 =	vld [tilespmem:s14+$0xD00];
	_ =	sdelay $0x1  }
0x134: {  	v6 =	vmul.f32 v6, v3  }
0x135: {  	v7 =	vmul.f32 v7, v5;
	_ =	sdelay $0x1  }
0x136: {  	v6 =	vadd.f32 v7, v6;
	v7 =	vmul.f32 v8, v4;
	_ =	sdelay $0x1  }
0x137: {  	s19 =	sand.u32 $0x380, s8;
	s9 =	sand.u32 $0x1800, s17;
	v6 =	vadd.f32 v7, v6  }
0x138: {  	s9 =	sor.u32 s19, s9  }
0x139: {  	[tilespmem:s9+$0xCD00] =	vst v6  }
0x13a: {  	v6 =	vld [tilespmem:s0+$0xD10]  }
0x13b: {  	v7 =	vld [tilespmem:s2+$0xD10];
	_ =	sdelay $0x1  }
0x13c: {  	v8 =	vld [tilespmem:s14+$0xD10];
	_ =	sdelay $0x1  }
0x13d: {  	v6 =	vmul.f32 v6, v3  }
0x13e: {  	v7 =	vmul.f32 v7, v5;
	_ =	sdelay $0x1  }
0x13f: {  	v6 =	vadd.f32 v7, v6;
	v7 =	vmul.f32 v8, v4;
	_ =	sdelay $0x1  }
0x140: {  	v6 =	vadd.f32 v7, v6;
	_ =	sdelay $0x1  }
0x141: {  	[tilespmem:s9+$0xCD10] =	vst v6  }
0x142: {  	v6 =	vld [tilespmem:s0+$0xD20]  }
0x143: {  	v7 =	vld [tilespmem:s2+$0xD20];
	_ =	sdelay $0x1  }
0x144: {  	v8 =	vld [tilespmem:s14+$0xD20];
	_ =	sdelay $0x1  }
0x145: {  	v6 =	vmul.f32 v6, v3  }
0x146: {  	v7 =	vmul.f32 v7, v5;
	_ =	sdelay $0x1  }
0x147: {  	v6 =	vadd.f32 v7, v6;
	v7 =	vmul.f32 v8, v4;
	_ =	sdelay $0x1  }
0x148: {  	v6 =	vadd.f32 v7, v6;
	_ =	sdelay $0x1  }
0x149: {  	[tilespmem:s9+$0xCD20] =	vst v6  }
0x14a: {  	v6 =	vld [tilespmem:s0+$0xD30]  }
0x14b: {  	v7 =	vld [tilespmem:s2+$0xD30]  }
0x14c: {  	v8 =	vld [tilespmem:s14+$0xD30];
	_ =	sdelay $0x2  }
0x14d: {  	v6 =	vmul.f32 v6, v3  }
0x14e: {  	v7 =	vmul.f32 v7, v5;
	_ =	sdelay $0x1  }
0x14f: {  	v6 =	vadd.f32 v7, v6;
	v7 =	vmul.f32 v8, v4;
	_ =	sdelay $0x1  }
0x150: {  	v6 =	vadd.f32 v7, v6;
	_ =	sdelay $0x1  }
0x151: {  	[tilespmem:s9+$0xCD30] =	vst v6  }
0x152: {  	v6 =	vld [tilespmem:s0+$0xD40]  }
0x153: {  	v7 =	vld [tilespmem:s2+$0xD40]  }
0x154: {  	v8 =	vld [tilespmem:s14+$0xD40];
	_ =	sdelay $0x2  }
0x155: {  	v6 =	vmul.f32 v6, v3  }
0x156: {  	v7 =	vmul.f32 v7, v5;
	_ =	sdelay $0x1  }
0x157: {  	v6 =	vadd.f32 v7, v6;
	v7 =	vmul.f32 v8, v4;
	_ =	sdelay $0x1  }
0x158: {  	v6 =	vadd.f32 v7, v6;
	_ =	sdelay $0x1  }
0x159: {  	[tilespmem:s9+$0xCD40] =	vst v6  }
0x15a: {  	v6 =	vld [tilespmem:s0+$0xD50]  }
0x15b: {  	v7 =	vld [tilespmem:s2+$0xD50]  }
0x15c: {  	v8 =	vld [tilespmem:s14+$0xD50];
	_ =	sdelay $0x2  }
0x15d: {  	v6 =	vmul.f32 v6, v3  }
0x15e: {  	v7 =	vmul.f32 v7, v5;
	_ =	sdelay $0x1  }
0x15f: {  	v6 =	vadd.f32 v7, v6;
	v7 =	vmul.f32 v8, v4;
	_ =	sdelay $0x1  }
0x160: {  	v6 =	vadd.f32 v7, v6;
	_ =	sdelay $0x1  }
0x161: {  	[tilespmem:s9+$0xCD50] =	vst v6  }
0x162: {  	v6 =	vld [tilespmem:s0+$0xD60]  }
0x163: {  	v7 =	vld [tilespmem:s2+$0xD60]  }
0x164: {  	v8 =	vld [tilespmem:s14+$0xD60];
	_ =	sdelay $0x2  }
0x165: {  	v6 =	vmul.f32 v6, v3  }
0x166: {  	v7 =	vmul.f32 v7, v5;
	_ =	sdelay $0x1  }
0x167: {  	v6 =	vadd.f32 v7, v6;
	v7 =	vmul.f32 v8, v4;
	_ =	sdelay $0x1  }
0x168: {  	v6 =	vadd.f32 v7, v6;
	_ =	sdelay $0x1  }
0x169: {  	[tilespmem:s9+$0xCD60] =	vst v6  }
0x16a: {  	v6 =	vld [tilespmem:s0+$0xD70]  }
0x16b: {  	v7 =	vld [tilespmem:s2+$0xD70]  }
0x16c: {  	v8 =	vld [tilespmem:s14+$0xD70];
	_ =	sdelay $0x2  }
0x16d: {  	v6 =	vmul.f32 v6, v3  }
0x16e: {  	v7 =	vmul.f32 v7, v5;
	_ =	sdelay $0x1  }
0x16f: {  	v6 =	vadd.f32 v7, v6;
	v7 =	vmul.f32 v8, v4;
	_ =	sdelay $0x1  }
0x170: {  	v6 =	vadd.f32 v7, v6;
	_ =	sdelay $0x1  }
0x171: {  	[tilespmem:s9+$0xCD70] =	vst v6  }
0x172: {  	v6 =	vld [tilespmem:s0+$0x1100]  }
0x173: {  	v7 =	vld [tilespmem:s2+$0x1100]  }
0x174: {  	v8 =	vld [tilespmem:s14+$0x1100];
	_ =	sdelay $0x2  }
0x175: {  	v6 =	vmul.f32 v6, v3  }
0x176: {  	v7 =	vmul.f32 v7, v5;
	_ =	sdelay $0x1  }
0x177: {  	v6 =	vadd.f32 v7, v6;
	v7 =	vmul.f32 v8, v4;
	_ =	sdelay $0x1  }
0x178: {  	v6 =	vadd.f32 v7, v6;
	_ =	sdelay $0x1  }
0x179: {  	[tilespmem:s9+$0xD100] =	vst v6  }
0x17a: {  	v6 =	vld [tilespmem:s0+$0x1110]  }
0x17b: {  	v7 =	vld [tilespmem:s2+$0x1110]  }
0x17c: {  	v8 =	vld [tilespmem:s14+$0x1110];
	_ =	sdelay $0x2  }
0x17d: {  	v6 =	vmul.f32 v6, v3  }
0x17e: {  	v7 =	vmul.f32 v7, v5;
	_ =	sdelay $0x1  }
0x17f: {  	v6 =	vadd.f32 v7, v6;
	v7 =	vmul.f32 v8, v4;
	_ =	sdelay $0x1  }
0x180: {  	v6 =	vadd.f32 v7, v6;
	_ =	sdelay $0x1  }
0x181: {  	[tilespmem:s9+$0xD110] =	vst v6  }
0x182: {  	v6 =	vld [tilespmem:s0+$0x1120]  }
0x183: {  	v7 =	vld [tilespmem:s2+$0x1120]  }
0x184: {  	v8 =	vld [tilespmem:s14+$0x1120];
	_ =	sdelay $0x2  }
0x185: {  	v6 =	vmul.f32 v6, v3  }
0x186: {  	v7 =	vmul.f32 v7, v5;
	_ =	sdelay $0x1  }
0x187: {  	v6 =	vadd.f32 v7, v6;
	v7 =	vmul.f32 v8, v4;
	_ =	sdelay $0x1  }
0x188: {  	v6 =	vadd.f32 v7, v6;
	_ =	sdelay $0x1  }
0x189: {  	[tilespmem:s9+$0xD120] =	vst v6  }
0x18a: {  	v6 =	vld [tilespmem:s0+$0x1130]  }
0x18b: {  	v7 =	vld [tilespmem:s2+$0x1130]  }
0x18c: {  	v8 =	vld [tilespmem:s14+$0x1130];
	_ =	sdelay $0x2  }
0x18d: {  	v6 =	vmul.f32 v6, v3  }
0x18e: {  	v7 =	vmul.f32 v7, v5;
	_ =	sdelay $0x1  }
0x18f: {  	v6 =	vadd.f32 v7, v6;
	v7 =	vmul.f32 v8, v4;
	_ =	sdelay $0x1  }
0x190: {  	v6 =	vadd.f32 v7, v6;
	_ =	sdelay $0x1  }
0x191: {  	[tilespmem:s9+$0xD130] =	vst v6  }
.Ltmp0:
0x192: {  	v7 =	vld [tilespmem:s0+$0x1140];
	(pc) =	sbr.rel @p2 .LBB2_3-.Ltmp0, $3  }
0x193: {  	v8 =	vld [tilespmem:s2+$0x1140]  }
0x194: {  	v6 =	vld [tilespmem:s14+$0x1140];
	_ =	sdelay $0x1  }
0x195: {  	s16 =	sadd.s32 $0x30, s16  }
0x196: {  	_ = 	snop  }
0x197: {  	v7 =	vmul.f32 v7, v3;
	v8 =	vmul.f32 v8, v5;
	_ =	sdelay $0x1  }
0x198: {  	v6 =	vmul.f32 v6, v4;
	v7 =	vadd.f32 v8, v7;
	_ =	sdelay $0x1  }
0x199: {  	v6 =	vadd.f32 v6, v7;
	_ =	sdelay $0x1  }
0x19a: {  	[tilespmem:s9+$0xD140] =	vst v6  }
0x19b: {  	v6 =	vld [tilespmem:s0+$0x1150]  }
0x19c: {  	v54 =	vld [tilespmem:s2+$0x1150];
	_ =	sdelay $0x1  }
0x19d: {  	v55 =	vld [tilespmem:s14+$0x1150];
	_ =	sdelay $0x2  }
0x19e: {  	v6 =	vmul.f32 v6, v3;
	v7 =	vmul.f32 v54, v5;
	_ =	sdelay $0x1  }
0x19f: {  	v56 =	vmul.f32 v55, v4;
	v6 =	vadd.f32 v7, v6;
	_ =	sdelay $0x1  }
0x1a0: {  	v6 =	vadd.f32 v56, v6;
	_ =	sdelay $0x1  }
0x1a1: {  	[tilespmem:s9+$0xD150] =	vst v6  }
0x1a2: {  	v6 =	vld [tilespmem:s0+$0x1160]  }
0x1a3: {  	v57 =	vld [tilespmem:s2+$0x1160];
	_ =	sdelay $0x1  }
0x1a4: {  	v58 =	vld [tilespmem:s14+$0x1160];
	_ =	sdelay $0x2  }
0x1a5: {  	v6 =	vmul.f32 v6, v3;
	v7 =	vmul.f32 v57, v5;
	_ =	sdelay $0x1  }
0x1a6: {  	v59 =	vmul.f32 v58, v4;
	v6 =	vadd.f32 v7, v6;
	_ =	sdelay $0x1  }
0x1a7: {  	v6 =	vadd.f32 v59, v6;
	_ =	sdelay $0x1  }
0x1a8: {  	[tilespmem:s9+$0xD160] =	vst v6  }
0x1a9: {  	v6 =	vld [tilespmem:s0+$0x1170]  }
0x1aa: {  	v60 =	vld [tilespmem:s2+$0x1170];
	_ =	sdelay $0x1  }
0x1ab: {  	v61 =	vld [tilespmem:s14+$0x1170];
	_ =	sdelay $0x2  }
0x1ac: {  	v3 =	vmul.f32 v6, v3;
	v62 =	vmul.f32 v60, v5;
	_ =	sdelay $0x1  }
0x1ad: {  	v63 =	vmul.f32 v61, v4;
	v3 =	vadd.f32 v62, v3;
	_ =	sdelay $0x1  }
0x1ae: {  	v3 =	vadd.f32 v63, v3  }
0x1af: {  	s23 =	sshll.u32 s28, $0xB  }
0x1b0: {  	s26 =	simm.s32 $0xCD00;
	s0 =	sadd.s32 s23, s11;
	[tilespmem:s9+$0xD170] =	vst v3  }
0x1b1: {  	[hbm4b:s0+s3] =	stream.linear.scatter [tilespmem:s26], [sflag:$0x7], $0x2000, $0x38;
	[tilespmem:$0x10D00] =	vst v63  }
0x1b2: {  	s0 =	sadd.s32 @!p0 s29, s12  }
0x1b3: {  	s2 =	smul.u32 @!p0 $0x3, s0  }
0x1b4: {  	s6 =	simm.s32 @!p0 $0x0;
	_ =	swait.ge [sflag:s24], $0x6000  }
0x1b5: {  	s8 =	simm.s32 @!p0 $0x80;
	[sflag:s24] =	ssyncset.done $0x0;
	s2 =	sshrl.u32 @!p0 s2, $0x3  }
0x1b6: {  	s0 =	sor.u32 $0x1, s13;
	[sflag:s24] =	ssyncadd.s32 $0xFFFFA000;
	s2 =	sadd.s32 @!p0 s4, s2  }
0x1b7: {  	[tilespmem:s8], [sflag:$0x4] =	stream.linear.gather @!p0 [hbm4b:s2+s6], $0x60, $0x38;
	[tilespmem:$0x10D00] =	vst v63  }
0x1b8: {  	p0 =	sgt.u32 s0, $0xE  }
.Ltmp1:
0x1b9: {  	_ = 	snop;
	(pc) =	sbr.rel @p0 .LBB2_6-.Ltmp1, $1  }
0x1ba: {  	_ =	sdelay $0x3  }
0x1bb: {  	_ =	swait.ge [sflag:s15], $0x60  }
0x1bc: {  	[sflag:s15] =	ssyncset.done $0x0  }
0x1bd: {  	[sflag:s15] =	ssyncadd.s32 $0xFFFFFFA0  }
0x1be: {  	v3 =	vld [tilespmem:$0x0];
	_ =	sdelay $0x4  }
0x1bf: {  	v4 =	vshll.u32 v3, $0x1  }
0x1c0: {  	v3 =	vand.u32 $0x7, v3;
	v4 =	vand.u32 $0xFFFFFFF0, v4  }
0x1c1: {  	v3 =	vor.u32 v3, v4  }
0x1c2: {  	v4 =	vperm.xlane v3, v0;
	_ =	sdelay $0x1  }
0x1c3: {  	v3 =	vperm.xlane v3, v2;
	v4 =	vadd.s32 v1, v4;
	_ =	sdelay $0x1  }
0x1c4: {  	v3 =	vadd.s32 v1, v3;
	_ =	sdelay $0x1  }
0x1c5: {  	s2 =	simm.s32 $0xD00  }
0x1c6: {  	[tilespmem:s2], [sflag:$0x1] =	stream.indirect_vreg.gather [hbm4b:s1+s3], $0x80, v4, vm0, $0xb8;
	[tilespmem:$0x10D00] =	vst v63  }
0x1c7: {  	s9 =	simm.s32 $0x1500  }
0x1c8: {  	[tilespmem:s9], [sflag:$0x1] =	stream.indirect_vreg.gather [hbm4b:s1+s3], $0x80, v3, vm0, $0xb8;
	[tilespmem:$0x10D00] =	vst v63  }
0x1c9: {  	v3 =	vld [tilespmem:$0x10];
	_ =	sdelay $0x4  }
0x1ca: {  	v59 =	vshll.u32 v3, $0x1  }
0x1cb: {  	v3 =	vand.u32 $0x7, v3;
	v4 =	vand.u32 $0xFFFFFFF0, v59  }
0x1cc: {  	v3 =	vor.u32 v3, v4  }
0x1cd: {  	v4 =	vperm.xlane v3, v0;
	_ =	sdelay $0x1  }
0x1ce: {  	v3 =	vperm.xlane v3, v2;
	v4 =	vadd.s32 v1, v4;
	_ =	sdelay $0x1  }
0x1cf: {  	v3 =	vadd.s32 v1, v3;
	_ =	sdelay $0x1  }
0x1d0: {  	s13 =	simm.s32 $0x1D00  }
0x1d1: {  	[tilespmem:s13], [sflag:$0x1] =	stream.indirect_vreg.gather [hbm4b:s1+s3], $0x80, v4, vm0, $0xb8;
	[tilespmem:$0x10D00] =	vst v63  }
0x1d2: {  	s14 =	simm.s32 $0x2500  }
0x1d3: {  	[tilespmem:s14], [sflag:$0x1] =	stream.indirect_vreg.gather [hbm4b:s1+s3], $0x80, v3, vm0, $0xb8;
	[tilespmem:$0x10D00] =	vst v63  }
0x1d4: {  	v3 =	vld [tilespmem:$0x20];
	_ =	sdelay $0x4  }
0x1d5: {  	v60 =	vshll.u32 v3, $0x1  }
0x1d6: {  	v3 =	vand.u32 $0x7, v3;
	v4 =	vand.u32 $0xFFFFFFF0, v60  }
0x1d7: {  	v3 =	vor.u32 v3, v4  }
0x1d8: {  	v4 =	vperm.xlane v3, v0;
	_ =	sdelay $0x1  }
0x1d9: {  	v3 =	vperm.xlane v3, v2;
	v4 =	vadd.s32 v1, v4;
	_ =	sdelay $0x1  }
0x1da: {  	v3 =	vadd.s32 v1, v3;
	_ =	sdelay $0x1  }
0x1db: {  	s16 =	simm.s32 $0x2D00  }
0x1dc: {  	[tilespmem:s16], [sflag:$0x1] =	stream.indirect_vreg.gather [hbm4b:s1+s3], $0x80, v4, vm0, $0xb8;
	[tilespmem:$0x10D00] =	vst v63  }
0x1dd: {  	s17 =	simm.s32 $0x3500  }
0x1de: {  	[tilespmem:s17], [sflag:$0x1] =	stream.indirect_vreg.gather [hbm4b:s1+s3], $0x80, v3, vm0, $0xb8;
	[tilespmem:$0x10D00] =	vst v63  }
0x1df: {  	v3 =	vld [tilespmem:$0x30];
	_ =	sdelay $0x4  }
0x1e0: {  	v61 =	vshll.u32 v3, $0x1  }
0x1e1: {  	v3 =	vand.u32 $0x7, v3;
	v4 =	vand.u32 $0xFFFFFFF0, v61  }
0x1e2: {  	v3 =	vor.u32 v3, v4  }
0x1e3: {  	v4 =	vperm.xlane v3, v0;
	_ =	sdelay $0x1  }
0x1e4: {  	v3 =	vperm.xlane v3, v2;
	v4 =	vadd.s32 v1, v4;
	_ =	sdelay $0x1  }
0x1e5: {  	v3 =	vadd.s32 v1, v3;
	_ =	sdelay $0x1  }
0x1e6: {  	s18 =	simm.s32 $0x3D00  }
0x1e7: {  	[tilespmem:s18], [sflag:$0x1] =	stream.indirect_vreg.gather [hbm4b:s1+s3], $0x80, v4, vm0, $0xb8;
	[tilespmem:$0x10D00] =	vst v63  }
0x1e8: {  	s19 =	simm.s32 $0x4500  }
0x1e9: {  	[tilespmem:s19], [sflag:$0x1] =	stream.indirect_vreg.gather [hbm4b:s1+s3], $0x80, v3, vm0, $0xb8;
	[tilespmem:$0x10D00] =	vst v63  }
0x1ea: {  	v3 =	vld [tilespmem:$0x40];
	_ =	sdelay $0x4  }
0x1eb: {  	v62 =	vshll.u32 v3, $0x1  }
0x1ec: {  	v3 =	vand.u32 $0x7, v3;
	v4 =	vand.u32 $0xFFFFFFF0, v62  }
0x1ed: {  	v3 =	vor.u32 v3, v4  }
0x1ee: {  	v4 =	vperm.xlane v3, v0;
	_ =	sdelay $0x1  }
0x1ef: {  	v3 =	vperm.xlane v3, v2;
	v4 =	vadd.s32 v1, v4;
	_ =	sdelay $0x1  }
0x1f0: {  	v3 =	vadd.s32 v1, v3;
	_ =	sdelay $0x1  }
0x1f1: {  	s20 =	simm.s32 $0x4D00  }
0x1f2: {  	[tilespmem:s20], [sflag:$0x1] =	stream.indirect_vreg.gather [hbm4b:s1+s3], $0x80, v4, vm0, $0xb8;
	[tilespmem:$0x10D00] =	vst v63  }
0x1f3: {  	s21 =	simm.s32 $0x5500  }
0x1f4: {  	[tilespmem:s21], [sflag:$0x1] =	stream.indirect_vreg.gather [hbm4b:s1+s3], $0x80, v3, vm0, $0xb8;
	[tilespmem:$0x10D00] =	vst v63  }
0x1f5: {  	v3 =	vld [tilespmem:$0x50];
	_ =	sdelay $0x4  }
0x1f6: {  	v63 =	vshll.u32 v3, $0x1  }
0x1f7: {  	v3 =	vand.u32 $0x7, v3;
	v4 =	vand.u32 $0xFFFFFFF0, v63  }
0x1f8: {  	v3 =	vor.u32 v3, v4  }
0x1f9: {  	v4 =	vperm.xlane v3, v0;
	_ =	sdelay $0x1  }
0x1fa: {  	v3 =	vperm.xlane v3, v2;
	v4 =	vadd.s32 v1, v4;
	_ =	sdelay $0x1  }
0x1fb: {  	v3 =	vadd.s32 v1, v3;
	_ =	sdelay $0x1  }
0x1fc: {  	s23 =	simm.s32 $0x5D00;
	s26 =	sadd.s32 s29, s10  }
0x1fd: {  	[tilespmem:s23], [sflag:$0x1] =	stream.indirect_vreg.gather [hbm4b:s1+s3], $0x80, v4, vm0, $0xb8;
	[tilespmem:$0x10D00] =	vst v63  }
0x1fe: {  	s6 =	simm.s32 $0x6500;
	s2 =	smul.u32 $0x6, s26  }
0x1ff: {  	[tilespmem:s6], [sflag:$0x1] =	stream.indirect_vreg.gather [hbm4b:s1+s3], $0x80, v3, vm0, $0xb8;
	[tilespmem:$0x10D00] =	vst v63  }
0x200: {  	s29 =	simm.s32 $0x100;
	s2 =	sadd.s32 s5, s2  }
0x201: {  	[tilespmem:s29], [sflag:$0x5] =	stream.linear.gather [hbm4b:s2+s3], $0x600, $0x38;
	[tilespmem:$0x10D00] =	vst v63  }
.LBB2_6:
0x202: {  	_ =	swait.ge [sflag:s25], $0x600  }
0x203: {  	[sflag:s25] =	ssyncset.done $0x0  }
0x204: {  	s2 =	simm.s32 @!p1 $0x8;
	[sflag:s25] =	ssyncadd.s32 $0xFFFFFA00  }
0x205: {  	s8 =	simm.s32 $0x0;
	_ =	swait.ge @!p1 [sflag:s2], $0x2000  }
0x206: {  	s18 =	sand.u32 $0x7800, s8;
	s6 =	sand.u32 $0x380, s8;
	[sflag:s2] =	ssyncset.done @!p1 $0x0  }
0x207: {  	s29 =	sor.u32 s6, s18;
	[sflag:s2] =	ssyncadd.s32 @!p1 $0xFFFFE000  }
0x208: {  	s19 =	simm.s32 $0x100;
	s20 =	simm.s32 $0x80;
	s9 =	simm.s32 $0x710;
	v6 =	vld [tilespmem:s29+$0x6D00]  }
0x209: {  	s6 =	sand.u32 $0x380, s20;
	s2 =	sand.u32 $0xF800, s19;
	v3 =	vld [tilespmem:s9+$0xFFFFFFF0]  }
0x20a: {  	s21 =	simm.s32 $0x100;
	s13 =	simm.s32 $0x200;
	s2 =	sor.u32 s6, s2;
	v5 =	vld [tilespmem:s9+$0x0]  }
0x20b: {  	s13 =	sand.u32 $0xF800, s13;
	s6 =	sand.u32 $0x380, s21;
	v7 =	vld [tilespmem:s2+$0x6D00]  }
0x20c: {  	v4 =	vld [tilespmem:s9+$0x10];
	s14 =	sor.u32 s6, s13  }
0x20d: {  	v8 =	vld [tilespmem:s14+$0x6D00];
	_ =	sdelay $0x2  }
0x20e: {  	v6 =	vmul.f32 v6, v3;
	v7 =	vmul.f32 v7, v5;
	_ =	sdelay $0x1  }
0x20f: {  	v6 =	vadd.f32 v7, v6;
	v7 =	vmul.f32 v8, v4;
	_ =	sdelay $0x1  }
0x210: {  	s23 =	sand.u32 $0x1800, s8;
	s26 =	sand.u32 $0x380, s8;
	v6 =	vadd.f32 v7, v6  }
0x211: {  	s9 =	sor.u32 s26, s23  }
0x212: {  	[tilespmem:s9+$0xED00] =	vst v6  }
0x213: {  	v6 =	vld [tilespmem:s29+$0x6D10]  }
0x214: {  	v7 =	vld [tilespmem:s2+$0x6D10];
	_ =	sdelay $0x1  }
0x215: {  	v8 =	vld [tilespmem:s14+$0x6D10];
	_ =	sdelay $0x2  }
0x216: {  	v6 =	vmul.f32 v6, v3;
	v7 =	vmul.f32 v7, v5;
	_ =	sdelay $0x1  }
0x217: {  	v6 =	vadd.f32 v7, v6;
	v7 =	vmul.f32 v8, v4;
	_ =	sdelay $0x1  }
0x218: {  	v6 =	vadd.f32 v7, v6;
	_ =	sdelay $0x1  }
0x219: {  	[tilespmem:s9+$0xED10] =	vst v6  }
0x21a: {  	v6 =	vld [tilespmem:s29+$0x6D20]  }
0x21b: {  	v7 =	vld [tilespmem:s2+$0x6D20];
	_ =	sdelay $0x1  }
0x21c: {  	v8 =	vld [tilespmem:s14+$0x6D20];
	_ =	sdelay $0x2  }
0x21d: {  	v6 =	vmul.f32 v6, v3;
	v7 =	vmul.f32 v7, v5;
	_ =	sdelay $0x1  }
0x21e: {  	v6 =	vadd.f32 v7, v6;
	v7 =	vmul.f32 v8, v4;
	_ =	sdelay $0x1  }
0x21f: {  	v6 =	vadd.f32 v7, v6;
	_ =	sdelay $0x1  }
0x220: {  	[tilespmem:s9+$0xED20] =	vst v6  }
0x221: {  	v6 =	vld [tilespmem:s29+$0x6D30]  }
0x222: {  	v7 =	vld [tilespmem:s2+$0x6D30];
	_ =	sdelay $0x1  }
0x223: {  	v8 =	vld [tilespmem:s14+$0x6D30];
	_ =	sdelay $0x2  }
0x224: {  	v6 =	vmul.f32 v6, v3;
	v7 =	vmul.f32 v7, v5;
	_ =	sdelay $0x1  }
0x225: {  	v6 =	vadd.f32 v7, v6;
	v7 =	vmul.f32 v8, v4;
	_ =	sdelay $0x1  }
0x226: {  	v6 =	vadd.f32 v7, v6;
	_ =	sdelay $0x1  }
0x227: {  	[tilespmem:s9+$0xED30] =	vst v6  }
0x228: {  	v6 =	vld [tilespmem:s29+$0x6D40]  }
0x229: {  	v7 =	vld [tilespmem:s2+$0x6D40];
	_ =	sdelay $0x1  }
0x22a: {  	v8 =	vld [tilespmem:s14+$0x6D40];
	_ =	sdelay $0x2  }
0x22b: {  	v6 =	vmul.f32 v6, v3;
	v7 =	vmul.f32 v7, v5;
	_ =	sdelay $0x1  }
0x22c: {  	v6 =	vadd.f32 v7, v6;
	v7 =	vmul.f32 v8, v4;
	_ =	sdelay $0x1  }
0x22d: {  	v6 =	vadd.f32 v7, v6;
	_ =	sdelay $0x1  }
0x22e: {  	[tilespmem:s9+$0xED40] =	vst v6  }
0x22f: {  	v6 =	vld [tilespmem:s29+$0x6D50]  }
0x230: {  	v7 =	vld [tilespmem:s2+$0x6D50];
	_ =	sdelay $0x1  }
0x231: {  	v8 =	vld [tilespmem:s14+$0x6D50];
	_ =	sdelay $0x2  }
0x232: {  	v6 =	vmul.f32 v6, v3;
	v7 =	vmul.f32 v7, v5;
	_ =	sdelay $0x1  }
0x233: {  	v6 =	vadd.f32 v7, v6;
	v7 =	vmul.f32 v8, v4;
	_ =	sdelay $0x1  }
0x234: {  	v6 =	vadd.f32 v7, v6;
	_ =	sdelay $0x1  }
0x235: {  	[tilespmem:s9+$0xED50] =	vst v6  }
0x236: {  	v6 =	vld [tilespmem:s29+$0x6D60]  }
0x237: {  	v7 =	vld [tilespmem:s2+$0x6D60];
	_ =	sdelay $0x1  }
0x238: {  	v8 =	vld [tilespmem:s14+$0x6D60];
	_ =	sdelay $0x2  }
0x239: {  	v6 =	vmul.f32 v6, v3;
	v7 =	vmul.f32 v7, v5;
	_ =	sdelay $0x1  }
0x23a: {  	v6 =	vadd.f32 v7, v6;
	v7 =	vmul.f32 v8, v4;
	_ =	sdelay $0x1  }
0x23b: {  	v6 =	vadd.f32 v7, v6;
	_ =	sdelay $0x1  }
0x23c: {  	[tilespmem:s9+$0xED60] =	vst v6  }
0x23d: {  	v6 =	vld [tilespmem:s29+$0x6D70]  }
0x23e: {  	v7 =	vld [tilespmem:s2+$0x6D70];
	_ =	sdelay $0x1  }
0x23f: {  	v8 =	vld [tilespmem:s14+$0x6D70];
	_ =	sdelay $0x2  }
0x240: {  	v6 =	vmul.f32 v6, v3;
	v7 =	vmul.f32 v7, v5;
	_ =	sdelay $0x1  }
0x241: {  	v6 =	vadd.f32 v7, v6;
	v7 =	vmul.f32 v8, v4;
	_ =	sdelay $0x1  }
0x242: {  	v6 =	vadd.f32 v7, v6;
	_ =	sdelay $0x1  }
0x243: {  	[tilespmem:s9+$0xED70] =	vst v6  }
0x244: {  	v6 =	vld [tilespmem:s29+$0x7100]  }
0x245: {  	v7 =	vld [tilespmem:s2+$0x7100];
	_ =	sdelay $0x1  }
0x246: {  	v8 =	vld [tilespmem:s14+$0x7100];
	_ =	sdelay $0x2  }
0x247: {  	v6 =	vmul.f32 v6, v3;
	v7 =	vmul.f32 v7, v5;
	_ =	sdelay $0x1  }
0x248: {  	v6 =	vadd.f32 v7, v6;
	v7 =	vmul.f32 v8, v4;
	_ =	sdelay $0x1  }
0x249: {  	v6 =	vadd.f32 v7, v6;
	_ =	sdelay $0x1  }
0x24a: {  	[tilespmem:s9+$0xF100] =	vst v6  }
0x24b: {  	v6 =	vld [tilespmem:s29+$0x7110]  }
0x24c: {  	v7 =	vld [tilespmem:s2+$0x7110];
	_ =	sdelay $0x1  }
0x24d: {  	v8 =	vld [tilespmem:s14+$0x7110];
	_ =	sdelay $0x2  }
0x24e: {  	v6 =	vmul.f32 v6, v3;
	v7 =	vmul.f32 v7, v5;
	_ =	sdelay $0x1  }
0x24f: {  	v6 =	vadd.f32 v7, v6;
	v7 =	vmul.f32 v8, v4;
	_ =	sdelay $0x1  }
0x250: {  	v6 =	vadd.f32 v7, v6;
	_ =	sdelay $0x1  }
0x251: {  	[tilespmem:s9+$0xF110] =	vst v6  }
0x252: {  	v6 =	vld [tilespmem:s29+$0x7120]  }
0x253: {  	v7 =	vld [tilespmem:s2+$0x7120];
	_ =	sdelay $0x1  }
0x254: {  	v8 =	vld [tilespmem:s14+$0x7120];
	_ =	sdelay $0x2  }
0x255: {  	v6 =	vmul.f32 v6, v3;
	v7 =	vmul.f32 v7, v5;
	_ =	sdelay $0x1  }
0x256: {  	v6 =	vadd.f32 v7, v6;
	v7 =	vmul.f32 v8, v4;
	_ =	sdelay $0x1  }
0x257: {  	v6 =	vadd.f32 v7, v6;
	_ =	sdelay $0x1  }
0x258: {  	[tilespmem:s9+$0xF120] =	vst v6  }
0x259: {  	v6 =	vld [tilespmem:s29+$0x7130]  }
0x25a: {  	v7 =	vld [tilespmem:s2+$0x7130];
	_ =	sdelay $0x1  }
0x25b: {  	v8 =	vld [tilespmem:s14+$0x7130];
	_ =	sdelay $0x2  }
0x25c: {  	v6 =	vmul.f32 v6, v3;
	v7 =	vmul.f32 v7, v5;
	_ =	sdelay $0x1  }
0x25d: {  	v6 =	vadd.f32 v7, v6;
	v7 =	vmul.f32 v8, v4;
	_ =	sdelay $0x1  }
0x25e: {  	v6 =	vadd.f32 v7, v6;
	_ =	sdelay $0x1  }
0x25f: {  	[tilespmem:s9+$0xF130] =	vst v6  }
0x260: {  	v7 =	vld [tilespmem:s29+$0x7140]  }
0x261: {  	v8 =	vld [tilespmem:s2+$0x7140];
	_ =	sdelay $0x1  }
0x262: {  	s16 =	simm.s32 $0x0;
	v6 =	vld [tilespmem:s14+$0x7140]  }
0x263: {  	s17 =	simm.s32 $0x0;
	s6 =	simm.s32 $0x180;
	s13 =	simm.s32 $0x740  }
.LBB2_7:
0x264: {  	s8 =	sadd.s32 $0x80, s8;
	s16 =	sadd.s32 $0x100, s16;
	s17 =	sadd.s32 $0x300, s17  }
0x265: {  	p0 =	sne.s32 s6, $0x2E80;
	v7 =	vmul.f32 v7, v3;
	s18 =	smov.u32 s6;
	s6 =	sadd.s32 $0x180, s6;
	v8 =	vmul.f32 v8, v5  }
0x266: {  	_ = 	snop  }
0x267: {  	v6 =	vmul.f32 v6, v4;
	v7 =	vadd.f32 v8, v7;
	_ =	sdelay $0x1  }
0x268: {  	v6 =	vadd.f32 v6, v7;
	_ =	sdelay $0x1  }
0x269: {  	[tilespmem:s9+$0xF140] =	vst v6  }
0x26a: {  	v6 =	vld [tilespmem:s29+$0x7150]  }
0x26b: {  	v7 =	vld [tilespmem:s2+$0x7150]  }
0x26c: {  	v8 =	vld [tilespmem:s14+$0x7150];
	_ =	sdelay $0x2  }
0x26d: {  	v6 =	vmul.f32 v6, v3  }
0x26e: {  	v7 =	vmul.f32 v7, v5  }
0x26f: {  	s19 =	sand.u32 $0x7800, s17;
	s20 =	sand.u32 $0x380, s18;
	s21 =	sadd.s32 $0x100, s18  }
0x270: {  	s18 =	sadd.s32 $0x80, s18;
	s19 =	sor.u32 s20, s19;
	s20 =	sadd.s32 $0x100, s17;
	v6 =	vadd.f32 v7, v6;
	v7 =	vmul.f32 v8, v4  }
0x271: {  	s23 =	sadd.s32 $0x200, s17;
	s18 =	sand.u32 $0x380, s18;
	s20 =	sand.u32 $0xF800, s20  }
0x272: {  	s21 =	sand.u32 $0x380, s21;
	s18 =	sor.u32 s18, s20;
	s20 =	sand.u32 $0xF800, s23;
	v6 =	vadd.f32 v7, v6  }
0x273: {  	s20 =	sor.u32 s21, s20  }
0x274: {  	[tilespmem:s9+$0xF150] =	vst v6  }
0x275: {  	v6 =	vld [tilespmem:s29+$0x7160]  }
0x276: {  	v7 =	vld [tilespmem:s2+$0x7160]  }
0x277: {  	v8 =	vld [tilespmem:s14+$0x7160];
	_ =	sdelay $0x2  }
0x278: {  	v6 =	vmul.f32 v6, v3  }
0x279: {  	v7 =	vmul.f32 v7, v5;
	_ =	sdelay $0x1  }
0x27a: {  	v6 =	vadd.f32 v7, v6;
	v7 =	vmul.f32 v8, v4;
	_ =	sdelay $0x1  }
0x27b: {  	v6 =	vadd.f32 v7, v6;
	_ =	sdelay $0x1  }
0x27c: {  	[tilespmem:s9+$0xF160] =	vst v6  }
0x27d: {  	v6 =	vld [tilespmem:s29+$0x7170];
	s29 =	smov.u32 s19  }
0x27e: {  	v7 =	vld [tilespmem:s2+$0x7170];
	s2 =	smov.u32 s18  }
0x27f: {  	v8 =	vld [tilespmem:s14+$0x7170];
	s14 =	smov.u32 s20;
	_ =	sdelay $0x2  }
0x280: {  	v3 =	vmul.f32 v6, v3  }
0x281: {  	v5 =	vmul.f32 v7, v5;
	_ =	sdelay $0x1  }
0x282: {  	v4 =	vmul.f32 v8, v4;
	v3 =	vadd.f32 v5, v3;
	_ =	sdelay $0x1  }
0x283: {  	v3 =	vadd.f32 v4, v3;
	_ =	sdelay $0x1  }
0x284: {  	[tilespmem:s9+$0xF170] =	vst v3  }
0x285: {  	v6 =	vld [tilespmem:s29+$0x6D00]  }
0x286: {  	v3 =	vld [tilespmem:s13+$0xFFFFFFF0]  }
0x287: {  	v7 =	vld [tilespmem:s2+$0x6D00]  }
0x288: {  	v5 =	vld [tilespmem:s13+$0x0]  }
0x289: {  	v4 =	vld [tilespmem:s13+$0x10]  }
0x28a: {  	v8 =	vld [tilespmem:s14+$0x6D00];
	_ =	sdelay $0x1  }
0x28b: {  	v6 =	vmul.f32 v6, v3  }
0x28c: {  	v7 =	vmul.f32 v7, v5;
	_ =	sdelay $0x1  }
0x28d: {  	v6 =	vadd.f32 v7, v6;
	v7 =	vmul.f32 v8, v4;
	_ =	sdelay $0x1  }
0x28e: {  	s18 =	sand.u32 $0x380, s8;
	s9 =	sand.u32 $0x1800, s16;
	v6 =	vadd.f32 v7, v6  }
0x28f: {  	s9 =	sor.u32 s18, s9  }
0x290: {  	[tilespmem:s9+$0xED00] =	vst v6  }
0x291: {  	v6 =	vld [tilespmem:s29+$0x6D10]  }
0x292: {  	v7 =	vld [tilespmem:s2+$0x6D10];
	_ =	sdelay $0x1  }
0x293: {  	v8 =	vld [tilespmem:s14+$0x6D10];
	_ =	sdelay $0x1  }
0x294: {  	v6 =	vmul.f32 v6, v3  }
0x295: {  	v7 =	vmul.f32 v7, v5;
	_ =	sdelay $0x1  }
0x296: {  	v6 =	vadd.f32 v7, v6;
	v7 =	vmul.f32 v8, v4;
	_ =	sdelay $0x1  }
0x297: {  	v6 =	vadd.f32 v7, v6;
	_ =	sdelay $0x1  }
0x298: {  	[tilespmem:s9+$0xED10] =	vst v6  }
0x299: {  	v6 =	vld [tilespmem:s29+$0x6D20]  }
0x29a: {  	v7 =	vld [tilespmem:s2+$0x6D20];
	_ =	sdelay $0x1  }
0x29b: {  	v8 =	vld [tilespmem:s14+$0x6D20];
	_ =	sdelay $0x1  }
0x29c: {  	v6 =	vmul.f32 v6, v3  }
0x29d: {  	v7 =	vmul.f32 v7, v5;
	_ =	sdelay $0x1  }
0x29e: {  	v6 =	vadd.f32 v7, v6;
	v7 =	vmul.f32 v8, v4;
	_ =	sdelay $0x1  }
0x29f: {  	v6 =	vadd.f32 v7, v6;
	_ =	sdelay $0x1  }
0x2a0: {  	[tilespmem:s9+$0xED20] =	vst v6  }
0x2a1: {  	v6 =	vld [tilespmem:s29+$0x6D30]  }
0x2a2: {  	v7 =	vld [tilespmem:s2+$0x6D30]  }
0x2a3: {  	v8 =	vld [tilespmem:s14+$0x6D30];
	_ =	sdelay $0x2  }
0x2a4: {  	v6 =	vmul.f32 v6, v3  }
0x2a5: {  	v7 =	vmul.f32 v7, v5;
	_ =	sdelay $0x1  }
0x2a6: {  	v6 =	vadd.f32 v7, v6;
	v7 =	vmul.f32 v8, v4;
	_ =	sdelay $0x1  }
0x2a7: {  	v6 =	vadd.f32 v7, v6;
	_ =	sdelay $0x1  }
0x2a8: {  	[tilespmem:s9+$0xED30] =	vst v6  }
0x2a9: {  	v6 =	vld [tilespmem:s29+$0x6D40]  }
0x2aa: {  	v7 =	vld [tilespmem:s2+$0x6D40]  }
0x2ab: {  	v8 =	vld [tilespmem:s14+$0x6D40];
	_ =	sdelay $0x2  }
0x2ac: {  	v6 =	vmul.f32 v6, v3  }
0x2ad: {  	v7 =	vmul.f32 v7, v5;
	_ =	sdelay $0x1  }
0x2ae: {  	v6 =	vadd.f32 v7, v6;
	v7 =	vmul.f32 v8, v4;
	_ =	sdelay $0x1  }
0x2af: {  	v6 =	vadd.f32 v7, v6;
	_ =	sdelay $0x1  }
0x2b0: {  	[tilespmem:s9+$0xED40] =	vst v6  }
0x2b1: {  	v6 =	vld [tilespmem:s29+$0x6D50]  }
0x2b2: {  	v7 =	vld [tilespmem:s2+$0x6D50]  }
0x2b3: {  	v8 =	vld [tilespmem:s14+$0x6D50];
	_ =	sdelay $0x2  }
0x2b4: {  	v6 =	vmul.f32 v6, v3  }
0x2b5: {  	v7 =	vmul.f32 v7, v5;
	_ =	sdelay $0x1  }
0x2b6: {  	v6 =	vadd.f32 v7, v6;
	v7 =	vmul.f32 v8, v4;
	_ =	sdelay $0x1  }
0x2b7: {  	v6 =	vadd.f32 v7, v6;
	_ =	sdelay $0x1  }
0x2b8: {  	[tilespmem:s9+$0xED50] =	vst v6  }
0x2b9: {  	v6 =	vld [tilespmem:s29+$0x6D60]  }
0x2ba: {  	v7 =	vld [tilespmem:s2+$0x6D60]  }
0x2bb: {  	v8 =	vld [tilespmem:s14+$0x6D60];
	_ =	sdelay $0x2  }
0x2bc: {  	v6 =	vmul.f32 v6, v3  }
0x2bd: {  	v7 =	vmul.f32 v7, v5;
	_ =	sdelay $0x1  }
0x2be: {  	v6 =	vadd.f32 v7, v6;
	v7 =	vmul.f32 v8, v4;
	_ =	sdelay $0x1  }
0x2bf: {  	v6 =	vadd.f32 v7, v6;
	_ =	sdelay $0x1  }
0x2c0: {  	[tilespmem:s9+$0xED60] =	vst v6  }
0x2c1: {  	v6 =	vld [tilespmem:s29+$0x6D70]  }
0x2c2: {  	v7 =	vld [tilespmem:s2+$0x6D70]  }
0x2c3: {  	v8 =	vld [tilespmem:s14+$0x6D70];
	_ =	sdelay $0x2  }
0x2c4: {  	v6 =	vmul.f32 v6, v3  }
0x2c5: {  	v7 =	vmul.f32 v7, v5;
	_ =	sdelay $0x1  }
0x2c6: {  	v6 =	vadd.f32 v7, v6;
	v7 =	vmul.f32 v8, v4;
	_ =	sdelay $0x1  }
0x2c7: {  	v6 =	vadd.f32 v7, v6;
	_ =	sdelay $0x1  }
0x2c8: {  	[tilespmem:s9+$0xED70] =	vst v6  }
0x2c9: {  	v6 =	vld [tilespmem:s29+$0x7100]  }
0x2ca: {  	v7 =	vld [tilespmem:s2+$0x7100]  }
0x2cb: {  	v8 =	vld [tilespmem:s14+$0x7100];
	_ =	sdelay $0x2  }
0x2cc: {  	v6 =	vmul.f32 v6, v3  }
0x2cd: {  	v7 =	vmul.f32 v7, v5;
	_ =	sdelay $0x1  }
0x2ce: {  	v6 =	vadd.f32 v7, v6;
	v7 =	vmul.f32 v8, v4;
	_ =	sdelay $0x1  }
0x2cf: {  	v6 =	vadd.f32 v7, v6;
	_ =	sdelay $0x1  }
0x2d0: {  	[tilespmem:s9+$0xF100] =	vst v6  }
0x2d1: {  	v6 =	vld [tilespmem:s29+$0x7110]  }
0x2d2: {  	v7 =	vld [tilespmem:s2+$0x7110]  }
0x2d3: {  	v8 =	vld [tilespmem:s14+$0x7110];
	_ =	sdelay $0x2  }
0x2d4: {  	v6 =	vmul.f32 v6, v3  }
0x2d5: {  	v7 =	vmul.f32 v7, v5;
	_ =	sdelay $0x1  }
0x2d6: {  	v6 =	vadd.f32 v7, v6;
	v7 =	vmul.f32 v8, v4;
	_ =	sdelay $0x1  }
0x2d7: {  	v6 =	vadd.f32 v7, v6;
	_ =	sdelay $0x1  }
0x2d8: {  	[tilespmem:s9+$0xF110] =	vst v6  }
0x2d9: {  	v6 =	vld [tilespmem:s29+$0x7120]  }
0x2da: {  	v7 =	vld [tilespmem:s2+$0x7120]  }
0x2db: {  	v8 =	vld [tilespmem:s14+$0x7120];
	_ =	sdelay $0x2  }
0x2dc: {  	v6 =	vmul.f32 v6, v3  }
0x2dd: {  	v7 =	vmul.f32 v7, v5;
	_ =	sdelay $0x1  }
0x2de: {  	v6 =	vadd.f32 v7, v6;
	v7 =	vmul.f32 v8, v4;
	_ =	sdelay $0x1  }
0x2df: {  	v6 =	vadd.f32 v7, v6;
	_ =	sdelay $0x1  }
0x2e0: {  	[tilespmem:s9+$0xF120] =	vst v6  }
0x2e1: {  	v6 =	vld [tilespmem:s29+$0x7130]  }
0x2e2: {  	v7 =	vld [tilespmem:s2+$0x7130]  }
0x2e3: {  	v8 =	vld [tilespmem:s14+$0x7130];
	_ =	sdelay $0x2  }
0x2e4: {  	v6 =	vmul.f32 v6, v3  }
0x2e5: {  	v7 =	vmul.f32 v7, v5;
	_ =	sdelay $0x1  }
0x2e6: {  	v6 =	vadd.f32 v7, v6;
	v7 =	vmul.f32 v8, v4;
	_ =	sdelay $0x1  }
0x2e7: {  	v6 =	vadd.f32 v7, v6;
	_ =	sdelay $0x1  }
0x2e8: {  	[tilespmem:s9+$0xF130] =	vst v6  }
.Ltmp2:
0x2e9: {  	v7 =	vld [tilespmem:s29+$0x7140];
	(pc) =	sbr.rel @p0 .LBB2_7-.Ltmp2, $3  }
0x2ea: {  	v8 =	vld [tilespmem:s2+$0x7140]  }
0x2eb: {  	v6 =	vld [tilespmem:s14+$0x7140];
	_ =	sdelay $0x1  }
0x2ec: {  	s13 =	sadd.s32 $0x30, s13  }
0x2ed: {  	_ = 	snop  }
0x2ee: {  	v7 =	vmul.f32 v7, v3;
	v8 =	vmul.f32 v8, v5;
	_ =	sdelay $0x1  }
0x2ef: {  	v6 =	vmul.f32 v6, v4;
	v7 =	vadd.f32 v8, v7;
	_ =	sdelay $0x1  }
0x2f0: {  	v6 =	vadd.f32 v6, v7;
	_ =	sdelay $0x1  }
0x2f1: {  	[tilespmem:s9+$0xF140] =	vst v6  }
0x2f2: {  	v6 =	vld [tilespmem:s29+$0x7150]  }
0x2f3: {  	v54 =	vld [tilespmem:s2+$0x7150];
	_ =	sdelay $0x1  }
0x2f4: {  	v55 =	vld [tilespmem:s14+$0x7150];
	_ =	sdelay $0x2  }
0x2f5: {  	v6 =	vmul.f32 v6, v3;
	v7 =	vmul.f32 v54, v5;
	_ =	sdelay $0x1  }
0x2f6: {  	v56 =	vmul.f32 v55, v4;
	v6 =	vadd.f32 v7, v6;
	_ =	sdelay $0x1  }
0x2f7: {  	v6 =	vadd.f32 v56, v6;
	_ =	sdelay $0x1  }
0x2f8: {  	[tilespmem:s9+$0xF150] =	vst v6  }
0x2f9: {  	v6 =	vld [tilespmem:s29+$0x7160]  }
0x2fa: {  	v57 =	vld [tilespmem:s2+$0x7160];
	_ =	sdelay $0x1  }
0x2fb: {  	v58 =	vld [tilespmem:s14+$0x7160];
	_ =	sdelay $0x2  }
0x2fc: {  	v6 =	vmul.f32 v6, v3;
	v7 =	vmul.f32 v57, v5;
	_ =	sdelay $0x1  }
0x2fd: {  	v59 =	vmul.f32 v58, v4;
	v6 =	vadd.f32 v7, v6;
	_ =	sdelay $0x1  }
0x2fe: {  	v6 =	vadd.f32 v59, v6;
	_ =	sdelay $0x1  }
0x2ff: {  	[tilespmem:s9+$0xF160] =	vst v6  }
0x300: {  	v6 =	vld [tilespmem:s29+$0x7170]  }
0x301: {  	v60 =	vld [tilespmem:s2+$0x7170];
	_ =	sdelay $0x1  }
0x302: {  	v61 =	vld [tilespmem:s14+$0x7170];
	_ =	sdelay $0x2  }
0x303: {  	v3 =	vmul.f32 v6, v3;
	v62 =	vmul.f32 v60, v5  }
0x304: {  	s28 =	sadd.s32 $0x1, s28  }
0x305: {  	p0 =	sne.s32 s28, $0x8;
	v63 =	vmul.f32 v61, v4;
	v3 =	vadd.f32 v62, v3  }
.Ltmp3:
0x306: {  	_ = 	snop;
	(pc) =	sbr.rel @p0 .LBB2_2-.Ltmp3, $4  }
0x307: {  	v3 =	vadd.f32 v63, v3  }
0x308: {  	s0 =	sshll.u32 s0, $0xA  }
0x309: {  	s0 =	sadd.s32 s0, s11;
	s29 =	simm.s32 $0xED00;
	[tilespmem:s9+$0xF170] =	vst v3  }
0x30a: {  	[hbm4b:s0+s3] =	stream.linear.scatter [tilespmem:s29], [sflag:$0x8], $0x2000, $0x38;
	[tilespmem:$0x10D00] =	vst v63  }
0x30b: {  	s0 =	simm.s32 $0x7  }
0x30c: {  	_ =	swait.ge [sflag:s0], $0x2000  }
0x30d: {  	[sflag:s0] =	ssyncset.done $0x0  }
0x30e: {  	s2 =	simm.s32 $0x8;
	[sflag:s0] =	ssyncadd.s32 $0xFFFFE000  }
0x30f: {  	_ =	swait.ge [sflag:s2], $0x2000  }
0x310: {  	s6 =	rddreg [dreg:$0x7]  }
0x311: {  	s29 =	rddreg [dreg:$0x6];
	s6 =	sadd.s32 $0x1, s6  }
0x312: {  	p0 =	sne.s32 s6, s29  }
.Ltmp4:
0x313: {  	_ = 	snop;
	(pc) =	sbr.rel @p0 .LBB2_1-.Ltmp4, $3  }
0x314: {  	_ =	sdelay $0x1  }
0x315: {  	[sflag:s2] =	ssyncset.done $0x0  }
0x316: {  	[sflag:s2] =	ssyncadd.s32 $0xFFFFE000  }
0x317: {  	_ =	sfence.sel $0x180000  }
0x318: {  	[bflag:$0x0] =	sbarrier.arrive $0xFFFF  }
0x319: {  	_ =	strace $0x9000004A  }
0x31a: {  	s0 =	stileid.u32;
	[bflag:$0x2] =	sbarrier.arrive $0xFFFF  }
0x31b: {  	p0 =	sne.s32 s0, $0x0;
	s0 =	rddreg [dreg:$0x2]  }
0x31c: {  	s0 =	sadd.s32 @!p0 $0x100000, s0  }
0x31d: {  	[sflag:s0] =	ssyncadd.tile.s32 @!p0 $0x1;
	_ =	shalt  }
.Lfunc_end2:
_tile_overlayer_lowered:
.L_overlay_start_2:
0x31e: {  	(tag) =	ssettag $0x2  }
0x31f: {  	s0 =	rddreg [dreg:$0x0];
	s2 =	stileid.u32  }
0x320: {  	s1 =	rddreg [dreg:$0x1];
	p0 =	sne.s32 s2, $0x0  }
0x321: {  	s3 =	rddreg [dreg:$0x2];
	[bflag:$0x3] =	sbarrier.arrive $0xFFFF;
	s2 =	simm.s32 @!p0 $0x1C09  }
0x322: {  	[timem:s3], [sflag:s2] =	dma.local @!p0 [hbm:s0], s1  }
0x323: {  	s0 =	simm.s32 @!p0 $0x9  }
0x324: {  	_ =	swait.ge @!p0 [sflag:s0], s1  }
0x325: {  	s1 =	ssub.s32 @!p0 $0x0, s1;
	[sflag:s0] =	ssyncset.done @!p0 $0x0  }
0x326: {  	[sflag:s0] =	ssyncadd.s32 @!p0 s1  }
0x327: {  	[bflag:$0x3] =	sbarrier.arrive $0xFFFF  }
0x328: {  	_ =	shalt  }

// kernel: kernel.9.cloned.1.call-start
scs
__scs_entry_jumppad:
0x0: {  	(pc) =	sbr.rel $0x88, $3  }
0x1: {  	(tag) =	ssettag $0x0;
	lr =	simm.s32 $0x1  }
0x2: {  	[smem:$0x3F9A] =	sst lr;
	_ =	strace $0xD0000000  }
0x3: {  	_ = 	snop  }
0x4: {  	_ = 	snop  }
0x5: {  	_ = 	snop  }
0x6: {  	_ = 	snop  }
0x7: {  	_ = 	snop  }
__scs_overlays_trampoline_lowered:
0x8: {  	[smem:$0x3FA9] =	sst s0  }
0x9: {  	[smem:$0x3FAA] =	sst s1  }
0xa: {  	[smem:$0x3FAB] =	sst s2  }
0xb: {  	[smem:$0x3FAC] =	sst s3  }
0xc: {  	[smem:$0x3FAD] =	sst s4  }
0xd: {  	[smem:$0x3FAE] =	sst s5  }
0xe: {  	[smem:$0x3FAF] =	sst s6  }
0xf: {  	[smem:$0x3FB0] =	sst s7  }
0x10: {  	[smem:$0x3FB1] =	sst s8  }
0x11: {  	[smem:$0x3FB2] =	sst s9;
	s0 =	simm.s32 @!p0 $0x0  }
0x12: {  	s1 =	sld [smem:$0x3F98];
	s0 =	simm.s32 @p0 $0x1  }
0x13: {  	[smem:$0x3FB3] =	sst s0;
	s0 =	simm.s32 @!p1 $0x0  }
0x14: {  	s2 =	sld [smem:$0x3F97];
	s0 =	simm.s32 @p1 $0x1  }
0x15: {  	[smem:$0x3FB4] =	sst s0;
	s0 =	simm.s32 @!p2 $0x0  }
0x16: {  	s3 =	sld [smem:$0x3FDB];
	s0 =	simm.s32 @p2 $0x1  }
0x17: {  	s4 =	simm.s32 $0x1BF5;
	[smem:$0x3FB6] =	sst s0  }
0x18: {  	s0 =	sld [smem:$0x3F99];
	_ =	swait.ge [sflag:s4], $0x0  }
0x19: {  	s7 =	sld [smem:$0x3F9A]  }
0x1a: {  	s8 =	sadd.s32 $0xFFFFE003, lr  }
0x1b: {  	s9 =	sadd.s32 $0xFFFFFEF7, lr;
	s5 =	simm.s32 $0xFFFFFFFF;
	p2 =	slt.u32 s8, $0xFFFFF086  }
0x1c: {  	p1 =	slt.u32 s9, $0xF7A;
	s5 =	simm.s32 @!p2 $0x0  }
0x1d: {  	s5 =	simm.s32 @p1 $0x1;
	p0 =	seq.s32 s7, s2  }
0x1e: {  	s7 =	smul.u32 @!p0 $0xF7A, s2;
	p2 =	seq.s32 @!p0 s5, $0x0  }
0x1f: {  	s9 =	smul.u32 $0xF7A, s1;
	s8 =	simm.s32 @!p0 $0x1BF5;
	p2 =	por !p2, p0  }
0x20: {  	[sflag:s8] =	ssyncset.s32 @!p0 $0xFFFFF086;
	s6 =	sadd.s32 @!p0 s3, s7;
	s7 =	simm.s32 @!p0 $0x108  }
0x21: {  	s3 =	sadd.s32 s3, s9;
	s6 =	sadd.s32 @!p0 $0x88, s6;
	s7 =	simm.s32 @p2 $0x1082  }
0x22: {  	[simem:s7], [sflag:s8] =	dma.local @!p0 [hbm:s6], $0xF7A  }
0x23: {  	s9 =	sor.u32 $0xD0000000, s2;
	s6 =	simm.s32 $0x108;
	_ =	swait.ge @!p0 [sflag:s8], $0x0  }
0x24: {  	s3 =	sadd.s32 $0x88, s3;
	s6 =	simm.s32 @!p1 $0x1082;
	[sflag:s4] =	ssyncset.s32 $0xFFFFF086  }
0x25: {  	[simem:s6], [sflag:s4] =	dma.local [hbm:s3], $0xF7A  }
0x26: {  	[smem:$0x3F9A] =	sst s1;
	(tag) =	ssettag s2;
	_ =	strace s9  }
0x27: {  	s1 =	sld [smem:$0x3FAA]  }
0x28: {  	s2 =	sld [smem:$0x3FAB]  }
0x29: {  	s4 =	sld [smem:$0x3FAD]  }
0x2a: {  	p0 =	seq.s32 s5, $0x0;
	s5 =	sld [smem:$0x3FAE]  }
0x2b: {  	s6 =	sld [smem:$0x3FAF]  }
0x2c: {  	s7 =	sld [smem:$0x3FB0]  }
0x2d: {  	s3 =	simm.s32 $0x108;
	s8 =	sld [smem:$0x3FB1]  }
0x2e: {  	s3 =	simm.s32 @!p0 $0x1082;
	s9 =	sld [smem:$0x3FB2]  }
0x2f: {  	lr =	sadd.s32 s0, s3;
	s0 =	sld [smem:$0x3FA9]  }
0x30: {  	s3 =	sld [smem:$0x3FAC]  }
0x31: {  	[smem:$0x3FB5] =	sst s10  }
0x32: {  	s10 =	sld [smem:$0x3FB3];
	_ =	sdelay $0x3  }
0x33: {  	p0 =	seq.s32 s10, $0x1;
	s10 =	sld [smem:$0x3FB5];
	_ =	sdelay $0x3  }
0x34: {  	[smem:$0x3FB5] =	sst s10  }
0x35: {  	s10 =	sld [smem:$0x3FB4];
	_ =	sdelay $0x3  }
0x36: {  	p1 =	seq.s32 s10, $0x1;
	s10 =	sld [smem:$0x3FB5];
	_ =	sdelay $0x3  }
0x37: {  	[smem:$0x3FB5] =	sst s10  }
0x38: {  	s10 =	sld [smem:$0x3FB6]  }
0x39: {  	_ = 	snop;
	(pc) =	sbr.ind lr, $3  }
0x3a: {  	_ = 	snop  }
0x3b: {  	_ = 	snop  }
0x3c: {  	p2 =	seq.s32 s10, $0x1;
	s10 =	sld [smem:$0x3FB5]  }
0x3d: {  	_ =	shalt  }
0x3e: {  	_ =	shalt  }
0x3f: {  	_ =	shalt  }
0x40: {  	_ =	shalt  }
0x41: {  	_ =	shalt  }
0x42: {  	_ =	shalt  }
0x43: {  	_ =	shalt  }
0x44: {  	_ =	shalt  }
0x45: {  	_ =	shalt  }
0x46: {  	_ =	shalt  }
0x47: {  	_ =	shalt  }
0x48: {  	_ =	shalt  }
0x49: {  	_ =	shalt  }
0x4a: {  	_ =	shalt  }
0x4b: {  	_ =	shalt  }
0x4c: {  	_ =	shalt  }
0x4d: {  	_ =	shalt  }
0x4e: {  	_ =	shalt  }
0x4f: {  	_ =	shalt  }
0x50: {  	_ =	shalt  }
0x51: {  	_ =	shalt  }
0x52: {  	_ =	shalt  }
0x53: {  	_ =	shalt  }
0x54: {  	_ =	shalt  }
0x55: {  	_ =	shalt  }
0x56: {  	_ =	shalt  }
0x57: {  	_ =	shalt  }
0x58: {  	_ =	shalt  }
0x59: {  	_ =	shalt  }
0x5a: {  	_ =	shalt  }
0x5b: {  	_ =	shalt  }
0x5c: {  	_ =	shalt  }
0x5d: {  	_ =	shalt  }
0x5e: {  	_ =	shalt  }
0x5f: {  	_ =	shalt  }
0x60: {  	_ =	shalt  }
0x61: {  	_ =	shalt  }
0x62: {  	_ =	shalt  }
0x63: {  	_ =	shalt  }
0x64: {  	_ =	shalt  }
0x65: {  	_ =	shalt  }
0x66: {  	_ =	shalt  }
0x67: {  	_ =	shalt  }
0x68: {  	_ =	shalt  }
0x69: {  	_ =	shalt  }
0x6a: {  	_ =	shalt  }
0x6b: {  	_ =	shalt  }
0x6c: {  	_ =	shalt  }
0x6d: {  	_ =	shalt  }
0x6e: {  	_ =	shalt  }
0x6f: {  	_ =	shalt  }
0x70: {  	_ =	shalt  }
0x71: {  	_ =	shalt  }
0x72: {  	_ =	shalt  }
0x73: {  	_ =	shalt  }
0x74: {  	_ =	shalt  }
0x75: {  	_ =	shalt  }
0x76: {  	_ =	shalt  }
0x77: {  	_ =	shalt  }
0x78: {  	_ =	shalt  }
0x79: {  	_ =	shalt  }
0x7a: {  	_ =	shalt  }
0x7b: {  	_ =	shalt  }
0x7c: {  	_ =	shalt  }
0x7d: {  	_ =	shalt  }
0x7e: {  	_ =	shalt  }
0x7f: {  	_ =	shalt  }
0x80: {  	_ =	shalt  }
0x81: {  	_ =	shalt  }
0x82: {  	_ =	shalt  }
0x83: {  	_ =	shalt  }
0x84: {  	_ =	shalt  }
0x85: {  	_ =	shalt  }
0x86: {  	_ =	shalt  }
0x87: {  	_ =	shalt  }
.Lfunc_end0:
.L_simem_size_0:
called_computation_lowered:
.L_overlay_start_0:
0x88: {  	s2 =	sld [smem:$0x3FD9]  }
0x89: {  	s3 =	sld [smem:$0x3FFE];
	_ =	sdelay $0x1  }
0x8a: {  	s1 =	srdreg.scid  }
0x8b: {  	s0 =	sand.u32 $0x1, s1  }
0x8c: {  	s17 =	sshll.u32 s0, $0xA;
	s2 =	sadd.s32 s3, s2  }
0x8d: {  	s2 =	sadd.s32 s2, s17  }
0x8e: {  	[smem:$0x3FC1] =	sst s2  }
0x8f: {  	_ = 	snop  }
0x90: {  	s2 =	sld [smem:$0x3FC7]  }
0x91: {  	s18 =	sld [smem:$0x3FD0];
	(tm) =	ssettm $0x1  }
0x92: {  	s4 =	sld [smem:$0x3FFB];
	_ =	sdelay $0x3  }
0x93: {  	_ =	strace s4  }
0x94: {  	s4 =	sld [smem:$0x3FFC];
	_ =	sdelay $0x3  }
0x95: {  	_ =	strace s4  }
0x96: {  	s4 =	sld [smem:$0x3FFD];
	_ =	sdelay $0x3  }
0x97: {  	_ =	strace s4  }
0x98: {  	_ =	strace $0x8FFFFFFF  }
0x99: {  	s19 =	sld [smem:$0x3FDB];
	_ =	sdelay $0x1  }
0x9a: {  	s5 =	simm.s32 $_scs_section_size  }
0x9b: {  	s6 =	simm.s32 $_size__tile_overlayer_lowered;
	s7 =	simm.s32 $_tile_overlayer_lowered  }
0x9c: {  	s22 =	simm.s32 $0x1BFF;
	s21 =	sshll.u32 s7, $0x1;
	s4 =	sadd.s32 s5, s19  }
0x9d: {  	s8 =	simm.s32 $0x0;
	s20 =	sshll.u32 s6, $0x1;
	s6 =	sadd.s32 s21, s4  }
0x9e: {  	[timem:s8], [sflag:s22] =	dma.local [hbm:s6], s20  }
0x9f: {  	_ =	swait.ge [sflag:s22], s20  }
0xa0: {  	s5 =	ssub.s32 $0x0, s20;
	[sflag:s22] =	ssyncset.done $0x0  }
0xa1: {  	[sflag:s22] =	ssyncadd.s32 s5;
	_ =	sdelay $0x1  }
0xa2: {  	s23 =	simm.s32 $0x1B8B  }
0xa3: {  	_ =	swait.ge [sflag:s23], $0x1  }
0xa4: {  	[sflag:s23] =	ssyncset.done $0x0  }
0xa5: {  	s25 =	simm.s32 $0x1B8E;
	s24 =	sld [smem:$0x3FFE];
	[sflag:s23] =	ssyncadd.s32 $0xFFFFFFFF  }
0xa6: {  	s26 =	simm.s32 $execute0_lowered;
	[smem:$0x3FD2] =	sst s25  }
0xa7: {  	s6 =	sshll.u32 s26, $0x1;
	_ =	strace $0x80000046;
	[dreg:$0x1] =	wrdreg $0xFFFFFFFF  }
0xa8: {  	s28 =	simm.s32 $_size_execute0_lowered;
	s4 =	sadd.s32 s4, s6;
	[dreg:$0x0] =	wrdreg $0x0  }
0xa9: {  	s6 =	sshll.u32 s28, $0x1;
	[dreg:$0x2] =	wrdreg s4  }
0xaa: {  	[dreg:$0x3] =	wrdreg s6  }
0xab: {  	[dreg:$0x4] =	wrdreg $0xC0  }
0xac: {  	_ =	task [dreg:s8], $0x5FFFF  }
0xad: {  	[dreg:$0x1] =	wrdreg $0xFFFFFFFF  }
0xae: {  	[dreg:$0x0] =	wrdreg $0x60  }
0xaf: {  	[dreg:$0x2] =	wrdreg s2  }
0xb0: {  	[dreg:$0x3] =	wrdreg s24  }
0xb1: {  	[dreg:$0x4] =	wrdreg s18  }
0xb2: {  	[dreg:$0x5] =	wrdreg $0x9  }
0xb3: {  	_ =	task.clear_ibuf [dreg:s8], $0x6FFFF;
	_ =	strace $0x90000046  }
0xb4: {  	s29 =	simm.s32 $0x9;
	_ =	strace $0x80000048  }
0xb5: {  	_ =	swait.ge [sflag:s29], $0x1  }
0xb6: {  	[sflag:s29] =	ssyncadd.s32 $0xFFFFFFFF  }
0xb7: {  	_ =	strace $0x90000048  }
0xb8: {  	_ =	sfence  }
0xb9: {  	s30 =	sld [smem:$0x0];
	_ =	sdelay $0x2  }
0xba: {  	s31 =	sshll.u32 s1, $0xD;
	s1 =	sshrl.u32 s1, $0x2  }
0xbb: {  	s3 =	sand.u32 $0x4000, s31;
	s1 =	sadd.s32 s1, s30  }
0xbc: {  	s0 =	sor.u32 s3, s0;
	s1 =	sshll.u32 s1, $0x11  }
0xbd: {  	s0 =	sor.u32 s1, s0  }
0xbe: {  	s0 =	sadd.s32 $0x8F2B, s0  }
0xbf: {  	[sflag:s0] =	ssyncadd.remote.s32 $0x1  }
0xc0: {  	_ =	sfence.sel $0xFFFF  }
0xc1: {  	[dreg:$0x0] =	wrdreg $0xFFFFFFFF;
	(pc) =	sbr.abs _section_cstart, $3  }
0xc2: {  	[dreg:$0x1] =	wrdreg $0xFFFFFFFF  }
0xc3: {  	_ =	task.clear_ibuf [dreg:s8], $0x2FFFF;
	_ =	strace $0x9FFFFFFF  }
0xc4: {  	(tm) =	ssettm $0x7FFFFFFF  }
0xc5: {  	_ =	shalt  }
tec
execute0_lowered:
.L_overlay_start_1:
0x0: {  	(tag) =	ssettag $0x1  }
0x1: {  	s1 =	rddreg [dreg:$0x0]  }
0x2: {  	s0 =	rddreg [dreg:$0x1]  }
0x3: {  	s2 =	rddreg [dreg:$0x2];
	s4 =	srdreg.scid;
	s3 =	simm.s32 $0x0  }
0x4: {  	s6 =	stileid.u32;
	s15 =	simm.s32 $0x3;
	s30 =	simm.s32 $0x1  }
0x5: {  	s31 =	simm.s32 $0x4;
	s22 =	simm.s32 $0x5;
	s24 =	simm.s32 $0x2  }
0x6: {  	s25 =	simm.s32 $0x6;
	s5 =	sand.u32 $0x1, s4;
	[smem:$0x7FF] =	sst s3  }
0x7: {  	s4 =	sshll.u32 s5, $0x4;
	_ =	strace $0x80000047;
	s26 =	ssub.s32 $0x2, s5  }
0x8: {  	s5 =	sadd.s32 $0x3600, s0;
	s7 =	sor.u32 s6, s4;
	s28 =	sshrl.u32 s26, $0x1  }
0x9: {  	s4 =	sadd.s32 $0x1E00, s0;
	s8 =	smul.u32 $0xC0, s7;
	s0 =	ssub.s32 s26, s28  }
0xa: {  	s9 =	smul.u32 $0xC00, s7;
	s6 =	sshll.u32 s7, $0x9;
	s0 =	smax.u32 s0, $0x1  }
0xb: {  	s7 =	sshll.u32 s7, $0xE;
	s8 =	sadd.s32 s4, s8;
	[dreg:$0x7] =	wrdreg s0  }
0xc: {  	v2 =	vlaneseq.u32;
	s10 =	sor.u32 $0x40, s6;
	s29 =	sadd.s32 s5, s9;
	[dreg:$0x4] =	wrdreg s8  }
0xd: {  	vm0 =	vmmov $0xffff;
	v1 =	vshrl.u32 v2, $0x3;
	s11 =	sadd.s32 s2, s7;
	s8 =	sadd.s32 $0xC, s8;
	[dreg:$0x6] =	wrdreg s29  }
0xe: {  	v0 =	vand.u32 $0x7, v2;
	v2 =	vor.u32 $0x8, v2;
	v1 =	vmul.u32 $0x8, v1;
	s12 =	sor.u32 $0x60, s6;
	s7 =	simm.s32 $0x0;
	[dreg:$0x5] =	wrdreg s8  }
.LBB2_1:
0xf: {  	[dreg:$0x8] =	wrdreg s7  }
0x10: {  	s0 =	rddreg [dreg:$0x4]  }
0x11: {  	[tilespmem:s3], [sflag:$0x3] =	stream.linear.gather [hbm4b:s0+s3], $0x60, $0x38;
	[tilespmem:$0x10D00] =	vst v63  }
0x12: {  	s29 =	rddreg [dreg:$0x5];
	s2 =	simm.s32 $0x80  }
0x13: {  	[tilespmem:s2], [sflag:$0x4] =	stream.linear.gather [hbm4b:s29+s3], $0x60, $0x38;
	[tilespmem:$0x10D00] =	vst v63  }
0x14: {  	_ =	swait.ge [sflag:s15], $0x60  }
0x15: {  	[sflag:s15] =	ssyncset.done $0x0  }
0x16: {  	[sflag:s15] =	ssyncadd.s32 $0xFFFFFFA0  }
0x17: {  	v3 =	vld [tilespmem:$0x0];
	_ =	sdelay $0x4  }
0x18: {  	v4 =	vshll.u32 v3, $0x1  }
0x19: {  	v3 =	vand.u32 $0x7, v3;
	v4 =	vand.u32 $0xFFFFFFF0, v4  }
0x1a: {  	v3 =	vor.u32 v3, v4  }
0x1b: {  	v4 =	vperm.xlane v3, v0;
	_ =	sdelay $0x1  }
0x1c: {  	v3 =	vperm.xlane v3, v2;
	v4 =	vadd.s32 v1, v4;
	_ =	sdelay $0x1  }
0x1d: {  	v3 =	vadd.s32 v1, v3;
	_ =	sdelay $0x1  }
0x1e: {  	s7 =	simm.s32 $0xD00  }
0x1f: {  	[tilespmem:s7], [sflag:$0x1] =	stream.indirect_vreg.gather [hbm4b:s1+s3], $0x80, v4, vm0, $0xb8;
	[tilespmem:$0x10D00] =	vst v63  }
0x20: {  	s8 =	simm.s32 $0x1500  }
0x21: {  	[tilespmem:s8], [sflag:$0x1] =	stream.indirect_vreg.gather [hbm4b:s1+s3], $0x80, v3, vm0, $0xb8;
	[tilespmem:$0x10D00] =	vst v63  }
0x22: {  	v3 =	vld [tilespmem:$0x10];
	_ =	sdelay $0x4  }
0x23: {  	v59 =	vshll.u32 v3, $0x1  }
0x24: {  	v3 =	vand.u32 $0x7, v3;
	v4 =	vand.u32 $0xFFFFFFF0, v59  }
0x25: {  	v3 =	vor.u32 v3, v4  }
0x26: {  	v4 =	vperm.xlane v3, v0;
	_ =	sdelay $0x1  }
0x27: {  	v3 =	vperm.xlane v3, v2;
	v4 =	vadd.s32 v1, v4;
	_ =	sdelay $0x1  }
0x28: {  	v3 =	vadd.s32 v1, v3;
	_ =	sdelay $0x1  }
0x29: {  	s9 =	simm.s32 $0x1D00  }
0x2a: {  	[tilespmem:s9], [sflag:$0x1] =	stream.indirect_vreg.gather [hbm4b:s1+s3], $0x80, v4, vm0, $0xb8;
	[tilespmem:$0x10D00] =	vst v63  }
0x2b: {  	s13 =	simm.s32 $0x2500  }
0x2c: {  	[tilespmem:s13], [sflag:$0x1] =	stream.indirect_vreg.gather [hbm4b:s1+s3], $0x80, v3, vm0, $0xb8;
	[tilespmem:$0x10D00] =	vst v63  }
0x2d: {  	v3 =	vld [tilespmem:$0x20];
	_ =	sdelay $0x4  }
0x2e: {  	v60 =	vshll.u32 v3, $0x1  }
0x2f: {  	v3 =	vand.u32 $0x7, v3;
	v4 =	vand.u32 $0xFFFFFFF0, v60  }
0x30: {  	v3 =	vor.u32 v3, v4  }
0x31: {  	v4 =	vperm.xlane v3, v0;
	_ =	sdelay $0x1  }
0x32: {  	v3 =	vperm.xlane v3, v2;
	v4 =	vadd.s32 v1, v4;
	_ =	sdelay $0x1  }
0x33: {  	v3 =	vadd.s32 v1, v3;
	_ =	sdelay $0x1  }
0x34: {  	s14 =	simm.s32 $0x2D00  }
0x35: {  	[tilespmem:s14], [sflag:$0x1] =	stream.indirect_vreg.gather [hbm4b:s1+s3], $0x80, v4, vm0, $0xb8;
	[tilespmem:$0x10D00] =	vst v63  }
0x36: {  	s16 =	simm.s32 $0x3500  }
0x37: {  	[tilespmem:s16], [sflag:$0x1] =	stream.indirect_vreg.gather [hbm4b:s1+s3], $0x80, v3, vm0, $0xb8;
	[tilespmem:$0x10D00] =	vst v63  }
0x38: {  	v3 =	vld [tilespmem:$0x30];
	_ =	sdelay $0x4  }
0x39: {  	v61 =	vshll.u32 v3, $0x1  }
0x3a: {  	v3 =	vand.u32 $0x7, v3;
	v4 =	vand.u32 $0xFFFFFFF0, v61  }
0x3b: {  	v3 =	vor.u32 v3, v4  }
0x3c: {  	v4 =	vperm.xlane v3, v0;
	_ =	sdelay $0x1  }
0x3d: {  	v3 =	vperm.xlane v3, v2;
	v4 =	vadd.s32 v1, v4;
	_ =	sdelay $0x1  }
0x3e: {  	v3 =	vadd.s32 v1, v3;
	_ =	sdelay $0x1  }
0x3f: {  	s17 =	simm.s32 $0x3D00  }
0x40: {  	[tilespmem:s17], [sflag:$0x1] =	stream.indirect_vreg.gather [hbm4b:s1+s3], $0x80, v4, vm0, $0xb8;
	[tilespmem:$0x10D00] =	vst v63  }
0x41: {  	s18 =	simm.s32 $0x4500  }
0x42: {  	[tilespmem:s18], [sflag:$0x1] =	stream.indirect_vreg.gather [hbm4b:s1+s3], $0x80, v3, vm0, $0xb8;
	[tilespmem:$0x10D00] =	vst v63  }
0x43: {  	v3 =	vld [tilespmem:$0x40];
	_ =	sdelay $0x4  }
0x44: {  	v62 =	vshll.u32 v3, $0x1  }
0x45: {  	v3 =	vand.u32 $0x7, v3;
	v4 =	vand.u32 $0xFFFFFFF0, v62  }
0x46: {  	v3 =	vor.u32 v3, v4  }
0x47: {  	v4 =	vperm.xlane v3, v0;
	_ =	sdelay $0x1  }
0x48: {  	v3 =	vperm.xlane v3, v2;
	v4 =	vadd.s32 v1, v4;
	_ =	sdelay $0x1  }
0x49: {  	v3 =	vadd.s32 v1, v3;
	_ =	sdelay $0x1  }
0x4a: {  	s19 =	simm.s32 $0x4D00  }
0x4b: {  	[tilespmem:s19], [sflag:$0x1] =	stream.indirect_vreg.gather [hbm4b:s1+s3], $0x80, v4, vm0, $0xb8;
	[tilespmem:$0x10D00] =	vst v63  }
0x4c: {  	s20 =	simm.s32 $0x5500  }
0x4d: {  	[tilespmem:s20], [sflag:$0x1] =	stream.indirect_vreg.gather [hbm4b:s1+s3], $0x80, v3, vm0, $0xb8;
	[tilespmem:$0x10D00] =	vst v63  }
0x4e: {  	v3 =	vld [tilespmem:$0x50];
	_ =	sdelay $0x4  }
0x4f: {  	v63 =	vshll.u32 v3, $0x1  }
0x50: {  	v3 =	vand.u32 $0x7, v3;
	v4 =	vand.u32 $0xFFFFFFF0, v63  }
0x51: {  	v3 =	vor.u32 v3, v4  }
0x52: {  	v4 =	vperm.xlane v3, v0;
	_ =	sdelay $0x1  }
0x53: {  	v3 =	vperm.xlane v3, v2;
	v4 =	vadd.s32 v1, v4;
	_ =	sdelay $0x1  }
0x54: {  	v3 =	vadd.s32 v1, v3;
	_ =	sdelay $0x1  }
0x55: {  	s21 =	simm.s32 $0x5D00  }
0x56: {  	[tilespmem:s21], [sflag:$0x1] =	stream.indirect_vreg.gather [hbm4b:s1+s3], $0x80, v4, vm0, $0xb8;
	[tilespmem:$0x10D00] =	vst v63  }
0x57: {  	s23 =	simm.s32 $0x6500  }
0x58: {  	[tilespmem:s23], [sflag:$0x1] =	stream.indirect_vreg.gather [hbm4b:s1+s3], $0x80, v3, vm0, $0xb8;
	[tilespmem:$0x10D00] =	vst v63  }
0x59: {  	s28 =	simm.s32 $0x0;
	s29 =	simm.s32 $0x100;
	s26 =	rddreg [dreg:$0x6]  }
0x5a: {  	[tilespmem:s29], [sflag:$0x5] =	stream.linear.gather [hbm4b:s26+s3], $0x600, $0x38;
	[tilespmem:$0x10D00] =	vst v63  }
.LBB2_2:
0x5b: {  	p0 =	seq.s32 s28, $0x7  }
0x5c: {  	s29 =	sshll.u32 @!p0 s28, $0x6  }
0x5d: {  	s0 =	sadd.s32 @!p0 s29, s10  }
0x5e: {  	s0 =	smul.u32 @!p0 $0x3, s0  }
0x5f: {  	_ =	swait.ge [sflag:s30], $0x6000  }
0x60: {  	[sflag:s30] =	ssyncset.done $0x0;
	s0 =	sshrl.u32 @!p0 s0, $0x3  }
0x61: {  	s2 =	simm.s32 @!p0 $0x0;
	[sflag:s30] =	ssyncadd.s32 $0xFFFFA000;
	s0 =	sadd.s32 @!p0 s4, s0  }
0x62: {  	[tilespmem:s2], [sflag:$0x3] =	stream.linear.gather @!p0 [hbm4b:s0+s2], $0x60, $0x38;
	[tilespmem:$0x10D00] =	vst v63  }
0x63: {  	_ =	swait.ge [sflag:s31], $0x60  }
0x64: {  	[sflag:s31] =	ssyncset.done $0x0  }
0x65: {  	[sflag:s31] =	ssyncadd.s32 $0xFFFFFFA0  }
0x66: {  	v3 =	vld [tilespmem:$0x80];
	_ =	sdelay $0x4  }
0x67: {  	v4 =	vshll.u32 v3, $0x1  }
0x68: {  	v3 =	vand.u32 $0x7, v3;
	v4 =	vand.u32 $0xFFFFFFF0, v4  }
0x69: {  	v3 =	vor.u32 v3, v4  }
0x6a: {  	v4 =	vperm.xlane v3, v0;
	_ =	sdelay $0x1  }
0x6b: {  	v3 =	vperm.xlane v3, v2;
	v4 =	vadd.s32 v1, v4;
	_ =	sdelay $0x1  }
0x6c: {  	v3 =	vadd.s32 v1, v3;
	_ =	sdelay $0x1  }
0x6d: {  	s18 =	simm.s32 $0x6D00  }
0x6e: {  	[tilespmem:s18], [sflag:$0x2] =	stream.indirect_vreg.gather [hbm4b:s1+s3], $0x80, v4, vm0, $0xb8;
	[tilespmem:$0x10D00] =	vst v63  }
0x6f: {  	s19 =	simm.s32 $0x7500  }
0x70: {  	[tilespmem:s19], [sflag:$0x2] =	stream.indirect_vreg.gather [hbm4b:s1+s3], $0x80, v3, vm0, $0xb8;
	[tilespmem:$0x10D00] =	vst v63  }
0x71: {  	v3 =	vld [tilespmem:$0x90];
	_ =	sdelay $0x4  }
0x72: {  	v4 =	vshll.u32 v3, $0x1  }
0x73: {  	v3 =	vand.u32 $0x7, v3;
	v4 =	vand.u32 $0xFFFFFFF0, v4  }
0x74: {  	v3 =	vor.u32 v3, v4  }
0x75: {  	v4 =	vperm.xlane v3, v0;
	_ =	sdelay $0x1  }
0x76: {  	v3 =	vperm.xlane v3, v2;
	v4 =	vadd.s32 v1, v4;
	_ =	sdelay $0x1  }
0x77: {  	v3 =	vadd.s32 v1, v3;
	_ =	sdelay $0x1  }
0x78: {  	s20 =	simm.s32 $0x7D00  }
0x79: {  	[tilespmem:s20], [sflag:$0x2] =	stream.indirect_vreg.gather [hbm4b:s1+s3], $0x80, v4, vm0, $0xb8;
	[tilespmem:$0x10D00] =	vst v63  }
0x7a: {  	s21 =	simm.s32 $0x8500  }
0x7b: {  	[tilespmem:s21], [sflag:$0x2] =	stream.indirect_vreg.gather [hbm4b:s1+s3], $0x80, v3, vm0, $0xb8;
	[tilespmem:$0x10D00] =	vst v63  }
0x7c: {  	v3 =	vld [tilespmem:$0xA0];
	_ =	sdelay $0x4  }
0x7d: {  	v4 =	vshll.u32 v3, $0x1  }
0x7e: {  	v3 =	vand.u32 $0x7, v3;
	v4 =	vand.u32 $0xFFFFFFF0, v4  }
0x7f: {  	v3 =	vor.u32 v3, v4  }
0x80: {  	v4 =	vperm.xlane v3, v0;
	_ =	sdelay $0x1  }
0x81: {  	v3 =	vperm.xlane v3, v2;
	v4 =	vadd.s32 v1, v4;
	_ =	sdelay $0x1  }
0x82: {  	v3 =	vadd.s32 v1, v3;
	_ =	sdelay $0x1  }
0x83: {  	s23 =	simm.s32 $0x8D00  }
0x84: {  	[tilespmem:s23], [sflag:$0x2] =	stream.indirect_vreg.gather [hbm4b:s1+s3], $0x80, v4, vm0, $0xb8;
	[tilespmem:$0x10D00] =	vst v63  }
0x85: {  	s26 =	simm.s32 $0x9500  }
0x86: {  	[tilespmem:s26], [sflag:$0x2] =	stream.indirect_vreg.gather [hbm4b:s1+s3], $0x80, v3, vm0, $0xb8;
	[tilespmem:$0x10D00] =	vst v63  }
0x87: {  	v3 =	vld [tilespmem:$0xB0];
	_ =	sdelay $0x4  }
0x88: {  	v4 =	vshll.u32 v3, $0x1  }
0x89: {  	v3 =	vand.u32 $0x7, v3;
	v4 =	vand.u32 $0xFFFFFFF0, v4  }
0x8a: {  	v3 =	vor.u32 v3, v4  }
0x8b: {  	v4 =	vperm.xlane v3, v0;
	_ =	sdelay $0x1  }
0x8c: {  	v3 =	vperm.xlane v3, v2;
	v4 =	vadd.s32 v1, v4;
	_ =	sdelay $0x1  }
0x8d: {  	v3 =	vadd.s32 v1, v3;
	_ =	sdelay $0x1  }
0x8e: {  	s2 =	simm.s32 $0x9D00  }
0x8f: {  	[tilespmem:s2], [sflag:$0x2] =	stream.indirect_vreg.gather [hbm4b:s1+s3], $0x80, v4, vm0, $0xb8;
	[tilespmem:$0x10D00] =	vst v63  }
0x90: {  	s7 =	simm.s32 $0xA500  }
0x91: {  	[tilespmem:s7], [sflag:$0x2] =	stream.indirect_vreg.gather [hbm4b:s1+s3], $0x80, v3, vm0, $0xb8;
	[tilespmem:$0x10D00] =	vst v63  }
0x92: {  	v3 =	vld [tilespmem:$0xC0];
	_ =	sdelay $0x4  }
0x93: {  	v4 =	vshll.u32 v3, $0x1  }
0x94: {  	v3 =	vand.u32 $0x7, v3;
	v4 =	vand.u32 $0xFFFFFFF0, v4  }
0x95: {  	v3 =	vor.u32 v3, v4  }
0x96: {  	v4 =	vperm.xlane v3, v0;
	_ =	sdelay $0x1  }
0x97: {  	v3 =	vperm.xlane v3, v2;
	v4 =	vadd.s32 v1, v4;
	_ =	sdelay $0x1  }
0x98: {  	v3 =	vadd.s32 v1, v3;
	_ =	sdelay $0x1  }
0x99: {  	s8 =	simm.s32 $0xAD00  }
0x9a: {  	[tilespmem:s8], [sflag:$0x2] =	stream.indirect_vreg.gather [hbm4b:s1+s3], $0x80, v4, vm0, $0xb8;
	[tilespmem:$0x10D00] =	vst v63  }
0x9b: {  	s9 =	simm.s32 $0xB500  }
0x9c: {  	[tilespmem:s9], [sflag:$0x2] =	stream.indirect_vreg.gather [hbm4b:s1+s3], $0x80, v3, vm0, $0xb8;
	[tilespmem:$0x10D00] =	vst v63  }
0x9d: {  	v3 =	vld [tilespmem:$0xD0];
	_ =	sdelay $0x4  }
0x9e: {  	v4 =	vshll.u32 v3, $0x1  }
0x9f: {  	v3 =	vand.u32 $0x7, v3;
	v4 =	vand.u32 $0xFFFFFFF0, v4  }
0xa0: {  	v3 =	vor.u32 v3, v4  }
0xa1: {  	v4 =	vperm.xlane v3, v0;
	_ =	sdelay $0x1  }
0xa2: {  	v3 =	vperm.xlane v3, v2;
	v4 =	vadd.s32 v1, v4;
	_ =	sdelay $0x1  }
0xa3: {  	s29 =	simm.s32 @p0 $0x1C0;
	v3 =	vadd.s32 v1, v3  }
0xa4: {  	s14 =	sadd.s32 s29, s6  }
0xa5: {  	s13 =	simm.s32 $0xBD00;
	s0 =	smul.u32 $0x6, s14  }
0xa6: {  	[tilespmem:s13], [sflag:$0x2] =	stream.indirect_vreg.gather [hbm4b:s1+s3], $0x80, v4, vm0, $0xb8;
	[tilespmem:$0x10D00] =	vst v63  }
0xa7: {  	s16 =	simm.s32 $0xC500;
	s0 =	sadd.s32 s5, s0  }
0xa8: {  	[tilespmem:s16], [sflag:$0x2] =	stream.indirect_vreg.gather [hbm4b:s1+s3], $0x80, v3, vm0, $0xb8;
	[tilespmem:$0x10D00] =	vst v63  }
0xa9: {  	s17 =	simm.s32 $0x700;
	s0 =	sadd.s32 $0xC0, s0  }
0xaa: {  	[tilespmem:s17], [sflag:$0x6] =	stream.linear.gather [hbm4b:s0+s3], $0x600, $0x38;
	[tilespmem:$0x10D00] =	vst v63  }
0xab: {  	_ =	swait.ge [sflag:s22], $0x600  }
0xac: {  	p1 =	seq.s32 s28, $0x0;
	[sflag:s22] =	ssyncset.done $0x0  }
0xad: {  	s0 =	simm.s32 @!p1 $0x7;
	[sflag:s22] =	ssyncadd.s32 $0xFFFFFA00  }
0xae: {  	s20 =	simm.s32 $0x100;
	s8 =	simm.s32 $0x0;
	_ =	swait.ge @!p1 [sflag:s0], $0x2000  }
0xaf: {  	s18 =	sand.u32 $0x7800, s8;
	s19 =	sand.u32 $0x380, s8;
	[sflag:s0] =	ssyncset.done @!p1 $0x0  }
0xb0: {  	s7 =	simm.s32 $0x80;
	[sflag:s0] =	ssyncadd.s32 @!p1 $0xFFFFE000;
	s0 =	sor.u32 s19, s18  }
0xb1: {  	s2 =	sand.u32 $0xF800, s20;
	s7 =	sand.u32 $0x380, s7;
	s9 =	simm.s32 $0x110;
	v6 =	vld [tilespmem:s0+$0xD00]  }
0xb2: {  	s2 =	sor.u32 s7, s2;
	v3 =	vld [tilespmem:s9+$0xFFFFFFF0]  }
0xb3: {  	s21 =	simm.s32 $0x100;
	s13 =	simm.s32 $0x200;
	v7 =	vld [tilespmem:s2+$0xD00]  }
0xb4: {  	s7 =	sand.u32 $0x380, s21;
	s13 =	sand.u32 $0xF800, s13;
	v5 =	vld [tilespmem:s9+$0x0]  }
0xb5: {  	s14 =	sor.u32 s7, s13;
	v4 =	vld [tilespmem:s9+$0x10]  }
0xb6: {  	v8 =	vld [tilespmem:s14+$0xD00];
	_ =	sdelay $0x2  }
0xb7: {  	v6 =	vmul.f32 v6, v3;
	v7 =	vmul.f32 v7, v5;
	_ =	sdelay $0x1  }
0xb8: {  	v6 =	vadd.f32 v7, v6;
	v7 =	vmul.f32 v8, v4;
	_ =	sdelay $0x1  }
0xb9: {  	s23 =	sand.u32 $0x1800, s8;
	s26 =	sand.u32 $0x380, s8;
	v6 =	vadd.f32 v7, v6  }
0xba: {  	s9 =	sor.u32 s26, s23  }
0xbb: {  	[tilespmem:s9+$0xCD00] =	vst v6  }
0xbc: {  	v6 =	vld [tilespmem:s0+$0xD10]  }
0xbd: {  	v7 =	vld [tilespmem:s2+$0xD10];
	_ =	sdelay $0x1  }
0xbe: {  	v8 =	vld [tilespmem:s14+$0xD10];
	_ =	sdelay $0x2  }
0xbf: {  	v6 =	vmul.f32 v6, v3;
	v7 =	vmul.f32 v7, v5;
	_ =	sdelay $0x1  }
0xc0: {  	v6 =	vadd.f32 v7, v6;
	v7 =	vmul.f32 v8, v4;
	_ =	sdelay $0x1  }
0xc1: {  	v6 =	vadd.f32 v7, v6;
	_ =	sdelay $0x1  }
0xc2: {  	[tilespmem:s9+$0xCD10] =	vst v6  }
0xc3: {  	v6 =	vld [tilespmem:s0+$0xD20]  }
0xc4: {  	v7 =	vld [tilespmem:s2+$0xD20];
	_ =	sdelay $0x1  }
0xc5: {  	v8 =	vld [tilespmem:s14+$0xD20];
	_ =	sdelay $0x2  }
0xc6: {  	v6 =	vmul.f32 v6, v3;
	v7 =	vmul.f32 v7, v5;
	_ =	sdelay $0x1  }
0xc7: {  	v6 =	vadd.f32 v7, v6;
	v7 =	vmul.f32 v8, v4;
	_ =	sdelay $0x1  }
0xc8: {  	v6 =	vadd.f32 v7, v6;
	_ =	sdelay $0x1  }
0xc9: {  	[tilespmem:s9+$0xCD20] =	vst v6  }
0xca: {  	v6 =	vld [tilespmem:s0+$0xD30]  }
0xcb: {  	v7 =	vld [tilespmem:s2+$0xD30];
	_ =	sdelay $0x1  }
0xcc: {  	v8 =	vld [tilespmem:s14+$0xD30];
	_ =	sdelay $0x2  }
0xcd: {  	v6 =	vmul.f32 v6, v3;
	v7 =	vmul.f32 v7, v5;
	_ =	sdelay $0x1  }
0xce: {  	v6 =	vadd.f32 v7, v6;
	v7 =	vmul.f32 v8, v4;
	_ =	sdelay $0x1  }
0xcf: {  	v6 =	vadd.f32 v7, v6;
	_ =	sdelay $0x1  }
0xd0: {  	[tilespmem:s9+$0xCD30] =	vst v6  }
0xd1: {  	v6 =	vld [tilespmem:s0+$0xD40]  }
0xd2: {  	v7 =	vld [tilespmem:s2+$0xD40];
	_ =	sdelay $0x1  }
0xd3: {  	v8 =	vld [tilespmem:s14+$0xD40];
	_ =	sdelay $0x2  }
0xd4: {  	v6 =	vmul.f32 v6, v3;
	v7 =	vmul.f32 v7, v5;
	_ =	sdelay $0x1  }
0xd5: {  	v6 =	vadd.f32 v7, v6;
	v7 =	vmul.f32 v8, v4;
	_ =	sdelay $0x1  }
0xd6: {  	v6 =	vadd.f32 v7, v6;
	_ =	sdelay $0x1  }
0xd7: {  	[tilespmem:s9+$0xCD40] =	vst v6  }
0xd8: {  	v6 =	vld [tilespmem:s0+$0xD50]  }
0xd9: {  	v7 =	vld [tilespmem:s2+$0xD50];
	_ =	sdelay $0x1  }
0xda: {  	v8 =	vld [tilespmem:s14+$0xD50];
	_ =	sdelay $0x2  }
0xdb: {  	v6 =	vmul.f32 v6, v3;
	v7 =	vmul.f32 v7, v5;
	_ =	sdelay $0x1  }
0xdc: {  	v6 =	vadd.f32 v7, v6;
	v7 =	vmul.f32 v8, v4;
	_ =	sdelay $0x1  }
0xdd: {  	v6 =	vadd.f32 v7, v6;
	_ =	sdelay $0x1  }
0xde: {  	[tilespmem:s9+$0xCD50] =	vst v6  }
0xdf: {  	v6 =	vld [tilespmem:s0+$0xD60]  }
0xe0: {  	v7 =	vld [tilespmem:s2+$0xD60];
	_ =	sdelay $0x1  }
0xe1: {  	v8 =	vld [tilespmem:s14+$0xD60];
	_ =	sdelay $0x2  }
0xe2: {  	v6 =	vmul.f32 v6, v3;
	v7 =	vmul.f32 v7, v5;
	_ =	sdelay $0x1  }
0xe3: {  	v6 =	vadd.f32 v7, v6;
	v7 =	vmul.f32 v8, v4;
	_ =	sdelay $0x1  }
0xe4: {  	v6 =	vadd.f32 v7, v6;
	_ =	sdelay $0x1  }
0xe5: {  	[tilespmem:s9+$0xCD60] =	vst v6  }
0xe6: {  	v6 =	vld [tilespmem:s0+$0xD70]  }
0xe7: {  	v7 =	vld [tilespmem:s2+$0xD70];
	_ =	sdelay $0x1  }
0xe8: {  	v8 =	vld [tilespmem:s14+$0xD70];
	_ =	sdelay $0x2  }
0xe9: {  	v6 =	vmul.f32 v6, v3;
	v7 =	vmul.f32 v7, v5;
	_ =	sdelay $0x1  }
0xea: {  	v6 =	vadd.f32 v7, v6;
	v7 =	vmul.f32 v8, v4;
	_ =	sdelay $0x1  }
0xeb: {  	v6 =	vadd.f32 v7, v6;
	_ =	sdelay $0x1  }
0xec: {  	[tilespmem:s9+$0xCD70] =	vst v6  }
0xed: {  	v6 =	vld [tilespmem:s0+$0x1100]  }
0xee: {  	v7 =	vld [tilespmem:s2+$0x1100];
	_ =	sdelay $0x1  }
0xef: {  	v8 =	vld [tilespmem:s14+$0x1100];
	_ =	sdelay $0x2  }
0xf0: {  	v6 =	vmul.f32 v6, v3;
	v7 =	vmul.f32 v7, v5;
	_ =	sdelay $0x1  }
0xf1: {  	v6 =	vadd.f32 v7, v6;
	v7 =	vmul.f32 v8, v4;
	_ =	sdelay $0x1  }
0xf2: {  	v6 =	vadd.f32 v7, v6;
	_ =	sdelay $0x1  }
0xf3: {  	[tilespmem:s9+$0xD100] =	vst v6  }
0xf4: {  	v6 =	vld [tilespmem:s0+$0x1110]  }
0xf5: {  	v7 =	vld [tilespmem:s2+$0x1110];
	_ =	sdelay $0x1  }
0xf6: {  	v8 =	vld [tilespmem:s14+$0x1110];
	_ =	sdelay $0x2  }
0xf7: {  	v6 =	vmul.f32 v6, v3;
	v7 =	vmul.f32 v7, v5;
	_ =	sdelay $0x1  }
0xf8: {  	v6 =	vadd.f32 v7, v6;
	v7 =	vmul.f32 v8, v4;
	_ =	sdelay $0x1  }
0xf9: {  	v6 =	vadd.f32 v7, v6;
	_ =	sdelay $0x1  }
0xfa: {  	[tilespmem:s9+$0xD110] =	vst v6  }
0xfb: {  	v6 =	vld [tilespmem:s0+$0x1120]  }
0xfc: {  	v7 =	vld [tilespmem:s2+$0x1120];
	_ =	sdelay $0x1  }
0xfd: {  	v8 =	vld [tilespmem:s14+$0x1120];
	_ =	sdelay $0x2  }
0xfe: {  	v6 =	vmul.f32 v6, v3;
	v7 =	vmul.f32 v7, v5;
	_ =	sdelay $0x1  }
0xff: {  	v6 =	vadd.f32 v7, v6;
	v7 =	vmul.f32 v8, v4;
	_ =	sdelay $0x1  }
0x100: {  	v6 =	vadd.f32 v7, v6;
	_ =	sdelay $0x1  }
0x101: {  	[tilespmem:s9+$0xD120] =	vst v6  }
0x102: {  	v6 =	vld [tilespmem:s0+$0x1130]  }
0x103: {  	v7 =	vld [tilespmem:s2+$0x1130];
	_ =	sdelay $0x1  }
0x104: {  	v8 =	vld [tilespmem:s14+$0x1130];
	_ =	sdelay $0x2  }
0x105: {  	v6 =	vmul.f32 v6, v3;
	v7 =	vmul.f32 v7, v5;
	_ =	sdelay $0x1  }
0x106: {  	v6 =	vadd.f32 v7, v6;
	v7 =	vmul.f32 v8, v4;
	_ =	sdelay $0x1  }
0x107: {  	v6 =	vadd.f32 v7, v6;
	_ =	sdelay $0x1  }
0x108: {  	[tilespmem:s9+$0xD130] =	vst v6  }
0x109: {  	v7 =	vld [tilespmem:s0+$0x1140]  }
0x10a: {  	v8 =	vld [tilespmem:s2+$0x1140];
	_ =	sdelay $0x1  }
0x10b: {  	s13 =	sshll.u32 s28, $0x1;
	s7 =	simm.s32 $0x180;
	v6 =	vld [tilespmem:s14+$0x1140]  }
0x10c: {  	s16 =	simm.s32 $0x140;
	s17 =	simm.s32 $0x0;
	s18 =	simm.s32 $0x0  }
.LBB2_3:
0x10d: {  	s8 =	sadd.s32 $0x80, s8;
	s17 =	sadd.s32 $0x100, s17;
	s18 =	sadd.s32 $0x300, s18  }
0x10e: {  	p2 =	sne.s32 s7, $0x2E80;
	v7 =	vmul.f32 v7, v3;
	s19 =	smov.u32 s7;
	s7 =	sadd.s32 $0x180, s7;
	v8 =	vmul.f32 v8, v5  }
0x10f: {  	_ = 	snop  }
0x110: {  	v6 =	vmul.f32 v6, v4;
	v7 =	vadd.f32 v8, v7;
	_ =	sdelay $0x1  }
0x111: {  	v6 =	vadd.f32 v6, v7;
	_ =	sdelay $0x1  }
0x112: {  	[tilespmem:s9+$0xD140] =	vst v6  }
0x113: {  	v6 =	vld [tilespmem:s0+$0x1150]  }
0x114: {  	v7 =	vld [tilespmem:s2+$0x1150]  }
0x115: {  	v8 =	vld [tilespmem:s14+$0x1150];
	_ =	sdelay $0x2  }
0x116: {  	v6 =	vmul.f32 v6, v3  }
0x117: {  	v7 =	vmul.f32 v7, v5  }
0x118: {  	s20 =	sand.u32 $0x7800, s18;
	s21 =	sand.u32 $0x380, s19;
	s23 =	sadd.s32 $0x100, s19  }
0x119: {  	s19 =	sadd.s32 $0x80, s19;
	s20 =	sor.u32 s21, s20;
	s21 =	sadd.s32 $0x100, s18;
	v6 =	vadd.f32 v7, v6;
	v7 =	vmul.f32 v8, v4  }
0x11a: {  	s26 =	sadd.s32 $0x200, s18;
	s19 =	sand.u32 $0x380, s19;
	s21 =	sand.u32 $0xF800, s21  }
0x11b: {  	s23 =	sand.u32 $0x380, s23;
	s19 =	sor.u32 s19, s21;
	s21 =	sand.u32 $0xF800, s26;
	v6 =	vadd.f32 v7, v6  }
0x11c: {  	s21 =	sor.u32 s23, s21  }
0x11d: {  	[tilespmem:s9+$0xD150] =	vst v6  }
0x11e: {  	v6 =	vld [tilespmem:s0+$0x1160]  }
0x11f: {  	v7 =	vld [tilespmem:s2+$0x1160]  }
0x120: {  	v8 =	vld [tilespmem:s14+$0x1160];
	_ =	sdelay $0x2  }
0x121: {  	v6 =	vmul.f32 v6, v3  }
0x122: {  	v7 =	vmul.f32 v7, v5;
	_ =	sdelay $0x1  }
0x123: {  	v6 =	vadd.f32 v7, v6;
	v7 =	vmul.f32 v8, v4;
	_ =	sdelay $0x1  }
0x124: {  	v6 =	vadd.f32 v7, v6;
	_ =	sdelay $0x1  }
0x125: {  	[tilespmem:s9+$0xD160] =	vst v6  }
0x126: {  	v6 =	vld [tilespmem:s0+$0x1170];
	s0 =	smov.u32 s20  }
0x127: {  	v7 =	vld [tilespmem:s2+$0x1170];
	s2 =	smov.u32 s19  }
0x128: {  	v8 =	vld [tilespmem:s14+$0x1170];
	s14 =	smov.u32 s21;
	_ =	sdelay $0x2  }
0x129: {  	v3 =	vmul.f32 v6, v3  }
0x12a: {  	v5 =	vmul.f32 v7, v5;
	_ =	sdelay $0x1  }
0x12b: {  	v4 =	vmul.f32 v8, v4;
	v3 =	vadd.f32 v5, v3;
	_ =	sdelay $0x1  }
0x12c: {  	v3 =	vadd.f32 v4, v3;
	_ =	sdelay $0x1  }
0x12d: {  	[tilespmem:s9+$0xD170] =	vst v3  }
0x12e: {  	v6 =	vld [tilespmem:s0+$0xD00]  }
0x12f: {  	v3 =	vld [tilespmem:s16+$0xFFFFFFF0]  }
0x130: {  	v7 =	vld [tilespmem:s2+$0xD00]  }
0x131: {  	v5 =	vld [tilespmem:s16+$0x0]  }
0x132: {  	v4 =	vld [tilespmem:s16+$0x10]  }
0x133: {  	v8 =	vld [tilespmem:s14+$0xD00];
	_ =	sdelay $0x1  }
0x134: {  	v6 =	vmul.f32 v6, v3  }
0x135: {  	v7 =	vmul.f32 v7, v5;
	_ =	sdelay $0x1  }
0x136: {  	v6 =	vadd.f32 v7, v6;
	v7 =	vmul.f32 v8, v4;
	_ =	sdelay $0x1  }
0x137: {  	s19 =	sand.u32 $0x380, s8;
	s9 =	sand.u32 $0x1800, s17;
	v6 =	vadd.f32 v7, v6  }
0x138: {  	s9 =	sor.u32 s19, s9  }
0x139: {  	[tilespmem:s9+$0xCD00] =	vst v6  }
0x13a: {  	v6 =	vld [tilespmem:s0+$0xD10]  }
0x13b: {  	v7 =	vld [tilespmem:s2+$0xD10];
	_ =	sdelay $0x1  }
0x13c: {  	v8 =	vld [tilespmem:s14+$0xD10];
	_ =	sdelay $0x1  }
0x13d: {  	v6 =	vmul.f32 v6, v3  }
0x13e: {  	v7 =	vmul.f32 v7, v5;
	_ =	sdelay $0x1  }
0x13f: {  	v6 =	vadd.f32 v7, v6;
	v7 =	vmul.f32 v8, v4;
	_ =	sdelay $0x1  }
0x140: {  	v6 =	vadd.f32 v7, v6;
	_ =	sdelay $0x1  }
0x141: {  	[tilespmem:s9+$0xCD10] =	vst v6  }
0x142: {  	v6 =	vld [tilespmem:s0+$0xD20]  }
0x143: {  	v7 =	vld [tilespmem:s2+$0xD20];
	_ =	sdelay $0x1  }
0x144: {  	v8 =	vld [tilespmem:s14+$0xD20];
	_ =	sdelay $0x1  }
0x145: {  	v6 =	vmul.f32 v6, v3  }
0x146: {  	v7 =	vmul.f32 v7, v5;
	_ =	sdelay $0x1  }
0x147: {  	v6 =	vadd.f32 v7, v6;
	v7 =	vmul.f32 v8, v4;
	_ =	sdelay $0x1  }
0x148: {  	v6 =	vadd.f32 v7, v6;
	_ =	sdelay $0x1  }
0x149: {  	[tilespmem:s9+$0xCD20] =	vst v6  }
0x14a: {  	v6 =	vld [tilespmem:s0+$0xD30]  }
0x14b: {  	v7 =	vld [tilespmem:s2+$0xD30]  }
0x14c: {  	v8 =	vld [tilespmem:s14+$0xD30];
	_ =	sdelay $0x2  }
0x14d: {  	v6 =	vmul.f32 v6, v3  }
0x14e: {  	v7 =	vmul.f32 v7, v5;
	_ =	sdelay $0x1  }
0x14f: {  	v6 =	vadd.f32 v7, v6;
	v7 =	vmul.f32 v8, v4;
	_ =	sdelay $0x1  }
0x150: {  	v6 =	vadd.f32 v7, v6;
	_ =	sdelay $0x1  }
0x151: {  	[tilespmem:s9+$0xCD30] =	vst v6  }
0x152: {  	v6 =	vld [tilespmem:s0+$0xD40]  }
0x153: {  	v7 =	vld [tilespmem:s2+$0xD40]  }
0x154: {  	v8 =	vld [tilespmem:s14+$0xD40];
	_ =	sdelay $0x2  }
0x155: {  	v6 =	vmul.f32 v6, v3  }
0x156: {  	v7 =	vmul.f32 v7, v5;
	_ =	sdelay $0x1  }
0x157: {  	v6 =	vadd.f32 v7, v6;
	v7 =	vmul.f32 v8, v4;
	_ =	sdelay $0x1  }
0x158: {  	v6 =	vadd.f32 v7, v6;
	_ =	sdelay $0x1  }
0x159: {  	[tilespmem:s9+$0xCD40] =	vst v6  }
0x15a: {  	v6 =	vld [tilespmem:s0+$0xD50]  }
0x15b: {  	v7 =	vld [tilespmem:s2+$0xD50]  }
0x15c: {  	v8 =	vld [tilespmem:s14+$0xD50];
	_ =	sdelay $0x2  }
0x15d: {  	v6 =	vmul.f32 v6, v3  }
0x15e: {  	v7 =	vmul.f32 v7, v5;
	_ =	sdelay $0x1  }
0x15f: {  	v6 =	vadd.f32 v7, v6;
	v7 =	vmul.f32 v8, v4;
	_ =	sdelay $0x1  }
0x160: {  	v6 =	vadd.f32 v7, v6;
	_ =	sdelay $0x1  }
0x161: {  	[tilespmem:s9+$0xCD50] =	vst v6  }
0x162: {  	v6 =	vld [tilespmem:s0+$0xD60]  }
0x163: {  	v7 =	vld [tilespmem:s2+$0xD60]  }
0x164: {  	v8 =	vld [tilespmem:s14+$0xD60];
	_ =	sdelay $0x2  }
0x165: {  	v6 =	vmul.f32 v6, v3  }
0x166: {  	v7 =	vmul.f32 v7, v5;
	_ =	sdelay $0x1  }
0x167: {  	v6 =	vadd.f32 v7, v6;
	v7 =	vmul.f32 v8, v4;
	_ =	sdelay $0x1  }
0x168: {  	v6 =	vadd.f32 v7, v6;
	_ =	sdelay $0x1  }
0x169: {  	[tilespmem:s9+$0xCD60] =	vst v6  }
0x16a: {  	v6 =	vld [tilespmem:s0+$0xD70]  }
0x16b: {  	v7 =	vld [tilespmem:s2+$0xD70]  }
0x16c: {  	v8 =	vld [tilespmem:s14+$0xD70];
	_ =	sdelay $0x2  }
0x16d: {  	v6 =	vmul.f32 v6, v3  }
0x16e: {  	v7 =	vmul.f32 v7, v5;
	_ =	sdelay $0x1  }
0x16f: {  	v6 =	vadd.f32 v7, v6;
	v7 =	vmul.f32 v8, v4;
	_ =	sdelay $0x1  }
0x170: {  	v6 =	vadd.f32 v7, v6;
	_ =	sdelay $0x1  }
0x171: {  	[tilespmem:s9+$0xCD70] =	vst v6  }
0x172: {  	v6 =	vld [tilespmem:s0+$0x1100]  }
0x173: {  	v7 =	vld [tilespmem:s2+$0x1100]  }
0x174: {  	v8 =	vld [tilespmem:s14+$0x1100];
	_ =	sdelay $0x2  }
0x175: {  	v6 =	vmul.f32 v6, v3  }
0x176: {  	v7 =	vmul.f32 v7, v5;
	_ =	sdelay $0x1  }
0x177: {  	v6 =	vadd.f32 v7, v6;
	v7 =	vmul.f32 v8, v4;
	_ =	sdelay $0x1  }
0x178: {  	v6 =	vadd.f32 v7, v6;
	_ =	sdelay $0x1  }
0x179: {  	[tilespmem:s9+$0xD100] =	vst v6  }
0x17a: {  	v6 =	vld [tilespmem:s0+$0x1110]  }
0x17b: {  	v7 =	vld [tilespmem:s2+$0x1110]  }
0x17c: {  	v8 =	vld [tilespmem:s14+$0x1110];
	_ =	sdelay $0x2  }
0x17d: {  	v6 =	vmul.f32 v6, v3  }
0x17e: {  	v7 =	vmul.f32 v7, v5;
	_ =	sdelay $0x1  }
0x17f: {  	v6 =	vadd.f32 v7, v6;
	v7 =	vmul.f32 v8, v4;
	_ =	sdelay $0x1  }
0x180: {  	v6 =	vadd.f32 v7, v6;
	_ =	sdelay $0x1  }
0x181: {  	[tilespmem:s9+$0xD110] =	vst v6  }
0x182: {  	v6 =	vld [tilespmem:s0+$0x1120]  }
0x183: {  	v7 =	vld [tilespmem:s2+$0x1120]  }
0x184: {  	v8 =	vld [tilespmem:s14+$0x1120];
	_ =	sdelay $0x2  }
0x185: {  	v6 =	vmul.f32 v6, v3  }
0x186: {  	v7 =	vmul.f32 v7, v5;
	_ =	sdelay $0x1  }
0x187: {  	v6 =	vadd.f32 v7, v6;
	v7 =	vmul.f32 v8, v4;
	_ =	sdelay $0x1  }
0x188: {  	v6 =	vadd.f32 v7, v6;
	_ =	sdelay $0x1  }
0x189: {  	[tilespmem:s9+$0xD120] =	vst v6  }
0x18a: {  	v6 =	vld [tilespmem:s0+$0x1130]  }
0x18b: {  	v7 =	vld [tilespmem:s2+$0x1130]  }
0x18c: {  	v8 =	vld [tilespmem:s14+$0x1130];
	_ =	sdelay $0x2  }
0x18d: {  	v6 =	vmul.f32 v6, v3  }
0x18e: {  	v7 =	vmul.f32 v7, v5;
	_ =	sdelay $0x1  }
0x18f: {  	v6 =	vadd.f32 v7, v6;
	v7 =	vmul.f32 v8, v4;
	_ =	sdelay $0x1  }
0x190: {  	v6 =	vadd.f32 v7, v6;
	_ =	sdelay $0x1  }
0x191: {  	[tilespmem:s9+$0xD130] =	vst v6  }
.Ltmp0:
0x192: {  	v7 =	vld [tilespmem:s0+$0x1140];
	(pc) =	sbr.rel @p2 .LBB2_3-.Ltmp0, $3  }
0x193: {  	v8 =	vld [tilespmem:s2+$0x1140]  }
0x194: {  	v6 =	vld [tilespmem:s14+$0x1140];
	_ =	sdelay $0x1  }
0x195: {  	s16 =	sadd.s32 $0x30, s16  }
0x196: {  	_ = 	snop  }
0x197: {  	v7 =	vmul.f32 v7, v3;
	v8 =	vmul.f32 v8, v5;
	_ =	sdelay $0x1  }
0x198: {  	v6 =	vmul.f32 v6, v4;
	v7 =	vadd.f32 v8, v7;
	_ =	sdelay $0x1  }
0x199: {  	v6 =	vadd.f32 v6, v7;
	_ =	sdelay $0x1  }
0x19a: {  	[tilespmem:s9+$0xD140] =	vst v6  }
0x19b: {  	v6 =	vld [tilespmem:s0+$0x1150]  }
0x19c: {  	v54 =	vld [tilespmem:s2+$0x1150];
	_ =	sdelay $0x1  }
0x19d: {  	v55 =	vld [tilespmem:s14+$0x1150];
	_ =	sdelay $0x2  }
0x19e: {  	v6 =	vmul.f32 v6, v3;
	v7 =	vmul.f32 v54, v5;
	_ =	sdelay $0x1  }
0x19f: {  	v56 =	vmul.f32 v55, v4;
	v6 =	vadd.f32 v7, v6;
	_ =	sdelay $0x1  }
0x1a0: {  	v6 =	vadd.f32 v56, v6;
	_ =	sdelay $0x1  }
0x1a1: {  	[tilespmem:s9+$0xD150] =	vst v6  }
0x1a2: {  	v6 =	vld [tilespmem:s0+$0x1160]  }
0x1a3: {  	v57 =	vld [tilespmem:s2+$0x1160];
	_ =	sdelay $0x1  }
0x1a4: {  	v58 =	vld [tilespmem:s14+$0x1160];
	_ =	sdelay $0x2  }
0x1a5: {  	v6 =	vmul.f32 v6, v3;
	v7 =	vmul.f32 v57, v5;
	_ =	sdelay $0x1  }
0x1a6: {  	v59 =	vmul.f32 v58, v4;
	v6 =	vadd.f32 v7, v6;
	_ =	sdelay $0x1  }
0x1a7: {  	v6 =	vadd.f32 v59, v6;
	_ =	sdelay $0x1  }
0x1a8: {  	[tilespmem:s9+$0xD160] =	vst v6  }
0x1a9: {  	v6 =	vld [tilespmem:s0+$0x1170]  }
0x1aa: {  	v60 =	vld [tilespmem:s2+$0x1170];
	_ =	sdelay $0x1  }
0x1ab: {  	v61 =	vld [tilespmem:s14+$0x1170];
	_ =	sdelay $0x2  }
0x1ac: {  	v3 =	vmul.f32 v6, v3;
	v62 =	vmul.f32 v60, v5;
	_ =	sdelay $0x1  }
0x1ad: {  	v63 =	vmul.f32 v61, v4;
	v3 =	vadd.f32 v62, v3;
	_ =	sdelay $0x1  }
0x1ae: {  	v3 =	vadd.f32 v63, v3  }
0x1af: {  	s23 =	sshll.u32 s28, $0xB  }
0x1b0: {  	s26 =	simm.s32 $0xCD00;
	s0 =	sadd.s32 s23, s11;
	[tilespmem:s9+$0xD170] =	vst v3  }
0x1b1: {  	[hbm4b:s0+s3] =	stream.linear.scatter [tilespmem:s26], [sflag:$0x7], $0x2000, $0x38;
	[tilespmem:$0x10D00] =	vst v63  }
0x1b2: {  	s0 =	sadd.s32 @!p0 s29, s12  }
0x1b3: {  	s2 =	smul.u32 @!p0 $0x3, s0  }
0x1b4: {  	s7 =	simm.s32 @!p0 $0x0;
	_ =	swait.ge [sflag:s24], $0x6000  }
0x1b5: {  	s8 =	simm.s32 @!p0 $0x80;
	[sflag:s24] =	ssyncset.done $0x0;
	s2 =	sshrl.u32 @!p0 s2, $0x3  }
0x1b6: {  	s0 =	sor.u32 $0x1, s13;
	[sflag:s24] =	ssyncadd.s32 $0xFFFFA000;
	s2 =	sadd.s32 @!p0 s4, s2  }
0x1b7: {  	[tilespmem:s8], [sflag:$0x4] =	stream.linear.gather @!p0 [hbm4b:s2+s7], $0x60, $0x38;
	[tilespmem:$0x10D00] =	vst v63  }
0x1b8: {  	p0 =	sgt.u32 s0, $0xE  }
.Ltmp1:
0x1b9: {  	_ = 	snop;
	(pc) =	sbr.rel @p0 .LBB2_6-.Ltmp1, $1  }
0x1ba: {  	_ =	sdelay $0x3  }
0x1bb: {  	_ =	swait.ge [sflag:s15], $0x60  }
0x1bc: {  	[sflag:s15] =	ssyncset.done $0x0  }
0x1bd: {  	[sflag:s15] =	ssyncadd.s32 $0xFFFFFFA0  }
0x1be: {  	v3 =	vld [tilespmem:$0x0];
	_ =	sdelay $0x4  }
0x1bf: {  	v4 =	vshll.u32 v3, $0x1  }
0x1c0: {  	v3 =	vand.u32 $0x7, v3;
	v4 =	vand.u32 $0xFFFFFFF0, v4  }
0x1c1: {  	v3 =	vor.u32 v3, v4  }
0x1c2: {  	v4 =	vperm.xlane v3, v0;
	_ =	sdelay $0x1  }
0x1c3: {  	v3 =	vperm.xlane v3, v2;
	v4 =	vadd.s32 v1, v4;
	_ =	sdelay $0x1  }
0x1c4: {  	v3 =	vadd.s32 v1, v3;
	_ =	sdelay $0x1  }
0x1c5: {  	s2 =	simm.s32 $0xD00  }
0x1c6: {  	[tilespmem:s2], [sflag:$0x1] =	stream.indirect_vreg.gather [hbm4b:s1+s3], $0x80, v4, vm0, $0xb8;
	[tilespmem:$0x10D00] =	vst v63  }
0x1c7: {  	s9 =	simm.s32 $0x1500  }
0x1c8: {  	[tilespmem:s9], [sflag:$0x1] =	stream.indirect_vreg.gather [hbm4b:s1+s3], $0x80, v3, vm0, $0xb8;
	[tilespmem:$0x10D00] =	vst v63  }
0x1c9: {  	v3 =	vld [tilespmem:$0x10];
	_ =	sdelay $0x4  }
0x1ca: {  	v59 =	vshll.u32 v3, $0x1  }
0x1cb: {  	v3 =	vand.u32 $0x7, v3;
	v4 =	vand.u32 $0xFFFFFFF0, v59  }
0x1cc: {  	v3 =	vor.u32 v3, v4  }
0x1cd: {  	v4 =	vperm.xlane v3, v0;
	_ =	sdelay $0x1  }
0x1ce: {  	v3 =	vperm.xlane v3, v2;
	v4 =	vadd.s32 v1, v4;
	_ =	sdelay $0x1  }
0x1cf: {  	v3 =	vadd.s32 v1, v3;
	_ =	sdelay $0x1  }
0x1d0: {  	s13 =	simm.s32 $0x1D00  }
0x1d1: {  	[tilespmem:s13], [sflag:$0x1] =	stream.indirect_vreg.gather [hbm4b:s1+s3], $0x80, v4, vm0, $0xb8;
	[tilespmem:$0x10D00] =	vst v63  }
0x1d2: {  	s14 =	simm.s32 $0x2500  }
0x1d3: {  	[tilespmem:s14], [sflag:$0x1] =	stream.indirect_vreg.gather [hbm4b:s1+s3], $0x80, v3, vm0, $0xb8;
	[tilespmem:$0x10D00] =	vst v63  }
0x1d4: {  	v3 =	vld [tilespmem:$0x20];
	_ =	sdelay $0x4  }
0x1d5: {  	v60 =	vshll.u32 v3, $0x1  }
0x1d6: {  	v3 =	vand.u32 $0x7, v3;
	v4 =	vand.u32 $0xFFFFFFF0, v60  }
0x1d7: {  	v3 =	vor.u32 v3, v4  }
0x1d8: {  	v4 =	vperm.xlane v3, v0;
	_ =	sdelay $0x1  }
0x1d9: {  	v3 =	vperm.xlane v3, v2;
	v4 =	vadd.s32 v1, v4;
	_ =	sdelay $0x1  }
0x1da: {  	v3 =	vadd.s32 v1, v3;
	_ =	sdelay $0x1  }
0x1db: {  	s16 =	simm.s32 $0x2D00  }
0x1dc: {  	[tilespmem:s16], [sflag:$0x1] =	stream.indirect_vreg.gather [hbm4b:s1+s3], $0x80, v4, vm0, $0xb8;
	[tilespmem:$0x10D00] =	vst v63  }
0x1dd: {  	s17 =	simm.s32 $0x3500  }
0x1de: {  	[tilespmem:s17], [sflag:$0x1] =	stream.indirect_vreg.gather [hbm4b:s1+s3], $0x80, v3, vm0, $0xb8;
	[tilespmem:$0x10D00] =	vst v63  }
0x1df: {  	v3 =	vld [tilespmem:$0x30];
	_ =	sdelay $0x4  }
0x1e0: {  	v61 =	vshll.u32 v3, $0x1  }
0x1e1: {  	v3 =	vand.u32 $0x7, v3;
	v4 =	vand.u32 $0xFFFFFFF0, v61  }
0x1e2: {  	v3 =	vor.u32 v3, v4  }
0x1e3: {  	v4 =	vperm.xlane v3, v0;
	_ =	sdelay $0x1  }
0x1e4: {  	v3 =	vperm.xlane v3, v2;
	v4 =	vadd.s32 v1, v4;
	_ =	sdelay $0x1  }
0x1e5: {  	v3 =	vadd.s32 v1, v3;
	_ =	sdelay $0x1  }
0x1e6: {  	s18 =	simm.s32 $0x3D00  }
0x1e7: {  	[tilespmem:s18], [sflag:$0x1] =	stream.indirect_vreg.gather [hbm4b:s1+s3], $0x80, v4, vm0, $0xb8;
	[tilespmem:$0x10D00] =	vst v63  }
0x1e8: {  	s19 =	simm.s32 $0x4500  }
0x1e9: {  	[tilespmem:s19], [sflag:$0x1] =	stream.indirect_vreg.gather [hbm4b:s1+s3], $0x80, v3, vm0, $0xb8;
	[tilespmem:$0x10D00] =	vst v63  }
0x1ea: {  	v3 =	vld [tilespmem:$0x40];
	_ =	sdelay $0x4  }
0x1eb: {  	v62 =	vshll.u32 v3, $0x1  }
0x1ec: {  	v3 =	vand.u32 $0x7, v3;
	v4 =	vand.u32 $0xFFFFFFF0, v62  }
0x1ed: {  	v3 =	vor.u32 v3, v4  }
0x1ee: {  	v4 =	vperm.xlane v3, v0;
	_ =	sdelay $0x1  }
0x1ef: {  	v3 =	vperm.xlane v3, v2;
	v4 =	vadd.s32 v1, v4;
	_ =	sdelay $0x1  }
0x1f0: {  	v3 =	vadd.s32 v1, v3;
	_ =	sdelay $0x1  }
0x1f1: {  	s20 =	simm.s32 $0x4D00  }
0x1f2: {  	[tilespmem:s20], [sflag:$0x1] =	stream.indirect_vreg.gather [hbm4b:s1+s3], $0x80, v4, vm0, $0xb8;
	[tilespmem:$0x10D00] =	vst v63  }
0x1f3: {  	s21 =	simm.s32 $0x5500  }
0x1f4: {  	[tilespmem:s21], [sflag:$0x1] =	stream.indirect_vreg.gather [hbm4b:s1+s3], $0x80, v3, vm0, $0xb8;
	[tilespmem:$0x10D00] =	vst v63  }
0x1f5: {  	v3 =	vld [tilespmem:$0x50];
	_ =	sdelay $0x4  }
0x1f6: {  	v63 =	vshll.u32 v3, $0x1  }
0x1f7: {  	v3 =	vand.u32 $0x7, v3;
	v4 =	vand.u32 $0xFFFFFFF0, v63  }
0x1f8: {  	v3 =	vor.u32 v3, v4  }
0x1f9: {  	v4 =	vperm.xlane v3, v0;
	_ =	sdelay $0x1  }
0x1fa: {  	v3 =	vperm.xlane v3, v2;
	v4 =	vadd.s32 v1, v4;
	_ =	sdelay $0x1  }
0x1fb: {  	v3 =	vadd.s32 v1, v3;
	_ =	sdelay $0x1  }
0x1fc: {  	s23 =	simm.s32 $0x5D00;
	s26 =	sadd.s32 s29, s10  }
0x1fd: {  	[tilespmem:s23], [sflag:$0x1] =	stream.indirect_vreg.gather [hbm4b:s1+s3], $0x80, v4, vm0, $0xb8;
	[tilespmem:$0x10D00] =	vst v63  }
0x1fe: {  	s7 =	simm.s32 $0x6500;
	s2 =	smul.u32 $0x6, s26  }
0x1ff: {  	[tilespmem:s7], [sflag:$0x1] =	stream.indirect_vreg.gather [hbm4b:s1+s3], $0x80, v3, vm0, $0xb8;
	[tilespmem:$0x10D00] =	vst v63  }
0x200: {  	s29 =	simm.s32 $0x100;
	s2 =	sadd.s32 s5, s2  }
0x201: {  	[tilespmem:s29], [sflag:$0x5] =	stream.linear.gather [hbm4b:s2+s3], $0x600, $0x38;
	[tilespmem:$0x10D00] =	vst v63  }
.LBB2_6:
0x202: {  	_ =	swait.ge [sflag:s25], $0x600  }
0x203: {  	[sflag:s25] =	ssyncset.done $0x0  }
0x204: {  	s2 =	simm.s32 @!p1 $0x8;
	[sflag:s25] =	ssyncadd.s32 $0xFFFFFA00  }
0x205: {  	s8 =	simm.s32 $0x0;
	_ =	swait.ge @!p1 [sflag:s2], $0x2000  }
0x206: {  	s18 =	sand.u32 $0x7800, s8;
	s7 =	sand.u32 $0x380, s8;
	[sflag:s2] =	ssyncset.done @!p1 $0x0  }
0x207: {  	s29 =	sor.u32 s7, s18;
	[sflag:s2] =	ssyncadd.s32 @!p1 $0xFFFFE000  }
0x208: {  	s19 =	simm.s32 $0x100;
	s20 =	simm.s32 $0x80;
	s9 =	simm.s32 $0x710;
	v6 =	vld [tilespmem:s29+$0x6D00]  }
0x209: {  	s7 =	sand.u32 $0x380, s20;
	s2 =	sand.u32 $0xF800, s19;
	v3 =	vld [tilespmem:s9+$0xFFFFFFF0]  }
0x20a: {  	s21 =	simm.s32 $0x100;
	s13 =	simm.s32 $0x200;
	s2 =	sor.u32 s7, s2;
	v5 =	vld [tilespmem:s9+$0x0]  }
0x20b: {  	s13 =	sand.u32 $0xF800, s13;
	s7 =	sand.u32 $0x380, s21;
	v7 =	vld [tilespmem:s2+$0x6D00]  }
0x20c: {  	v4 =	vld [tilespmem:s9+$0x10];
	s14 =	sor.u32 s7, s13  }
0x20d: {  	v8 =	vld [tilespmem:s14+$0x6D00];
	_ =	sdelay $0x2  }
0x20e: {  	v6 =	vmul.f32 v6, v3;
	v7 =	vmul.f32 v7, v5;
	_ =	sdelay $0x1  }
0x20f: {  	v6 =	vadd.f32 v7, v6;
	v7 =	vmul.f32 v8, v4;
	_ =	sdelay $0x1  }
0x210: {  	s23 =	sand.u32 $0x1800, s8;
	s26 =	sand.u32 $0x380, s8;
	v6 =	vadd.f32 v7, v6  }
0x211: {  	s9 =	sor.u32 s26, s23  }
0x212: {  	[tilespmem:s9+$0xED00] =	vst v6  }
0x213: {  	v6 =	vld [tilespmem:s29+$0x6D10]  }
0x214: {  	v7 =	vld [tilespmem:s2+$0x6D10];
	_ =	sdelay $0x1  }
0x215: {  	v8 =	vld [tilespmem:s14+$0x6D10];
	_ =	sdelay $0x2  }
0x216: {  	v6 =	vmul.f32 v6, v3;
	v7 =	vmul.f32 v7, v5;
	_ =	sdelay $0x1  }
0x217: {  	v6 =	vadd.f32 v7, v6;
	v7 =	vmul.f32 v8, v4;
	_ =	sdelay $0x1  }
0x218: {  	v6 =	vadd.f32 v7, v6;
	_ =	sdelay $0x1  }
0x219: {  	[tilespmem:s9+$0xED10] =	vst v6  }
0x21a: {  	v6 =	vld [tilespmem:s29+$0x6D20]  }
0x21b: {  	v7 =	vld [tilespmem:s2+$0x6D20];
	_ =	sdelay $0x1  }
0x21c: {  	v8 =	vld [tilespmem:s14+$0x6D20];
	_ =	sdelay $0x2  }
0x21d: {  	v6 =	vmul.f32 v6, v3;
	v7 =	vmul.f32 v7, v5;
	_ =	sdelay $0x1  }
0x21e: {  	v6 =	vadd.f32 v7, v6;
	v7 =	vmul.f32 v8, v4;
	_ =	sdelay $0x1  }
0x21f: {  	v6 =	vadd.f32 v7, v6;
	_ =	sdelay $0x1  }
0x220: {  	[tilespmem:s9+$0xED20] =	vst v6  }
0x221: {  	v6 =	vld [tilespmem:s29+$0x6D30]  }
0x222: {  	v7 =	vld [tilespmem:s2+$0x6D30];
	_ =	sdelay $0x1  }
0x223: {  	v8 =	vld [tilespmem:s14+$0x6D30];
	_ =	sdelay $0x2  }
0x224: {  	v6 =	vmul.f32 v6, v3;
	v7 =	vmul.f32 v7, v5;
	_ =	sdelay $0x1  }
0x225: {  	v6 =	vadd.f32 v7, v6;
	v7 =	vmul.f32 v8, v4;
	_ =	sdelay $0x1  }
0x226: {  	v6 =	vadd.f32 v7, v6;
	_ =	sdelay $0x1  }
0x227: {  	[tilespmem:s9+$0xED30] =	vst v6  }
0x228: {  	v6 =	vld [tilespmem:s29+$0x6D40]  }
0x229: {  	v7 =	vld [tilespmem:s2+$0x6D40];
	_ =	sdelay $0x1  }
0x22a: {  	v8 =	vld [tilespmem:s14+$0x6D40];
	_ =	sdelay $0x2  }
0x22b: {  	v6 =	vmul.f32 v6, v3;
	v7 =	vmul.f32 v7, v5;
	_ =	sdelay $0x1  }
0x22c: {  	v6 =	vadd.f32 v7, v6;
	v7 =	vmul.f32 v8, v4;
	_ =	sdelay $0x1  }
0x22d: {  	v6 =	vadd.f32 v7, v6;
	_ =	sdelay $0x1  }
0x22e: {  	[tilespmem:s9+$0xED40] =	vst v6  }
0x22f: {  	v6 =	vld [tilespmem:s29+$0x6D50]  }
0x230: {  	v7 =	vld [tilespmem:s2+$0x6D50];
	_ =	sdelay $0x1  }
0x231: {  	v8 =	vld [tilespmem:s14+$0x6D50];
	_ =	sdelay $0x2  }
0x232: {  	v6 =	vmul.f32 v6, v3;
	v7 =	vmul.f32 v7, v5;
	_ =	sdelay $0x1  }
0x233: {  	v6 =	vadd.f32 v7, v6;
	v7 =	vmul.f32 v8, v4;
	_ =	sdelay $0x1  }
0x234: {  	v6 =	vadd.f32 v7, v6;
	_ =	sdelay $0x1  }
0x235: {  	[tilespmem:s9+$0xED50] =	vst v6  }
0x236: {  	v6 =	vld [tilespmem:s29+$0x6D60]  }
0x237: {  	v7 =	vld [tilespmem:s2+$0x6D60];
	_ =	sdelay $0x1  }
0x238: {  	v8 =	vld [tilespmem:s14+$0x6D60];
	_ =	sdelay $0x2  }
0x239: {  	v6 =	vmul.f32 v6, v3;
	v7 =	vmul.f32 v7, v5;
	_ =	sdelay $0x1  }
0x23a: {  	v6 =	vadd.f32 v7, v6;
	v7 =	vmul.f32 v8, v4;
	_ =	sdelay $0x1  }
0x23b: {  	v6 =	vadd.f32 v7, v6;
	_ =	sdelay $0x1  }
0x23c: {  	[tilespmem:s9+$0xED60] =	vst v6  }
0x23d: {  	v6 =	vld [tilespmem:s29+$0x6D70]  }
0x23e: {  	v7 =	vld [tilespmem:s2+$0x6D70];
	_ =	sdelay $0x1  }
0x23f: {  	v8 =	vld [tilespmem:s14+$0x6D70];
	_ =	sdelay $0x2  }
0x240: {  	v6 =	vmul.f32 v6, v3;
	v7 =	vmul.f32 v7, v5;
	_ =	sdelay $0x1  }
0x241: {  	v6 =	vadd.f32 v7, v6;
	v7 =	vmul.f32 v8, v4;
	_ =	sdelay $0x1  }
0x242: {  	v6 =	vadd.f32 v7, v6;
	_ =	sdelay $0x1  }
0x243: {  	[tilespmem:s9+$0xED70] =	vst v6  }
0x244: {  	v6 =	vld [tilespmem:s29+$0x7100]  }
0x245: {  	v7 =	vld [tilespmem:s2+$0x7100];
	_ =	sdelay $0x1  }
0x246: {  	v8 =	vld [tilespmem:s14+$0x7100];
	_ =	sdelay $0x2  }
0x247: {  	v6 =	vmul.f32 v6, v3;
	v7 =	vmul.f32 v7, v5;
	_ =	sdelay $0x1  }
0x248: {  	v6 =	vadd.f32 v7, v6;
	v7 =	vmul.f32 v8, v4;
	_ =	sdelay $0x1  }
0x249: {  	v6 =	vadd.f32 v7, v6;
	_ =	sdelay $0x1  }
0x24a: {  	[tilespmem:s9+$0xF100] =	vst v6  }
0x24b: {  	v6 =	vld [tilespmem:s29+$0x7110]  }
0x24c: {  	v7 =	vld [tilespmem:s2+$0x7110];
	_ =	sdelay $0x1  }
0x24d: {  	v8 =	vld [tilespmem:s14+$0x7110];
	_ =	sdelay $0x2  }
0x24e: {  	v6 =	vmul.f32 v6, v3;
	v7 =	vmul.f32 v7, v5;
	_ =	sdelay $0x1  }
0x24f: {  	v6 =	vadd.f32 v7, v6;
	v7 =	vmul.f32 v8, v4;
	_ =	sdelay $0x1  }
0x250: {  	v6 =	vadd.f32 v7, v6;
	_ =	sdelay $0x1  }
0x251: {  	[tilespmem:s9+$0xF110] =	vst v6  }
0x252: {  	v6 =	vld [tilespmem:s29+$0x7120]  }
0x253: {  	v7 =	vld [tilespmem:s2+$0x7120];
	_ =	sdelay $0x1  }
0x254: {  	v8 =	vld [tilespmem:s14+$0x7120];
	_ =	sdelay $0x2  }
0x255: {  	v6 =	vmul.f32 v6, v3;
	v7 =	vmul.f32 v7, v5;
	_ =	sdelay $0x1  }
0x256: {  	v6 =	vadd.f32 v7, v6;
	v7 =	vmul.f32 v8, v4;
	_ =	sdelay $0x1  }
0x257: {  	v6 =	vadd.f32 v7, v6;
	_ =	sdelay $0x1  }
0x258: {  	[tilespmem:s9+$0xF120] =	vst v6  }
0x259: {  	v6 =	vld [tilespmem:s29+$0x7130]  }
0x25a: {  	v7 =	vld [tilespmem:s2+$0x7130];
	_ =	sdelay $0x1  }
0x25b: {  	v8 =	vld [tilespmem:s14+$0x7130];
	_ =	sdelay $0x2  }
0x25c: {  	v6 =	vmul.f32 v6, v3;
	v7 =	vmul.f32 v7, v5;
	_ =	sdelay $0x1  }
0x25d: {  	v6 =	vadd.f32 v7, v6;
	v7 =	vmul.f32 v8, v4;
	_ =	sdelay $0x1  }
0x25e: {  	v6 =	vadd.f32 v7, v6;
	_ =	sdelay $0x1  }
0x25f: {  	[tilespmem:s9+$0xF130] =	vst v6  }
0x260: {  	v7 =	vld [tilespmem:s29+$0x7140]  }
0x261: {  	v8 =	vld [tilespmem:s2+$0x7140];
	_ =	sdelay $0x1  }
0x262: {  	s16 =	simm.s32 $0x0;
	v6 =	vld [tilespmem:s14+$0x7140]  }
0x263: {  	s17 =	simm.s32 $0x0;
	s7 =	simm.s32 $0x180;
	s13 =	simm.s32 $0x740  }
.LBB2_7:
0x264: {  	s8 =	sadd.s32 $0x80, s8;
	s16 =	sadd.s32 $0x100, s16;
	s17 =	sadd.s32 $0x300, s17  }
0x265: {  	p0 =	sne.s32 s7, $0x2E80;
	v7 =	vmul.f32 v7, v3;
	s18 =	smov.u32 s7;
	s7 =	sadd.s32 $0x180, s7;
	v8 =	vmul.f32 v8, v5  }
0x266: {  	_ = 	snop  }
0x267: {  	v6 =	vmul.f32 v6, v4;
	v7 =	vadd.f32 v8, v7;
	_ =	sdelay $0x1  }
0x268: {  	v6 =	vadd.f32 v6, v7;
	_ =	sdelay $0x1  }
0x269: {  	[tilespmem:s9+$0xF140] =	vst v6  }
0x26a: {  	v6 =	vld [tilespmem:s29+$0x7150]  }
0x26b: {  	v7 =	vld [tilespmem:s2+$0x7150]  }
0x26c: {  	v8 =	vld [tilespmem:s14+$0x7150];
	_ =	sdelay $0x2  }
0x26d: {  	v6 =	vmul.f32 v6, v3  }
0x26e: {  	v7 =	vmul.f32 v7, v5  }
0x26f: {  	s19 =	sand.u32 $0x7800, s17;
	s20 =	sand.u32 $0x380, s18;
	s21 =	sadd.s32 $0x100, s18  }
0x270: {  	s18 =	sadd.s32 $0x80, s18;
	s19 =	sor.u32 s20, s19;
	s20 =	sadd.s32 $0x100, s17;
	v6 =	vadd.f32 v7, v6;
	v7 =	vmul.f32 v8, v4  }
0x271: {  	s23 =	sadd.s32 $0x200, s17;
	s18 =	sand.u32 $0x380, s18;
	s20 =	sand.u32 $0xF800, s20  }
0x272: {  	s21 =	sand.u32 $0x380, s21;
	s18 =	sor.u32 s18, s20;
	s20 =	sand.u32 $0xF800, s23;
	v6 =	vadd.f32 v7, v6  }
0x273: {  	s20 =	sor.u32 s21, s20  }
0x274: {  	[tilespmem:s9+$0xF150] =	vst v6  }
0x275: {  	v6 =	vld [tilespmem:s29+$0x7160]  }
0x276: {  	v7 =	vld [tilespmem:s2+$0x7160]  }
0x277: {  	v8 =	vld [tilespmem:s14+$0x7160];
	_ =	sdelay $0x2  }
0x278: {  	v6 =	vmul.f32 v6, v3  }
0x279: {  	v7 =	vmul.f32 v7, v5;
	_ =	sdelay $0x1  }
0x27a: {  	v6 =	vadd.f32 v7, v6;
	v7 =	vmul.f32 v8, v4;
	_ =	sdelay $0x1  }
0x27b: {  	v6 =	vadd.f32 v7, v6;
	_ =	sdelay $0x1  }
0x27c: {  	[tilespmem:s9+$0xF160] =	vst v6  }
0x27d: {  	v6 =	vld [tilespmem:s29+$0x7170];
	s29 =	smov.u32 s19  }
0x27e: {  	v7 =	vld [tilespmem:s2+$0x7170];
	s2 =	smov.u32 s18  }
0x27f: {  	v8 =	vld [tilespmem:s14+$0x7170];
	s14 =	smov.u32 s20;
	_ =	sdelay $0x2  }
0x280: {  	v3 =	vmul.f32 v6, v3  }
0x281: {  	v5 =	vmul.f32 v7, v5;
	_ =	sdelay $0x1  }
0x282: {  	v4 =	vmul.f32 v8, v4;
	v3 =	vadd.f32 v5, v3;
	_ =	sdelay $0x1  }
0x283: {  	v3 =	vadd.f32 v4, v3;
	_ =	sdelay $0x1  }
0x284: {  	[tilespmem:s9+$0xF170] =	vst v3  }
0x285: {  	v6 =	vld [tilespmem:s29+$0x6D00]  }
0x286: {  	v3 =	vld [tilespmem:s13+$0xFFFFFFF0]  }
0x287: {  	v7 =	vld [tilespmem:s2+$0x6D00]  }
0x288: {  	v5 =	vld [tilespmem:s13+$0x0]  }
0x289: {  	v4 =	vld [tilespmem:s13+$0x10]  }
0x28a: {  	v8 =	vld [tilespmem:s14+$0x6D00];
	_ =	sdelay $0x1  }
0x28b: {  	v6 =	vmul.f32 v6, v3  }
0x28c: {  	v7 =	vmul.f32 v7, v5;
	_ =	sdelay $0x1  }
0x28d: {  	v6 =	vadd.f32 v7, v6;
	v7 =	vmul.f32 v8, v4;
	_ =	sdelay $0x1  }
0x28e: {  	s18 =	sand.u32 $0x380, s8;
	s9 =	sand.u32 $0x1800, s16;
	v6 =	vadd.f32 v7, v6  }
0x28f: {  	s9 =	sor.u32 s18, s9  }
0x290: {  	[tilespmem:s9+$0xED00] =	vst v6  }
0x291: {  	v6 =	vld [tilespmem:s29+$0x6D10]  }
0x292: {  	v7 =	vld [tilespmem:s2+$0x6D10];
	_ =	sdelay $0x1  }
0x293: {  	v8 =	vld [tilespmem:s14+$0x6D10];
	_ =	sdelay $0x1  }
0x294: {  	v6 =	vmul.f32 v6, v3  }
0x295: {  	v7 =	vmul.f32 v7, v5;
	_ =	sdelay $0x1  }
0x296: {  	v6 =	vadd.f32 v7, v6;
	v7 =	vmul.f32 v8, v4;
	_ =	sdelay $0x1  }
0x297: {  	v6 =	vadd.f32 v7, v6;
	_ =	sdelay $0x1  }
0x298: {  	[tilespmem:s9+$0xED10] =	vst v6  }
0x299: {  	v6 =	vld [tilespmem:s29+$0x6D20]  }
0x29a: {  	v7 =	vld [tilespmem:s2+$0x6D20];
	_ =	sdelay $0x1  }
0x29b: {  	v8 =	vld [tilespmem:s14+$0x6D20];
	_ =	sdelay $0x1  }
0x29c: {  	v6 =	vmul.f32 v6, v3  }
0x29d: {  	v7 =	vmul.f32 v7, v5;
	_ =	sdelay $0x1  }
0x29e: {  	v6 =	vadd.f32 v7, v6;
	v7 =	vmul.f32 v8, v4;
	_ =	sdelay $0x1  }
0x29f: {  	v6 =	vadd.f32 v7, v6;
	_ =	sdelay $0x1  }
0x2a0: {  	[tilespmem:s9+$0xED20] =	vst v6  }
0x2a1: {  	v6 =	vld [tilespmem:s29+$0x6D30]  }
0x2a2: {  	v7 =	vld [tilespmem:s2+$0x6D30]  }
0x2a3: {  	v8 =	vld [tilespmem:s14+$0x6D30];
	_ =	sdelay $0x2  }
0x2a4: {  	v6 =	vmul.f32 v6, v3  }
0x2a5: {  	v7 =	vmul.f32 v7, v5;
	_ =	sdelay $0x1  }
0x2a6: {  	v6 =	vadd.f32 v7, v6;
	v7 =	vmul.f32 v8, v4;
	_ =	sdelay $0x1  }
0x2a7: {  	v6 =	vadd.f32 v7, v6;
	_ =	sdelay $0x1  }
0x2a8: {  	[tilespmem:s9+$0xED30] =	vst v6  }
0x2a9: {  	v6 =	vld [tilespmem:s29+$0x6D40]  }
0x2aa: {  	v7 =	vld [tilespmem:s2+$0x6D40]  }
0x2ab: {  	v8 =	vld [tilespmem:s14+$0x6D40];
	_ =	sdelay $0x2  }
0x2ac: {  	v6 =	vmul.f32 v6, v3  }
0x2ad: {  	v7 =	vmul.f32 v7, v5;
	_ =	sdelay $0x1  }
0x2ae: {  	v6 =	vadd.f32 v7, v6;
	v7 =	vmul.f32 v8, v4;
	_ =	sdelay $0x1  }
0x2af: {  	v6 =	vadd.f32 v7, v6;
	_ =	sdelay $0x1  }
0x2b0: {  	[tilespmem:s9+$0xED40] =	vst v6  }
0x2b1: {  	v6 =	vld [tilespmem:s29+$0x6D50]  }
0x2b2: {  	v7 =	vld [tilespmem:s2+$0x6D50]  }
0x2b3: {  	v8 =	vld [tilespmem:s14+$0x6D50];
	_ =	sdelay $0x2  }
0x2b4: {  	v6 =	vmul.f32 v6, v3  }
0x2b5: {  	v7 =	vmul.f32 v7, v5;
	_ =	sdelay $0x1  }
0x2b6: {  	v6 =	vadd.f32 v7, v6;
	v7 =	vmul.f32 v8, v4;
	_ =	sdelay $0x1  }
0x2b7: {  	v6 =	vadd.f32 v7, v6;
	_ =	sdelay $0x1  }
0x2b8: {  	[tilespmem:s9+$0xED50] =	vst v6  }
0x2b9: {  	v6 =	vld [tilespmem:s29+$0x6D60]  }
0x2ba: {  	v7 =	vld [tilespmem:s2+$0x6D60]  }
0x2bb: {  	v8 =	vld [tilespmem:s14+$0x6D60];
	_ =	sdelay $0x2  }
0x2bc: {  	v6 =	vmul.f32 v6, v3  }
0x2bd: {  	v7 =	vmul.f32 v7, v5;
	_ =	sdelay $0x1  }
0x2be: {  	v6 =	vadd.f32 v7, v6;
	v7 =	vmul.f32 v8, v4;
	_ =	sdelay $0x1  }
0x2bf: {  	v6 =	vadd.f32 v7, v6;
	_ =	sdelay $0x1  }
0x2c0: {  	[tilespmem:s9+$0xED60] =	vst v6  }
0x2c1: {  	v6 =	vld [tilespmem:s29+$0x6D70]  }
0x2c2: {  	v7 =	vld [tilespmem:s2+$0x6D70]  }
0x2c3: {  	v8 =	vld [tilespmem:s14+$0x6D70];
	_ =	sdelay $0x2  }
0x2c4: {  	v6 =	vmul.f32 v6, v3  }
0x2c5: {  	v7 =	vmul.f32 v7, v5;
	_ =	sdelay $0x1  }
0x2c6: {  	v6 =	vadd.f32 v7, v6;
	v7 =	vmul.f32 v8, v4;
	_ =	sdelay $0x1  }
0x2c7: {  	v6 =	vadd.f32 v7, v6;
	_ =	sdelay $0x1  }
0x2c8: {  	[tilespmem:s9+$0xED70] =	vst v6  }
0x2c9: {  	v6 =	vld [tilespmem:s29+$0x7100]  }
0x2ca: {  	v7 =	vld [tilespmem:s2+$0x7100]  }
0x2cb: {  	v8 =	vld [tilespmem:s14+$0x7100];
	_ =	sdelay $0x2  }
0x2cc: {  	v6 =	vmul.f32 v6, v3  }
0x2cd: {  	v7 =	vmul.f32 v7, v5;
	_ =	sdelay $0x1  }
0x2ce: {  	v6 =	vadd.f32 v7, v6;
	v7 =	vmul.f32 v8, v4;
	_ =	sdelay $0x1  }
0x2cf: {  	v6 =	vadd.f32 v7, v6;
	_ =	sdelay $0x1  }
0x2d0: {  	[tilespmem:s9+$0xF100] =	vst v6  }
0x2d1: {  	v6 =	vld [tilespmem:s29+$0x7110]  }
0x2d2: {  	v7 =	vld [tilespmem:s2+$0x7110]  }
0x2d3: {  	v8 =	vld [tilespmem:s14+$0x7110];
	_ =	sdelay $0x2  }
0x2d4: {  	v6 =	vmul.f32 v6, v3  }
0x2d5: {  	v7 =	vmul.f32 v7, v5;
	_ =	sdelay $0x1  }
0x2d6: {  	v6 =	vadd.f32 v7, v6;
	v7 =	vmul.f32 v8, v4;
	_ =	sdelay $0x1  }
0x2d7: {  	v6 =	vadd.f32 v7, v6;
	_ =	sdelay $0x1  }
0x2d8: {  	[tilespmem:s9+$0xF110] =	vst v6  }
0x2d9: {  	v6 =	vld [tilespmem:s29+$0x7120]  }
0x2da: {  	v7 =	vld [tilespmem:s2+$0x7120]  }
0x2db: {  	v8 =	vld [tilespmem:s14+$0x7120];
	_ =	sdelay $0x2  }
0x2dc: {  	v6 =	vmul.f32 v6, v3  }
0x2dd: {  	v7 =	vmul.f32 v7, v5;
	_ =	sdelay $0x1  }
0x2de: {  	v6 =	vadd.f32 v7, v6;
	v7 =	vmul.f32 v8, v4;
	_ =	sdelay $0x1  }
0x2df: {  	v6 =	vadd.f32 v7, v6;
	_ =	sdelay $0x1  }
0x2e0: {  	[tilespmem:s9+$0xF120] =	vst v6  }
0x2e1: {  	v6 =	vld [tilespmem:s29+$0x7130]  }
0x2e2: {  	v7 =	vld [tilespmem:s2+$0x7130]  }
0x2e3: {  	v8 =	vld [tilespmem:s14+$0x7130];
	_ =	sdelay $0x2  }
0x2e4: {  	v6 =	vmul.f32 v6, v3  }
0x2e5: {  	v7 =	vmul.f32 v7, v5;
	_ =	sdelay $0x1  }
0x2e6: {  	v6 =	vadd.f32 v7, v6;
	v7 =	vmul.f32 v8, v4;
	_ =	sdelay $0x1  }
0x2e7: {  	v6 =	vadd.f32 v7, v6;
	_ =	sdelay $0x1  }
0x2e8: {  	[tilespmem:s9+$0xF130] =	vst v6  }
.Ltmp2:
0x2e9: {  	v7 =	vld [tilespmem:s29+$0x7140];
	(pc) =	sbr.rel @p0 .LBB2_7-.Ltmp2, $3  }
0x2ea: {  	v8 =	vld [tilespmem:s2+$0x7140]  }
0x2eb: {  	v6 =	vld [tilespmem:s14+$0x7140];
	_ =	sdelay $0x1  }
0x2ec: {  	s13 =	sadd.s32 $0x30, s13  }
0x2ed: {  	_ = 	snop  }
0x2ee: {  	v7 =	vmul.f32 v7, v3;
	v8 =	vmul.f32 v8, v5;
	_ =	sdelay $0x1  }
0x2ef: {  	v6 =	vmul.f32 v6, v4;
	v7 =	vadd.f32 v8, v7;
	_ =	sdelay $0x1  }
0x2f0: {  	v6 =	vadd.f32 v6, v7;
	_ =	sdelay $0x1  }
0x2f1: {  	[tilespmem:s9+$0xF140] =	vst v6  }
0x2f2: {  	v6 =	vld [tilespmem:s29+$0x7150]  }
0x2f3: {  	v54 =	vld [tilespmem:s2+$0x7150];
	_ =	sdelay $0x1  }
0x2f4: {  	v55 =	vld [tilespmem:s14+$0x7150];
	_ =	sdelay $0x2  }
0x2f5: {  	v6 =	vmul.f32 v6, v3;
	v7 =	vmul.f32 v54, v5;
	_ =	sdelay $0x1  }
0x2f6: {  	v56 =	vmul.f32 v55, v4;
	v6 =	vadd.f32 v7, v6;
	_ =	sdelay $0x1  }
0x2f7: {  	v6 =	vadd.f32 v56, v6;
	_ =	sdelay $0x1  }
0x2f8: {  	[tilespmem:s9+$0xF150] =	vst v6  }
0x2f9: {  	v6 =	vld [tilespmem:s29+$0x7160]  }
0x2fa: {  	v57 =	vld [tilespmem:s2+$0x7160];
	_ =	sdelay $0x1  }
0x2fb: {  	v58 =	vld [tilespmem:s14+$0x7160];
	_ =	sdelay $0x2  }
0x2fc: {  	v6 =	vmul.f32 v6, v3;
	v7 =	vmul.f32 v57, v5;
	_ =	sdelay $0x1  }
0x2fd: {  	v59 =	vmul.f32 v58, v4;
	v6 =	vadd.f32 v7, v6;
	_ =	sdelay $0x1  }
0x2fe: {  	v6 =	vadd.f32 v59, v6;
	_ =	sdelay $0x1  }
0x2ff: {  	[tilespmem:s9+$0xF160] =	vst v6  }
0x300: {  	v6 =	vld [tilespmem:s29+$0x7170]  }
0x301: {  	v60 =	vld [tilespmem:s2+$0x7170];
	_ =	sdelay $0x1  }
0x302: {  	v61 =	vld [tilespmem:s14+$0x7170];
	_ =	sdelay $0x2  }
0x303: {  	v3 =	vmul.f32 v6, v3;
	v62 =	vmul.f32 v60, v5  }
0x304: {  	s28 =	sadd.s32 $0x1, s28  }
0x305: {  	p0 =	sne.s32 s28, $0x8;
	v63 =	vmul.f32 v61, v4;
	v3 =	vadd.f32 v62, v3  }
.Ltmp3:
0x306: {  	_ = 	snop;
	(pc) =	sbr.rel @p0 .LBB2_2-.Ltmp3, $4  }
0x307: {  	v3 =	vadd.f32 v63, v3  }
0x308: {  	s0 =	sshll.u32 s0, $0xA  }
0x309: {  	s0 =	sadd.s32 s0, s11;
	s29 =	simm.s32 $0xED00;
	[tilespmem:s9+$0xF170] =	vst v3  }
0x30a: {  	[hbm4b:s0+s3] =	stream.linear.scatter [tilespmem:s29], [sflag:$0x8], $0x2000, $0x38;
	[tilespmem:$0x10D00] =	vst v63  }
0x30b: {  	s0 =	simm.s32 $0x7  }
0x30c: {  	_ =	swait.ge [sflag:s0], $0x2000  }
0x30d: {  	[sflag:s0] =	ssyncset.done $0x0  }
0x30e: {  	s2 =	simm.s32 $0x8;
	[sflag:s0] =	ssyncadd.s32 $0xFFFFE000  }
0x30f: {  	_ =	swait.ge [sflag:s2], $0x2000  }
0x310: {  	s7 =	rddreg [dreg:$0x8]  }
0x311: {  	s29 =	rddreg [dreg:$0x7];
	s7 =	sadd.s32 $0x1, s7  }
0x312: {  	p0 =	sne.s32 s7, s29  }
.Ltmp4:
0x313: {  	_ = 	snop;
	(pc) =	sbr.rel @p0 .LBB2_1-.Ltmp4, $3  }
0x314: {  	_ =	sdelay $0x1  }
0x315: {  	[sflag:s2] =	ssyncset.done $0x0  }
0x316: {  	[sflag:s2] =	ssyncadd.s32 $0xFFFFE000  }
0x317: {  	_ =	sfence.sel $0x180000  }
0x318: {  	[bflag:$0x0] =	sbarrier.arrive $0xFFFF  }
0x319: {  	_ =	strace $0x90000047  }
0x31a: {  	s0 =	stileid.u32;
	[bflag:$0x2] =	sbarrier.arrive $0xFFFF  }
0x31b: {  	p0 =	sne.s32 s0, $0x0;
	s0 =	rddreg [dreg:$0x3]  }
0x31c: {  	s0 =	sadd.s32 @!p0 $0x100000, s0  }
0x31d: {  	[sflag:s0] =	ssyncadd.tile.s32 @!p0 $0x1;
	_ =	shalt  }
.Lfunc_end2:
_tile_overlayer_lowered:
.L_overlay_start_2:
0x31e: {  	(tag) =	ssettag $0x2  }
0x31f: {  	s0 =	rddreg [dreg:$0x0];
	s2 =	stileid.u32  }
0x320: {  	s1 =	rddreg [dreg:$0x1];
	p0 =	sne.s32 s2, $0x0  }
0x321: {  	s3 =	rddreg [dreg:$0x2];
	[bflag:$0x3] =	sbarrier.arrive $0xFFFF;
	s2 =	simm.s32 @!p0 $0x1C09  }
0x322: {  	[timem:s3], [sflag:s2] =	dma.local @!p0 [hbm:s0], s1  }
0x323: {  	s0 =	simm.s32 @!p0 $0x9  }
0x324: {  	_ =	swait.ge @!p0 [sflag:s0], s1  }
0x325: {  	s1 =	ssub.s32 @!p0 $0x0, s1;
	[sflag:s0] =	ssyncset.done @!p0 $0x0  }
0x326: {  	[sflag:s0] =	ssyncadd.s32 @!p0 s1  }
0x327: {  	[bflag:$0x3] =	sbarrier.arrive $0xFFFF  }
0x328: {  	_ =	shalt  }

</sc_bundles>
